<compile_context>
chip_gen: v7x
topology: tpu7x:2x2x1
jax: 0.10.2.dev20260603
libtpu: 0.0.44.dev20260713+nightly
codegen_flags: <defaults>
</compile_context>

<pallas_src>
import functools

import jax
import jax.numpy as jnp
from jax import lax
from jax.experimental import pallas as pl
from jax.experimental.pallas import tpu as pltpu
from jax.experimental.pallas import tpu_sc as plsc

_N = 10000
_D = 128
_EMB = 768
_NG = 64
_NOUT = 4
_NC, _NS = 2, 16
_NW = _NC * _NS
_CH = 128
_CPT = 80
_NCH = _NW * _CPT
_EP = _NCH * _CH
_NP = 10240
_PAD_ROW = _N
_RB = 1024
_NBLK = _NP // _RB

_mesh = plsc.VectorSubcoreMesh(core_axis_name="c", subcore_axis_name="s",
                               num_cores=_NC, num_subcores=_NS)


_HALF = _NP // _NC
_NPL = _HALF
_LSTRIPE = _NPL // _NS
_CPT2 = _NCH // _NS
_PIECES = ((0, _CH), (_CH, _CH), (2 * _CH, _LSTRIPE - 2 * _CH))


def _stripe_zero(zbuf_v, sh, base):
    for off, rows in _PIECES:
        pltpu.sync_copy(zbuf_v.at[pl.ds(0, rows)],
                        sh.at[pl.ds(base + off, rows)])


def _stripe_readout(sh, bounce, out_hbm, c, base):
    for off, rows in _PIECES:
        pltpu.sync_copy(sh.at[pl.ds(base + off, rows)],
                        bounce.at[pl.ds(0, rows)])
        pltpu.sync_copy(bounce.at[pl.ds(0, rows)],
                        out_hbm.at[c, pl.ds(base + off, rows)])


def _compact_edges(src_v, dst_v, c):
    lo = c * _HALF

    def step(j, cnt):
        for g in range(_CH // 16):
            sl = pl.ds(g * 16, 16)
            sv = src_v[j, sl]
            dv = dst_v[j, sl] - lo
            ok = (dv >= 0) & (dv < _HALF)
            oki = ok.astype(jnp.int32)
            csum = plsc.cumsum(oki)
            pos = (cnt + csum) - oki
            prow = pos >> 7
            pcol = pos & (_CH - 1)
            plsc.store_scatter(src_v, [prow, pcol], sv, mask=ok)
            plsc.store_scatter(dst_v, [prow, pcol], dv, mask=ok)
            cnt = cnt + csum[15]
        return cnt

    cnt = lax.fori_loop(0, _CPT2, step, jnp.int32(0))

    zero16 = jnp.zeros((16,), jnp.int32)
    r0 = cnt >> 7
    for r_base in tuple(jnp.minimum(r0 + d, _CPT2 - 1) << 7
                        for d in range(5)):
        for g in range(_CH // 16):
            lane = lax.iota(jnp.int32, 16) + g * 16
            p = r_base + lane
            tail = p >= cnt
            plsc.store_scatter(src_v, [p >> 7, p & (_CH - 1)],
                               lane + _PAD_ROW, mask=tail)
            plsc.store_scatter(dst_v, [p >> 7, p & (_CH - 1)], zero16,
                               mask=tail)

    return cnt


def _compact_dst(dst_v, c):
    lo = c * _HALF

    def step(j, cnt):
        for g in range(_CH // 16):
            sl = pl.ds(g * 16, 16)
            dv = dst_v[j, sl] - lo
            ok = (dv >= 0) & (dv < _HALF)
            oki = ok.astype(jnp.int32)
            csum = plsc.cumsum(oki)
            pos = (cnt + csum) - oki
            plsc.store_scatter(dst_v, [pos >> 7, pos & (_CH - 1)], dv,
                               mask=ok)
            cnt = cnt + csum[15]
        return cnt

    cnt = lax.fori_loop(0, _CPT2, step, jnp.int32(0))
    zero16 = jnp.zeros((16,), jnp.int32)
    for g in range(_CH // 16):
        lane = lax.iota(jnp.int32, 16) + g * 16
        p = (cnt >> 7 << 7) + lane
        plsc.store_scatter(dst_v, [p >> 7, p & (_CH - 1)], zero16,
                           mask=p >= cnt)
    return cnt


@functools.partial(
    pl.kernel,
    out_type=jax.ShapeDtypeStruct((_NC, _NPL, _D), jnp.float32),
    mesh=_mesh,
    compiler_params=pltpu.CompilerParams(needs_layout_passes=False),
    scratch_types=[
        pltpu.VMEM((_CPT2, _CH), jnp.int32),
        pltpu.VMEM((_CH, _D), jnp.float32),
        pltpu.VMEM((_CH, _D), jnp.float32),
        pltpu.VMEM((_CH, _D), jnp.float32),
        pltpu.VMEM_SHARED((_NPL, _D), jnp.float32),
    ],
)
def _sc_degree(dst_hbm, ones_hbm, zeros_hbm, deg_hbm, dst_v, ones_v, tail_v,
               zbuf_v, deg_sh):
    c = lax.axis_index("c")
    s = lax.axis_index("s")
    pltpu.sync_copy(dst_hbm.at[pl.ds(s * _CPT2, _CPT2)], dst_v)
    pltpu.sync_copy(ones_hbm, ones_v)
    pltpu.sync_copy(zeros_hbm, zbuf_v)
    base = s * _LSTRIPE
    _stripe_zero(zbuf_v, deg_sh, base)
    cnt = _compact_dst(dst_v, c)
    nfull = cnt >> 7
    rem = cnt & (_CH - 1)

    def fill(r, carry):
        for g in range(_D // 16):
            keep = (lax.iota(jnp.int32, 16) * 0 + r) < rem
            tail_v[r, pl.ds(g * 16, 16)] = jnp.where(keep, 1.0, 0.0)
        return carry

    lax.fori_loop(0, _CH, fill, 0)
    plsc.subcore_barrier()

    def body(j, carry):
        pltpu.sync_copy(ones_v, deg_sh.at[dst_v.at[j]], add=True)
        return carry

    lax.fori_loop(0, nfull, body, 0)
    pltpu.sync_copy(tail_v, deg_sh.at[dst_v.at[jnp.minimum(nfull,
                                                           _CPT2 - 1)]],
                    add=True)
    plsc.subcore_barrier()
    _stripe_readout(deg_sh, zbuf_v, deg_hbm, c, base)


@functools.partial(
    pl.kernel,
    out_type=jax.ShapeDtypeStruct((_NC, _NPL, _D), jnp.float32),
    mesh=_mesh,
    compiler_params=pltpu.CompilerParams(needs_layout_passes=False),
    scratch_types=[
        pltpu.VMEM((_CPT2, _CH), jnp.int32),
        pltpu.VMEM((_CPT2, _CH), jnp.int32),
        pltpu.VMEM((_CH, _D), jnp.float32),
        pltpu.VMEM((_CH, _D), jnp.float32),
        pltpu.VMEM((_CH, _D), jnp.float32),
        pltpu.VMEM_SHARED((_NPL, _D), jnp.float32),
        pltpu.SemaphoreType.DMA,
        pltpu.SemaphoreType.DMA,
        pltpu.SemaphoreType.DMA,
    ],
)
def _sc_scatter(src_hbm, dst_hbm, y_hbm, zeros_hbm, z_out_hbm, src_v, dst_v,
                rows0_v, rows1_v, rows2_v, z_sh, gsem0, gsem1, gsem2):
    c = lax.axis_index("c")
    s = lax.axis_index("s")
    pltpu.sync_copy(src_hbm.at[pl.ds(s * _CPT2, _CPT2)], src_v)
    pltpu.sync_copy(dst_hbm.at[pl.ds(s * _CPT2, _CPT2)], dst_v)
    pltpu.sync_copy(zeros_hbm, rows2_v)
    base = s * _LSTRIPE
    _stripe_zero(rows2_v, z_sh, base)
    cnt = _compact_edges(src_v, dst_v, c)
    nch = (cnt + _CH - 1) >> 7
    plsc.subcore_barrier()

    bufs = (rows0_v, rows1_v, rows2_v)
    sems = (gsem0, gsem1, gsem2)
    for k in range(3):
        pltpu.async_copy(y_hbm.at[src_v.at[k]], bufs[k], sems[k])

    def body(t, carry):
        j = 3 * t
        for k in range(3):
            pltpu.make_async_copy(y_hbm.at[pl.ds(0, _CH)], bufs[k],
                                  sems[k]).wait()
            pltpu.sync_copy(bufs[k], z_sh.at[dst_v.at[j + k]], add=True)
            jn = jnp.minimum(j + k + 3, _CPT2 - 1)
            pltpu.async_copy(y_hbm.at[src_v.at[jn]], bufs[k], sems[k])
        return carry

    lax.fori_loop(0, (nch + 2) // 3, body, 0)
    for k in range(3):
        pltpu.make_async_copy(y_hbm.at[pl.ds(0, _CH)], bufs[k],
                              sems[k]).wait()
    plsc.subcore_barrier()
    _stripe_readout(z_sh, rows2_v, z_out_hbm, c, base)


def _tc_scale_body(x_ref, deg_ref, y_ref, dinv_ref):
    d = deg_ref[0, :, 0:1] + 1.0
    dinv = lax.rsqrt(d)
    y_ref[...] = x_ref[...] * dinv
    dinv_ref[...] = jnp.broadcast_to(dinv, dinv_ref.shape)


_tc_scale = pl.pallas_call(
    _tc_scale_body,
    grid=(_NBLK,),
    in_specs=[
        pl.BlockSpec((_RB, _D), lambda i: (i, 0)),
        pl.BlockSpec((1, _RB, _D),
                     lambda i: (i // (_HALF // _RB), i % (_HALF // _RB), 0)),
    ],
    out_specs=[
        pl.BlockSpec((_RB, _D), lambda i: (i, 0)),
        pl.BlockSpec((_RB, 8), lambda i: (i, 0)),
    ],
    out_shape=[
        jax.ShapeDtypeStruct((_NP, _D), jnp.float32),
        jax.ShapeDtypeStruct((_NP, 8), jnp.float32),
    ],
)


def _tc_dense_body(zp_ref, y_ref, dinv_ref, batch_ref, wg_ref, bg_ref, wv_ref,
                   bv_ref, wo_ref, bo_ref, w1_ref, b1_ref, w2_ref, b2_ref,
                   out_ref, acc_ref):
    i = pl.program_id(0)

    @pl.when(i == 0)
    def _():
        acc_ref[...] = jnp.zeros_like(acc_ref)

    agg = (zp_ref[0] + y_ref[...]) * dinv_ref[:, 0:1]
    h = jnp.dot(agg, wg_ref[...], preferred_element_type=jnp.float32)
    h = jnp.maximum(h + bg_ref[...], 0.0)
    ids = lax.broadcasted_iota(jnp.int32, (_RB, _NG), 1)
    p = (batch_ref[...] == ids).astype(jnp.float32)
    haug = jnp.concatenate([h, jnp.ones((_RB, _D), jnp.float32)], axis=1)
    acc_ref[...] += lax.dot_general(
        p, haug, (((0,), (0,)), ((), ())), preferred_element_type=jnp.float32)

    @pl.when(i == _NBLK - 1)
    def _():
        acc = acc_ref[...]
        cnt = jnp.maximum(acc[:, _EMB:_EMB + 1], 1.0)
        g = acc[:, :_EMB] / cnt
        v = lax.dot_general(g, wv_ref[...], (((1,), (1,)), ((), ())),
                            preferred_element_type=jnp.float32) + bv_ref[...]
        a = lax.dot_general(v, wo_ref[...], (((1,), (1,)), ((), ())),
                            preferred_element_type=jnp.float32) + bo_ref[...]
        t = jnp.dot(a, w1_ref[...], preferred_element_type=jnp.float32)
        t = jnp.maximum(t + b1_ref[...], 0.0)
        o = jnp.dot(t, w2_ref[...],
                    preferred_element_type=jnp.float32) + b2_ref[...]
        m = jnp.max(o, axis=1, keepdims=True)
        e = jnp.exp(o - m)
        out_ref[...] = (o - m) - jnp.log(jnp.sum(e, axis=1, keepdims=True))


_tc_dense = pl.pallas_call(
    _tc_dense_body,
    grid=(_NBLK,),
    in_specs=[
        pl.BlockSpec((1, _RB, _D), lambda i: (i // (_HALF // _RB), i % (_HALF // _RB), 0)),
        pl.BlockSpec((_RB, _D), lambda i: (i, 0)),
        pl.BlockSpec((_RB, 8), lambda i: (i, 0)),
        pl.BlockSpec((_RB, 1), lambda i: (i, 0)),
        pl.BlockSpec((_D, _EMB), lambda i: (0, 0)),
        pl.BlockSpec((1, _EMB), lambda i: (0, 0)),
        pl.BlockSpec((_EMB, _EMB), lambda i: (0, 0)),
        pl.BlockSpec((1, _EMB), lambda i: (0, 0)),
        pl.BlockSpec((_EMB, _EMB), lambda i: (0, 0)),
        pl.BlockSpec((1, _EMB), lambda i: (0, 0)),
        pl.BlockSpec((_EMB, _EMB), lambda i: (0, 0)),
        pl.BlockSpec((1, _EMB), lambda i: (0, 0)),
        pl.BlockSpec((_EMB, _NOUT), lambda i: (0, 0)),
        pl.BlockSpec((1, _NOUT), lambda i: (0, 0)),
    ],
    out_specs=pl.BlockSpec((_NG, _NOUT), lambda i: (0, 0)),
    out_shape=jax.ShapeDtypeStruct((_NG, _NOUT), jnp.float32),
    scratch_shapes=[pltpu.VMEM((_NG, _EMB + _D), jnp.float32)],
)


def kernel(x, edge_index, batch, W_gcn, b_gcn, w_in, b_in, w_out, b_out, W1,
           b1, W2, b2):
    src = edge_index[0]
    dst = edge_index[1]
    padlen = _EP - src.shape[0]
    pad = jnp.full((padlen,), _PAD_ROW, jnp.int32)
    src_c = jnp.concatenate([src, pad]).reshape(_NCH, _CH)
    dst_c = jnp.concatenate([dst, pad]).reshape(_NCH, _CH)
    x_pad = jnp.pad(x, ((0, _NP - _N), (0, 0)))
    batch_pad = jnp.pad(batch, (0, _NP - _N),
                        constant_values=_NG).reshape(_NP, 1)
    ones128 = jnp.ones((_CH, _D), jnp.float32)
    zeros128 = jnp.zeros((_CH, _D), jnp.float32)

    degp = _sc_degree(dst_c, ones128, zeros128)
    y, dinv = _tc_scale(x_pad, degp)
    zp = _sc_scatter(src_c, dst_c, y, zeros128)
    wv = w_in[2 * _EMB:3 * _EMB]
    bv = b_in[2 * _EMB:3 * _EMB].reshape(1, _EMB)
    return _tc_dense(zp, y, dinv, batch_pad, W_gcn, b_gcn.reshape(1, _EMB),
                     wv, bv, w_out, b_out.reshape(1, _EMB), W1,
                     b1.reshape(1, _EMB), W2, b2.reshape(1, _NOUT))

# --- scband reference (transcript-rebuilt; emitter-appended) ---
"""Pipeline reference for scband-graph-self-attention-12532714570114 (READ-ONLY COPY).

The authoritative reference and input builder live on the scoring server;
editing this copy changes nothing except your own understanding.
"""

import jax, jax.numpy as jnp
import numpy as np

N = 10000
E_EDGES = 320000
D_FEAT = 128
EMBED = 768
HEADS = 8
N_GRAPHS = 64
N_OUT = 4


def setup_inputs(seed: int = 0) -> dict:
    key = jax.random.key(seed)
    ks = jax.random.split(key, 16)
    x = jax.random.normal(ks[0], (N, D_FEAT), dtype=jnp.float32)
    edge_index = jax.random.randint(ks[1], (2, E_EDGES), 0, N, dtype=jnp.int32)
    batch = jnp.sort(jax.random.randint(ks[2], (N,), 0, N_GRAPHS, dtype=jnp.int32))
    s = 0.02
    W_gcn = jax.random.normal(ks[3], (D_FEAT, EMBED), dtype=jnp.float32) * s
    b_gcn = jnp.zeros((EMBED,), dtype=jnp.float32)
    w_in = jax.random.normal(ks[4], (3 * EMBED, EMBED), dtype=jnp.float32) * s
    b_in = jnp.zeros((3 * EMBED,), dtype=jnp.float32)
    w_out = jax.random.normal(ks[5], (EMBED, EMBED), dtype=jnp.float32) * s
    b_out = jnp.zeros((EMBED,), dtype=jnp.float32)
    W1 = jax.random.normal(ks[6], (EMBED, EMBED), dtype=jnp.float32) * s
    b1 = jnp.zeros((EMBED,), dtype=jnp.float32)
    W2 = jax.random.normal(ks[7], (EMBED, N_OUT), dtype=jnp.float32) * s
    b2 = jnp.zeros((N_OUT,), dtype=jnp.float32)
    return {"x": x, "edge_index": edge_index, "batch": batch,
            "W_gcn": W_gcn, "b_gcn": b_gcn, "w_in": w_in, "b_in": b_in,
            "w_out": w_out, "b_out": b_out, "W1": W1, "b1": b1, "W2": W2, "b2": b2}


def _gcn_conv(x, edge_index, W, b):
    # PyG GCNConv: linear transform, add self loops, sym-normalize, scatter-add
    xw = x @ W
    loop = jnp.arange(N, dtype=edge_index.dtype)
    src = jnp.concatenate([edge_index[0], loop])
    dst = jnp.concatenate([edge_index[1], loop])
    deg = jnp.zeros((N,), dtype=xw.dtype).at[dst].add(1.0)
    dinv = jnp.where(deg > 0, 1.0 / jnp.sqrt(deg), 0.0)
    norm = dinv[src] * dinv[dst]
    msg = xw[src] * norm[:, None]
    out = jnp.zeros((N, EMBED), dtype=xw.dtype).at[dst].add(msg)
    return out + b


def _global_mean_pool(h, batch):
    sums = jax.ops.segment_sum(h, batch, num_segments=N_GRAPHS)
    cnt = jax.ops.segment_sum(jnp.ones((h.shape[0],), dtype=h.dtype), batch, num_segments=N_GRAPHS)
    return sums / jnp.maximum(cnt, 1.0)[:, None]


def _mha(xq, w_in, b_in, w_out, b_out):
    # torch MultiheadAttention, batch_first=True, self-attention
    B, S, Emb = xq.shape
    qkv = xq @ w_in.T + b_in
    q, k, v = jnp.split(qkv, 3, axis=-1)
    dh = Emb // HEADS
    def rs(t):
        return t.reshape(B, S, HEADS, dh).transpose(0, 2, 1, 3)
    q, k, v = rs(q), rs(k), rs(v)
    scores = (q @ k.transpose(0, 1, 3, 2)) / jnp.sqrt(jnp.asarray(dh, dtype=xq.dtype))
    attn = jax.nn.softmax(scores, axis=-1)
    o = attn @ v
    o = o.transpose(0, 2, 1, 3).reshape(B, S, Emb)
    return o @ w_out.T + b_out


def reference(x, edge_index, batch, W_gcn, b_gcn, w_in, b_in, w_out, b_out, W1, b1, W2, b2):
    h = _gcn_conv(x, edge_index, W_gcn, b_gcn)
    h = jax.nn.relu(h)
    g = _global_mean_pool(h, batch)            # [B, EMBED]
    g = g[:, None, :]                          # unsqueeze(1)
    a = _mha(g, w_in, b_in, w_out, b_out)
    a = a[:, 0, :]                             # squeeze(1)
    z = jax.nn.relu(a @ W1 + b1)
    z = z @ W2 + b2
    return jax.nn.log_softmax(z, axis=1)

if __name__ == "__main__":
    import jax
    _d = setup_inputs()
    print(jax.jit(kernel)(*tuple(_d.values())))

</pallas_src>

<mosaic_0001>
#map = affine_map<(d0, d1) -> (0, 0)>
#map1 = affine_map<(d0, d1) -> (0, 0, 0)>
module attributes {stable_mosaic.version = 14 : i64} {
  func.func @_sc_degree(%arg0: i32, %arg1: i32, %arg2: memref<2560x128xi32, #tpu.memory_space<hbm>>, %arg3: memref<128x128xf32, #tpu.memory_space<hbm>>, %arg4: memref<128x128xf32, #tpu.memory_space<hbm>>, %arg5: memref<2x5120x128xf32, #tpu.memory_space<hbm>>, %arg6: memref<160x128xi32, #tpu.memory_space<vmem>>, %arg7: memref<128x128xf32, #tpu.memory_space<vmem>>, %arg8: memref<128x128xf32, #tpu.memory_space<vmem>>, %arg9: memref<128x128xf32, #tpu.memory_space<vmem>>, %arg10: memref<5120x128xf32, #tpu.memory_space<vmem_shared>>) attributes {dimension_semantics = [#tpu.dimension_semantics<core_parallel>, #tpu.dimension_semantics<subcore_parallel>], iteration_bounds = array<i64: 2, 16>, scalar_prefetch = 0 : i64, scratch_operands = 5 : i64, tpu.core_type = #tpu.core_type<sc_vector_subcore>, window_params = [{transform_indices = #map}, {transform_indices = #map}, {transform_indices = #map}, {transform_indices = #map1}]} {
    %mul3A = arith.constant 160 : i32
    %mul3A_0 = arith.muli %arg1, %mul3A : i32
    "tpu.region"() ({
      %run_scoped3A = tpu.sem_alloc : memref<!tpu.dma_semaphore, #tpu.memory_space<semaphore_mem>>
      %dma_start3A = arith.constant 0 : i32
      %dma_start3A_189 = tpu.memref_slice %arg2[%mul3A_0, %dma_start3A] : memref<2560x128xi32, #tpu.memory_space<hbm>> -> memref<160x128xi32, #tpu.memory_space<hbm>>
      %dma_start3A_190 = arith.constant 0 : i32
      %dma_start3A_191 = tpu.memref_slice %arg2[%mul3A_0, %dma_start3A_190] : memref<2560x128xi32, #tpu.memory_space<hbm>> -> memref<160x128xi32, #tpu.memory_space<hbm>>
      tpu.enqueue_dma source(%dma_start3A_191 : memref<160x128xi32, #tpu.memory_space<hbm>>) target(%arg6 : memref<160x128xi32, #tpu.memory_space<vmem>>) target_semaphore(%run_scoped3A : memref<!tpu.dma_semaphore, #tpu.memory_space<semaphore_mem>>)
      %dma_wait3A = arith.constant 0 : i32
      %dma_wait3A_192 = tpu.memref_slice %arg2[%mul3A_0, %dma_wait3A] : memref<2560x128xi32, #tpu.memory_space<hbm>> -> memref<160x128xi32, #tpu.memory_space<hbm>>
      %dma_wait3A_193 = arith.constant 0 : i32
      %dma_wait3A_194 = tpu.memref_slice %arg2[%mul3A_0, %dma_wait3A_193] : memref<2560x128xi32, #tpu.memory_space<hbm>> -> memref<160x128xi32, #tpu.memory_space<hbm>>
      tpu.wait_dma2 semaphore(%run_scoped3A : memref<!tpu.dma_semaphore, #tpu.memory_space<semaphore_mem>>) src(%dma_wait3A_194 : memref<160x128xi32, #tpu.memory_space<hbm>>) dst(%arg6 : memref<160x128xi32, #tpu.memory_space<vmem>>)
      tpu.yield
    }) : () -> ()
    "tpu.region"() ({
      %run_scoped3A = tpu.sem_alloc : memref<!tpu.dma_semaphore, #tpu.memory_space<semaphore_mem>>
      tpu.enqueue_dma source(%arg3 : memref<128x128xf32, #tpu.memory_space<hbm>>) target(%arg7 : memref<128x128xf32, #tpu.memory_space<vmem>>) target_semaphore(%run_scoped3A : memref<!tpu.dma_semaphore, #tpu.memory_space<semaphore_mem>>)
      tpu.wait_dma2 semaphore(%run_scoped3A : memref<!tpu.dma_semaphore, #tpu.memory_space<semaphore_mem>>) src(%arg3 : memref<128x128xf32, #tpu.memory_space<hbm>>) dst(%arg7 : memref<128x128xf32, #tpu.memory_space<vmem>>)
      tpu.yield
    }) : () -> ()
    "tpu.region"() ({
      %run_scoped3A = tpu.sem_alloc : memref<!tpu.dma_semaphore, #tpu.memory_space<semaphore_mem>>
      tpu.enqueue_dma source(%arg4 : memref<128x128xf32, #tpu.memory_space<hbm>>) target(%arg9 : memref<128x128xf32, #tpu.memory_space<vmem>>) target_semaphore(%run_scoped3A : memref<!tpu.dma_semaphore, #tpu.memory_space<semaphore_mem>>)
      tpu.wait_dma2 semaphore(%run_scoped3A : memref<!tpu.dma_semaphore, #tpu.memory_space<semaphore_mem>>) src(%arg4 : memref<128x128xf32, #tpu.memory_space<hbm>>) dst(%arg9 : memref<128x128xf32, #tpu.memory_space<vmem>>)
      tpu.yield
    }) : () -> ()
    %mul3A_1 = arith.constant 320 : i32
    %mul3A_2 = arith.muli %arg1, %mul3A_1 : i32
    %add3A = arith.constant 0 : i32
    %add3A_3 = arith.addi %mul3A_2, %add3A : i32
    "tpu.region"() ({
      %run_scoped3A = tpu.sem_alloc : memref<!tpu.dma_semaphore, #tpu.memory_space<semaphore_mem>>
      %dma_start3A = arith.constant 0 : i32
      %dma_start3A_189 = arith.constant 0 : i32
      %dma_start3A_190 = tpu.memref_slice %arg9[%dma_start3A, %dma_start3A_189] : memref<128x128xf32, #tpu.memory_space<vmem>> -> memref<128x128xf32, #tpu.memory_space<vmem>>
      %dma_start3A_191 = arith.constant 0 : i32
      %dma_start3A_192 = tpu.memref_slice %arg10[%add3A_3, %dma_start3A_191] : memref<5120x128xf32, #tpu.memory_space<vmem_shared>> -> memref<128x128xf32, #tpu.memory_space<vmem_shared>>
      %dma_start3A_193 = arith.constant 0 : i32
      %dma_start3A_194 = tpu.memref_slice %arg10[%add3A_3, %dma_start3A_193] : memref<5120x128xf32, #tpu.memory_space<vmem_shared>> -> memref<128x128xf32, #tpu.memory_space<vmem_shared>>
      %dma_start3A_195 = arith.constant 0 : i32
      %dma_start3A_196 = arith.constant 0 : i32
      %dma_start3A_197 = tpu.memref_slice %arg9[%dma_start3A_195, %dma_start3A_196] : memref<128x128xf32, #tpu.memory_space<vmem>> -> memref<128x128xf32, #tpu.memory_space<vmem>>
      tpu.enqueue_dma source(%dma_start3A_197 : memref<128x128xf32, #tpu.memory_space<vmem>>) target(%dma_start3A_194 : memref<128x128xf32, #tpu.memory_space<vmem_shared>>) target_semaphore(%run_scoped3A : memref<!tpu.dma_semaphore, #tpu.memory_space<semaphore_mem>>)
      %dma_wait3A = arith.constant 0 : i32
      %dma_wait3A_198 = arith.constant 0 : i32
      %dma_wait3A_199 = tpu.memref_slice %arg9[%dma_wait3A, %dma_wait3A_198] : memref<128x128xf32, #tpu.memory_space<vmem>> -> memref<128x128xf32, #tpu.memory_space<vmem>>
      %dma_wait3A_200 = arith.constant 0 : i32
      %dma_wait3A_201 = tpu.memref_slice %arg10[%add3A_3, %dma_wait3A_200] : memref<5120x128xf32, #tpu.memory_space<vmem_shared>> -> memref<128x128xf32, #tpu.memory_space<vmem_shared>>
      %dma_wait3A_202 = arith.constant 0 : i32
      %dma_wait3A_203 = tpu.memref_slice %arg10[%add3A_3, %dma_wait3A_202] : memref<5120x128xf32, #tpu.memory_space<vmem_shared>> -> memref<128x128xf32, #tpu.memory_space<vmem_shared>>
      %dma_wait3A_204 = arith.constant 0 : i32
      %dma_wait3A_205 = arith.constant 0 : i32
      %dma_wait3A_206 = tpu.memref_slice %arg9[%dma_wait3A_204, %dma_wait3A_205] : memref<128x128xf32, #tpu.memory_space<vmem>> -> memref<128x128xf32, #tpu.memory_space<vmem>>
      tpu.wait_dma2 semaphore(%run_scoped3A : memref<!tpu.dma_semaphore, #tpu.memory_space<semaphore_mem>>) src(%dma_wait3A_206 : memref<128x128xf32, #tpu.memory_space<vmem>>) dst(%dma_wait3A_203 : memref<128x128xf32, #tpu.memory_space<vmem_shared>>)
      tpu.yield
    }) : () -> ()
    %add3A_4 = arith.constant 128 : i32
    %add3A_5 = arith.addi %mul3A_2, %add3A_4 : i32
    "tpu.region"() ({
      %run_scoped3A = tpu.sem_alloc : memref<!tpu.dma_semaphore, #tpu.memory_space<semaphore_mem>>
      %dma_start3A = arith.constant 0 : i32
      %dma_start3A_189 = arith.constant 0 : i32
      %dma_start3A_190 = tpu.memref_slice %arg9[%dma_start3A, %dma_start3A_189] : memref<128x128xf32, #tpu.memory_space<vmem>> -> memref<128x128xf32, #tpu.memory_space<vmem>>
      %dma_start3A_191 = arith.constant 0 : i32
      %dma_start3A_192 = tpu.memref_slice %arg10[%add3A_5, %dma_start3A_191] : memref<5120x128xf32, #tpu.memory_space<vmem_shared>> -> memref<128x128xf32, #tpu.memory_space<vmem_shared>>
      %dma_start3A_193 = arith.constant 0 : i32
      %dma_start3A_194 = tpu.memref_slice %arg10[%add3A_5, %dma_start3A_193] : memref<5120x128xf32, #tpu.memory_space<vmem_shared>> -> memref<128x128xf32, #tpu.memory_space<vmem_shared>>
      %dma_start3A_195 = arith.constant 0 : i32
      %dma_start3A_196 = arith.constant 0 : i32
      %dma_start3A_197 = tpu.memref_slice %arg9[%dma_start3A_195, %dma_start3A_196] : memref<128x128xf32, #tpu.memory_space<vmem>> -> memref<128x128xf32, #tpu.memory_space<vmem>>
      tpu.enqueue_dma source(%dma_start3A_197 : memref<128x128xf32, #tpu.memory_space<vmem>>) target(%dma_start3A_194 : memref<128x128xf32, #tpu.memory_space<vmem_shared>>) target_semaphore(%run_scoped3A : memref<!tpu.dma_semaphore, #tpu.memory_space<semaphore_mem>>)
      %dma_wait3A = arith.constant 0 : i32
      %dma_wait3A_198 = arith.constant 0 : i32
      %dma_wait3A_199 = tpu.memref_slice %arg9[%dma_wait3A, %dma_wait3A_198] : memref<128x128xf32, #tpu.memory_space<vmem>> -> memref<128x128xf32, #tpu.memory_space<vmem>>
      %dma_wait3A_200 = arith.constant 0 : i32
      %dma_wait3A_201 = tpu.memref_slice %arg10[%add3A_5, %dma_wait3A_200] : memref<5120x128xf32, #tpu.memory_space<vmem_shared>> -> memref<128x128xf32, #tpu.memory_space<vmem_shared>>
      %dma_wait3A_202 = arith.constant 0 : i32
      %dma_wait3A_203 = tpu.memref_slice %arg10[%add3A_5, %dma_wait3A_202] : memref<5120x128xf32, #tpu.memory_space<vmem_shared>> -> memref<128x128xf32, #tpu.memory_space<vmem_shared>>
      %dma_wait3A_204 = arith.constant 0 : i32
      %dma_wait3A_205 = arith.constant 0 : i32
      %dma_wait3A_206 = tpu.memref_slice %arg9[%dma_wait3A_204, %dma_wait3A_205] : memref<128x128xf32, #tpu.memory_space<vmem>> -> memref<128x128xf32, #tpu.memory_space<vmem>>
      tpu.wait_dma2 semaphore(%run_scoped3A : memref<!tpu.dma_semaphore, #tpu.memory_space<semaphore_mem>>) src(%dma_wait3A_206 : memref<128x128xf32, #tpu.memory_space<vmem>>) dst(%dma_wait3A_203 : memref<128x128xf32, #tpu.memory_space<vmem_shared>>)
      tpu.yield
    }) : () -> ()
    %add3A_6 = arith.constant 256 : i32
    %add3A_7 = arith.addi %mul3A_2, %add3A_6 : i32
    "tpu.region"() ({
      %run_scoped3A = tpu.sem_alloc : memref<!tpu.dma_semaphore, #tpu.memory_space<semaphore_mem>>
      %dma_start3A = arith.constant 0 : i32
      %dma_start3A_189 = arith.constant 0 : i32
      %dma_start3A_190 = tpu.memref_slice %arg9[%dma_start3A, %dma_start3A_189] : memref<128x128xf32, #tpu.memory_space<vmem>> -> memref<64x128xf32, #tpu.memory_space<vmem>>
      %dma_start3A_191 = arith.constant 0 : i32
      %dma_start3A_192 = tpu.memref_slice %arg10[%add3A_7, %dma_start3A_191] : memref<5120x128xf32, #tpu.memory_space<vmem_shared>> -> memref<64x128xf32, #tpu.memory_space<vmem_shared>>
      %dma_start3A_193 = arith.constant 0 : i32
      %dma_start3A_194 = tpu.memref_slice %arg10[%add3A_7, %dma_start3A_193] : memref<5120x128xf32, #tpu.memory_space<vmem_shared>> -> memref<64x128xf32, #tpu.memory_space<vmem_shared>>
      %dma_start3A_195 = arith.constant 0 : i32
      %dma_start3A_196 = arith.constant 0 : i32
      %dma_start3A_197 = tpu.memref_slice %arg9[%dma_start3A_195, %dma_start3A_196] : memref<128x128xf32, #tpu.memory_space<vmem>> -> memref<64x128xf32, #tpu.memory_space<vmem>>
      tpu.enqueue_dma source(%dma_start3A_197 : memref<64x128xf32, #tpu.memory_space<vmem>>) target(%dma_start3A_194 : memref<64x128xf32, #tpu.memory_space<vmem_shared>>) target_semaphore(%run_scoped3A : memref<!tpu.dma_semaphore, #tpu.memory_space<semaphore_mem>>)
      %dma_wait3A = arith.constant 0 : i32
      %dma_wait3A_198 = arith.constant 0 : i32
      %dma_wait3A_199 = tpu.memref_slice %arg9[%dma_wait3A, %dma_wait3A_198] : memref<128x128xf32, #tpu.memory_space<vmem>> -> memref<64x128xf32, #tpu.memory_space<vmem>>
      %dma_wait3A_200 = arith.constant 0 : i32
      %dma_wait3A_201 = tpu.memref_slice %arg10[%add3A_7, %dma_wait3A_200] : memref<5120x128xf32, #tpu.memory_space<vmem_shared>> -> memref<64x128xf32, #tpu.memory_space<vmem_shared>>
      %dma_wait3A_202 = arith.constant 0 : i32
      %dma_wait3A_203 = tpu.memref_slice %arg10[%add3A_7, %dma_wait3A_202] : memref<5120x128xf32, #tpu.memory_space<vmem_shared>> -> memref<64x128xf32, #tpu.memory_space<vmem_shared>>
      %dma_wait3A_204 = arith.constant 0 : i32
      %dma_wait3A_205 = arith.constant 0 : i32
      %dma_wait3A_206 = tpu.memref_slice %arg9[%dma_wait3A_204, %dma_wait3A_205] : memref<128x128xf32, #tpu.memory_space<vmem>> -> memref<64x128xf32, #tpu.memory_space<vmem>>
      tpu.wait_dma2 semaphore(%run_scoped3A : memref<!tpu.dma_semaphore, #tpu.memory_space<semaphore_mem>>) src(%dma_wait3A_206 : memref<64x128xf32, #tpu.memory_space<vmem>>) dst(%dma_wait3A_203 : memref<64x128xf32, #tpu.memory_space<vmem_shared>>)
      tpu.yield
    }) : () -> ()
    %mul3A_8 = arith.constant 5120 : i32
    %mul3A_9 = arith.muli %arg0, %mul3A_8 : i32
    %scan3A = arith.constant 0 : i32
    %scan3A_10 = arith.constant 0 : i32
    %scan3A_11 = arith.constant 160 : i32
    %scan3A_12 = arith.addi %scan3A_10, %scan3A_11 : i32
    %scan3A_13 = arith.constant 1 : i32
    %scan3A_14 = scf.for %scan3A_189 = %scan3A_10 to %scan3A_12 step %scan3A_13 iter_args(%scan3A_190 = %scan3A) -> (i32)  : i32 {
      %get3A = arith.index_cast %scan3A_189 : i32 to index
      %get3A_191 = arith.constant 0 : index
      %get3A_192 = tpu.vector_load %arg6[%get3A, %get3A_191] {strides = array<i32>} : memref<160x128xi32, #tpu.memory_space<vmem>>, vector<16xi32>,
      %sub3A = vector.broadcast %mul3A_9 : i32 to vector<16xi32>
      %sub3A_193 = arith.subi %get3A_192, %sub3A : vector<16xi32>
      %ge3A_194 = arith.constant 0 : i32
      %ge3A_195 = vector.broadcast %ge3A_194 : i32 to vector<16xi32>
      %ge3A_196 = arith.cmpi sge, %sub3A_193, %ge3A_195 : vector<16xi32>
      %lt3A = arith.constant 5120 : i32
      %lt3A_197 = vector.broadcast %lt3A : i32 to vector<16xi32>
      %lt3A_198 = arith.cmpi slt, %sub3A_193, %lt3A_197 : vector<16xi32>
      %and3A_199 = arith.andi %ge3A_196, %lt3A_198 : vector<16xi1>
      %convert_element_type3A = arith.extui %and3A_199 : vector<16xi1> to vector<16xi32>
      %broadcast_in_dim3A_200 = arith.constant true
      %broadcast_in_dim3A_201 = vector.broadcast %broadcast_in_dim3A_200 : i1 to vector<16xi1>
      %masked_cumsum3A = tpu.scan <sum>, %convert_element_type3A masked %broadcast_in_dim3A_201 : vector<16xi32>, vector<16xi1> -> vector<16xi32>
      %add3A_202 = vector.broadcast %scan3A_190 : i32 to vector<16xi32>
      %add3A_203 = arith.addi %add3A_202, %masked_cumsum3A : vector<16xi32>
      %sub3A_204 = arith.subi %add3A_203, %convert_element_type3A : vector<16xi32>
      %shift_right_arithmetic3A_205 = arith.constant 7 : i32
      %shift_right_arithmetic3A_206 = vector.broadcast %shift_right_arithmetic3A_205 : i32 to vector<16xi32>
      %shift_right_arithmetic3A_207 = arith.shrsi %sub3A_204, %shift_right_arithmetic3A_206 : vector<16xi32>
      %and3A_208 = arith.constant 127 : i32
      %and3A_209 = vector.broadcast %and3A_208 : i32 to vector<16xi32>
      %and3A_210 = arith.andi %sub3A_204, %and3A_209 : vector<16xi32>
      tpu.vector_store_idx %arg6[%shift_right_arithmetic3A_207, %and3A_210], %sub3A_193 masked %and3A_199 : memref<160x128xi32, #tpu.memory_space<vmem>>[vector<16xi32>, vector<16xi32>], vector<16xi32>, vector<16xi1>
      %slice3A = vector.extract_strided_slice %masked_cumsum3A {offsets = [15], sizes = [1], strides = [1]} : vector<16xi32> to vector<1xi32>
      %squeeze3A = vector.extract %slice3A[0] : i32 from vector<1xi32>
      %add3A_211 = arith.addi %scan3A_190, %squeeze3A : i32
      %get3A_212 = arith.index_cast %scan3A_189 : i32 to index
      %get3A_213 = arith.constant 16 : index
      %get3A_214 = tpu.vector_load %arg6[%get3A_212, %get3A_213] {strides = array<i32>} : memref<160x128xi32, #tpu.memory_space<vmem>>, vector<16xi32>,
      %sub3A_215 = vector.broadcast %mul3A_9 : i32 to vector<16xi32>
      %sub3A_216 = arith.subi %get3A_214, %sub3A_215 : vector<16xi32>
      %ge3A_217 = arith.constant 0 : i32
      %ge3A_218 = vector.broadcast %ge3A_217 : i32 to vector<16xi32>
      %ge3A_219 = arith.cmpi sge, %sub3A_216, %ge3A_218 : vector<16xi32>
      %lt3A_220 = arith.constant 5120 : i32
      %lt3A_221 = vector.broadcast %lt3A_220 : i32 to vector<16xi32>
      %lt3A_222 = arith.cmpi slt, %sub3A_216, %lt3A_221 : vector<16xi32>
      %and3A_223 = arith.andi %ge3A_219, %lt3A_222 : vector<16xi1>
      %convert_element_type3A_224 = arith.extui %and3A_223 : vector<16xi1> to vector<16xi32>
      %broadcast_in_dim3A_225 = arith.constant true
      %broadcast_in_dim3A_226 = vector.broadcast %broadcast_in_dim3A_225 : i1 to vector<16xi1>
      %masked_cumsum3A_227 = tpu.scan <sum>, %convert_element_type3A_224 masked %broadcast_in_dim3A_226 : vector<16xi32>, vector<16xi1> -> vector<16xi32>
      %add3A_228 = vector.broadcast %add3A_211 : i32 to vector<16xi32>
      %add3A_229 = arith.addi %add3A_228, %masked_cumsum3A_227 : vector<16xi32>
      %sub3A_230 = arith.subi %add3A_229, %convert_element_type3A_224 : vector<16xi32>
      %shift_right_arithmetic3A_231 = arith.constant 7 : i32
      %shift_right_arithmetic3A_232 = vector.broadcast %shift_right_arithmetic3A_231 : i32 to vector<16xi32>
      %shift_right_arithmetic3A_233 = arith.shrsi %sub3A_230, %shift_right_arithmetic3A_232 : vector<16xi32>
      %and3A_234 = arith.constant 127 : i32
      %and3A_235 = vector.broadcast %and3A_234 : i32 to vector<16xi32>
      %and3A_236 = arith.andi %sub3A_230, %and3A_235 : vector<16xi32>
      tpu.vector_store_idx %arg6[%shift_right_arithmetic3A_233, %and3A_236], %sub3A_216 masked %and3A_223 : memref<160x128xi32, #tpu.memory_space<vmem>>[vector<16xi32>, vector<16xi32>], vector<16xi32>, vector<16xi1>
      %slice3A_237 = vector.extract_strided_slice %masked_cumsum3A_227 {offsets = [15], sizes = [1], strides = [1]} : vector<16xi32> to vector<1xi32>
      %squeeze3A_238 = vector.extract %slice3A_237[0] : i32 from vector<1xi32>
      %add3A_239 = arith.addi %add3A_211, %squeeze3A_238 : i32
      %get3A_240 = arith.index_cast %scan3A_189 : i32 to index
      %get3A_241 = arith.constant 32 : index
      %get3A_242 = tpu.vector_load %arg6[%get3A_240, %get3A_241] {strides = array<i32>} : memref<160x128xi32, #tpu.memory_space<vmem>>, vector<16xi32>,
      %sub3A_243 = vector.broadcast %mul3A_9 : i32 to vector<16xi32>
      %sub3A_244 = arith.subi %get3A_242, %sub3A_243 : vector<16xi32>
      %ge3A_245 = arith.constant 0 : i32
      %ge3A_246 = vector.broadcast %ge3A_245 : i32 to vector<16xi32>
      %ge3A_247 = arith.cmpi sge, %sub3A_244, %ge3A_246 : vector<16xi32>
      %lt3A_248 = arith.constant 5120 : i32
      %lt3A_249 = vector.broadcast %lt3A_248 : i32 to vector<16xi32>
      %lt3A_250 = arith.cmpi slt, %sub3A_244, %lt3A_249 : vector<16xi32>
      %and3A_251 = arith.andi %ge3A_247, %lt3A_250 : vector<16xi1>
      %convert_element_type3A_252 = arith.extui %and3A_251 : vector<16xi1> to vector<16xi32>
      %broadcast_in_dim3A_253 = arith.constant true
      %broadcast_in_dim3A_254 = vector.broadcast %broadcast_in_dim3A_253 : i1 to vector<16xi1>
      %masked_cumsum3A_255 = tpu.scan <sum>, %convert_element_type3A_252 masked %broadcast_in_dim3A_254 : vector<16xi32>, vector<16xi1> -> vector<16xi32>
      %add3A_256 = vector.broadcast %add3A_239 : i32 to vector<16xi32>
      %add3A_257 = arith.addi %add3A_256, %masked_cumsum3A_255 : vector<16xi32>
      %sub3A_258 = arith.subi %add3A_257, %convert_element_type3A_252 : vector<16xi32>
      %shift_right_arithmetic3A_259 = arith.constant 7 : i32
      %shift_right_arithmetic3A_260 = vector.broadcast %shift_right_arithmetic3A_259 : i32 to vector<16xi32>
      %shift_right_arithmetic3A_261 = arith.shrsi %sub3A_258, %shift_right_arithmetic3A_260 : vector<16xi32>
      %and3A_262 = arith.constant 127 : i32
      %and3A_263 = vector.broadcast %and3A_262 : i32 to vector<16xi32>
      %and3A_264 = arith.andi %sub3A_258, %and3A_263 : vector<16xi32>
      tpu.vector_store_idx %arg6[%shift_right_arithmetic3A_261, %and3A_264], %sub3A_244 masked %and3A_251 : memref<160x128xi32, #tpu.memory_space<vmem>>[vector<16xi32>, vector<16xi32>], vector<16xi32>, vector<16xi1>
      %slice3A_265 = vector.extract_strided_slice %masked_cumsum3A_255 {offsets = [15], sizes = [1], strides = [1]} : vector<16xi32> to vector<1xi32>
      %squeeze3A_266 = vector.extract %slice3A_265[0] : i32 from vector<1xi32>
      %add3A_267 = arith.addi %add3A_239, %squeeze3A_266 : i32
      %get3A_268 = arith.index_cast %scan3A_189 : i32 to index
      %get3A_269 = arith.constant 48 : index
      %get3A_270 = tpu.vector_load %arg6[%get3A_268, %get3A_269] {strides = array<i32>} : memref<160x128xi32, #tpu.memory_space<vmem>>, vector<16xi32>,
      %sub3A_271 = vector.broadcast %mul3A_9 : i32 to vector<16xi32>
      %sub3A_272 = arith.subi %get3A_270, %sub3A_271 : vector<16xi32>
      %ge3A_273 = arith.constant 0 : i32
      %ge3A_274 = vector.broadcast %ge3A_273 : i32 to vector<16xi32>
      %ge3A_275 = arith.cmpi sge, %sub3A_272, %ge3A_274 : vector<16xi32>
      %lt3A_276 = arith.constant 5120 : i32
      %lt3A_277 = vector.broadcast %lt3A_276 : i32 to vector<16xi32>
      %lt3A_278 = arith.cmpi slt, %sub3A_272, %lt3A_277 : vector<16xi32>
      %and3A_279 = arith.andi %ge3A_275, %lt3A_278 : vector<16xi1>
      %convert_element_type3A_280 = arith.extui %and3A_279 : vector<16xi1> to vector<16xi32>
      %broadcast_in_dim3A_281 = arith.constant true
      %broadcast_in_dim3A_282 = vector.broadcast %broadcast_in_dim3A_281 : i1 to vector<16xi1>
      %masked_cumsum3A_283 = tpu.scan <sum>, %convert_element_type3A_280 masked %broadcast_in_dim3A_282 : vector<16xi32>, vector<16xi1> -> vector<16xi32>
      %add3A_284 = vector.broadcast %add3A_267 : i32 to vector<16xi32>
      %add3A_285 = arith.addi %add3A_284, %masked_cumsum3A_283 : vector<16xi32>
      %sub3A_286 = arith.subi %add3A_285, %convert_element_type3A_280 : vector<16xi32>
      %shift_right_arithmetic3A_287 = arith.constant 7 : i32
      %shift_right_arithmetic3A_288 = vector.broadcast %shift_right_arithmetic3A_287 : i32 to vector<16xi32>
      %shift_right_arithmetic3A_289 = arith.shrsi %sub3A_286, %shift_right_arithmetic3A_288 : vector<16xi32>
      %and3A_290 = arith.constant 127 : i32
      %and3A_291 = vector.broadcast %and3A_290 : i32 to vector<16xi32>
      %and3A_292 = arith.andi %sub3A_286, %and3A_291 : vector<16xi32>
      tpu.vector_store_idx %arg6[%shift_right_arithmetic3A_289, %and3A_292], %sub3A_272 masked %and3A_279 : memref<160x128xi32, #tpu.memory_space<vmem>>[vector<16xi32>, vector<16xi32>], vector<16xi32>, vector<16xi1>
      %slice3A_293 = vector.extract_strided_slice %masked_cumsum3A_283 {offsets = [15], sizes = [1], strides = [1]} : vector<16xi32> to vector<1xi32>
      %squeeze3A_294 = vector.extract %slice3A_293[0] : i32 from vector<1xi32>
      %add3A_295 = arith.addi %add3A_267, %squeeze3A_294 : i32
      %get3A_296 = arith.index_cast %scan3A_189 : i32 to index
      %get3A_297 = arith.constant 64 : index
      %get3A_298 = tpu.vector_load %arg6[%get3A_296, %get3A_297] {strides = array<i32>} : memref<160x128xi32, #tpu.memory_space<vmem>>, vector<16xi32>,
      %sub3A_299 = vector.broadcast %mul3A_9 : i32 to vector<16xi32>
      %sub3A_300 = arith.subi %get3A_298, %sub3A_299 : vector<16xi32>
      %ge3A_301 = arith.constant 0 : i32
      %ge3A_302 = vector.broadcast %ge3A_301 : i32 to vector<16xi32>
      %ge3A_303 = arith.cmpi sge, %sub3A_300, %ge3A_302 : vector<16xi32>
      %lt3A_304 = arith.constant 5120 : i32
      %lt3A_305 = vector.broadcast %lt3A_304 : i32 to vector<16xi32>
      %lt3A_306 = arith.cmpi slt, %sub3A_300, %lt3A_305 : vector<16xi32>
      %and3A_307 = arith.andi %ge3A_303, %lt3A_306 : vector<16xi1>
      %convert_element_type3A_308 = arith.extui %and3A_307 : vector<16xi1> to vector<16xi32>
      %broadcast_in_dim3A_309 = arith.constant true
      %broadcast_in_dim3A_310 = vector.broadcast %broadcast_in_dim3A_309 : i1 to vector<16xi1>
      %masked_cumsum3A_311 = tpu.scan <sum>, %convert_element_type3A_308 masked %broadcast_in_dim3A_310 : vector<16xi32>, vector<16xi1> -> vector<16xi32>
      %add3A_312 = vector.broadcast %add3A_295 : i32 to vector<16xi32>
      %add3A_313 = arith.addi %add3A_312, %masked_cumsum3A_311 : vector<16xi32>
      %sub3A_314 = arith.subi %add3A_313, %convert_element_type3A_308 : vector<16xi32>
      %shift_right_arithmetic3A_315 = arith.constant 7 : i32
      %shift_right_arithmetic3A_316 = vector.broadcast %shift_right_arithmetic3A_315 : i32 to vector<16xi32>
      %shift_right_arithmetic3A_317 = arith.shrsi %sub3A_314, %shift_right_arithmetic3A_316 : vector<16xi32>
      %and3A_318 = arith.constant 127 : i32
      %and3A_319 = vector.broadcast %and3A_318 : i32 to vector<16xi32>
      %and3A_320 = arith.andi %sub3A_314, %and3A_319 : vector<16xi32>
      tpu.vector_store_idx %arg6[%shift_right_arithmetic3A_317, %and3A_320], %sub3A_300 masked %and3A_307 : memref<160x128xi32, #tpu.memory_space<vmem>>[vector<16xi32>, vector<16xi32>], vector<16xi32>, vector<16xi1>
      %slice3A_321 = vector.extract_strided_slice %masked_cumsum3A_311 {offsets = [15], sizes = [1], strides = [1]} : vector<16xi32> to vector<1xi32>
      %squeeze3A_322 = vector.extract %slice3A_321[0] : i32 from vector<1xi32>
      %add3A_323 = arith.addi %add3A_295, %squeeze3A_322 : i32
      %get3A_324 = arith.index_cast %scan3A_189 : i32 to index
      %get3A_325 = arith.constant 80 : index
      %get3A_326 = tpu.vector_load %arg6[%get3A_324, %get3A_325] {strides = array<i32>} : memref<160x128xi32, #tpu.memory_space<vmem>>, vector<16xi32>,
      %sub3A_327 = vector.broadcast %mul3A_9 : i32 to vector<16xi32>
      %sub3A_328 = arith.subi %get3A_326, %sub3A_327 : vector<16xi32>
      %ge3A_329 = arith.constant 0 : i32
      %ge3A_330 = vector.broadcast %ge3A_329 : i32 to vector<16xi32>
      %ge3A_331 = arith.cmpi sge, %sub3A_328, %ge3A_330 : vector<16xi32>
      %lt3A_332 = arith.constant 5120 : i32
      %lt3A_333 = vector.broadcast %lt3A_332 : i32 to vector<16xi32>
      %lt3A_334 = arith.cmpi slt, %sub3A_328, %lt3A_333 : vector<16xi32>
      %and3A_335 = arith.andi %ge3A_331, %lt3A_334 : vector<16xi1>
      %convert_element_type3A_336 = arith.extui %and3A_335 : vector<16xi1> to vector<16xi32>
      %broadcast_in_dim3A_337 = arith.constant true
      %broadcast_in_dim3A_338 = vector.broadcast %broadcast_in_dim3A_337 : i1 to vector<16xi1>
      %masked_cumsum3A_339 = tpu.scan <sum>, %convert_element_type3A_336 masked %broadcast_in_dim3A_338 : vector<16xi32>, vector<16xi1> -> vector<16xi32>
      %add3A_340 = vector.broadcast %add3A_323 : i32 to vector<16xi32>
      %add3A_341 = arith.addi %add3A_340, %masked_cumsum3A_339 : vector<16xi32>
      %sub3A_342 = arith.subi %add3A_341, %convert_element_type3A_336 : vector<16xi32>
      %shift_right_arithmetic3A_343 = arith.constant 7 : i32
      %shift_right_arithmetic3A_344 = vector.broadcast %shift_right_arithmetic3A_343 : i32 to vector<16xi32>
      %shift_right_arithmetic3A_345 = arith.shrsi %sub3A_342, %shift_right_arithmetic3A_344 : vector<16xi32>
      %and3A_346 = arith.constant 127 : i32
      %and3A_347 = vector.broadcast %and3A_346 : i32 to vector<16xi32>
      %and3A_348 = arith.andi %sub3A_342, %and3A_347 : vector<16xi32>
      tpu.vector_store_idx %arg6[%shift_right_arithmetic3A_345, %and3A_348], %sub3A_328 masked %and3A_335 : memref<160x128xi32, #tpu.memory_space<vmem>>[vector<16xi32>, vector<16xi32>], vector<16xi32>, vector<16xi1>
      %slice3A_349 = vector.extract_strided_slice %masked_cumsum3A_339 {offsets = [15], sizes = [1], strides = [1]} : vector<16xi32> to vector<1xi32>
      %squeeze3A_350 = vector.extract %slice3A_349[0] : i32 from vector<1xi32>
      %add3A_351 = arith.addi %add3A_323, %squeeze3A_350 : i32
      %get3A_352 = arith.index_cast %scan3A_189 : i32 to index
      %get3A_353 = arith.constant 96 : index
      %get3A_354 = tpu.vector_load %arg6[%get3A_352, %get3A_353] {strides = array<i32>} : memref<160x128xi32, #tpu.memory_space<vmem>>, vector<16xi32>,
      %sub3A_355 = vector.broadcast %mul3A_9 : i32 to vector<16xi32>
      %sub3A_356 = arith.subi %get3A_354, %sub3A_355 : vector<16xi32>
      %ge3A_357 = arith.constant 0 : i32
      %ge3A_358 = vector.broadcast %ge3A_357 : i32 to vector<16xi32>
      %ge3A_359 = arith.cmpi sge, %sub3A_356, %ge3A_358 : vector<16xi32>
      %lt3A_360 = arith.constant 5120 : i32
      %lt3A_361 = vector.broadcast %lt3A_360 : i32 to vector<16xi32>
      %lt3A_362 = arith.cmpi slt, %sub3A_356, %lt3A_361 : vector<16xi32>
      %and3A_363 = arith.andi %ge3A_359, %lt3A_362 : vector<16xi1>
      %convert_element_type3A_364 = arith.extui %and3A_363 : vector<16xi1> to vector<16xi32>
      %broadcast_in_dim3A_365 = arith.constant true
      %broadcast_in_dim3A_366 = vector.broadcast %broadcast_in_dim3A_365 : i1 to vector<16xi1>
      %masked_cumsum3A_367 = tpu.scan <sum>, %convert_element_type3A_364 masked %broadcast_in_dim3A_366 : vector<16xi32>, vector<16xi1> -> vector<16xi32>
      %add3A_368 = vector.broadcast %add3A_351 : i32 to vector<16xi32>
      %add3A_369 = arith.addi %add3A_368, %masked_cumsum3A_367 : vector<16xi32>
      %sub3A_370 = arith.subi %add3A_369, %convert_element_type3A_364 : vector<16xi32>
      %shift_right_arithmetic3A_371 = arith.constant 7 : i32
      %shift_right_arithmetic3A_372 = vector.broadcast %shift_right_arithmetic3A_371 : i32 to vector<16xi32>
      %shift_right_arithmetic3A_373 = arith.shrsi %sub3A_370, %shift_right_arithmetic3A_372 : vector<16xi32>
      %and3A_374 = arith.constant 127 : i32
      %and3A_375 = vector.broadcast %and3A_374 : i32 to vector<16xi32>
      %and3A_376 = arith.andi %sub3A_370, %and3A_375 : vector<16xi32>
      tpu.vector_store_idx %arg6[%shift_right_arithmetic3A_373, %and3A_376], %sub3A_356 masked %and3A_363 : memref<160x128xi32, #tpu.memory_space<vmem>>[vector<16xi32>, vector<16xi32>], vector<16xi32>, vector<16xi1>
      %slice3A_377 = vector.extract_strided_slice %masked_cumsum3A_367 {offsets = [15], sizes = [1], strides = [1]} : vector<16xi32> to vector<1xi32>
      %squeeze3A_378 = vector.extract %slice3A_377[0] : i32 from vector<1xi32>
      %add3A_379 = arith.addi %add3A_351, %squeeze3A_378 : i32
      %get3A_380 = arith.index_cast %scan3A_189 : i32 to index
      %get3A_381 = arith.constant 112 : index
      %get3A_382 = tpu.vector_load %arg6[%get3A_380, %get3A_381] {strides = array<i32>} : memref<160x128xi32, #tpu.memory_space<vmem>>, vector<16xi32>,
      %sub3A_383 = vector.broadcast %mul3A_9 : i32 to vector<16xi32>
      %sub3A_384 = arith.subi %get3A_382, %sub3A_383 : vector<16xi32>
      %ge3A_385 = arith.constant 0 : i32
      %ge3A_386 = vector.broadcast %ge3A_385 : i32 to vector<16xi32>
      %ge3A_387 = arith.cmpi sge, %sub3A_384, %ge3A_386 : vector<16xi32>
      %lt3A_388 = arith.constant 5120 : i32
      %lt3A_389 = vector.broadcast %lt3A_388 : i32 to vector<16xi32>
      %lt3A_390 = arith.cmpi slt, %sub3A_384, %lt3A_389 : vector<16xi32>
      %and3A_391 = arith.andi %ge3A_387, %lt3A_390 : vector<16xi1>
      %convert_element_type3A_392 = arith.extui %and3A_391 : vector<16xi1> to vector<16xi32>
      %broadcast_in_dim3A_393 = arith.constant true
      %broadcast_in_dim3A_394 = vector.broadcast %broadcast_in_dim3A_393 : i1 to vector<16xi1>
      %masked_cumsum3A_395 = tpu.scan <sum>, %convert_element_type3A_392 masked %broadcast_in_dim3A_394 : vector<16xi32>, vector<16xi1> -> vector<16xi32>
      %add3A_396 = vector.broadcast %add3A_379 : i32 to vector<16xi32>
      %add3A_397 = arith.addi %add3A_396, %masked_cumsum3A_395 : vector<16xi32>
      %sub3A_398 = arith.subi %add3A_397, %convert_element_type3A_392 : vector<16xi32>
      %shift_right_arithmetic3A_399 = arith.constant 7 : i32
      %shift_right_arithmetic3A_400 = vector.broadcast %shift_right_arithmetic3A_399 : i32 to vector<16xi32>
      %shift_right_arithmetic3A_401 = arith.shrsi %sub3A_398, %shift_right_arithmetic3A_400 : vector<16xi32>
      %and3A_402 = arith.constant 127 : i32
      %and3A_403 = vector.broadcast %and3A_402 : i32 to vector<16xi32>
      %and3A_404 = arith.andi %sub3A_398, %and3A_403 : vector<16xi32>
      tpu.vector_store_idx %arg6[%shift_right_arithmetic3A_401, %and3A_404], %sub3A_384 masked %and3A_391 : memref<160x128xi32, #tpu.memory_space<vmem>>[vector<16xi32>, vector<16xi32>], vector<16xi32>, vector<16xi1>
      %slice3A_405 = vector.extract_strided_slice %masked_cumsum3A_395 {offsets = [15], sizes = [1], strides = [1]} : vector<16xi32> to vector<1xi32>
      %squeeze3A_406 = vector.extract %slice3A_405[0] : i32 from vector<1xi32>
      %add3A_407 = arith.addi %add3A_379, %squeeze3A_406 : i32
      scf.yield %add3A_407 : i32
    }
    %scan3A_15 = arith.constant 160 : i32
    %broadcast_in_dim3A = arith.constant 0 : i32
    %broadcast_in_dim3A_16 = vector.broadcast %broadcast_in_dim3A : i32 to vector<16xi32>
    %iota3A = tpu.iota {dimensions = array<i32: 0>} : vector<16xi32>
    %add3A_17 = arith.constant 0 : i32
    %add3A_18 = vector.broadcast %add3A_17 : i32 to vector<16xi32>
    %add3A_19 = arith.addi %iota3A, %add3A_18 : vector<16xi32>
    %shift_right_arithmetic3A = arith.constant 7 : i32
    %shift_right_arithmetic3A_20 = arith.shrsi %scan3A_14, %shift_right_arithmetic3A : i32
    %shift_left3A = arith.constant 7 : i32
    %shift_left3A_21 = arith.shli %shift_right_arithmetic3A_20, %shift_left3A : i32
    %add3A_22 = vector.broadcast %shift_left3A_21 : i32 to vector<16xi32>
    %add3A_23 = arith.addi %add3A_22, %add3A_19 : vector<16xi32>
    %shift_right_arithmetic3A_24 = arith.constant 7 : i32
    %shift_right_arithmetic3A_25 = vector.broadcast %shift_right_arithmetic3A_24 : i32 to vector<16xi32>
    %shift_right_arithmetic3A_26 = arith.shrsi %add3A_23, %shift_right_arithmetic3A_25 : vector<16xi32>
    %and3A = arith.constant 127 : i32
    %and3A_27 = vector.broadcast %and3A : i32 to vector<16xi32>
    %and3A_28 = arith.andi %add3A_23, %and3A_27 : vector<16xi32>
    %ge3A = vector.broadcast %scan3A_14 : i32 to vector<16xi32>
    %ge3A_29 = arith.cmpi sge, %add3A_23, %ge3A : vector<16xi32>
    tpu.vector_store_idx %arg6[%shift_right_arithmetic3A_26, %and3A_28], %broadcast_in_dim3A_16 masked %ge3A_29 : memref<160x128xi32, #tpu.memory_space<vmem>>[vector<16xi32>, vector<16xi32>], vector<16xi32>, vector<16xi1>
    %iota3A_30 = tpu.iota {dimensions = array<i32: 0>} : vector<16xi32>
    %add3A_31 = arith.constant 16 : i32
    %add3A_32 = vector.broadcast %add3A_31 : i32 to vector<16xi32>
    %add3A_33 = arith.addi %iota3A_30, %add3A_32 : vector<16xi32>
    %shift_right_arithmetic3A_34 = arith.constant 7 : i32
    %shift_right_arithmetic3A_35 = arith.shrsi %scan3A_14, %shift_right_arithmetic3A_34 : i32
    %shift_left3A_36 = arith.constant 7 : i32
    %shift_left3A_37 = arith.shli %shift_right_arithmetic3A_35, %shift_left3A_36 : i32
    %add3A_38 = vector.broadcast %shift_left3A_37 : i32 to vector<16xi32>
    %add3A_39 = arith.addi %add3A_38, %add3A_33 : vector<16xi32>
    %shift_right_arithmetic3A_40 = arith.constant 7 : i32
    %shift_right_arithmetic3A_41 = vector.broadcast %shift_right_arithmetic3A_40 : i32 to vector<16xi32>
    %shift_right_arithmetic3A_42 = arith.shrsi %add3A_39, %shift_right_arithmetic3A_41 : vector<16xi32>
    %and3A_43 = arith.constant 127 : i32
    %and3A_44 = vector.broadcast %and3A_43 : i32 to vector<16xi32>
    %and3A_45 = arith.andi %add3A_39, %and3A_44 : vector<16xi32>
    %ge3A_46 = vector.broadcast %scan3A_14 : i32 to vector<16xi32>
    %ge3A_47 = arith.cmpi sge, %add3A_39, %ge3A_46 : vector<16xi32>
    tpu.vector_store_idx %arg6[%shift_right_arithmetic3A_42, %and3A_45], %broadcast_in_dim3A_16 masked %ge3A_47 : memref<160x128xi32, #tpu.memory_space<vmem>>[vector<16xi32>, vector<16xi32>], vector<16xi32>, vector<16xi1>
    %iota3A_48 = tpu.iota {dimensions = array<i32: 0>} : vector<16xi32>
    %add3A_49 = arith.constant 32 : i32
    %add3A_50 = vector.broadcast %add3A_49 : i32 to vector<16xi32>
    %add3A_51 = arith.addi %iota3A_48, %add3A_50 : vector<16xi32>
    %shift_right_arithmetic3A_52 = arith.constant 7 : i32
    %shift_right_arithmetic3A_53 = arith.shrsi %scan3A_14, %shift_right_arithmetic3A_52 : i32
    %shift_left3A_54 = arith.constant 7 : i32
    %shift_left3A_55 = arith.shli %shift_right_arithmetic3A_53, %shift_left3A_54 : i32
    %add3A_56 = vector.broadcast %shift_left3A_55 : i32 to vector<16xi32>
    %add3A_57 = arith.addi %add3A_56, %add3A_51 : vector<16xi32>
    %shift_right_arithmetic3A_58 = arith.constant 7 : i32
    %shift_right_arithmetic3A_59 = vector.broadcast %shift_right_arithmetic3A_58 : i32 to vector<16xi32>
    %shift_right_arithmetic3A_60 = arith.shrsi %add3A_57, %shift_right_arithmetic3A_59 : vector<16xi32>
    %and3A_61 = arith.constant 127 : i32
    %and3A_62 = vector.broadcast %and3A_61 : i32 to vector<16xi32>
    %and3A_63 = arith.andi %add3A_57, %and3A_62 : vector<16xi32>
    %ge3A_64 = vector.broadcast %scan3A_14 : i32 to vector<16xi32>
    %ge3A_65 = arith.cmpi sge, %add3A_57, %ge3A_64 : vector<16xi32>
    tpu.vector_store_idx %arg6[%shift_right_arithmetic3A_60, %and3A_63], %broadcast_in_dim3A_16 masked %ge3A_65 : memref<160x128xi32, #tpu.memory_space<vmem>>[vector<16xi32>, vector<16xi32>], vector<16xi32>, vector<16xi1>
    %iota3A_66 = tpu.iota {dimensions = array<i32: 0>} : vector<16xi32>
    %add3A_67 = arith.constant 48 : i32
    %add3A_68 = vector.broadcast %add3A_67 : i32 to vector<16xi32>
    %add3A_69 = arith.addi %iota3A_66, %add3A_68 : vector<16xi32>
    %shift_right_arithmetic3A_70 = arith.constant 7 : i32
    %shift_right_arithmetic3A_71 = arith.shrsi %scan3A_14, %shift_right_arithmetic3A_70 : i32
    %shift_left3A_72 = arith.constant 7 : i32
    %shift_left3A_73 = arith.shli %shift_right_arithmetic3A_71, %shift_left3A_72 : i32
    %add3A_74 = vector.broadcast %shift_left3A_73 : i32 to vector<16xi32>
    %add3A_75 = arith.addi %add3A_74, %add3A_69 : vector<16xi32>
    %shift_right_arithmetic3A_76 = arith.constant 7 : i32
    %shift_right_arithmetic3A_77 = vector.broadcast %shift_right_arithmetic3A_76 : i32 to vector<16xi32>
    %shift_right_arithmetic3A_78 = arith.shrsi %add3A_75, %shift_right_arithmetic3A_77 : vector<16xi32>
    %and3A_79 = arith.constant 127 : i32
    %and3A_80 = vector.broadcast %and3A_79 : i32 to vector<16xi32>
    %and3A_81 = arith.andi %add3A_75, %and3A_80 : vector<16xi32>
    %ge3A_82 = vector.broadcast %scan3A_14 : i32 to vector<16xi32>
    %ge3A_83 = arith.cmpi sge, %add3A_75, %ge3A_82 : vector<16xi32>
    tpu.vector_store_idx %arg6[%shift_right_arithmetic3A_78, %and3A_81], %broadcast_in_dim3A_16 masked %ge3A_83 : memref<160x128xi32, #tpu.memory_space<vmem>>[vector<16xi32>, vector<16xi32>], vector<16xi32>, vector<16xi1>
    %iota3A_84 = tpu.iota {dimensions = array<i32: 0>} : vector<16xi32>
    %add3A_85 = arith.constant 64 : i32
    %add3A_86 = vector.broadcast %add3A_85 : i32 to vector<16xi32>
    %add3A_87 = arith.addi %iota3A_84, %add3A_86 : vector<16xi32>
    %shift_right_arithmetic3A_88 = arith.constant 7 : i32
    %shift_right_arithmetic3A_89 = arith.shrsi %scan3A_14, %shift_right_arithmetic3A_88 : i32
    %shift_left3A_90 = arith.constant 7 : i32
    %shift_left3A_91 = arith.shli %shift_right_arithmetic3A_89, %shift_left3A_90 : i32
    %add3A_92 = vector.broadcast %shift_left3A_91 : i32 to vector<16xi32>
    %add3A_93 = arith.addi %add3A_92, %add3A_87 : vector<16xi32>
    %shift_right_arithmetic3A_94 = arith.constant 7 : i32
    %shift_right_arithmetic3A_95 = vector.broadcast %shift_right_arithmetic3A_94 : i32 to vector<16xi32>
    %shift_right_arithmetic3A_96 = arith.shrsi %add3A_93, %shift_right_arithmetic3A_95 : vector<16xi32>
    %and3A_97 = arith.constant 127 : i32
    %and3A_98 = vector.broadcast %and3A_97 : i32 to vector<16xi32>
    %and3A_99 = arith.andi %add3A_93, %and3A_98 : vector<16xi32>
    %ge3A_100 = vector.broadcast %scan3A_14 : i32 to vector<16xi32>
    %ge3A_101 = arith.cmpi sge, %add3A_93, %ge3A_100 : vector<16xi32>
    tpu.vector_store_idx %arg6[%shift_right_arithmetic3A_96, %and3A_99], %broadcast_in_dim3A_16 masked %ge3A_101 : memref<160x128xi32, #tpu.memory_space<vmem>>[vector<16xi32>, vector<16xi32>], vector<16xi32>, vector<16xi1>
    %iota3A_102 = tpu.iota {dimensions = array<i32: 0>} : vector<16xi32>
    %add3A_103 = arith.constant 80 : i32
    %add3A_104 = vector.broadcast %add3A_103 : i32 to vector<16xi32>
    %add3A_105 = arith.addi %iota3A_102, %add3A_104 : vector<16xi32>
    %shift_right_arithmetic3A_106 = arith.constant 7 : i32
    %shift_right_arithmetic3A_107 = arith.shrsi %scan3A_14, %shift_right_arithmetic3A_106 : i32
    %shift_left3A_108 = arith.constant 7 : i32
    %shift_left3A_109 = arith.shli %shift_right_arithmetic3A_107, %shift_left3A_108 : i32
    %add3A_110 = vector.broadcast %shift_left3A_109 : i32 to vector<16xi32>
    %add3A_111 = arith.addi %add3A_110, %add3A_105 : vector<16xi32>
    %shift_right_arithmetic3A_112 = arith.constant 7 : i32
    %shift_right_arithmetic3A_113 = vector.broadcast %shift_right_arithmetic3A_112 : i32 to vector<16xi32>
    %shift_right_arithmetic3A_114 = arith.shrsi %add3A_111, %shift_right_arithmetic3A_113 : vector<16xi32>
    %and3A_115 = arith.constant 127 : i32
    %and3A_116 = vector.broadcast %and3A_115 : i32 to vector<16xi32>
    %and3A_117 = arith.andi %add3A_111, %and3A_116 : vector<16xi32>
    %ge3A_118 = vector.broadcast %scan3A_14 : i32 to vector<16xi32>
    %ge3A_119 = arith.cmpi sge, %add3A_111, %ge3A_118 : vector<16xi32>
    tpu.vector_store_idx %arg6[%shift_right_arithmetic3A_114, %and3A_117], %broadcast_in_dim3A_16 masked %ge3A_119 : memref<160x128xi32, #tpu.memory_space<vmem>>[vector<16xi32>, vector<16xi32>], vector<16xi32>, vector<16xi1>
    %iota3A_120 = tpu.iota {dimensions = array<i32: 0>} : vector<16xi32>
    %add3A_121 = arith.constant 96 : i32
    %add3A_122 = vector.broadcast %add3A_121 : i32 to vector<16xi32>
    %add3A_123 = arith.addi %iota3A_120, %add3A_122 : vector<16xi32>
    %shift_right_arithmetic3A_124 = arith.constant 7 : i32
    %shift_right_arithmetic3A_125 = arith.shrsi %scan3A_14, %shift_right_arithmetic3A_124 : i32
    %shift_left3A_126 = arith.constant 7 : i32
    %shift_left3A_127 = arith.shli %shift_right_arithmetic3A_125, %shift_left3A_126 : i32
    %add3A_128 = vector.broadcast %shift_left3A_127 : i32 to vector<16xi32>
    %add3A_129 = arith.addi %add3A_128, %add3A_123 : vector<16xi32>
    %shift_right_arithmetic3A_130 = arith.constant 7 : i32
    %shift_right_arithmetic3A_131 = vector.broadcast %shift_right_arithmetic3A_130 : i32 to vector<16xi32>
    %shift_right_arithmetic3A_132 = arith.shrsi %add3A_129, %shift_right_arithmetic3A_131 : vector<16xi32>
    %and3A_133 = arith.constant 127 : i32
    %and3A_134 = vector.broadcast %and3A_133 : i32 to vector<16xi32>
    %and3A_135 = arith.andi %add3A_129, %and3A_134 : vector<16xi32>
    %ge3A_136 = vector.broadcast %scan3A_14 : i32 to vector<16xi32>
    %ge3A_137 = arith.cmpi sge, %add3A_129, %ge3A_136 : vector<16xi32>
    tpu.vector_store_idx %arg6[%shift_right_arithmetic3A_132, %and3A_135], %broadcast_in_dim3A_16 masked %ge3A_137 : memref<160x128xi32, #tpu.memory_space<vmem>>[vector<16xi32>, vector<16xi32>], vector<16xi32>, vector<16xi1>
    %iota3A_138 = tpu.iota {dimensions = array<i32: 0>} : vector<16xi32>
    %add3A_139 = arith.constant 112 : i32
    %add3A_140 = vector.broadcast %add3A_139 : i32 to vector<16xi32>
    %add3A_141 = arith.addi %iota3A_138, %add3A_140 : vector<16xi32>
    %shift_right_arithmetic3A_142 = arith.constant 7 : i32
    %shift_right_arithmetic3A_143 = arith.shrsi %scan3A_14, %shift_right_arithmetic3A_142 : i32
    %shift_left3A_144 = arith.constant 7 : i32
    %shift_left3A_145 = arith.shli %shift_right_arithmetic3A_143, %shift_left3A_144 : i32
    %add3A_146 = vector.broadcast %shift_left3A_145 : i32 to vector<16xi32>
    %add3A_147 = arith.addi %add3A_146, %add3A_141 : vector<16xi32>
    %shift_right_arithmetic3A_148 = arith.constant 7 : i32
    %shift_right_arithmetic3A_149 = vector.broadcast %shift_right_arithmetic3A_148 : i32 to vector<16xi32>
    %shift_right_arithmetic3A_150 = arith.shrsi %add3A_147, %shift_right_arithmetic3A_149 : vector<16xi32>
    %and3A_151 = arith.constant 127 : i32
    %and3A_152 = vector.broadcast %and3A_151 : i32 to vector<16xi32>
    %and3A_153 = arith.andi %add3A_147, %and3A_152 : vector<16xi32>
    %ge3A_154 = vector.broadcast %scan3A_14 : i32 to vector<16xi32>
    %ge3A_155 = arith.cmpi sge, %add3A_147, %ge3A_154 : vector<16xi32>
    tpu.vector_store_idx %arg6[%shift_right_arithmetic3A_150, %and3A_153], %broadcast_in_dim3A_16 masked %ge3A_155 : memref<160x128xi32, #tpu.memory_space<vmem>>[vector<16xi32>, vector<16xi32>], vector<16xi32>, vector<16xi1>
    %shift_right_arithmetic3A_156 = arith.constant 7 : i32
    %shift_right_arithmetic3A_157 = arith.shrsi %scan3A_14, %shift_right_arithmetic3A_156 : i32
    %and3A_158 = arith.constant 127 : i32
    %and3A_159 = arith.andi %scan3A_14, %and3A_158 : i32
    %scan3A_160 = arith.constant 0 : i32
    %scan3A_161 = arith.constant 0 : i32
    %scan3A_162 = arith.constant 128 : i32
    %scan3A_163 = arith.addi %scan3A_161, %scan3A_162 : i32
    %scan3A_164 = arith.constant 1 : i32
    scf.for %scan3A_189 = %scan3A_161 to %scan3A_163 step %scan3A_164  : i32 {
      %iota3A_190 = tpu.iota {dimensions = array<i32: 0>} : vector<16xi32>
      %mul3A_191 = arith.constant 0 : i32
      %mul3A_192 = vector.broadcast %mul3A_191 : i32 to vector<16xi32>
      %mul3A_193 = arith.muli %iota3A_190, %mul3A_192 : vector<16xi32>
      %add3A_194 = vector.broadcast %scan3A_189 : i32 to vector<16xi32>
      %add3A_195 = arith.addi %mul3A_193, %add3A_194 : vector<16xi32>
      %lt3A = vector.broadcast %and3A_159 : i32 to vector<16xi32>
      %lt3A_196 = arith.cmpi slt, %add3A_195, %lt3A : vector<16xi32>
      %jit3A = arith.constant 1.000000e+00 : f32
      %jit3A_197 = arith.constant 0.000000e+00 : f32
      %broadcast_in_dim3A_198 = vector.broadcast %jit3A : f32 to vector<16xf32>
      %broadcast_in_dim3A_199 = vector.broadcast %jit3A_197 : f32 to vector<16xf32>
      %select_n3A = arith.select %lt3A_196, %broadcast_in_dim3A_198, %broadcast_in_dim3A_199 : vector<16xi1>, vector<16xf32>
      %swap3A = arith.index_cast %scan3A_189 : i32 to index
      %swap3A_200 = arith.constant 0 : index
      %swap3A_201 = tpu.vector_load %arg8[%swap3A, %swap3A_200] {strides = array<i32>} : memref<128x128xf32, #tpu.memory_space<vmem>>, vector<16xf32>,
      tpu.vector_store %arg8[%swap3A, %swap3A_200], %select_n3A {strides = array<i32>} : memref<128x128xf32, #tpu.memory_space<vmem>>, vector<16xf32>,
      %iota3A_202 = tpu.iota {dimensions = array<i32: 0>} : vector<16xi32>
      %mul3A_203 = arith.constant 0 : i32
      %mul3A_204 = vector.broadcast %mul3A_203 : i32 to vector<16xi32>
      %mul3A_205 = arith.muli %iota3A_202, %mul3A_204 : vector<16xi32>
      %add3A_206 = vector.broadcast %scan3A_189 : i32 to vector<16xi32>
      %add3A_207 = arith.addi %mul3A_205, %add3A_206 : vector<16xi32>
      %lt3A_208 = vector.broadcast %and3A_159 : i32 to vector<16xi32>
      %lt3A_209 = arith.cmpi slt, %add3A_207, %lt3A_208 : vector<16xi32>
      %jit3A_210 = arith.constant 1.000000e+00 : f32
      %jit3A_211 = arith.constant 0.000000e+00 : f32
      %broadcast_in_dim3A_212 = vector.broadcast %jit3A_210 : f32 to vector<16xf32>
      %broadcast_in_dim3A_213 = vector.broadcast %jit3A_211 : f32 to vector<16xf32>
      %select_n3A_214 = arith.select %lt3A_209, %broadcast_in_dim3A_212, %broadcast_in_dim3A_213 : vector<16xi1>, vector<16xf32>
      %swap3A_215 = arith.index_cast %scan3A_189 : i32 to index
      %swap3A_216 = arith.constant 16 : index
      %swap3A_217 = tpu.vector_load %arg8[%swap3A_215, %swap3A_216] {strides = array<i32>} : memref<128x128xf32, #tpu.memory_space<vmem>>, vector<16xf32>,
      tpu.vector_store %arg8[%swap3A_215, %swap3A_216], %select_n3A_214 {strides = array<i32>} : memref<128x128xf32, #tpu.memory_space<vmem>>, vector<16xf32>,
      %iota3A_218 = tpu.iota {dimensions = array<i32: 0>} : vector<16xi32>
      %mul3A_219 = arith.constant 0 : i32
      %mul3A_220 = vector.broadcast %mul3A_219 : i32 to vector<16xi32>
      %mul3A_221 = arith.muli %iota3A_218, %mul3A_220 : vector<16xi32>
      %add3A_222 = vector.broadcast %scan3A_189 : i32 to vector<16xi32>
      %add3A_223 = arith.addi %mul3A_221, %add3A_222 : vector<16xi32>
      %lt3A_224 = vector.broadcast %and3A_159 : i32 to vector<16xi32>
      %lt3A_225 = arith.cmpi slt, %add3A_223, %lt3A_224 : vector<16xi32>
      %jit3A_226 = arith.constant 1.000000e+00 : f32
      %jit3A_227 = arith.constant 0.000000e+00 : f32
      %broadcast_in_dim3A_228 = vector.broadcast %jit3A_226 : f32 to vector<16xf32>
      %broadcast_in_dim3A_229 = vector.broadcast %jit3A_227 : f32 to vector<16xf32>
      %select_n3A_230 = arith.select %lt3A_225, %broadcast_in_dim3A_228, %broadcast_in_dim3A_229 : vector<16xi1>, vector<16xf32>
      %swap3A_231 = arith.index_cast %scan3A_189 : i32 to index
      %swap3A_232 = arith.constant 32 : index
      %swap3A_233 = tpu.vector_load %arg8[%swap3A_231, %swap3A_232] {strides = array<i32>} : memref<128x128xf32, #tpu.memory_space<vmem>>, vector<16xf32>,
      tpu.vector_store %arg8[%swap3A_231, %swap3A_232], %select_n3A_230 {strides = array<i32>} : memref<128x128xf32, #tpu.memory_space<vmem>>, vector<16xf32>,
      %iota3A_234 = tpu.iota {dimensions = array<i32: 0>} : vector<16xi32>
      %mul3A_235 = arith.constant 0 : i32
      %mul3A_236 = vector.broadcast %mul3A_235 : i32 to vector<16xi32>
      %mul3A_237 = arith.muli %iota3A_234, %mul3A_236 : vector<16xi32>
      %add3A_238 = vector.broadcast %scan3A_189 : i32 to vector<16xi32>
      %add3A_239 = arith.addi %mul3A_237, %add3A_238 : vector<16xi32>
      %lt3A_240 = vector.broadcast %and3A_159 : i32 to vector<16xi32>
      %lt3A_241 = arith.cmpi slt, %add3A_239, %lt3A_240 : vector<16xi32>
      %jit3A_242 = arith.constant 1.000000e+00 : f32
      %jit3A_243 = arith.constant 0.000000e+00 : f32
      %broadcast_in_dim3A_244 = vector.broadcast %jit3A_242 : f32 to vector<16xf32>
      %broadcast_in_dim3A_245 = vector.broadcast %jit3A_243 : f32 to vector<16xf32>
      %select_n3A_246 = arith.select %lt3A_241, %broadcast_in_dim3A_244, %broadcast_in_dim3A_245 : vector<16xi1>, vector<16xf32>
      %swap3A_247 = arith.index_cast %scan3A_189 : i32 to index
      %swap3A_248 = arith.constant 48 : index
      %swap3A_249 = tpu.vector_load %arg8[%swap3A_247, %swap3A_248] {strides = array<i32>} : memref<128x128xf32, #tpu.memory_space<vmem>>, vector<16xf32>,
      tpu.vector_store %arg8[%swap3A_247, %swap3A_248], %select_n3A_246 {strides = array<i32>} : memref<128x128xf32, #tpu.memory_space<vmem>>, vector<16xf32>,
      %iota3A_250 = tpu.iota {dimensions = array<i32: 0>} : vector<16xi32>
      %mul3A_251 = arith.constant 0 : i32
      %mul3A_252 = vector.broadcast %mul3A_251 : i32 to vector<16xi32>
      %mul3A_253 = arith.muli %iota3A_250, %mul3A_252 : vector<16xi32>
      %add3A_254 = vector.broadcast %scan3A_189 : i32 to vector<16xi32>
      %add3A_255 = arith.addi %mul3A_253, %add3A_254 : vector<16xi32>
      %lt3A_256 = vector.broadcast %and3A_159 : i32 to vector<16xi32>
      %lt3A_257 = arith.cmpi slt, %add3A_255, %lt3A_256 : vector<16xi32>
      %jit3A_258 = arith.constant 1.000000e+00 : f32
      %jit3A_259 = arith.constant 0.000000e+00 : f32
      %broadcast_in_dim3A_260 = vector.broadcast %jit3A_258 : f32 to vector<16xf32>
      %broadcast_in_dim3A_261 = vector.broadcast %jit3A_259 : f32 to vector<16xf32>
      %select_n3A_262 = arith.select %lt3A_257, %broadcast_in_dim3A_260, %broadcast_in_dim3A_261 : vector<16xi1>, vector<16xf32>
      %swap3A_263 = arith.index_cast %scan3A_189 : i32 to index
      %swap3A_264 = arith.constant 64 : index
      %swap3A_265 = tpu.vector_load %arg8[%swap3A_263, %swap3A_264] {strides = array<i32>} : memref<128x128xf32, #tpu.memory_space<vmem>>, vector<16xf32>,
      tpu.vector_store %arg8[%swap3A_263, %swap3A_264], %select_n3A_262 {strides = array<i32>} : memref<128x128xf32, #tpu.memory_space<vmem>>, vector<16xf32>,
      %iota3A_266 = tpu.iota {dimensions = array<i32: 0>} : vector<16xi32>
      %mul3A_267 = arith.constant 0 : i32
      %mul3A_268 = vector.broadcast %mul3A_267 : i32 to vector<16xi32>
      %mul3A_269 = arith.muli %iota3A_266, %mul3A_268 : vector<16xi32>
      %add3A_270 = vector.broadcast %scan3A_189 : i32 to vector<16xi32>
      %add3A_271 = arith.addi %mul3A_269, %add3A_270 : vector<16xi32>
      %lt3A_272 = vector.broadcast %and3A_159 : i32 to vector<16xi32>
      %lt3A_273 = arith.cmpi slt, %add3A_271, %lt3A_272 : vector<16xi32>
      %jit3A_274 = arith.constant 1.000000e+00 : f32
      %jit3A_275 = arith.constant 0.000000e+00 : f32
      %broadcast_in_dim3A_276 = vector.broadcast %jit3A_274 : f32 to vector<16xf32>
      %broadcast_in_dim3A_277 = vector.broadcast %jit3A_275 : f32 to vector<16xf32>
      %select_n3A_278 = arith.select %lt3A_273, %broadcast_in_dim3A_276, %broadcast_in_dim3A_277 : vector<16xi1>, vector<16xf32>
      %swap3A_279 = arith.index_cast %scan3A_189 : i32 to index
      %swap3A_280 = arith.constant 80 : index
      %swap3A_281 = tpu.vector_load %arg8[%swap3A_279, %swap3A_280] {strides = array<i32>} : memref<128x128xf32, #tpu.memory_space<vmem>>, vector<16xf32>,
      tpu.vector_store %arg8[%swap3A_279, %swap3A_280], %select_n3A_278 {strides = array<i32>} : memref<128x128xf32, #tpu.memory_space<vmem>>, vector<16xf32>,
      %iota3A_282 = tpu.iota {dimensions = array<i32: 0>} : vector<16xi32>
      %mul3A_283 = arith.constant 0 : i32
      %mul3A_284 = vector.broadcast %mul3A_283 : i32 to vector<16xi32>
      %mul3A_285 = arith.muli %iota3A_282, %mul3A_284 : vector<16xi32>
      %add3A_286 = vector.broadcast %scan3A_189 : i32 to vector<16xi32>
      %add3A_287 = arith.addi %mul3A_285, %add3A_286 : vector<16xi32>
      %lt3A_288 = vector.broadcast %and3A_159 : i32 to vector<16xi32>
      %lt3A_289 = arith.cmpi slt, %add3A_287, %lt3A_288 : vector<16xi32>
      %jit3A_290 = arith.constant 1.000000e+00 : f32
      %jit3A_291 = arith.constant 0.000000e+00 : f32
      %broadcast_in_dim3A_292 = vector.broadcast %jit3A_290 : f32 to vector<16xf32>
      %broadcast_in_dim3A_293 = vector.broadcast %jit3A_291 : f32 to vector<16xf32>
      %select_n3A_294 = arith.select %lt3A_289, %broadcast_in_dim3A_292, %broadcast_in_dim3A_293 : vector<16xi1>, vector<16xf32>
      %swap3A_295 = arith.index_cast %scan3A_189 : i32 to index
      %swap3A_296 = arith.constant 96 : index
      %swap3A_297 = tpu.vector_load %arg8[%swap3A_295, %swap3A_296] {strides = array<i32>} : memref<128x128xf32, #tpu.memory_space<vmem>>, vector<16xf32>,
      tpu.vector_store %arg8[%swap3A_295, %swap3A_296], %select_n3A_294 {strides = array<i32>} : memref<128x128xf32, #tpu.memory_space<vmem>>, vector<16xf32>,
      %iota3A_298 = tpu.iota {dimensions = array<i32: 0>} : vector<16xi32>
      %mul3A_299 = arith.constant 0 : i32
      %mul3A_300 = vector.broadcast %mul3A_299 : i32 to vector<16xi32>
      %mul3A_301 = arith.muli %iota3A_298, %mul3A_300 : vector<16xi32>
      %add3A_302 = vector.broadcast %scan3A_189 : i32 to vector<16xi32>
      %add3A_303 = arith.addi %mul3A_301, %add3A_302 : vector<16xi32>
      %lt3A_304 = vector.broadcast %and3A_159 : i32 to vector<16xi32>
      %lt3A_305 = arith.cmpi slt, %add3A_303, %lt3A_304 : vector<16xi32>
      %jit3A_306 = arith.constant 1.000000e+00 : f32
      %jit3A_307 = arith.constant 0.000000e+00 : f32
      %broadcast_in_dim3A_308 = vector.broadcast %jit3A_306 : f32 to vector<16xf32>
      %broadcast_in_dim3A_309 = vector.broadcast %jit3A_307 : f32 to vector<16xf32>
      %select_n3A_310 = arith.select %lt3A_305, %broadcast_in_dim3A_308, %broadcast_in_dim3A_309 : vector<16xi1>, vector<16xf32>
      %swap3A_311 = arith.index_cast %scan3A_189 : i32 to index
      %swap3A_312 = arith.constant 112 : index
      %swap3A_313 = tpu.vector_load %arg8[%swap3A_311, %swap3A_312] {strides = array<i32>} : memref<128x128xf32, #tpu.memory_space<vmem>>, vector<16xf32>,
      tpu.vector_store %arg8[%swap3A_311, %swap3A_312], %select_n3A_310 {strides = array<i32>} : memref<128x128xf32, #tpu.memory_space<vmem>>, vector<16xf32>,
    }
    %scan3A_165 = arith.constant 128 : i32
    %barrier3A = arith.constant 0 : index
    tpu.barrier barrier_id(%barrier3A)
    %while3A = arith.constant 0 : i32
    %while3A_166 = arith.constant 0 : i32
    %while3A_167 = arith.subi %shift_right_arithmetic3A_157, %while3A_166 : i32
    %while3A_168 = arith.addi %while3A_166, %while3A_167 : i32
    %while3A_169 = arith.constant 1 : i32
    %while3A_170 = arith.divsi %while3A_167, %while3A_169 : i32
    %while3A_171 = arith.muli %while3A_170, %while3A_169 : i32
    %while3A_172 = arith.addi %while3A_166, %while3A_171 : i32
    %while3A_173 = arith.constant 1 : i32
    scf.for %while3A_189 = %while3A_166 to %while3A_172 step %while3A_173  : i32 {
      "tpu.region"() ({
        %run_scoped3A = tpu.sem_alloc : memref<!tpu.dma_semaphore, #tpu.memory_space<semaphore_mem>>
        %dma_start3A = arith.constant 0 : i32
        %dma_start3A_190 = tpu.memref_slice %arg6[%while3A_189, %dma_start3A] : memref<160x128xi32, #tpu.memory_space<vmem>> -> memref<1x128xi32, #tpu.memory_space<vmem>>
        %dma_start3A_191 = tpu.memref_squeeze %dma_start3A_190 : memref<1x128xi32, #tpu.memory_space<vmem>> -> memref<128xi32, #tpu.memory_space<vmem>>
        %dma_start3A_192 = arith.constant 0 : i32
        %dma_start3A_193 = arith.constant 0 : i32
        %dma_start3A_194 = tpu.memref_slice %arg10[%dma_start3A_192, %dma_start3A_193] : memref<5120x128xf32, #tpu.memory_space<vmem_shared>> -> memref<5120x128xf32, #tpu.memory_space<vmem_shared>>
        tpu.enqueue_indirect_dma source(%arg7 : memref<128x128xf32, #tpu.memory_space<vmem>>) target(%dma_start3A_194 : memref<5120x128xf32, #tpu.memory_space<vmem_shared>>) offsets(%dma_start3A_191 : memref<128xi32, #tpu.memory_space<vmem>>) semaphore(%run_scoped3A : memref<!tpu.dma_semaphore, #tpu.memory_space<semaphore_mem>>) {add = true}
        %dma_wait3A = arith.constant 0 : i32
        %dma_wait3A_195 = tpu.memref_slice %arg6[%while3A_189, %dma_wait3A] : memref<160x128xi32, #tpu.memory_space<vmem>> -> memref<1x128xi32, #tpu.memory_space<vmem>>
        %dma_wait3A_196 = tpu.memref_squeeze %dma_wait3A_195 : memref<1x128xi32, #tpu.memory_space<vmem>> -> memref<128xi32, #tpu.memory_space<vmem>>
        %dma_wait3A_197 = arith.constant 0 : i32
        %dma_wait3A_198 = arith.constant 0 : i32
        %dma_wait3A_199 = tpu.memref_slice %arg10[%dma_wait3A_197, %dma_wait3A_198] : memref<5120x128xf32, #tpu.memory_space<vmem_shared>> -> memref<5120x128xf32, #tpu.memory_space<vmem_shared>>
        tpu.wait_indirect_dma semaphore(%run_scoped3A : memref<!tpu.dma_semaphore, #tpu.memory_space<semaphore_mem>>) src(%arg7 : memref<128x128xf32, #tpu.memory_space<vmem>>) dst(%dma_wait3A_199 : memref<5120x128xf32, #tpu.memory_space<vmem_shared>>)
        tpu.yield
      }) : () -> ()
    }
    %while3A_174 = arith.constant 1 : i32
    scf.for %while3A_189 = %while3A_172 to %while3A_168 step %while3A_174  : i32 {
      "tpu.region"() ({
        %run_scoped3A = tpu.sem_alloc : memref<!tpu.dma_semaphore, #tpu.memory_space<semaphore_mem>>
        %dma_start3A = arith.constant 0 : i32
        %dma_start3A_190 = tpu.memref_slice %arg6[%while3A_189, %dma_start3A] : memref<160x128xi32, #tpu.memory_space<vmem>> -> memref<1x128xi32, #tpu.memory_space<vmem>>
        %dma_start3A_191 = tpu.memref_squeeze %dma_start3A_190 : memref<1x128xi32, #tpu.memory_space<vmem>> -> memref<128xi32, #tpu.memory_space<vmem>>
        %dma_start3A_192 = arith.constant 0 : i32
        %dma_start3A_193 = arith.constant 0 : i32
        %dma_start3A_194 = tpu.memref_slice %arg10[%dma_start3A_192, %dma_start3A_193] : memref<5120x128xf32, #tpu.memory_space<vmem_shared>> -> memref<5120x128xf32, #tpu.memory_space<vmem_shared>>
        tpu.enqueue_indirect_dma source(%arg7 : memref<128x128xf32, #tpu.memory_space<vmem>>) target(%dma_start3A_194 : memref<5120x128xf32, #tpu.memory_space<vmem_shared>>) offsets(%dma_start3A_191 : memref<128xi32, #tpu.memory_space<vmem>>) semaphore(%run_scoped3A : memref<!tpu.dma_semaphore, #tpu.memory_space<semaphore_mem>>) {add = true}
        %dma_wait3A = arith.constant 0 : i32
        %dma_wait3A_195 = tpu.memref_slice %arg6[%while3A_189, %dma_wait3A] : memref<160x128xi32, #tpu.memory_space<vmem>> -> memref<1x128xi32, #tpu.memory_space<vmem>>
        %dma_wait3A_196 = tpu.memref_squeeze %dma_wait3A_195 : memref<1x128xi32, #tpu.memory_space<vmem>> -> memref<128xi32, #tpu.memory_space<vmem>>
        %dma_wait3A_197 = arith.constant 0 : i32
        %dma_wait3A_198 = arith.constant 0 : i32
        %dma_wait3A_199 = tpu.memref_slice %arg10[%dma_wait3A_197, %dma_wait3A_198] : memref<5120x128xf32, #tpu.memory_space<vmem_shared>> -> memref<5120x128xf32, #tpu.memory_space<vmem_shared>>
        tpu.wait_indirect_dma semaphore(%run_scoped3A : memref<!tpu.dma_semaphore, #tpu.memory_space<semaphore_mem>>) src(%arg7 : memref<128x128xf32, #tpu.memory_space<vmem>>) dst(%dma_wait3A_199 : memref<5120x128xf32, #tpu.memory_space<vmem_shared>>)
        tpu.yield
      }) : () -> ()
    }
    %min3A = arith.constant 159 : i32
    %min3A_175 = arith.minsi %shift_right_arithmetic3A_157, %min3A : i32
    "tpu.region"() ({
      %run_scoped3A = tpu.sem_alloc : memref<!tpu.dma_semaphore, #tpu.memory_space<semaphore_mem>>
      %dma_start3A = arith.constant 0 : i32
      %dma_start3A_189 = tpu.memref_slice %arg6[%min3A_175, %dma_start3A] : memref<160x128xi32, #tpu.memory_space<vmem>> -> memref<1x128xi32, #tpu.memory_space<vmem>>
      %dma_start3A_190 = tpu.memref_squeeze %dma_start3A_189 : memref<1x128xi32, #tpu.memory_space<vmem>> -> memref<128xi32, #tpu.memory_space<vmem>>
      %dma_start3A_191 = arith.constant 0 : i32
      %dma_start3A_192 = arith.constant 0 : i32
      %dma_start3A_193 = tpu.memref_slice %arg10[%dma_start3A_191, %dma_start3A_192] : memref<5120x128xf32, #tpu.memory_space<vmem_shared>> -> memref<5120x128xf32, #tpu.memory_space<vmem_shared>>
      tpu.enqueue_indirect_dma source(%arg8 : memref<128x128xf32, #tpu.memory_space<vmem>>) target(%dma_start3A_193 : memref<5120x128xf32, #tpu.memory_space<vmem_shared>>) offsets(%dma_start3A_190 : memref<128xi32, #tpu.memory_space<vmem>>) semaphore(%run_scoped3A : memref<!tpu.dma_semaphore, #tpu.memory_space<semaphore_mem>>) {add = true}
      %dma_wait3A = arith.constant 0 : i32
      %dma_wait3A_194 = tpu.memref_slice %arg6[%min3A_175, %dma_wait3A] : memref<160x128xi32, #tpu.memory_space<vmem>> -> memref<1x128xi32, #tpu.memory_space<vmem>>
      %dma_wait3A_195 = tpu.memref_squeeze %dma_wait3A_194 : memref<1x128xi32, #tpu.memory_space<vmem>> -> memref<128xi32, #tpu.memory_space<vmem>>
      %dma_wait3A_196 = arith.constant 0 : i32
      %dma_wait3A_197 = arith.constant 0 : i32
      %dma_wait3A_198 = tpu.memref_slice %arg10[%dma_wait3A_196, %dma_wait3A_197] : memref<5120x128xf32, #tpu.memory_space<vmem_shared>> -> memref<5120x128xf32, #tpu.memory_space<vmem_shared>>
      tpu.wait_indirect_dma semaphore(%run_scoped3A : memref<!tpu.dma_semaphore, #tpu.memory_space<semaphore_mem>>) src(%arg8 : memref<128x128xf32, #tpu.memory_space<vmem>>) dst(%dma_wait3A_198 : memref<5120x128xf32, #tpu.memory_space<vmem_shared>>)
      tpu.yield
    }) : () -> ()
    %barrier3A_176 = arith.constant 0 : index
    tpu.barrier barrier_id(%barrier3A_176)
    %add3A_177 = arith.constant 0 : i32
    %add3A_178 = arith.addi %mul3A_2, %add3A_177 : i32
    "tpu.region"() ({
      %run_scoped3A = tpu.sem_alloc : memref<!tpu.dma_semaphore, #tpu.memory_space<semaphore_mem>>
      %dma_start3A = arith.constant 0 : i32
      %dma_start3A_189 = arith.constant 0 : i32
      %dma_start3A_190 = tpu.memref_slice %arg9[%dma_start3A, %dma_start3A_189] : memref<128x128xf32, #tpu.memory_space<vmem>> -> memref<128x128xf32, #tpu.memory_space<vmem>>
      %dma_start3A_191 = arith.constant 0 : i32
      %dma_start3A_192 = tpu.memref_slice %arg10[%add3A_178, %dma_start3A_191] : memref<5120x128xf32, #tpu.memory_space<vmem_shared>> -> memref<128x128xf32, #tpu.memory_space<vmem_shared>>
      %dma_start3A_193 = arith.constant 0 : i32
      %dma_start3A_194 = arith.constant 0 : i32
      %dma_start3A_195 = tpu.memref_slice %arg9[%dma_start3A_193, %dma_start3A_194] : memref<128x128xf32, #tpu.memory_space<vmem>> -> memref<128x128xf32, #tpu.memory_space<vmem>>
      %dma_start3A_196 = arith.constant 0 : i32
      %dma_start3A_197 = tpu.memref_slice %arg10[%add3A_178, %dma_start3A_196] : memref<5120x128xf32, #tpu.memory_space<vmem_shared>> -> memref<128x128xf32, #tpu.memory_space<vmem_shared>>
      tpu.enqueue_dma source(%dma_start3A_197 : memref<128x128xf32, #tpu.memory_space<vmem_shared>>) target(%dma_start3A_195 : memref<128x128xf32, #tpu.memory_space<vmem>>) target_semaphore(%run_scoped3A : memref<!tpu.dma_semaphore, #tpu.memory_space<semaphore_mem>>)
      %dma_wait3A = arith.constant 0 : i32
      %dma_wait3A_198 = arith.constant 0 : i32
      %dma_wait3A_199 = tpu.memref_slice %arg9[%dma_wait3A, %dma_wait3A_198] : memref<128x128xf32, #tpu.memory_space<vmem>> -> memref<128x128xf32, #tpu.memory_space<vmem>>
      %dma_wait3A_200 = arith.constant 0 : i32
      %dma_wait3A_201 = tpu.memref_slice %arg10[%add3A_178, %dma_wait3A_200] : memref<5120x128xf32, #tpu.memory_space<vmem_shared>> -> memref<128x128xf32, #tpu.memory_space<vmem_shared>>
      %dma_wait3A_202 = arith.constant 0 : i32
      %dma_wait3A_203 = arith.constant 0 : i32
      %dma_wait3A_204 = tpu.memref_slice %arg9[%dma_wait3A_202, %dma_wait3A_203] : memref<128x128xf32, #tpu.memory_space<vmem>> -> memref<128x128xf32, #tpu.memory_space<vmem>>
      %dma_wait3A_205 = arith.constant 0 : i32
      %dma_wait3A_206 = tpu.memref_slice %arg10[%add3A_178, %dma_wait3A_205] : memref<5120x128xf32, #tpu.memory_space<vmem_shared>> -> memref<128x128xf32, #tpu.memory_space<vmem_shared>>
      tpu.wait_dma2 semaphore(%run_scoped3A : memref<!tpu.dma_semaphore, #tpu.memory_space<semaphore_mem>>) src(%dma_wait3A_206 : memref<128x128xf32, #tpu.memory_space<vmem_shared>>) dst(%dma_wait3A_204 : memref<128x128xf32, #tpu.memory_space<vmem>>)
      tpu.yield
    }) : () -> ()
    %add3A_179 = arith.constant 0 : i32
    %add3A_180 = arith.addi %mul3A_2, %add3A_179 : i32
    "tpu.region"() ({
      %run_scoped3A = tpu.sem_alloc : memref<!tpu.dma_semaphore, #tpu.memory_space<semaphore_mem>>
      %dma_start3A = arith.constant 0 : i32
      %dma_start3A_189 = arith.constant 0 : i32
      %dma_start3A_190 = tpu.memref_slice %arg9[%dma_start3A, %dma_start3A_189] : memref<128x128xf32, #tpu.memory_space<vmem>> -> memref<128x128xf32, #tpu.memory_space<vmem>>
      %dma_start3A_191 = arith.constant 0 : i32
      %dma_start3A_192 = tpu.memref_slice %arg5[%arg0, %add3A_180, %dma_start3A_191] : memref<2x5120x128xf32, #tpu.memory_space<hbm>> -> memref<1x128x128xf32, #tpu.memory_space<hbm>>
      %dma_start3A_193 = tpu.memref_squeeze %dma_start3A_192 : memref<1x128x128xf32, #tpu.memory_space<hbm>> -> memref<128x128xf32, #tpu.memory_space<hbm>>
      %dma_start3A_194 = arith.constant 0 : i32
      %dma_start3A_195 = tpu.memref_slice %arg5[%arg0, %add3A_180, %dma_start3A_194] : memref<2x5120x128xf32, #tpu.memory_space<hbm>> -> memref<1x128x128xf32, #tpu.memory_space<hbm>>
      %dma_start3A_196 = tpu.memref_squeeze %dma_start3A_195 : memref<1x128x128xf32, #tpu.memory_space<hbm>> -> memref<128x128xf32, #tpu.memory_space<hbm>>
      %dma_start3A_197 = arith.constant 0 : i32
      %dma_start3A_198 = arith.constant 0 : i32
      %dma_start3A_199 = tpu.memref_slice %arg9[%dma_start3A_197, %dma_start3A_198] : memref<128x128xf32, #tpu.memory_space<vmem>> -> memref<128x128xf32, #tpu.memory_space<vmem>>
      tpu.enqueue_dma source(%dma_start3A_199 : memref<128x128xf32, #tpu.memory_space<vmem>>) target(%dma_start3A_196 : memref<128x128xf32, #tpu.memory_space<hbm>>) target_semaphore(%run_scoped3A : memref<!tpu.dma_semaphore, #tpu.memory_space<semaphore_mem>>)
      %dma_wait3A = arith.constant 0 : i32
      %dma_wait3A_200 = arith.constant 0 : i32
      %dma_wait3A_201 = tpu.memref_slice %arg9[%dma_wait3A, %dma_wait3A_200] : memref<128x128xf32, #tpu.memory_space<vmem>> -> memref<128x128xf32, #tpu.memory_space<vmem>>
      %dma_wait3A_202 = arith.constant 0 : i32
      %dma_wait3A_203 = tpu.memref_slice %arg5[%arg0, %add3A_180, %dma_wait3A_202] : memref<2x5120x128xf32, #tpu.memory_space<hbm>> -> memref<1x128x128xf32, #tpu.memory_space<hbm>>
      %dma_wait3A_204 = tpu.memref_squeeze %dma_wait3A_203 : memref<1x128x128xf32, #tpu.memory_space<hbm>> -> memref<128x128xf32, #tpu.memory_space<hbm>>
      %dma_wait3A_205 = arith.constant 0 : i32
      %dma_wait3A_206 = tpu.memref_slice %arg5[%arg0, %add3A_180, %dma_wait3A_205] : memref<2x5120x128xf32, #tpu.memory_space<hbm>> -> memref<1x128x128xf32, #tpu.memory_space<hbm>>
      %dma_wait3A_207 = tpu.memref_squeeze %dma_wait3A_206 : memref<1x128x128xf32, #tpu.memory_space<hbm>> -> memref<128x128xf32, #tpu.memory_space<hbm>>
      %dma_wait3A_208 = arith.constant 0 : i32
      %dma_wait3A_209 = arith.constant 0 : i32
      %dma_wait3A_210 = tpu.memref_slice %arg9[%dma_wait3A_208, %dma_wait3A_209] : memref<128x128xf32, #tpu.memory_space<vmem>> -> memref<128x128xf32, #tpu.memory_space<vmem>>
      tpu.wait_dma2 semaphore(%run_scoped3A : memref<!tpu.dma_semaphore, #tpu.memory_space<semaphore_mem>>) src(%dma_wait3A_210 : memref<128x128xf32, #tpu.memory_space<vmem>>) dst(%dma_wait3A_207 : memref<128x128xf32, #tpu.memory_space<hbm>>)
      tpu.yield
    }) : () -> ()
    %add3A_181 = arith.constant 128 : i32
    %add3A_182 = arith.addi %mul3A_2, %add3A_181 : i32
    "tpu.region"() ({
      %run_scoped3A = tpu.sem_alloc : memref<!tpu.dma_semaphore, #tpu.memory_space<semaphore_mem>>
      %dma_start3A = arith.constant 0 : i32
      %dma_start3A_189 = arith.constant 0 : i32
      %dma_start3A_190 = tpu.memref_slice %arg9[%dma_start3A, %dma_start3A_189] : memref<128x128xf32, #tpu.memory_space<vmem>> -> memref<128x128xf32, #tpu.memory_space<vmem>>
      %dma_start3A_191 = arith.constant 0 : i32
      %dma_start3A_192 = tpu.memref_slice %arg10[%add3A_182, %dma_start3A_191] : memref<5120x128xf32, #tpu.memory_space<vmem_shared>> -> memref<128x128xf32, #tpu.memory_space<vmem_shared>>
      %dma_start3A_193 = arith.constant 0 : i32
      %dma_start3A_194 = arith.constant 0 : i32
      %dma_start3A_195 = tpu.memref_slice %arg9[%dma_start3A_193, %dma_start3A_194] : memref<128x128xf32, #tpu.memory_space<vmem>> -> memref<128x128xf32, #tpu.memory_space<vmem>>
      %dma_start3A_196 = arith.constant 0 : i32
      %dma_start3A_197 = tpu.memref_slice %arg10[%add3A_182, %dma_start3A_196] : memref<5120x128xf32, #tpu.memory_space<vmem_shared>> -> memref<128x128xf32, #tpu.memory_space<vmem_shared>>
      tpu.enqueue_dma source(%dma_start3A_197 : memref<128x128xf32, #tpu.memory_space<vmem_shared>>) target(%dma_start3A_195 : memref<128x128xf32, #tpu.memory_space<vmem>>) target_semaphore(%run_scoped3A : memref<!tpu.dma_semaphore, #tpu.memory_space<semaphore_mem>>)
      %dma_wait3A = arith.constant 0 : i32
      %dma_wait3A_198 = arith.constant 0 : i32
      %dma_wait3A_199 = tpu.memref_slice %arg9[%dma_wait3A, %dma_wait3A_198] : memref<128x128xf32, #tpu.memory_space<vmem>> -> memref<128x128xf32, #tpu.memory_space<vmem>>
      %dma_wait3A_200 = arith.constant 0 : i32
      %dma_wait3A_201 = tpu.memref_slice %arg10[%add3A_182, %dma_wait3A_200] : memref<5120x128xf32, #tpu.memory_space<vmem_shared>> -> memref<128x128xf32, #tpu.memory_space<vmem_shared>>
      %dma_wait3A_202 = arith.constant 0 : i32
      %dma_wait3A_203 = arith.constant 0 : i32
      %dma_wait3A_204 = tpu.memref_slice %arg9[%dma_wait3A_202, %dma_wait3A_203] : memref<128x128xf32, #tpu.memory_space<vmem>> -> memref<128x128xf32, #tpu.memory_space<vmem>>
      %dma_wait3A_205 = arith.constant 0 : i32
      %dma_wait3A_206 = tpu.memref_slice %arg10[%add3A_182, %dma_wait3A_205] : memref<5120x128xf32, #tpu.memory_space<vmem_shared>> -> memref<128x128xf32, #tpu.memory_space<vmem_shared>>
      tpu.wait_dma2 semaphore(%run_scoped3A : memref<!tpu.dma_semaphore, #tpu.memory_space<semaphore_mem>>) src(%dma_wait3A_206 : memref<128x128xf32, #tpu.memory_space<vmem_shared>>) dst(%dma_wait3A_204 : memref<128x128xf32, #tpu.memory_space<vmem>>)
      tpu.yield
    }) : () -> ()
    %add3A_183 = arith.constant 128 : i32
    %add3A_184 = arith.addi %mul3A_2, %add3A_183 : i32
    "tpu.region"() ({
      %run_scoped3A = tpu.sem_alloc : memref<!tpu.dma_semaphore, #tpu.memory_space<semaphore_mem>>
      %dma_start3A = arith.constant 0 : i32
      %dma_start3A_189 = arith.constant 0 : i32
      %dma_start3A_190 = tpu.memref_slice %arg9[%dma_start3A, %dma_start3A_189] : memref<128x128xf32, #tpu.memory_space<vmem>> -> memref<128x128xf32, #tpu.memory_space<vmem>>
      %dma_start3A_191 = arith.constant 0 : i32
      %dma_start3A_192 = tpu.memref_slice %arg5[%arg0, %add3A_184, %dma_start3A_191] : memref<2x5120x128xf32, #tpu.memory_space<hbm>> -> memref<1x128x128xf32, #tpu.memory_space<hbm>>
      %dma_start3A_193 = tpu.memref_squeeze %dma_start3A_192 : memref<1x128x128xf32, #tpu.memory_space<hbm>> -> memref<128x128xf32, #tpu.memory_space<hbm>>
      %dma_start3A_194 = arith.constant 0 : i32
      %dma_start3A_195 = tpu.memref_slice %arg5[%arg0, %add3A_184, %dma_start3A_194] : memref<2x5120x128xf32, #tpu.memory_space<hbm>> -> memref<1x128x128xf32, #tpu.memory_space<hbm>>
      %dma_start3A_196 = tpu.memref_squeeze %dma_start3A_195 : memref<1x128x128xf32, #tpu.memory_space<hbm>> -> memref<128x128xf32, #tpu.memory_space<hbm>>
      %dma_start3A_197 = arith.constant 0 : i32
      %dma_start3A_198 = arith.constant 0 : i32
      %dma_start3A_199 = tpu.memref_slice %arg9[%dma_start3A_197, %dma_start3A_198] : memref<128x128xf32, #tpu.memory_space<vmem>> -> memref<128x128xf32, #tpu.memory_space<vmem>>
      tpu.enqueue_dma source(%dma_start3A_199 : memref<128x128xf32, #tpu.memory_space<vmem>>) target(%dma_start3A_196 : memref<128x128xf32, #tpu.memory_space<hbm>>) target_semaphore(%run_scoped3A : memref<!tpu.dma_semaphore, #tpu.memory_space<semaphore_mem>>)
      %dma_wait3A = arith.constant 0 : i32
      %dma_wait3A_200 = arith.constant 0 : i32
      %dma_wait3A_201 = tpu.memref_slice %arg9[%dma_wait3A, %dma_wait3A_200] : memref<128x128xf32, #tpu.memory_space<vmem>> -> memref<128x128xf32, #tpu.memory_space<vmem>>
      %dma_wait3A_202 = arith.constant 0 : i32
      %dma_wait3A_203 = tpu.memref_slice %arg5[%arg0, %add3A_184, %dma_wait3A_202] : memref<2x5120x128xf32, #tpu.memory_space<hbm>> -> memref<1x128x128xf32, #tpu.memory_space<hbm>>
      %dma_wait3A_204 = tpu.memref_squeeze %dma_wait3A_203 : memref<1x128x128xf32, #tpu.memory_space<hbm>> -> memref<128x128xf32, #tpu.memory_space<hbm>>
      %dma_wait3A_205 = arith.constant 0 : i32
      %dma_wait3A_206 = tpu.memref_slice %arg5[%arg0, %add3A_184, %dma_wait3A_205] : memref<2x5120x128xf32, #tpu.memory_space<hbm>> -> memref<1x128x128xf32, #tpu.memory_space<hbm>>
      %dma_wait3A_207 = tpu.memref_squeeze %dma_wait3A_206 : memref<1x128x128xf32, #tpu.memory_space<hbm>> -> memref<128x128xf32, #tpu.memory_space<hbm>>
      %dma_wait3A_208 = arith.constant 0 : i32
      %dma_wait3A_209 = arith.constant 0 : i32
      %dma_wait3A_210 = tpu.memref_slice %arg9[%dma_wait3A_208, %dma_wait3A_209] : memref<128x128xf32, #tpu.memory_space<vmem>> -> memref<128x128xf32, #tpu.memory_space<vmem>>
      tpu.wait_dma2 semaphore(%run_scoped3A : memref<!tpu.dma_semaphore, #tpu.memory_space<semaphore_mem>>) src(%dma_wait3A_210 : memref<128x128xf32, #tpu.memory_space<vmem>>) dst(%dma_wait3A_207 : memref<128x128xf32, #tpu.memory_space<hbm>>)
      tpu.yield
    }) : () -> ()
    %add3A_185 = arith.constant 256 : i32
    %add3A_186 = arith.addi %mul3A_2, %add3A_185 : i32
    "tpu.region"() ({
      %run_scoped3A = tpu.sem_alloc : memref<!tpu.dma_semaphore, #tpu.memory_space<semaphore_mem>>
      %dma_start3A = arith.constant 0 : i32
      %dma_start3A_189 = arith.constant 0 : i32
      %dma_start3A_190 = tpu.memref_slice %arg9[%dma_start3A, %dma_start3A_189] : memref<128x128xf32, #tpu.memory_space<vmem>> -> memref<64x128xf32, #tpu.memory_space<vmem>>
      %dma_start3A_191 = arith.constant 0 : i32
      %dma_start3A_192 = tpu.memref_slice %arg10[%add3A_186, %dma_start3A_191] : memref<5120x128xf32, #tpu.memory_space<vmem_shared>> -> memref<64x128xf32, #tpu.memory_space<vmem_shared>>
      %dma_start3A_193 = arith.constant 0 : i32
      %dma_start3A_194 = arith.constant 0 : i32
      %dma_start3A_195 = tpu.memref_slice %arg9[%dma_start3A_193, %dma_start3A_194] : memref<128x128xf32, #tpu.memory_space<vmem>> -> memref<64x128xf32, #tpu.memory_space<vmem>>
      %dma_start3A_196 = arith.constant 0 : i32
      %dma_start3A_197 = tpu.memref_slice %arg10[%add3A_186, %dma_start3A_196] : memref<5120x128xf32, #tpu.memory_space<vmem_shared>> -> memref<64x128xf32, #tpu.memory_space<vmem_shared>>
      tpu.enqueue_dma source(%dma_start3A_197 : memref<64x128xf32, #tpu.memory_space<vmem_shared>>) target(%dma_start3A_195 : memref<64x128xf32, #tpu.memory_space<vmem>>) target_semaphore(%run_scoped3A : memref<!tpu.dma_semaphore, #tpu.memory_space<semaphore_mem>>)
      %dma_wait3A = arith.constant 0 : i32
      %dma_wait3A_198 = arith.constant 0 : i32
      %dma_wait3A_199 = tpu.memref_slice %arg9[%dma_wait3A, %dma_wait3A_198] : memref<128x128xf32, #tpu.memory_space<vmem>> -> memref<64x128xf32, #tpu.memory_space<vmem>>
      %dma_wait3A_200 = arith.constant 0 : i32
      %dma_wait3A_201 = tpu.memref_slice %arg10[%add3A_186, %dma_wait3A_200] : memref<5120x128xf32, #tpu.memory_space<vmem_shared>> -> memref<64x128xf32, #tpu.memory_space<vmem_shared>>
      %dma_wait3A_202 = arith.constant 0 : i32
      %dma_wait3A_203 = arith.constant 0 : i32
      %dma_wait3A_204 = tpu.memref_slice %arg9[%dma_wait3A_202, %dma_wait3A_203] : memref<128x128xf32, #tpu.memory_space<vmem>> -> memref<64x128xf32, #tpu.memory_space<vmem>>
      %dma_wait3A_205 = arith.constant 0 : i32
      %dma_wait3A_206 = tpu.memref_slice %arg10[%add3A_186, %dma_wait3A_205] : memref<5120x128xf32, #tpu.memory_space<vmem_shared>> -> memref<64x128xf32, #tpu.memory_space<vmem_shared>>
      tpu.wait_dma2 semaphore(%run_scoped3A : memref<!tpu.dma_semaphore, #tpu.memory_space<semaphore_mem>>) src(%dma_wait3A_206 : memref<64x128xf32, #tpu.memory_space<vmem_shared>>) dst(%dma_wait3A_204 : memref<64x128xf32, #tpu.memory_space<vmem>>)
      tpu.yield
    }) : () -> ()
    %add3A_187 = arith.constant 256 : i32
    %add3A_188 = arith.addi %mul3A_2, %add3A_187 : i32
    "tpu.region"() ({
      %run_scoped3A = tpu.sem_alloc : memref<!tpu.dma_semaphore, #tpu.memory_space<semaphore_mem>>
      %dma_start3A = arith.constant 0 : i32
      %dma_start3A_189 = arith.constant 0 : i32
      %dma_start3A_190 = tpu.memref_slice %arg9[%dma_start3A, %dma_start3A_189] : memref<128x128xf32, #tpu.memory_space<vmem>> -> memref<64x128xf32, #tpu.memory_space<vmem>>
      %dma_start3A_191 = arith.constant 0 : i32
      %dma_start3A_192 = tpu.memref_slice %arg5[%arg0, %add3A_188, %dma_start3A_191] : memref<2x5120x128xf32, #tpu.memory_space<hbm>> -> memref<1x64x128xf32, #tpu.memory_space<hbm>>
      %dma_start3A_193 = tpu.memref_squeeze %dma_start3A_192 : memref<1x64x128xf32, #tpu.memory_space<hbm>> -> memref<64x128xf32, #tpu.memory_space<hbm>>
      %dma_start3A_194 = arith.constant 0 : i32
      %dma_start3A_195 = tpu.memref_slice %arg5[%arg0, %add3A_188, %dma_start3A_194] : memref<2x5120x128xf32, #tpu.memory_space<hbm>> -> memref<1x64x128xf32, #tpu.memory_space<hbm>>
      %dma_start3A_196 = tpu.memref_squeeze %dma_start3A_195 : memref<1x64x128xf32, #tpu.memory_space<hbm>> -> memref<64x128xf32, #tpu.memory_space<hbm>>
      %dma_start3A_197 = arith.constant 0 : i32
      %dma_start3A_198 = arith.constant 0 : i32
      %dma_start3A_199 = tpu.memref_slice %arg9[%dma_start3A_197, %dma_start3A_198] : memref<128x128xf32, #tpu.memory_space<vmem>> -> memref<64x128xf32, #tpu.memory_space<vmem>>
      tpu.enqueue_dma source(%dma_start3A_199 : memref<64x128xf32, #tpu.memory_space<vmem>>) target(%dma_start3A_196 : memref<64x128xf32, #tpu.memory_space<hbm>>) target_semaphore(%run_scoped3A : memref<!tpu.dma_semaphore, #tpu.memory_space<semaphore_mem>>)
      %dma_wait3A = arith.constant 0 : i32
      %dma_wait3A_200 = arith.constant 0 : i32
      %dma_wait3A_201 = tpu.memref_slice %arg9[%dma_wait3A, %dma_wait3A_200] : memref<128x128xf32, #tpu.memory_space<vmem>> -> memref<64x128xf32, #tpu.memory_space<vmem>>
      %dma_wait3A_202 = arith.constant 0 : i32
      %dma_wait3A_203 = tpu.memref_slice %arg5[%arg0, %add3A_188, %dma_wait3A_202] : memref<2x5120x128xf32, #tpu.memory_space<hbm>> -> memref<1x64x128xf32, #tpu.memory_space<hbm>>
      %dma_wait3A_204 = tpu.memref_squeeze %dma_wait3A_203 : memref<1x64x128xf32, #tpu.memory_space<hbm>> -> memref<64x128xf32, #tpu.memory_space<hbm>>
      %dma_wait3A_205 = arith.constant 0 : i32
      %dma_wait3A_206 = tpu.memref_slice %arg5[%arg0, %add3A_188, %dma_wait3A_205] : memref<2x5120x128xf32, #tpu.memory_space<hbm>> -> memref<1x64x128xf32, #tpu.memory_space<hbm>>
      %dma_wait3A_207 = tpu.memref_squeeze %dma_wait3A_206 : memref<1x64x128xf32, #tpu.memory_space<hbm>> -> memref<64x128xf32, #tpu.memory_space<hbm>>
      %dma_wait3A_208 = arith.constant 0 : i32
      %dma_wait3A_209 = arith.constant 0 : i32
      %dma_wait3A_210 = tpu.memref_slice %arg9[%dma_wait3A_208, %dma_wait3A_209] : memref<128x128xf32, #tpu.memory_space<vmem>> -> memref<64x128xf32, #tpu.memory_space<vmem>>
      tpu.wait_dma2 semaphore(%run_scoped3A : memref<!tpu.dma_semaphore, #tpu.memory_space<semaphore_mem>>) src(%dma_wait3A_210 : memref<64x128xf32, #tpu.memory_space<vmem>>) dst(%dma_wait3A_207 : memref<64x128xf32, #tpu.memory_space<hbm>>)
      tpu.yield
    }) : () -> ()
    return
  }
}

#map = affine_map<(d0, d1) -> (0, 0)>
#map1 = affine_map<(d0, d1) -> (0, 0, 0)>
module attributes {stable_mosaic.version = 14 : i64} {
  func.func @_sc_scatter(%arg0: i32, %arg1: i32, %arg2: memref<2560x128xi32, #tpu.memory_space<hbm>>, %arg3: memref<2560x128xi32, #tpu.memory_space<hbm>>, %arg4: memref<10240x128xf32, #tpu.memory_space<hbm>>, %arg5: memref<128x128xf32, #tpu.memory_space<hbm>>, %arg6: memref<2x5120x128xf32, #tpu.memory_space<hbm>>, %arg7: memref<160x128xi32, #tpu.memory_space<vmem>>, %arg8: memref<160x128xi32, #tpu.memory_space<vmem>>, %arg9: memref<128x128xf32, #tpu.memory_space<vmem>>, %arg10: memref<128x128xf32, #tpu.memory_space<vmem>>, %arg11: memref<128x128xf32, #tpu.memory_space<vmem>>, %arg12: memref<5120x128xf32, #tpu.memory_space<vmem_shared>>, %arg13: memref<!tpu.dma_semaphore, #tpu.memory_space<semaphore_mem>>, %arg14: memref<!tpu.dma_semaphore, #tpu.memory_space<semaphore_mem>>, %arg15: memref<!tpu.dma_semaphore, #tpu.memory_space<semaphore_mem>>) attributes {dimension_semantics = [#tpu.dimension_semantics<core_parallel>, #tpu.dimension_semantics<subcore_parallel>], iteration_bounds = array<i64: 2, 16>, scalar_prefetch = 0 : i64, scratch_operands = 9 : i64, tpu.core_type = #tpu.core_type<sc_vector_subcore>, window_params = [{transform_indices = #map}, {transform_indices = #map}, {transform_indices = #map}, {transform_indices = #map}, {transform_indices = #map1}]} {
    %mul3A = arith.constant 160 : i32
    %mul3A_0 = arith.muli %arg1, %mul3A : i32
    "tpu.region"() ({
      %run_scoped3A = tpu.sem_alloc : memref<!tpu.dma_semaphore, #tpu.memory_space<semaphore_mem>>
      %dma_start3A_1049 = arith.constant 0 : i32
      %dma_start3A_1050 = tpu.memref_slice %arg2[%mul3A_0, %dma_start3A_1049] : memref<2560x128xi32, #tpu.memory_space<hbm>> -> memref<160x128xi32, #tpu.memory_space<hbm>>
      %dma_start3A_1051 = arith.constant 0 : i32
      %dma_start3A_1052 = tpu.memref_slice %arg2[%mul3A_0, %dma_start3A_1051] : memref<2560x128xi32, #tpu.memory_space<hbm>> -> memref<160x128xi32, #tpu.memory_space<hbm>>
      tpu.enqueue_dma source(%dma_start3A_1052 : memref<160x128xi32, #tpu.memory_space<hbm>>) target(%arg7 : memref<160x128xi32, #tpu.memory_space<vmem>>) target_semaphore(%run_scoped3A : memref<!tpu.dma_semaphore, #tpu.memory_space<semaphore_mem>>)
      %dma_wait3A_1053 = arith.constant 0 : i32
      %dma_wait3A_1054 = tpu.memref_slice %arg2[%mul3A_0, %dma_wait3A_1053] : memref<2560x128xi32, #tpu.memory_space<hbm>> -> memref<160x128xi32, #tpu.memory_space<hbm>>
      %dma_wait3A_1055 = arith.constant 0 : i32
      %dma_wait3A_1056 = tpu.memref_slice %arg2[%mul3A_0, %dma_wait3A_1055] : memref<2560x128xi32, #tpu.memory_space<hbm>> -> memref<160x128xi32, #tpu.memory_space<hbm>>
      tpu.wait_dma2 semaphore(%run_scoped3A : memref<!tpu.dma_semaphore, #tpu.memory_space<semaphore_mem>>) src(%dma_wait3A_1056 : memref<160x128xi32, #tpu.memory_space<hbm>>) dst(%arg7 : memref<160x128xi32, #tpu.memory_space<vmem>>)
      tpu.yield
    }) : () -> ()
    %mul3A_1 = arith.constant 160 : i32
    %mul3A_2 = arith.muli %arg1, %mul3A_1 : i32
    "tpu.region"() ({
      %run_scoped3A = tpu.sem_alloc : memref<!tpu.dma_semaphore, #tpu.memory_space<semaphore_mem>>
      %dma_start3A_1049 = arith.constant 0 : i32
      %dma_start3A_1050 = tpu.memref_slice %arg3[%mul3A_2, %dma_start3A_1049] : memref<2560x128xi32, #tpu.memory_space<hbm>> -> memref<160x128xi32, #tpu.memory_space<hbm>>
      %dma_start3A_1051 = arith.constant 0 : i32
      %dma_start3A_1052 = tpu.memref_slice %arg3[%mul3A_2, %dma_start3A_1051] : memref<2560x128xi32, #tpu.memory_space<hbm>> -> memref<160x128xi32, #tpu.memory_space<hbm>>
      tpu.enqueue_dma source(%dma_start3A_1052 : memref<160x128xi32, #tpu.memory_space<hbm>>) target(%arg8 : memref<160x128xi32, #tpu.memory_space<vmem>>) target_semaphore(%run_scoped3A : memref<!tpu.dma_semaphore, #tpu.memory_space<semaphore_mem>>)
      %dma_wait3A_1053 = arith.constant 0 : i32
      %dma_wait3A_1054 = tpu.memref_slice %arg3[%mul3A_2, %dma_wait3A_1053] : memref<2560x128xi32, #tpu.memory_space<hbm>> -> memref<160x128xi32, #tpu.memory_space<hbm>>
      %dma_wait3A_1055 = arith.constant 0 : i32
      %dma_wait3A_1056 = tpu.memref_slice %arg3[%mul3A_2, %dma_wait3A_1055] : memref<2560x128xi32, #tpu.memory_space<hbm>> -> memref<160x128xi32, #tpu.memory_space<hbm>>
      tpu.wait_dma2 semaphore(%run_scoped3A : memref<!tpu.dma_semaphore, #tpu.memory_space<semaphore_mem>>) src(%dma_wait3A_1056 : memref<160x128xi32, #tpu.memory_space<hbm>>) dst(%arg8 : memref<160x128xi32, #tpu.memory_space<vmem>>)
      tpu.yield
    }) : () -> ()
    "tpu.region"() ({
      %run_scoped3A = tpu.sem_alloc : memref<!tpu.dma_semaphore, #tpu.memory_space<semaphore_mem>>
      tpu.enqueue_dma source(%arg5 : memref<128x128xf32, #tpu.memory_space<hbm>>) target(%arg11 : memref<128x128xf32, #tpu.memory_space<vmem>>) target_semaphore(%run_scoped3A : memref<!tpu.dma_semaphore, #tpu.memory_space<semaphore_mem>>)
      tpu.wait_dma2 semaphore(%run_scoped3A : memref<!tpu.dma_semaphore, #tpu.memory_space<semaphore_mem>>) src(%arg5 : memref<128x128xf32, #tpu.memory_space<hbm>>) dst(%arg11 : memref<128x128xf32, #tpu.memory_space<vmem>>)
      tpu.yield
    }) : () -> ()
    %mul3A_3 = arith.constant 320 : i32
    %mul3A_4 = arith.muli %arg1, %mul3A_3 : i32
    %add3A = arith.constant 0 : i32
    %add3A_5 = arith.addi %mul3A_4, %add3A : i32
    "tpu.region"() ({
      %run_scoped3A = tpu.sem_alloc : memref<!tpu.dma_semaphore, #tpu.memory_space<semaphore_mem>>
      %dma_start3A_1049 = arith.constant 0 : i32
      %dma_start3A_1050 = arith.constant 0 : i32
      %dma_start3A_1051 = tpu.memref_slice %arg11[%dma_start3A_1049, %dma_start3A_1050] : memref<128x128xf32, #tpu.memory_space<vmem>> -> memref<128x128xf32, #tpu.memory_space<vmem>>
      %dma_start3A_1052 = arith.constant 0 : i32
      %dma_start3A_1053 = tpu.memref_slice %arg12[%add3A_5, %dma_start3A_1052] : memref<5120x128xf32, #tpu.memory_space<vmem_shared>> -> memref<128x128xf32, #tpu.memory_space<vmem_shared>>
      %dma_start3A_1054 = arith.constant 0 : i32
      %dma_start3A_1055 = tpu.memref_slice %arg12[%add3A_5, %dma_start3A_1054] : memref<5120x128xf32, #tpu.memory_space<vmem_shared>> -> memref<128x128xf32, #tpu.memory_space<vmem_shared>>
      %dma_start3A_1056 = arith.constant 0 : i32
      %dma_start3A_1057 = arith.constant 0 : i32
      %dma_start3A_1058 = tpu.memref_slice %arg11[%dma_start3A_1056, %dma_start3A_1057] : memref<128x128xf32, #tpu.memory_space<vmem>> -> memref<128x128xf32, #tpu.memory_space<vmem>>
      tpu.enqueue_dma source(%dma_start3A_1058 : memref<128x128xf32, #tpu.memory_space<vmem>>) target(%dma_start3A_1055 : memref<128x128xf32, #tpu.memory_space<vmem_shared>>) target_semaphore(%run_scoped3A : memref<!tpu.dma_semaphore, #tpu.memory_space<semaphore_mem>>)
      %dma_wait3A_1059 = arith.constant 0 : i32
      %dma_wait3A_1060 = arith.constant 0 : i32
      %dma_wait3A_1061 = tpu.memref_slice %arg11[%dma_wait3A_1059, %dma_wait3A_1060] : memref<128x128xf32, #tpu.memory_space<vmem>> -> memref<128x128xf32, #tpu.memory_space<vmem>>
      %dma_wait3A_1062 = arith.constant 0 : i32
      %dma_wait3A_1063 = tpu.memref_slice %arg12[%add3A_5, %dma_wait3A_1062] : memref<5120x128xf32, #tpu.memory_space<vmem_shared>> -> memref<128x128xf32, #tpu.memory_space<vmem_shared>>
      %dma_wait3A_1064 = arith.constant 0 : i32
      %dma_wait3A_1065 = tpu.memref_slice %arg12[%add3A_5, %dma_wait3A_1064] : memref<5120x128xf32, #tpu.memory_space<vmem_shared>> -> memref<128x128xf32, #tpu.memory_space<vmem_shared>>
      %dma_wait3A_1066 = arith.constant 0 : i32
      %dma_wait3A_1067 = arith.constant 0 : i32
      %dma_wait3A_1068 = tpu.memref_slice %arg11[%dma_wait3A_1066, %dma_wait3A_1067] : memref<128x128xf32, #tpu.memory_space<vmem>> -> memref<128x128xf32, #tpu.memory_space<vmem>>
      tpu.wait_dma2 semaphore(%run_scoped3A : memref<!tpu.dma_semaphore, #tpu.memory_space<semaphore_mem>>) src(%dma_wait3A_1068 : memref<128x128xf32, #tpu.memory_space<vmem>>) dst(%dma_wait3A_1065 : memref<128x128xf32, #tpu.memory_space<vmem_shared>>)
      tpu.yield
    }) : () -> ()
    %add3A_6 = arith.constant 128 : i32
    %add3A_7 = arith.addi %mul3A_4, %add3A_6 : i32
    "tpu.region"() ({
      %run_scoped3A = tpu.sem_alloc : memref<!tpu.dma_semaphore, #tpu.memory_space<semaphore_mem>>
      %dma_start3A_1049 = arith.constant 0 : i32
      %dma_start3A_1050 = arith.constant 0 : i32
      %dma_start3A_1051 = tpu.memref_slice %arg11[%dma_start3A_1049, %dma_start3A_1050] : memref<128x128xf32, #tpu.memory_space<vmem>> -> memref<128x128xf32, #tpu.memory_space<vmem>>
      %dma_start3A_1052 = arith.constant 0 : i32
      %dma_start3A_1053 = tpu.memref_slice %arg12[%add3A_7, %dma_start3A_1052] : memref<5120x128xf32, #tpu.memory_space<vmem_shared>> -> memref<128x128xf32, #tpu.memory_space<vmem_shared>>
      %dma_start3A_1054 = arith.constant 0 : i32
      %dma_start3A_1055 = tpu.memref_slice %arg12[%add3A_7, %dma_start3A_1054] : memref<5120x128xf32, #tpu.memory_space<vmem_shared>> -> memref<128x128xf32, #tpu.memory_space<vmem_shared>>
      %dma_start3A_1056 = arith.constant 0 : i32
      %dma_start3A_1057 = arith.constant 0 : i32
      %dma_start3A_1058 = tpu.memref_slice %arg11[%dma_start3A_1056, %dma_start3A_1057] : memref<128x128xf32, #tpu.memory_space<vmem>> -> memref<128x128xf32, #tpu.memory_space<vmem>>
      tpu.enqueue_dma source(%dma_start3A_1058 : memref<128x128xf32, #tpu.memory_space<vmem>>) target(%dma_start3A_1055 : memref<128x128xf32, #tpu.memory_space<vmem_shared>>) target_semaphore(%run_scoped3A : memref<!tpu.dma_semaphore, #tpu.memory_space<semaphore_mem>>)
      %dma_wait3A_1059 = arith.constant 0 : i32
      %dma_wait3A_1060 = arith.constant 0 : i32
      %dma_wait3A_1061 = tpu.memref_slice %arg11[%dma_wait3A_1059, %dma_wait3A_1060] : memref<128x128xf32, #tpu.memory_space<vmem>> -> memref<128x128xf32, #tpu.memory_space<vmem>>
      %dma_wait3A_1062 = arith.constant 0 : i32
      %dma_wait3A_1063 = tpu.memref_slice %arg12[%add3A_7, %dma_wait3A_1062] : memref<5120x128xf32, #tpu.memory_space<vmem_shared>> -> memref<128x128xf32, #tpu.memory_space<vmem_shared>>
      %dma_wait3A_1064 = arith.constant 0 : i32
      %dma_wait3A_1065 = tpu.memref_slice %arg12[%add3A_7, %dma_wait3A_1064] : memref<5120x128xf32, #tpu.memory_space<vmem_shared>> -> memref<128x128xf32, #tpu.memory_space<vmem_shared>>
      %dma_wait3A_1066 = arith.constant 0 : i32
      %dma_wait3A_1067 = arith.constant 0 : i32
      %dma_wait3A_1068 = tpu.memref_slice %arg11[%dma_wait3A_1066, %dma_wait3A_1067] : memref<128x128xf32, #tpu.memory_space<vmem>> -> memref<128x128xf32, #tpu.memory_space<vmem>>
      tpu.wait_dma2 semaphore(%run_scoped3A : memref<!tpu.dma_semaphore, #tpu.memory_space<semaphore_mem>>) src(%dma_wait3A_1068 : memref<128x128xf32, #tpu.memory_space<vmem>>) dst(%dma_wait3A_1065 : memref<128x128xf32, #tpu.memory_space<vmem_shared>>)
      tpu.yield
    }) : () -> ()
    %add3A_8 = arith.constant 256 : i32
    %add3A_9 = arith.addi %mul3A_4, %add3A_8 : i32
    "tpu.region"() ({
      %run_scoped3A = tpu.sem_alloc : memref<!tpu.dma_semaphore, #tpu.memory_space<semaphore_mem>>
      %dma_start3A_1049 = arith.constant 0 : i32
      %dma_start3A_1050 = arith.constant 0 : i32
      %dma_start3A_1051 = tpu.memref_slice %arg11[%dma_start3A_1049, %dma_start3A_1050] : memref<128x128xf32, #tpu.memory_space<vmem>> -> memref<64x128xf32, #tpu.memory_space<vmem>>
      %dma_start3A_1052 = arith.constant 0 : i32
      %dma_start3A_1053 = tpu.memref_slice %arg12[%add3A_9, %dma_start3A_1052] : memref<5120x128xf32, #tpu.memory_space<vmem_shared>> -> memref<64x128xf32, #tpu.memory_space<vmem_shared>>
      %dma_start3A_1054 = arith.constant 0 : i32
      %dma_start3A_1055 = tpu.memref_slice %arg12[%add3A_9, %dma_start3A_1054] : memref<5120x128xf32, #tpu.memory_space<vmem_shared>> -> memref<64x128xf32, #tpu.memory_space<vmem_shared>>
      %dma_start3A_1056 = arith.constant 0 : i32
      %dma_start3A_1057 = arith.constant 0 : i32
      %dma_start3A_1058 = tpu.memref_slice %arg11[%dma_start3A_1056, %dma_start3A_1057] : memref<128x128xf32, #tpu.memory_space<vmem>> -> memref<64x128xf32, #tpu.memory_space<vmem>>
      tpu.enqueue_dma source(%dma_start3A_1058 : memref<64x128xf32, #tpu.memory_space<vmem>>) target(%dma_start3A_1055 : memref<64x128xf32, #tpu.memory_space<vmem_shared>>) target_semaphore(%run_scoped3A : memref<!tpu.dma_semaphore, #tpu.memory_space<semaphore_mem>>)
      %dma_wait3A_1059 = arith.constant 0 : i32
      %dma_wait3A_1060 = arith.constant 0 : i32
      %dma_wait3A_1061 = tpu.memref_slice %arg11[%dma_wait3A_1059, %dma_wait3A_1060] : memref<128x128xf32, #tpu.memory_space<vmem>> -> memref<64x128xf32, #tpu.memory_space<vmem>>
      %dma_wait3A_1062 = arith.constant 0 : i32
      %dma_wait3A_1063 = tpu.memref_slice %arg12[%add3A_9, %dma_wait3A_1062] : memref<5120x128xf32, #tpu.memory_space<vmem_shared>> -> memref<64x128xf32, #tpu.memory_space<vmem_shared>>
      %dma_wait3A_1064 = arith.constant 0 : i32
      %dma_wait3A_1065 = tpu.memref_slice %arg12[%add3A_9, %dma_wait3A_1064] : memref<5120x128xf32, #tpu.memory_space<vmem_shared>> -> memref<64x128xf32, #tpu.memory_space<vmem_shared>>
      %dma_wait3A_1066 = arith.constant 0 : i32
      %dma_wait3A_1067 = arith.constant 0 : i32
      %dma_wait3A_1068 = tpu.memref_slice %arg11[%dma_wait3A_1066, %dma_wait3A_1067] : memref<128x128xf32, #tpu.memory_space<vmem>> -> memref<64x128xf32, #tpu.memory_space<vmem>>
      tpu.wait_dma2 semaphore(%run_scoped3A : memref<!tpu.dma_semaphore, #tpu.memory_space<semaphore_mem>>) src(%dma_wait3A_1068 : memref<64x128xf32, #tpu.memory_space<vmem>>) dst(%dma_wait3A_1065 : memref<64x128xf32, #tpu.memory_space<vmem_shared>>)
      tpu.yield
    }) : () -> ()
    %mul3A_10 = arith.constant 5120 : i32
    %mul3A_11 = arith.muli %arg0, %mul3A_10 : i32
    %scan3A = arith.constant 0 : i32
    %scan3A_12 = arith.constant 0 : i32
    %scan3A_13 = arith.constant 160 : i32
    %scan3A_14 = arith.addi %scan3A_12, %scan3A_13 : i32
    %scan3A_15 = arith.constant 1 : i32
    %scan3A_16 = scf.for %scan3A_1049 = %scan3A_12 to %scan3A_14 step %scan3A_15 iter_args(%scan3A_1050 = %scan3A) -> (i32)  : i32 {
      %get3A = arith.index_cast %scan3A_1049 : i32 to index
      %get3A_1051 = arith.constant 0 : index
      %get3A_1052 = tpu.vector_load %arg7[%get3A, %get3A_1051] {strides = array<i32>} : memref<160x128xi32, #tpu.memory_space<vmem>>, vector<16xi32>,
      %get3A_1053 = arith.index_cast %scan3A_1049 : i32 to index
      %get3A_1054 = arith.constant 0 : index
      %get3A_1055 = tpu.vector_load %arg8[%get3A_1053, %get3A_1054] {strides = array<i32>} : memref<160x128xi32, #tpu.memory_space<vmem>>, vector<16xi32>,
      %sub3A_1056 = vector.broadcast %mul3A_11 : i32 to vector<16xi32>
      %sub3A_1057 = arith.subi %get3A_1055, %sub3A_1056 : vector<16xi32>
      %ge3A_1058 = arith.constant 0 : i32
      %ge3A_1059 = vector.broadcast %ge3A_1058 : i32 to vector<16xi32>
      %ge3A_1060 = arith.cmpi sge, %sub3A_1057, %ge3A_1059 : vector<16xi32>
      %lt3A = arith.constant 5120 : i32
      %lt3A_1061 = vector.broadcast %lt3A : i32 to vector<16xi32>
      %lt3A_1062 = arith.cmpi slt, %sub3A_1057, %lt3A_1061 : vector<16xi32>
      %and3A_1063 = arith.andi %ge3A_1060, %lt3A_1062 : vector<16xi1>
      %convert_element_type3A = arith.extui %and3A_1063 : vector<16xi1> to vector<16xi32>
      %broadcast_in_dim3A_1064 = arith.constant true
      %broadcast_in_dim3A_1065 = vector.broadcast %broadcast_in_dim3A_1064 : i1 to vector<16xi1>
      %masked_cumsum3A = tpu.scan <sum>, %convert_element_type3A masked %broadcast_in_dim3A_1065 : vector<16xi32>, vector<16xi1> -> vector<16xi32>
      %add3A_1066 = vector.broadcast %scan3A_1050 : i32 to vector<16xi32>
      %add3A_1067 = arith.addi %add3A_1066, %masked_cumsum3A : vector<16xi32>
      %sub3A_1068 = arith.subi %add3A_1067, %convert_element_type3A : vector<16xi32>
      %shift_right_arithmetic3A_1069 = arith.constant 7 : i32
      %shift_right_arithmetic3A_1070 = vector.broadcast %shift_right_arithmetic3A_1069 : i32 to vector<16xi32>
      %shift_right_arithmetic3A_1071 = arith.shrsi %sub3A_1068, %shift_right_arithmetic3A_1070 : vector<16xi32>
      %and3A_1072 = arith.constant 127 : i32
      %and3A_1073 = vector.broadcast %and3A_1072 : i32 to vector<16xi32>
      %and3A_1074 = arith.andi %sub3A_1068, %and3A_1073 : vector<16xi32>
      tpu.vector_store_idx %arg7[%shift_right_arithmetic3A_1071, %and3A_1074], %get3A_1052 masked %and3A_1063 : memref<160x128xi32, #tpu.memory_space<vmem>>[vector<16xi32>, vector<16xi32>], vector<16xi32>, vector<16xi1>
      tpu.vector_store_idx %arg8[%shift_right_arithmetic3A_1071, %and3A_1074], %sub3A_1057 masked %and3A_1063 : memref<160x128xi32, #tpu.memory_space<vmem>>[vector<16xi32>, vector<16xi32>], vector<16xi32>, vector<16xi1>
      %slice3A = vector.extract_strided_slice %masked_cumsum3A {offsets = [15], sizes = [1], strides = [1]} : vector<16xi32> to vector<1xi32>
      %squeeze3A = vector.extract %slice3A[0] : i32 from vector<1xi32>
      %add3A_1075 = arith.addi %scan3A_1050, %squeeze3A : i32
      %get3A_1076 = arith.index_cast %scan3A_1049 : i32 to index
      %get3A_1077 = arith.constant 16 : index
      %get3A_1078 = tpu.vector_load %arg7[%get3A_1076, %get3A_1077] {strides = array<i32>} : memref<160x128xi32, #tpu.memory_space<vmem>>, vector<16xi32>,
      %get3A_1079 = arith.index_cast %scan3A_1049 : i32 to index
      %get3A_1080 = arith.constant 16 : index
      %get3A_1081 = tpu.vector_load %arg8[%get3A_1079, %get3A_1080] {strides = array<i32>} : memref<160x128xi32, #tpu.memory_space<vmem>>, vector<16xi32>,
      %sub3A_1082 = vector.broadcast %mul3A_11 : i32 to vector<16xi32>
      %sub3A_1083 = arith.subi %get3A_1081, %sub3A_1082 : vector<16xi32>
      %ge3A_1084 = arith.constant 0 : i32
      %ge3A_1085 = vector.broadcast %ge3A_1084 : i32 to vector<16xi32>
      %ge3A_1086 = arith.cmpi sge, %sub3A_1083, %ge3A_1085 : vector<16xi32>
      %lt3A_1087 = arith.constant 5120 : i32
      %lt3A_1088 = vector.broadcast %lt3A_1087 : i32 to vector<16xi32>
      %lt3A_1089 = arith.cmpi slt, %sub3A_1083, %lt3A_1088 : vector<16xi32>
      %and3A_1090 = arith.andi %ge3A_1086, %lt3A_1089 : vector<16xi1>
      %convert_element_type3A_1091 = arith.extui %and3A_1090 : vector<16xi1> to vector<16xi32>
      %broadcast_in_dim3A_1092 = arith.constant true
      %broadcast_in_dim3A_1093 = vector.broadcast %broadcast_in_dim3A_1092 : i1 to vector<16xi1>
      %masked_cumsum3A_1094 = tpu.scan <sum>, %convert_element_type3A_1091 masked %broadcast_in_dim3A_1093 : vector<16xi32>, vector<16xi1> -> vector<16xi32>
      %add3A_1095 = vector.broadcast %add3A_1075 : i32 to vector<16xi32>
      %add3A_1096 = arith.addi %add3A_1095, %masked_cumsum3A_1094 : vector<16xi32>
      %sub3A_1097 = arith.subi %add3A_1096, %convert_element_type3A_1091 : vector<16xi32>
      %shift_right_arithmetic3A_1098 = arith.constant 7 : i32
      %shift_right_arithmetic3A_1099 = vector.broadcast %shift_right_arithmetic3A_1098 : i32 to vector<16xi32>
      %shift_right_arithmetic3A_1100 = arith.shrsi %sub3A_1097, %shift_right_arithmetic3A_1099 : vector<16xi32>
      %and3A_1101 = arith.constant 127 : i32
      %and3A_1102 = vector.broadcast %and3A_1101 : i32 to vector<16xi32>
      %and3A_1103 = arith.andi %sub3A_1097, %and3A_1102 : vector<16xi32>
      tpu.vector_store_idx %arg7[%shift_right_arithmetic3A_1100, %and3A_1103], %get3A_1078 masked %and3A_1090 : memref<160x128xi32, #tpu.memory_space<vmem>>[vector<16xi32>, vector<16xi32>], vector<16xi32>, vector<16xi1>
      tpu.vector_store_idx %arg8[%shift_right_arithmetic3A_1100, %and3A_1103], %sub3A_1083 masked %and3A_1090 : memref<160x128xi32, #tpu.memory_space<vmem>>[vector<16xi32>, vector<16xi32>], vector<16xi32>, vector<16xi1>
      %slice3A_1104 = vector.extract_strided_slice %masked_cumsum3A_1094 {offsets = [15], sizes = [1], strides = [1]} : vector<16xi32> to vector<1xi32>
      %squeeze3A_1105 = vector.extract %slice3A_1104[0] : i32 from vector<1xi32>
      %add3A_1106 = arith.addi %add3A_1075, %squeeze3A_1105 : i32
      %get3A_1107 = arith.index_cast %scan3A_1049 : i32 to index
      %get3A_1108 = arith.constant 32 : index
      %get3A_1109 = tpu.vector_load %arg7[%get3A_1107, %get3A_1108] {strides = array<i32>} : memref<160x128xi32, #tpu.memory_space<vmem>>, vector<16xi32>,
      %get3A_1110 = arith.index_cast %scan3A_1049 : i32 to index
      %get3A_1111 = arith.constant 32 : index
      %get3A_1112 = tpu.vector_load %arg8[%get3A_1110, %get3A_1111] {strides = array<i32>} : memref<160x128xi32, #tpu.memory_space<vmem>>, vector<16xi32>,
      %sub3A_1113 = vector.broadcast %mul3A_11 : i32 to vector<16xi32>
      %sub3A_1114 = arith.subi %get3A_1112, %sub3A_1113 : vector<16xi32>
      %ge3A_1115 = arith.constant 0 : i32
      %ge3A_1116 = vector.broadcast %ge3A_1115 : i32 to vector<16xi32>
      %ge3A_1117 = arith.cmpi sge, %sub3A_1114, %ge3A_1116 : vector<16xi32>
      %lt3A_1118 = arith.constant 5120 : i32
      %lt3A_1119 = vector.broadcast %lt3A_1118 : i32 to vector<16xi32>
      %lt3A_1120 = arith.cmpi slt, %sub3A_1114, %lt3A_1119 : vector<16xi32>
      %and3A_1121 = arith.andi %ge3A_1117, %lt3A_1120 : vector<16xi1>
      %convert_element_type3A_1122 = arith.extui %and3A_1121 : vector<16xi1> to vector<16xi32>
      %broadcast_in_dim3A_1123 = arith.constant true
      %broadcast_in_dim3A_1124 = vector.broadcast %broadcast_in_dim3A_1123 : i1 to vector<16xi1>
      %masked_cumsum3A_1125 = tpu.scan <sum>, %convert_element_type3A_1122 masked %broadcast_in_dim3A_1124 : vector<16xi32>, vector<16xi1> -> vector<16xi32>
      %add3A_1126 = vector.broadcast %add3A_1106 : i32 to vector<16xi32>
      %add3A_1127 = arith.addi %add3A_1126, %masked_cumsum3A_1125 : vector<16xi32>
      %sub3A_1128 = arith.subi %add3A_1127, %convert_element_type3A_1122 : vector<16xi32>
      %shift_right_arithmetic3A_1129 = arith.constant 7 : i32
      %shift_right_arithmetic3A_1130 = vector.broadcast %shift_right_arithmetic3A_1129 : i32 to vector<16xi32>
      %shift_right_arithmetic3A_1131 = arith.shrsi %sub3A_1128, %shift_right_arithmetic3A_1130 : vector<16xi32>
      %and3A_1132 = arith.constant 127 : i32
      %and3A_1133 = vector.broadcast %and3A_1132 : i32 to vector<16xi32>
      %and3A_1134 = arith.andi %sub3A_1128, %and3A_1133 : vector<16xi32>
      tpu.vector_store_idx %arg7[%shift_right_arithmetic3A_1131, %and3A_1134], %get3A_1109 masked %and3A_1121 : memref<160x128xi32, #tpu.memory_space<vmem>>[vector<16xi32>, vector<16xi32>], vector<16xi32>, vector<16xi1>
      tpu.vector_store_idx %arg8[%shift_right_arithmetic3A_1131, %and3A_1134], %sub3A_1114 masked %and3A_1121 : memref<160x128xi32, #tpu.memory_space<vmem>>[vector<16xi32>, vector<16xi32>], vector<16xi32>, vector<16xi1>
      %slice3A_1135 = vector.extract_strided_slice %masked_cumsum3A_1125 {offsets = [15], sizes = [1], strides = [1]} : vector<16xi32> to vector<1xi32>
      %squeeze3A_1136 = vector.extract %slice3A_1135[0] : i32 from vector<1xi32>
      %add3A_1137 = arith.addi %add3A_1106, %squeeze3A_1136 : i32
      %get3A_1138 = arith.index_cast %scan3A_1049 : i32 to index
      %get3A_1139 = arith.constant 48 : index
      %get3A_1140 = tpu.vector_load %arg7[%get3A_1138, %get3A_1139] {strides = array<i32>} : memref<160x128xi32, #tpu.memory_space<vmem>>, vector<16xi32>,
      %get3A_1141 = arith.index_cast %scan3A_1049 : i32 to index
      %get3A_1142 = arith.constant 48 : index
      %get3A_1143 = tpu.vector_load %arg8[%get3A_1141, %get3A_1142] {strides = array<i32>} : memref<160x128xi32, #tpu.memory_space<vmem>>, vector<16xi32>,
      %sub3A_1144 = vector.broadcast %mul3A_11 : i32 to vector<16xi32>
      %sub3A_1145 = arith.subi %get3A_1143, %sub3A_1144 : vector<16xi32>
      %ge3A_1146 = arith.constant 0 : i32
      %ge3A_1147 = vector.broadcast %ge3A_1146 : i32 to vector<16xi32>
      %ge3A_1148 = arith.cmpi sge, %sub3A_1145, %ge3A_1147 : vector<16xi32>
      %lt3A_1149 = arith.constant 5120 : i32
      %lt3A_1150 = vector.broadcast %lt3A_1149 : i32 to vector<16xi32>
      %lt3A_1151 = arith.cmpi slt, %sub3A_1145, %lt3A_1150 : vector<16xi32>
      %and3A_1152 = arith.andi %ge3A_1148, %lt3A_1151 : vector<16xi1>
      %convert_element_type3A_1153 = arith.extui %and3A_1152 : vector<16xi1> to vector<16xi32>
      %broadcast_in_dim3A_1154 = arith.constant true
      %broadcast_in_dim3A_1155 = vector.broadcast %broadcast_in_dim3A_1154 : i1 to vector<16xi1>
      %masked_cumsum3A_1156 = tpu.scan <sum>, %convert_element_type3A_1153 masked %broadcast_in_dim3A_1155 : vector<16xi32>, vector<16xi1> -> vector<16xi32>
      %add3A_1157 = vector.broadcast %add3A_1137 : i32 to vector<16xi32>
      %add3A_1158 = arith.addi %add3A_1157, %masked_cumsum3A_1156 : vector<16xi32>
      %sub3A_1159 = arith.subi %add3A_1158, %convert_element_type3A_1153 : vector<16xi32>
      %shift_right_arithmetic3A_1160 = arith.constant 7 : i32
      %shift_right_arithmetic3A_1161 = vector.broadcast %shift_right_arithmetic3A_1160 : i32 to vector<16xi32>
      %shift_right_arithmetic3A_1162 = arith.shrsi %sub3A_1159, %shift_right_arithmetic3A_1161 : vector<16xi32>
      %and3A_1163 = arith.constant 127 : i32
      %and3A_1164 = vector.broadcast %and3A_1163 : i32 to vector<16xi32>
      %and3A_1165 = arith.andi %sub3A_1159, %and3A_1164 : vector<16xi32>
      tpu.vector_store_idx %arg7[%shift_right_arithmetic3A_1162, %and3A_1165], %get3A_1140 masked %and3A_1152 : memref<160x128xi32, #tpu.memory_space<vmem>>[vector<16xi32>, vector<16xi32>], vector<16xi32>, vector<16xi1>
      tpu.vector_store_idx %arg8[%shift_right_arithmetic3A_1162, %and3A_1165], %sub3A_1145 masked %and3A_1152 : memref<160x128xi32, #tpu.memory_space<vmem>>[vector<16xi32>, vector<16xi32>], vector<16xi32>, vector<16xi1>
      %slice3A_1166 = vector.extract_strided_slice %masked_cumsum3A_1156 {offsets = [15], sizes = [1], strides = [1]} : vector<16xi32> to vector<1xi32>
      %squeeze3A_1167 = vector.extract %slice3A_1166[0] : i32 from vector<1xi32>
      %add3A_1168 = arith.addi %add3A_1137, %squeeze3A_1167 : i32
      %get3A_1169 = arith.index_cast %scan3A_1049 : i32 to index
      %get3A_1170 = arith.constant 64 : index
      %get3A_1171 = tpu.vector_load %arg7[%get3A_1169, %get3A_1170] {strides = array<i32>} : memref<160x128xi32, #tpu.memory_space<vmem>>, vector<16xi32>,
      %get3A_1172 = arith.index_cast %scan3A_1049 : i32 to index
      %get3A_1173 = arith.constant 64 : index
      %get3A_1174 = tpu.vector_load %arg8[%get3A_1172, %get3A_1173] {strides = array<i32>} : memref<160x128xi32, #tpu.memory_space<vmem>>, vector<16xi32>,
      %sub3A_1175 = vector.broadcast %mul3A_11 : i32 to vector<16xi32>
      %sub3A_1176 = arith.subi %get3A_1174, %sub3A_1175 : vector<16xi32>
      %ge3A_1177 = arith.constant 0 : i32
      %ge3A_1178 = vector.broadcast %ge3A_1177 : i32 to vector<16xi32>
      %ge3A_1179 = arith.cmpi sge, %sub3A_1176, %ge3A_1178 : vector<16xi32>
      %lt3A_1180 = arith.constant 5120 : i32
      %lt3A_1181 = vector.broadcast %lt3A_1180 : i32 to vector<16xi32>
      %lt3A_1182 = arith.cmpi slt, %sub3A_1176, %lt3A_1181 : vector<16xi32>
      %and3A_1183 = arith.andi %ge3A_1179, %lt3A_1182 : vector<16xi1>
      %convert_element_type3A_1184 = arith.extui %and3A_1183 : vector<16xi1> to vector<16xi32>
      %broadcast_in_dim3A_1185 = arith.constant true
      %broadcast_in_dim3A_1186 = vector.broadcast %broadcast_in_dim3A_1185 : i1 to vector<16xi1>
      %masked_cumsum3A_1187 = tpu.scan <sum>, %convert_element_type3A_1184 masked %broadcast_in_dim3A_1186 : vector<16xi32>, vector<16xi1> -> vector<16xi32>
      %add3A_1188 = vector.broadcast %add3A_1168 : i32 to vector<16xi32>
      %add3A_1189 = arith.addi %add3A_1188, %masked_cumsum3A_1187 : vector<16xi32>
      %sub3A_1190 = arith.subi %add3A_1189, %convert_element_type3A_1184 : vector<16xi32>
      %shift_right_arithmetic3A_1191 = arith.constant 7 : i32
      %shift_right_arithmetic3A_1192 = vector.broadcast %shift_right_arithmetic3A_1191 : i32 to vector<16xi32>
      %shift_right_arithmetic3A_1193 = arith.shrsi %sub3A_1190, %shift_right_arithmetic3A_1192 : vector<16xi32>
      %and3A_1194 = arith.constant 127 : i32
      %and3A_1195 = vector.broadcast %and3A_1194 : i32 to vector<16xi32>
      %and3A_1196 = arith.andi %sub3A_1190, %and3A_1195 : vector<16xi32>
      tpu.vector_store_idx %arg7[%shift_right_arithmetic3A_1193, %and3A_1196], %get3A_1171 masked %and3A_1183 : memref<160x128xi32, #tpu.memory_space<vmem>>[vector<16xi32>, vector<16xi32>], vector<16xi32>, vector<16xi1>
      tpu.vector_store_idx %arg8[%shift_right_arithmetic3A_1193, %and3A_1196], %sub3A_1176 masked %and3A_1183 : memref<160x128xi32, #tpu.memory_space<vmem>>[vector<16xi32>, vector<16xi32>], vector<16xi32>, vector<16xi1>
      %slice3A_1197 = vector.extract_strided_slice %masked_cumsum3A_1187 {offsets = [15], sizes = [1], strides = [1]} : vector<16xi32> to vector<1xi32>
      %squeeze3A_1198 = vector.extract %slice3A_1197[0] : i32 from vector<1xi32>
      %add3A_1199 = arith.addi %add3A_1168, %squeeze3A_1198 : i32
      %get3A_1200 = arith.index_cast %scan3A_1049 : i32 to index
      %get3A_1201 = arith.constant 80 : index
      %get3A_1202 = tpu.vector_load %arg7[%get3A_1200, %get3A_1201] {strides = array<i32>} : memref<160x128xi32, #tpu.memory_space<vmem>>, vector<16xi32>,
      %get3A_1203 = arith.index_cast %scan3A_1049 : i32 to index
      %get3A_1204 = arith.constant 80 : index
      %get3A_1205 = tpu.vector_load %arg8[%get3A_1203, %get3A_1204] {strides = array<i32>} : memref<160x128xi32, #tpu.memory_space<vmem>>, vector<16xi32>,
      %sub3A_1206 = vector.broadcast %mul3A_11 : i32 to vector<16xi32>
      %sub3A_1207 = arith.subi %get3A_1205, %sub3A_1206 : vector<16xi32>
      %ge3A_1208 = arith.constant 0 : i32
      %ge3A_1209 = vector.broadcast %ge3A_1208 : i32 to vector<16xi32>
      %ge3A_1210 = arith.cmpi sge, %sub3A_1207, %ge3A_1209 : vector<16xi32>
      %lt3A_1211 = arith.constant 5120 : i32
      %lt3A_1212 = vector.broadcast %lt3A_1211 : i32 to vector<16xi32>
      %lt3A_1213 = arith.cmpi slt, %sub3A_1207, %lt3A_1212 : vector<16xi32>
      %and3A_1214 = arith.andi %ge3A_1210, %lt3A_1213 : vector<16xi1>
      %convert_element_type3A_1215 = arith.extui %and3A_1214 : vector<16xi1> to vector<16xi32>
      %broadcast_in_dim3A_1216 = arith.constant true
      %broadcast_in_dim3A_1217 = vector.broadcast %broadcast_in_dim3A_1216 : i1 to vector<16xi1>
      %masked_cumsum3A_1218 = tpu.scan <sum>, %convert_element_type3A_1215 masked %broadcast_in_dim3A_1217 : vector<16xi32>, vector<16xi1> -> vector<16xi32>
      %add3A_1219 = vector.broadcast %add3A_1199 : i32 to vector<16xi32>
      %add3A_1220 = arith.addi %add3A_1219, %masked_cumsum3A_1218 : vector<16xi32>
      %sub3A_1221 = arith.subi %add3A_1220, %convert_element_type3A_1215 : vector<16xi32>
      %shift_right_arithmetic3A_1222 = arith.constant 7 : i32
      %shift_right_arithmetic3A_1223 = vector.broadcast %shift_right_arithmetic3A_1222 : i32 to vector<16xi32>
      %shift_right_arithmetic3A_1224 = arith.shrsi %sub3A_1221, %shift_right_arithmetic3A_1223 : vector<16xi32>
      %and3A_1225 = arith.constant 127 : i32
      %and3A_1226 = vector.broadcast %and3A_1225 : i32 to vector<16xi32>
      %and3A_1227 = arith.andi %sub3A_1221, %and3A_1226 : vector<16xi32>
      tpu.vector_store_idx %arg7[%shift_right_arithmetic3A_1224, %and3A_1227], %get3A_1202 masked %and3A_1214 : memref<160x128xi32, #tpu.memory_space<vmem>>[vector<16xi32>, vector<16xi32>], vector<16xi32>, vector<16xi1>
      tpu.vector_store_idx %arg8[%shift_right_arithmetic3A_1224, %and3A_1227], %sub3A_1207 masked %and3A_1214 : memref<160x128xi32, #tpu.memory_space<vmem>>[vector<16xi32>, vector<16xi32>], vector<16xi32>, vector<16xi1>
      %slice3A_1228 = vector.extract_strided_slice %masked_cumsum3A_1218 {offsets = [15], sizes = [1], strides = [1]} : vector<16xi32> to vector<1xi32>
      %squeeze3A_1229 = vector.extract %slice3A_1228[0] : i32 from vector<1xi32>
      %add3A_1230 = arith.addi %add3A_1199, %squeeze3A_1229 : i32
      %get3A_1231 = arith.index_cast %scan3A_1049 : i32 to index
      %get3A_1232 = arith.constant 96 : index
      %get3A_1233 = tpu.vector_load %arg7[%get3A_1231, %get3A_1232] {strides = array<i32>} : memref<160x128xi32, #tpu.memory_space<vmem>>, vector<16xi32>,
      %get3A_1234 = arith.index_cast %scan3A_1049 : i32 to index
      %get3A_1235 = arith.constant 96 : index
      %get3A_1236 = tpu.vector_load %arg8[%get3A_1234, %get3A_1235] {strides = array<i32>} : memref<160x128xi32, #tpu.memory_space<vmem>>, vector<16xi32>,
      %sub3A_1237 = vector.broadcast %mul3A_11 : i32 to vector<16xi32>
      %sub3A_1238 = arith.subi %get3A_1236, %sub3A_1237 : vector<16xi32>
      %ge3A_1239 = arith.constant 0 : i32
      %ge3A_1240 = vector.broadcast %ge3A_1239 : i32 to vector<16xi32>
      %ge3A_1241 = arith.cmpi sge, %sub3A_1238, %ge3A_1240 : vector<16xi32>
      %lt3A_1242 = arith.constant 5120 : i32
      %lt3A_1243 = vector.broadcast %lt3A_1242 : i32 to vector<16xi32>
      %lt3A_1244 = arith.cmpi slt, %sub3A_1238, %lt3A_1243 : vector<16xi32>
      %and3A_1245 = arith.andi %ge3A_1241, %lt3A_1244 : vector<16xi1>
      %convert_element_type3A_1246 = arith.extui %and3A_1245 : vector<16xi1> to vector<16xi32>
      %broadcast_in_dim3A_1247 = arith.constant true
      %broadcast_in_dim3A_1248 = vector.broadcast %broadcast_in_dim3A_1247 : i1 to vector<16xi1>
      %masked_cumsum3A_1249 = tpu.scan <sum>, %convert_element_type3A_1246 masked %broadcast_in_dim3A_1248 : vector<16xi32>, vector<16xi1> -> vector<16xi32>
      %add3A_1250 = vector.broadcast %add3A_1230 : i32 to vector<16xi32>
      %add3A_1251 = arith.addi %add3A_1250, %masked_cumsum3A_1249 : vector<16xi32>
      %sub3A_1252 = arith.subi %add3A_1251, %convert_element_type3A_1246 : vector<16xi32>
      %shift_right_arithmetic3A_1253 = arith.constant 7 : i32
      %shift_right_arithmetic3A_1254 = vector.broadcast %shift_right_arithmetic3A_1253 : i32 to vector<16xi32>
      %shift_right_arithmetic3A_1255 = arith.shrsi %sub3A_1252, %shift_right_arithmetic3A_1254 : vector<16xi32>
      %and3A_1256 = arith.constant 127 : i32
      %and3A_1257 = vector.broadcast %and3A_1256 : i32 to vector<16xi32>
      %and3A_1258 = arith.andi %sub3A_1252, %and3A_1257 : vector<16xi32>
      tpu.vector_store_idx %arg7[%shift_right_arithmetic3A_1255, %and3A_1258], %get3A_1233 masked %and3A_1245 : memref<160x128xi32, #tpu.memory_space<vmem>>[vector<16xi32>, vector<16xi32>], vector<16xi32>, vector<16xi1>
      tpu.vector_store_idx %arg8[%shift_right_arithmetic3A_1255, %and3A_1258], %sub3A_1238 masked %and3A_1245 : memref<160x128xi32, #tpu.memory_space<vmem>>[vector<16xi32>, vector<16xi32>], vector<16xi32>, vector<16xi1>
      %slice3A_1259 = vector.extract_strided_slice %masked_cumsum3A_1249 {offsets = [15], sizes = [1], strides = [1]} : vector<16xi32> to vector<1xi32>
      %squeeze3A_1260 = vector.extract %slice3A_1259[0] : i32 from vector<1xi32>
      %add3A_1261 = arith.addi %add3A_1230, %squeeze3A_1260 : i32
      %get3A_1262 = arith.index_cast %scan3A_1049 : i32 to index
      %get3A_1263 = arith.constant 112 : index
      %get3A_1264 = tpu.vector_load %arg7[%get3A_1262, %get3A_1263] {strides = array<i32>} : memref<160x128xi32, #tpu.memory_space<vmem>>, vector<16xi32>,
      %get3A_1265 = arith.index_cast %scan3A_1049 : i32 to index
      %get3A_1266 = arith.constant 112 : index
      %get3A_1267 = tpu.vector_load %arg8[%get3A_1265, %get3A_1266] {strides = array<i32>} : memref<160x128xi32, #tpu.memory_space<vmem>>, vector<16xi32>,
      %sub3A_1268 = vector.broadcast %mul3A_11 : i32 to vector<16xi32>
      %sub3A_1269 = arith.subi %get3A_1267, %sub3A_1268 : vector<16xi32>
      %ge3A_1270 = arith.constant 0 : i32
      %ge3A_1271 = vector.broadcast %ge3A_1270 : i32 to vector<16xi32>
      %ge3A_1272 = arith.cmpi sge, %sub3A_1269, %ge3A_1271 : vector<16xi32>
      %lt3A_1273 = arith.constant 5120 : i32
      %lt3A_1274 = vector.broadcast %lt3A_1273 : i32 to vector<16xi32>
      %lt3A_1275 = arith.cmpi slt, %sub3A_1269, %lt3A_1274 : vector<16xi32>
      %and3A_1276 = arith.andi %ge3A_1272, %lt3A_1275 : vector<16xi1>
      %convert_element_type3A_1277 = arith.extui %and3A_1276 : vector<16xi1> to vector<16xi32>
      %broadcast_in_dim3A_1278 = arith.constant true
      %broadcast_in_dim3A_1279 = vector.broadcast %broadcast_in_dim3A_1278 : i1 to vector<16xi1>
      %masked_cumsum3A_1280 = tpu.scan <sum>, %convert_element_type3A_1277 masked %broadcast_in_dim3A_1279 : vector<16xi32>, vector<16xi1> -> vector<16xi32>
      %add3A_1281 = vector.broadcast %add3A_1261 : i32 to vector<16xi32>
      %add3A_1282 = arith.addi %add3A_1281, %masked_cumsum3A_1280 : vector<16xi32>
      %sub3A_1283 = arith.subi %add3A_1282, %convert_element_type3A_1277 : vector<16xi32>
      %shift_right_arithmetic3A_1284 = arith.constant 7 : i32
      %shift_right_arithmetic3A_1285 = vector.broadcast %shift_right_arithmetic3A_1284 : i32 to vector<16xi32>
      %shift_right_arithmetic3A_1286 = arith.shrsi %sub3A_1283, %shift_right_arithmetic3A_1285 : vector<16xi32>
      %and3A_1287 = arith.constant 127 : i32
      %and3A_1288 = vector.broadcast %and3A_1287 : i32 to vector<16xi32>
      %and3A_1289 = arith.andi %sub3A_1283, %and3A_1288 : vector<16xi32>
      tpu.vector_store_idx %arg7[%shift_right_arithmetic3A_1286, %and3A_1289], %get3A_1264 masked %and3A_1276 : memref<160x128xi32, #tpu.memory_space<vmem>>[vector<16xi32>, vector<16xi32>], vector<16xi32>, vector<16xi1>
      tpu.vector_store_idx %arg8[%shift_right_arithmetic3A_1286, %and3A_1289], %sub3A_1269 masked %and3A_1276 : memref<160x128xi32, #tpu.memory_space<vmem>>[vector<16xi32>, vector<16xi32>], vector<16xi32>, vector<16xi1>
      %slice3A_1290 = vector.extract_strided_slice %masked_cumsum3A_1280 {offsets = [15], sizes = [1], strides = [1]} : vector<16xi32> to vector<1xi32>
      %squeeze3A_1291 = vector.extract %slice3A_1290[0] : i32 from vector<1xi32>
      %add3A_1292 = arith.addi %add3A_1261, %squeeze3A_1291 : i32
      scf.yield %add3A_1292 : i32
    }
    %scan3A_17 = arith.constant 160 : i32
    %broadcast_in_dim3A = arith.constant 0 : i32
    %broadcast_in_dim3A_18 = vector.broadcast %broadcast_in_dim3A : i32 to vector<16xi32>
    %shift_right_arithmetic3A = arith.constant 7 : i32
    %shift_right_arithmetic3A_19 = arith.shrsi %scan3A_16, %shift_right_arithmetic3A : i32
    %add3A_20 = arith.constant 0 : i32
    %add3A_21 = arith.addi %shift_right_arithmetic3A_19, %add3A_20 : i32
    %min3A = arith.constant 159 : i32
    %min3A_22 = arith.minsi %add3A_21, %min3A : i32
    %shift_left3A = arith.constant 7 : i32
    %shift_left3A_23 = arith.shli %min3A_22, %shift_left3A : i32
    %add3A_24 = arith.constant 1 : i32
    %add3A_25 = arith.addi %shift_right_arithmetic3A_19, %add3A_24 : i32
    %min3A_26 = arith.constant 159 : i32
    %min3A_27 = arith.minsi %add3A_25, %min3A_26 : i32
    %shift_left3A_28 = arith.constant 7 : i32
    %shift_left3A_29 = arith.shli %min3A_27, %shift_left3A_28 : i32
    %add3A_30 = arith.constant 2 : i32
    %add3A_31 = arith.addi %shift_right_arithmetic3A_19, %add3A_30 : i32
    %min3A_32 = arith.constant 159 : i32
    %min3A_33 = arith.minsi %add3A_31, %min3A_32 : i32
    %shift_left3A_34 = arith.constant 7 : i32
    %shift_left3A_35 = arith.shli %min3A_33, %shift_left3A_34 : i32
    %add3A_36 = arith.constant 3 : i32
    %add3A_37 = arith.addi %shift_right_arithmetic3A_19, %add3A_36 : i32
    %min3A_38 = arith.constant 159 : i32
    %min3A_39 = arith.minsi %add3A_37, %min3A_38 : i32
    %shift_left3A_40 = arith.constant 7 : i32
    %shift_left3A_41 = arith.shli %min3A_39, %shift_left3A_40 : i32
    %add3A_42 = arith.constant 4 : i32
    %add3A_43 = arith.addi %shift_right_arithmetic3A_19, %add3A_42 : i32
    %min3A_44 = arith.constant 159 : i32
    %min3A_45 = arith.minsi %add3A_43, %min3A_44 : i32
    %shift_left3A_46 = arith.constant 7 : i32
    %shift_left3A_47 = arith.shli %min3A_45, %shift_left3A_46 : i32
    %iota3A = tpu.iota {dimensions = array<i32: 0>} : vector<16xi32>
    %add3A_48 = arith.constant 0 : i32
    %add3A_49 = vector.broadcast %add3A_48 : i32 to vector<16xi32>
    %add3A_50 = arith.addi %iota3A, %add3A_49 : vector<16xi32>
    %add3A_51 = vector.broadcast %shift_left3A_23 : i32 to vector<16xi32>
    %add3A_52 = arith.addi %add3A_51, %add3A_50 : vector<16xi32>
    %ge3A = vector.broadcast %scan3A_16 : i32 to vector<16xi32>
    %ge3A_53 = arith.cmpi sge, %add3A_52, %ge3A : vector<16xi32>
    %shift_right_arithmetic3A_54 = arith.constant 7 : i32
    %shift_right_arithmetic3A_55 = vector.broadcast %shift_right_arithmetic3A_54 : i32 to vector<16xi32>
    %shift_right_arithmetic3A_56 = arith.shrsi %add3A_52, %shift_right_arithmetic3A_55 : vector<16xi32>
    %and3A = arith.constant 127 : i32
    %and3A_57 = vector.broadcast %and3A : i32 to vector<16xi32>
    %and3A_58 = arith.andi %add3A_52, %and3A_57 : vector<16xi32>
    %add3A_59 = arith.constant 10000 : i32
    %add3A_60 = vector.broadcast %add3A_59 : i32 to vector<16xi32>
    %add3A_61 = arith.addi %add3A_50, %add3A_60 : vector<16xi32>
    tpu.vector_store_idx %arg7[%shift_right_arithmetic3A_56, %and3A_58], %add3A_61 masked %ge3A_53 : memref<160x128xi32, #tpu.memory_space<vmem>>[vector<16xi32>, vector<16xi32>], vector<16xi32>, vector<16xi1>
    %shift_right_arithmetic3A_62 = arith.constant 7 : i32
    %shift_right_arithmetic3A_63 = vector.broadcast %shift_right_arithmetic3A_62 : i32 to vector<16xi32>
    %shift_right_arithmetic3A_64 = arith.shrsi %add3A_52, %shift_right_arithmetic3A_63 : vector<16xi32>
    %and3A_65 = arith.constant 127 : i32
    %and3A_66 = vector.broadcast %and3A_65 : i32 to vector<16xi32>
    %and3A_67 = arith.andi %add3A_52, %and3A_66 : vector<16xi32>
    tpu.vector_store_idx %arg8[%shift_right_arithmetic3A_64, %and3A_67], %broadcast_in_dim3A_18 masked %ge3A_53 : memref<160x128xi32, #tpu.memory_space<vmem>>[vector<16xi32>, vector<16xi32>], vector<16xi32>, vector<16xi1>
    %iota3A_68 = tpu.iota {dimensions = array<i32: 0>} : vector<16xi32>
    %add3A_69 = arith.constant 16 : i32
    %add3A_70 = vector.broadcast %add3A_69 : i32 to vector<16xi32>
    %add3A_71 = arith.addi %iota3A_68, %add3A_70 : vector<16xi32>
    %add3A_72 = vector.broadcast %shift_left3A_23 : i32 to vector<16xi32>
    %add3A_73 = arith.addi %add3A_72, %add3A_71 : vector<16xi32>
    %ge3A_74 = vector.broadcast %scan3A_16 : i32 to vector<16xi32>
    %ge3A_75 = arith.cmpi sge, %add3A_73, %ge3A_74 : vector<16xi32>
    %shift_right_arithmetic3A_76 = arith.constant 7 : i32
    %shift_right_arithmetic3A_77 = vector.broadcast %shift_right_arithmetic3A_76 : i32 to vector<16xi32>
    %shift_right_arithmetic3A_78 = arith.shrsi %add3A_73, %shift_right_arithmetic3A_77 : vector<16xi32>
    %and3A_79 = arith.constant 127 : i32
    %and3A_80 = vector.broadcast %and3A_79 : i32 to vector<16xi32>
    %and3A_81 = arith.andi %add3A_73, %and3A_80 : vector<16xi32>
    %add3A_82 = arith.constant 10000 : i32
    %add3A_83 = vector.broadcast %add3A_82 : i32 to vector<16xi32>
    %add3A_84 = arith.addi %add3A_71, %add3A_83 : vector<16xi32>
    tpu.vector_store_idx %arg7[%shift_right_arithmetic3A_78, %and3A_81], %add3A_84 masked %ge3A_75 : memref<160x128xi32, #tpu.memory_space<vmem>>[vector<16xi32>, vector<16xi32>], vector<16xi32>, vector<16xi1>
    %shift_right_arithmetic3A_85 = arith.constant 7 : i32
    %shift_right_arithmetic3A_86 = vector.broadcast %shift_right_arithmetic3A_85 : i32 to vector<16xi32>
    %shift_right_arithmetic3A_87 = arith.shrsi %add3A_73, %shift_right_arithmetic3A_86 : vector<16xi32>
    %and3A_88 = arith.constant 127 : i32
    %and3A_89 = vector.broadcast %and3A_88 : i32 to vector<16xi32>
    %and3A_90 = arith.andi %add3A_73, %and3A_89 : vector<16xi32>
    tpu.vector_store_idx %arg8[%shift_right_arithmetic3A_87, %and3A_90], %broadcast_in_dim3A_18 masked %ge3A_75 : memref<160x128xi32, #tpu.memory_space<vmem>>[vector<16xi32>, vector<16xi32>], vector<16xi32>, vector<16xi1>
    %iota3A_91 = tpu.iota {dimensions = array<i32: 0>} : vector<16xi32>
    %add3A_92 = arith.constant 32 : i32
    %add3A_93 = vector.broadcast %add3A_92 : i32 to vector<16xi32>
    %add3A_94 = arith.addi %iota3A_91, %add3A_93 : vector<16xi32>
    %add3A_95 = vector.broadcast %shift_left3A_23 : i32 to vector<16xi32>
    %add3A_96 = arith.addi %add3A_95, %add3A_94 : vector<16xi32>
    %ge3A_97 = vector.broadcast %scan3A_16 : i32 to vector<16xi32>
    %ge3A_98 = arith.cmpi sge, %add3A_96, %ge3A_97 : vector<16xi32>
    %shift_right_arithmetic3A_99 = arith.constant 7 : i32
    %shift_right_arithmetic3A_100 = vector.broadcast %shift_right_arithmetic3A_99 : i32 to vector<16xi32>
    %shift_right_arithmetic3A_101 = arith.shrsi %add3A_96, %shift_right_arithmetic3A_100 : vector<16xi32>
    %and3A_102 = arith.constant 127 : i32
    %and3A_103 = vector.broadcast %and3A_102 : i32 to vector<16xi32>
    %and3A_104 = arith.andi %add3A_96, %and3A_103 : vector<16xi32>
    %add3A_105 = arith.constant 10000 : i32
    %add3A_106 = vector.broadcast %add3A_105 : i32 to vector<16xi32>
    %add3A_107 = arith.addi %add3A_94, %add3A_106 : vector<16xi32>
    tpu.vector_store_idx %arg7[%shift_right_arithmetic3A_101, %and3A_104], %add3A_107 masked %ge3A_98 : memref<160x128xi32, #tpu.memory_space<vmem>>[vector<16xi32>, vector<16xi32>], vector<16xi32>, vector<16xi1>
    %shift_right_arithmetic3A_108 = arith.constant 7 : i32
    %shift_right_arithmetic3A_109 = vector.broadcast %shift_right_arithmetic3A_108 : i32 to vector<16xi32>
    %shift_right_arithmetic3A_110 = arith.shrsi %add3A_96, %shift_right_arithmetic3A_109 : vector<16xi32>
    %and3A_111 = arith.constant 127 : i32
    %and3A_112 = vector.broadcast %and3A_111 : i32 to vector<16xi32>
    %and3A_113 = arith.andi %add3A_96, %and3A_112 : vector<16xi32>
    tpu.vector_store_idx %arg8[%shift_right_arithmetic3A_110, %and3A_113], %broadcast_in_dim3A_18 masked %ge3A_98 : memref<160x128xi32, #tpu.memory_space<vmem>>[vector<16xi32>, vector<16xi32>], vector<16xi32>, vector<16xi1>
    %iota3A_114 = tpu.iota {dimensions = array<i32: 0>} : vector<16xi32>
    %add3A_115 = arith.constant 48 : i32
    %add3A_116 = vector.broadcast %add3A_115 : i32 to vector<16xi32>
    %add3A_117 = arith.addi %iota3A_114, %add3A_116 : vector<16xi32>
    %add3A_118 = vector.broadcast %shift_left3A_23 : i32 to vector<16xi32>
    %add3A_119 = arith.addi %add3A_118, %add3A_117 : vector<16xi32>
    %ge3A_120 = vector.broadcast %scan3A_16 : i32 to vector<16xi32>
    %ge3A_121 = arith.cmpi sge, %add3A_119, %ge3A_120 : vector<16xi32>
    %shift_right_arithmetic3A_122 = arith.constant 7 : i32
    %shift_right_arithmetic3A_123 = vector.broadcast %shift_right_arithmetic3A_122 : i32 to vector<16xi32>
    %shift_right_arithmetic3A_124 = arith.shrsi %add3A_119, %shift_right_arithmetic3A_123 : vector<16xi32>
    %and3A_125 = arith.constant 127 : i32
    %and3A_126 = vector.broadcast %and3A_125 : i32 to vector<16xi32>
    %and3A_127 = arith.andi %add3A_119, %and3A_126 : vector<16xi32>
    %add3A_128 = arith.constant 10000 : i32
    %add3A_129 = vector.broadcast %add3A_128 : i32 to vector<16xi32>
    %add3A_130 = arith.addi %add3A_117, %add3A_129 : vector<16xi32>
    tpu.vector_store_idx %arg7[%shift_right_arithmetic3A_124, %and3A_127], %add3A_130 masked %ge3A_121 : memref<160x128xi32, #tpu.memory_space<vmem>>[vector<16xi32>, vector<16xi32>], vector<16xi32>, vector<16xi1>
    %shift_right_arithmetic3A_131 = arith.constant 7 : i32
    %shift_right_arithmetic3A_132 = vector.broadcast %shift_right_arithmetic3A_131 : i32 to vector<16xi32>
    %shift_right_arithmetic3A_133 = arith.shrsi %add3A_119, %shift_right_arithmetic3A_132 : vector<16xi32>
    %and3A_134 = arith.constant 127 : i32
    %and3A_135 = vector.broadcast %and3A_134 : i32 to vector<16xi32>
    %and3A_136 = arith.andi %add3A_119, %and3A_135 : vector<16xi32>
    tpu.vector_store_idx %arg8[%shift_right_arithmetic3A_133, %and3A_136], %broadcast_in_dim3A_18 masked %ge3A_121 : memref<160x128xi32, #tpu.memory_space<vmem>>[vector<16xi32>, vector<16xi32>], vector<16xi32>, vector<16xi1>
    %iota3A_137 = tpu.iota {dimensions = array<i32: 0>} : vector<16xi32>
    %add3A_138 = arith.constant 64 : i32
    %add3A_139 = vector.broadcast %add3A_138 : i32 to vector<16xi32>
    %add3A_140 = arith.addi %iota3A_137, %add3A_139 : vector<16xi32>
    %add3A_141 = vector.broadcast %shift_left3A_23 : i32 to vector<16xi32>
    %add3A_142 = arith.addi %add3A_141, %add3A_140 : vector<16xi32>
    %ge3A_143 = vector.broadcast %scan3A_16 : i32 to vector<16xi32>
    %ge3A_144 = arith.cmpi sge, %add3A_142, %ge3A_143 : vector<16xi32>
    %shift_right_arithmetic3A_145 = arith.constant 7 : i32
    %shift_right_arithmetic3A_146 = vector.broadcast %shift_right_arithmetic3A_145 : i32 to vector<16xi32>
    %shift_right_arithmetic3A_147 = arith.shrsi %add3A_142, %shift_right_arithmetic3A_146 : vector<16xi32>
    %and3A_148 = arith.constant 127 : i32
    %and3A_149 = vector.broadcast %and3A_148 : i32 to vector<16xi32>
    %and3A_150 = arith.andi %add3A_142, %and3A_149 : vector<16xi32>
    %add3A_151 = arith.constant 10000 : i32
    %add3A_152 = vector.broadcast %add3A_151 : i32 to vector<16xi32>
    %add3A_153 = arith.addi %add3A_140, %add3A_152 : vector<16xi32>
    tpu.vector_store_idx %arg7[%shift_right_arithmetic3A_147, %and3A_150], %add3A_153 masked %ge3A_144 : memref<160x128xi32, #tpu.memory_space<vmem>>[vector<16xi32>, vector<16xi32>], vector<16xi32>, vector<16xi1>
    %shift_right_arithmetic3A_154 = arith.constant 7 : i32
    %shift_right_arithmetic3A_155 = vector.broadcast %shift_right_arithmetic3A_154 : i32 to vector<16xi32>
    %shift_right_arithmetic3A_156 = arith.shrsi %add3A_142, %shift_right_arithmetic3A_155 : vector<16xi32>
    %and3A_157 = arith.constant 127 : i32
    %and3A_158 = vector.broadcast %and3A_157 : i32 to vector<16xi32>
    %and3A_159 = arith.andi %add3A_142, %and3A_158 : vector<16xi32>
    tpu.vector_store_idx %arg8[%shift_right_arithmetic3A_156, %and3A_159], %broadcast_in_dim3A_18 masked %ge3A_144 : memref<160x128xi32, #tpu.memory_space<vmem>>[vector<16xi32>, vector<16xi32>], vector<16xi32>, vector<16xi1>
    %iota3A_160 = tpu.iota {dimensions = array<i32: 0>} : vector<16xi32>
    %add3A_161 = arith.constant 80 : i32
    %add3A_162 = vector.broadcast %add3A_161 : i32 to vector<16xi32>
    %add3A_163 = arith.addi %iota3A_160, %add3A_162 : vector<16xi32>
    %add3A_164 = vector.broadcast %shift_left3A_23 : i32 to vector<16xi32>
    %add3A_165 = arith.addi %add3A_164, %add3A_163 : vector<16xi32>
    %ge3A_166 = vector.broadcast %scan3A_16 : i32 to vector<16xi32>
    %ge3A_167 = arith.cmpi sge, %add3A_165, %ge3A_166 : vector<16xi32>
    %shift_right_arithmetic3A_168 = arith.constant 7 : i32
    %shift_right_arithmetic3A_169 = vector.broadcast %shift_right_arithmetic3A_168 : i32 to vector<16xi32>
    %shift_right_arithmetic3A_170 = arith.shrsi %add3A_165, %shift_right_arithmetic3A_169 : vector<16xi32>
    %and3A_171 = arith.constant 127 : i32
    %and3A_172 = vector.broadcast %and3A_171 : i32 to vector<16xi32>
    %and3A_173 = arith.andi %add3A_165, %and3A_172 : vector<16xi32>
    %add3A_174 = arith.constant 10000 : i32
    %add3A_175 = vector.broadcast %add3A_174 : i32 to vector<16xi32>
    %add3A_176 = arith.addi %add3A_163, %add3A_175 : vector<16xi32>
    tpu.vector_store_idx %arg7[%shift_right_arithmetic3A_170, %and3A_173], %add3A_176 masked %ge3A_167 : memref<160x128xi32, #tpu.memory_space<vmem>>[vector<16xi32>, vector<16xi32>], vector<16xi32>, vector<16xi1>
    %shift_right_arithmetic3A_177 = arith.constant 7 : i32
    %shift_right_arithmetic3A_178 = vector.broadcast %shift_right_arithmetic3A_177 : i32 to vector<16xi32>
    %shift_right_arithmetic3A_179 = arith.shrsi %add3A_165, %shift_right_arithmetic3A_178 : vector<16xi32>
    %and3A_180 = arith.constant 127 : i32
    %and3A_181 = vector.broadcast %and3A_180 : i32 to vector<16xi32>
    %and3A_182 = arith.andi %add3A_165, %and3A_181 : vector<16xi32>
    tpu.vector_store_idx %arg8[%shift_right_arithmetic3A_179, %and3A_182], %broadcast_in_dim3A_18 masked %ge3A_167 : memref<160x128xi32, #tpu.memory_space<vmem>>[vector<16xi32>, vector<16xi32>], vector<16xi32>, vector<16xi1>
    %iota3A_183 = tpu.iota {dimensions = array<i32: 0>} : vector<16xi32>
    %add3A_184 = arith.constant 96 : i32
    %add3A_185 = vector.broadcast %add3A_184 : i32 to vector<16xi32>
    %add3A_186 = arith.addi %iota3A_183, %add3A_185 : vector<16xi32>
    %add3A_187 = vector.broadcast %shift_left3A_23 : i32 to vector<16xi32>
    %add3A_188 = arith.addi %add3A_187, %add3A_186 : vector<16xi32>
    %ge3A_189 = vector.broadcast %scan3A_16 : i32 to vector<16xi32>
    %ge3A_190 = arith.cmpi sge, %add3A_188, %ge3A_189 : vector<16xi32>
    %shift_right_arithmetic3A_191 = arith.constant 7 : i32
    %shift_right_arithmetic3A_192 = vector.broadcast %shift_right_arithmetic3A_191 : i32 to vector<16xi32>
    %shift_right_arithmetic3A_193 = arith.shrsi %add3A_188, %shift_right_arithmetic3A_192 : vector<16xi32>
    %and3A_194 = arith.constant 127 : i32
    %and3A_195 = vector.broadcast %and3A_194 : i32 to vector<16xi32>
    %and3A_196 = arith.andi %add3A_188, %and3A_195 : vector<16xi32>
    %add3A_197 = arith.constant 10000 : i32
    %add3A_198 = vector.broadcast %add3A_197 : i32 to vector<16xi32>
    %add3A_199 = arith.addi %add3A_186, %add3A_198 : vector<16xi32>
    tpu.vector_store_idx %arg7[%shift_right_arithmetic3A_193, %and3A_196], %add3A_199 masked %ge3A_190 : memref<160x128xi32, #tpu.memory_space<vmem>>[vector<16xi32>, vector<16xi32>], vector<16xi32>, vector<16xi1>
    %shift_right_arithmetic3A_200 = arith.constant 7 : i32
    %shift_right_arithmetic3A_201 = vector.broadcast %shift_right_arithmetic3A_200 : i32 to vector<16xi32>
    %shift_right_arithmetic3A_202 = arith.shrsi %add3A_188, %shift_right_arithmetic3A_201 : vector<16xi32>
    %and3A_203 = arith.constant 127 : i32
    %and3A_204 = vector.broadcast %and3A_203 : i32 to vector<16xi32>
    %and3A_205 = arith.andi %add3A_188, %and3A_204 : vector<16xi32>
    tpu.vector_store_idx %arg8[%shift_right_arithmetic3A_202, %and3A_205], %broadcast_in_dim3A_18 masked %ge3A_190 : memref<160x128xi32, #tpu.memory_space<vmem>>[vector<16xi32>, vector<16xi32>], vector<16xi32>, vector<16xi1>
    %iota3A_206 = tpu.iota {dimensions = array<i32: 0>} : vector<16xi32>
    %add3A_207 = arith.constant 112 : i32
    %add3A_208 = vector.broadcast %add3A_207 : i32 to vector<16xi32>
    %add3A_209 = arith.addi %iota3A_206, %add3A_208 : vector<16xi32>
    %add3A_210 = vector.broadcast %shift_left3A_23 : i32 to vector<16xi32>
    %add3A_211 = arith.addi %add3A_210, %add3A_209 : vector<16xi32>
    %ge3A_212 = vector.broadcast %scan3A_16 : i32 to vector<16xi32>
    %ge3A_213 = arith.cmpi sge, %add3A_211, %ge3A_212 : vector<16xi32>
    %shift_right_arithmetic3A_214 = arith.constant 7 : i32
    %shift_right_arithmetic3A_215 = vector.broadcast %shift_right_arithmetic3A_214 : i32 to vector<16xi32>
    %shift_right_arithmetic3A_216 = arith.shrsi %add3A_211, %shift_right_arithmetic3A_215 : vector<16xi32>
    %and3A_217 = arith.constant 127 : i32
    %and3A_218 = vector.broadcast %and3A_217 : i32 to vector<16xi32>
    %and3A_219 = arith.andi %add3A_211, %and3A_218 : vector<16xi32>
    %add3A_220 = arith.constant 10000 : i32
    %add3A_221 = vector.broadcast %add3A_220 : i32 to vector<16xi32>
    %add3A_222 = arith.addi %add3A_209, %add3A_221 : vector<16xi32>
    tpu.vector_store_idx %arg7[%shift_right_arithmetic3A_216, %and3A_219], %add3A_222 masked %ge3A_213 : memref<160x128xi32, #tpu.memory_space<vmem>>[vector<16xi32>, vector<16xi32>], vector<16xi32>, vector<16xi1>
    %shift_right_arithmetic3A_223 = arith.constant 7 : i32
    %shift_right_arithmetic3A_224 = vector.broadcast %shift_right_arithmetic3A_223 : i32 to vector<16xi32>
    %shift_right_arithmetic3A_225 = arith.shrsi %add3A_211, %shift_right_arithmetic3A_224 : vector<16xi32>
    %and3A_226 = arith.constant 127 : i32
    %and3A_227 = vector.broadcast %and3A_226 : i32 to vector<16xi32>
    %and3A_228 = arith.andi %add3A_211, %and3A_227 : vector<16xi32>
    tpu.vector_store_idx %arg8[%shift_right_arithmetic3A_225, %and3A_228], %broadcast_in_dim3A_18 masked %ge3A_213 : memref<160x128xi32, #tpu.memory_space<vmem>>[vector<16xi32>, vector<16xi32>], vector<16xi32>, vector<16xi1>
    %iota3A_229 = tpu.iota {dimensions = array<i32: 0>} : vector<16xi32>
    %add3A_230 = arith.constant 0 : i32
    %add3A_231 = vector.broadcast %add3A_230 : i32 to vector<16xi32>
    %add3A_232 = arith.addi %iota3A_229, %add3A_231 : vector<16xi32>
    %add3A_233 = vector.broadcast %shift_left3A_29 : i32 to vector<16xi32>
    %add3A_234 = arith.addi %add3A_233, %add3A_232 : vector<16xi32>
    %ge3A_235 = vector.broadcast %scan3A_16 : i32 to vector<16xi32>
    %ge3A_236 = arith.cmpi sge, %add3A_234, %ge3A_235 : vector<16xi32>
    %shift_right_arithmetic3A_237 = arith.constant 7 : i32
    %shift_right_arithmetic3A_238 = vector.broadcast %shift_right_arithmetic3A_237 : i32 to vector<16xi32>
    %shift_right_arithmetic3A_239 = arith.shrsi %add3A_234, %shift_right_arithmetic3A_238 : vector<16xi32>
    %and3A_240 = arith.constant 127 : i32
    %and3A_241 = vector.broadcast %and3A_240 : i32 to vector<16xi32>
    %and3A_242 = arith.andi %add3A_234, %and3A_241 : vector<16xi32>
    %add3A_243 = arith.constant 10000 : i32
    %add3A_244 = vector.broadcast %add3A_243 : i32 to vector<16xi32>
    %add3A_245 = arith.addi %add3A_232, %add3A_244 : vector<16xi32>
    tpu.vector_store_idx %arg7[%shift_right_arithmetic3A_239, %and3A_242], %add3A_245 masked %ge3A_236 : memref<160x128xi32, #tpu.memory_space<vmem>>[vector<16xi32>, vector<16xi32>], vector<16xi32>, vector<16xi1>
    %shift_right_arithmetic3A_246 = arith.constant 7 : i32
    %shift_right_arithmetic3A_247 = vector.broadcast %shift_right_arithmetic3A_246 : i32 to vector<16xi32>
    %shift_right_arithmetic3A_248 = arith.shrsi %add3A_234, %shift_right_arithmetic3A_247 : vector<16xi32>
    %and3A_249 = arith.constant 127 : i32
    %and3A_250 = vector.broadcast %and3A_249 : i32 to vector<16xi32>
    %and3A_251 = arith.andi %add3A_234, %and3A_250 : vector<16xi32>
    tpu.vector_store_idx %arg8[%shift_right_arithmetic3A_248, %and3A_251], %broadcast_in_dim3A_18 masked %ge3A_236 : memref<160x128xi32, #tpu.memory_space<vmem>>[vector<16xi32>, vector<16xi32>], vector<16xi32>, vector<16xi1>
    %iota3A_252 = tpu.iota {dimensions = array<i32: 0>} : vector<16xi32>
    %add3A_253 = arith.constant 16 : i32
    %add3A_254 = vector.broadcast %add3A_253 : i32 to vector<16xi32>
    %add3A_255 = arith.addi %iota3A_252, %add3A_254 : vector<16xi32>
    %add3A_256 = vector.broadcast %shift_left3A_29 : i32 to vector<16xi32>
    %add3A_257 = arith.addi %add3A_256, %add3A_255 : vector<16xi32>
    %ge3A_258 = vector.broadcast %scan3A_16 : i32 to vector<16xi32>
    %ge3A_259 = arith.cmpi sge, %add3A_257, %ge3A_258 : vector<16xi32>
    %shift_right_arithmetic3A_260 = arith.constant 7 : i32
    %shift_right_arithmetic3A_261 = vector.broadcast %shift_right_arithmetic3A_260 : i32 to vector<16xi32>
    %shift_right_arithmetic3A_262 = arith.shrsi %add3A_257, %shift_right_arithmetic3A_261 : vector<16xi32>
    %and3A_263 = arith.constant 127 : i32
    %and3A_264 = vector.broadcast %and3A_263 : i32 to vector<16xi32>
    %and3A_265 = arith.andi %add3A_257, %and3A_264 : vector<16xi32>
    %add3A_266 = arith.constant 10000 : i32
    %add3A_267 = vector.broadcast %add3A_266 : i32 to vector<16xi32>
    %add3A_268 = arith.addi %add3A_255, %add3A_267 : vector<16xi32>
    tpu.vector_store_idx %arg7[%shift_right_arithmetic3A_262, %and3A_265], %add3A_268 masked %ge3A_259 : memref<160x128xi32, #tpu.memory_space<vmem>>[vector<16xi32>, vector<16xi32>], vector<16xi32>, vector<16xi1>
    %shift_right_arithmetic3A_269 = arith.constant 7 : i32
    %shift_right_arithmetic3A_270 = vector.broadcast %shift_right_arithmetic3A_269 : i32 to vector<16xi32>
    %shift_right_arithmetic3A_271 = arith.shrsi %add3A_257, %shift_right_arithmetic3A_270 : vector<16xi32>
    %and3A_272 = arith.constant 127 : i32
    %and3A_273 = vector.broadcast %and3A_272 : i32 to vector<16xi32>
    %and3A_274 = arith.andi %add3A_257, %and3A_273 : vector<16xi32>
    tpu.vector_store_idx %arg8[%shift_right_arithmetic3A_271, %and3A_274], %broadcast_in_dim3A_18 masked %ge3A_259 : memref<160x128xi32, #tpu.memory_space<vmem>>[vector<16xi32>, vector<16xi32>], vector<16xi32>, vector<16xi1>
    %iota3A_275 = tpu.iota {dimensions = array<i32: 0>} : vector<16xi32>
    %add3A_276 = arith.constant 32 : i32
    %add3A_277 = vector.broadcast %add3A_276 : i32 to vector<16xi32>
    %add3A_278 = arith.addi %iota3A_275, %add3A_277 : vector<16xi32>
    %add3A_279 = vector.broadcast %shift_left3A_29 : i32 to vector<16xi32>
    %add3A_280 = arith.addi %add3A_279, %add3A_278 : vector<16xi32>
    %ge3A_281 = vector.broadcast %scan3A_16 : i32 to vector<16xi32>
    %ge3A_282 = arith.cmpi sge, %add3A_280, %ge3A_281 : vector<16xi32>
    %shift_right_arithmetic3A_283 = arith.constant 7 : i32
    %shift_right_arithmetic3A_284 = vector.broadcast %shift_right_arithmetic3A_283 : i32 to vector<16xi32>
    %shift_right_arithmetic3A_285 = arith.shrsi %add3A_280, %shift_right_arithmetic3A_284 : vector<16xi32>
    %and3A_286 = arith.constant 127 : i32
    %and3A_287 = vector.broadcast %and3A_286 : i32 to vector<16xi32>
    %and3A_288 = arith.andi %add3A_280, %and3A_287 : vector<16xi32>
    %add3A_289 = arith.constant 10000 : i32
    %add3A_290 = vector.broadcast %add3A_289 : i32 to vector<16xi32>
    %add3A_291 = arith.addi %add3A_278, %add3A_290 : vector<16xi32>
    tpu.vector_store_idx %arg7[%shift_right_arithmetic3A_285, %and3A_288], %add3A_291 masked %ge3A_282 : memref<160x128xi32, #tpu.memory_space<vmem>>[vector<16xi32>, vector<16xi32>], vector<16xi32>, vector<16xi1>
    %shift_right_arithmetic3A_292 = arith.constant 7 : i32
    %shift_right_arithmetic3A_293 = vector.broadcast %shift_right_arithmetic3A_292 : i32 to vector<16xi32>
    %shift_right_arithmetic3A_294 = arith.shrsi %add3A_280, %shift_right_arithmetic3A_293 : vector<16xi32>
    %and3A_295 = arith.constant 127 : i32
    %and3A_296 = vector.broadcast %and3A_295 : i32 to vector<16xi32>
    %and3A_297 = arith.andi %add3A_280, %and3A_296 : vector<16xi32>
    tpu.vector_store_idx %arg8[%shift_right_arithmetic3A_294, %and3A_297], %broadcast_in_dim3A_18 masked %ge3A_282 : memref<160x128xi32, #tpu.memory_space<vmem>>[vector<16xi32>, vector<16xi32>], vector<16xi32>, vector<16xi1>
    %iota3A_298 = tpu.iota {dimensions = array<i32: 0>} : vector<16xi32>
    %add3A_299 = arith.constant 48 : i32
    %add3A_300 = vector.broadcast %add3A_299 : i32 to vector<16xi32>
    %add3A_301 = arith.addi %iota3A_298, %add3A_300 : vector<16xi32>
    %add3A_302 = vector.broadcast %shift_left3A_29 : i32 to vector<16xi32>
    %add3A_303 = arith.addi %add3A_302, %add3A_301 : vector<16xi32>
    %ge3A_304 = vector.broadcast %scan3A_16 : i32 to vector<16xi32>
    %ge3A_305 = arith.cmpi sge, %add3A_303, %ge3A_304 : vector<16xi32>
    %shift_right_arithmetic3A_306 = arith.constant 7 : i32
    %shift_right_arithmetic3A_307 = vector.broadcast %shift_right_arithmetic3A_306 : i32 to vector<16xi32>
    %shift_right_arithmetic3A_308 = arith.shrsi %add3A_303, %shift_right_arithmetic3A_307 : vector<16xi32>
    %and3A_309 = arith.constant 127 : i32
    %and3A_310 = vector.broadcast %and3A_309 : i32 to vector<16xi32>
    %and3A_311 = arith.andi %add3A_303, %and3A_310 : vector<16xi32>
    %add3A_312 = arith.constant 10000 : i32
    %add3A_313 = vector.broadcast %add3A_312 : i32 to vector<16xi32>
    %add3A_314 = arith.addi %add3A_301, %add3A_313 : vector<16xi32>
    tpu.vector_store_idx %arg7[%shift_right_arithmetic3A_308, %and3A_311], %add3A_314 masked %ge3A_305 : memref<160x128xi32, #tpu.memory_space<vmem>>[vector<16xi32>, vector<16xi32>], vector<16xi32>, vector<16xi1>
    %shift_right_arithmetic3A_315 = arith.constant 7 : i32
    %shift_right_arithmetic3A_316 = vector.broadcast %shift_right_arithmetic3A_315 : i32 to vector<16xi32>
    %shift_right_arithmetic3A_317 = arith.shrsi %add3A_303, %shift_right_arithmetic3A_316 : vector<16xi32>
    %and3A_318 = arith.constant 127 : i32
    %and3A_319 = vector.broadcast %and3A_318 : i32 to vector<16xi32>
    %and3A_320 = arith.andi %add3A_303, %and3A_319 : vector<16xi32>
    tpu.vector_store_idx %arg8[%shift_right_arithmetic3A_317, %and3A_320], %broadcast_in_dim3A_18 masked %ge3A_305 : memref<160x128xi32, #tpu.memory_space<vmem>>[vector<16xi32>, vector<16xi32>], vector<16xi32>, vector<16xi1>
    %iota3A_321 = tpu.iota {dimensions = array<i32: 0>} : vector<16xi32>
    %add3A_322 = arith.constant 64 : i32
    %add3A_323 = vector.broadcast %add3A_322 : i32 to vector<16xi32>
    %add3A_324 = arith.addi %iota3A_321, %add3A_323 : vector<16xi32>
    %add3A_325 = vector.broadcast %shift_left3A_29 : i32 to vector<16xi32>
    %add3A_326 = arith.addi %add3A_325, %add3A_324 : vector<16xi32>
    %ge3A_327 = vector.broadcast %scan3A_16 : i32 to vector<16xi32>
    %ge3A_328 = arith.cmpi sge, %add3A_326, %ge3A_327 : vector<16xi32>
    %shift_right_arithmetic3A_329 = arith.constant 7 : i32
    %shift_right_arithmetic3A_330 = vector.broadcast %shift_right_arithmetic3A_329 : i32 to vector<16xi32>
    %shift_right_arithmetic3A_331 = arith.shrsi %add3A_326, %shift_right_arithmetic3A_330 : vector<16xi32>
    %and3A_332 = arith.constant 127 : i32
    %and3A_333 = vector.broadcast %and3A_332 : i32 to vector<16xi32>
    %and3A_334 = arith.andi %add3A_326, %and3A_333 : vector<16xi32>
    %add3A_335 = arith.constant 10000 : i32
    %add3A_336 = vector.broadcast %add3A_335 : i32 to vector<16xi32>
    %add3A_337 = arith.addi %add3A_324, %add3A_336 : vector<16xi32>
    tpu.vector_store_idx %arg7[%shift_right_arithmetic3A_331, %and3A_334], %add3A_337 masked %ge3A_328 : memref<160x128xi32, #tpu.memory_space<vmem>>[vector<16xi32>, vector<16xi32>], vector<16xi32>, vector<16xi1>
    %shift_right_arithmetic3A_338 = arith.constant 7 : i32
    %shift_right_arithmetic3A_339 = vector.broadcast %shift_right_arithmetic3A_338 : i32 to vector<16xi32>
    %shift_right_arithmetic3A_340 = arith.shrsi %add3A_326, %shift_right_arithmetic3A_339 : vector<16xi32>
    %and3A_341 = arith.constant 127 : i32
    %and3A_342 = vector.broadcast %and3A_341 : i32 to vector<16xi32>
    %and3A_343 = arith.andi %add3A_326, %and3A_342 : vector<16xi32>
    tpu.vector_store_idx %arg8[%shift_right_arithmetic3A_340, %and3A_343], %broadcast_in_dim3A_18 masked %ge3A_328 : memref<160x128xi32, #tpu.memory_space<vmem>>[vector<16xi32>, vector<16xi32>], vector<16xi32>, vector<16xi1>
    %iota3A_344 = tpu.iota {dimensions = array<i32: 0>} : vector<16xi32>
    %add3A_345 = arith.constant 80 : i32
    %add3A_346 = vector.broadcast %add3A_345 : i32 to vector<16xi32>
    %add3A_347 = arith.addi %iota3A_344, %add3A_346 : vector<16xi32>
    %add3A_348 = vector.broadcast %shift_left3A_29 : i32 to vector<16xi32>
    %add3A_349 = arith.addi %add3A_348, %add3A_347 : vector<16xi32>
    %ge3A_350 = vector.broadcast %scan3A_16 : i32 to vector<16xi32>
    %ge3A_351 = arith.cmpi sge, %add3A_349, %ge3A_350 : vector<16xi32>
    %shift_right_arithmetic3A_352 = arith.constant 7 : i32
    %shift_right_arithmetic3A_353 = vector.broadcast %shift_right_arithmetic3A_352 : i32 to vector<16xi32>
    %shift_right_arithmetic3A_354 = arith.shrsi %add3A_349, %shift_right_arithmetic3A_353 : vector<16xi32>
    %and3A_355 = arith.constant 127 : i32
    %and3A_356 = vector.broadcast %and3A_355 : i32 to vector<16xi32>
    %and3A_357 = arith.andi %add3A_349, %and3A_356 : vector<16xi32>
    %add3A_358 = arith.constant 10000 : i32
    %add3A_359 = vector.broadcast %add3A_358 : i32 to vector<16xi32>
    %add3A_360 = arith.addi %add3A_347, %add3A_359 : vector<16xi32>
    tpu.vector_store_idx %arg7[%shift_right_arithmetic3A_354, %and3A_357], %add3A_360 masked %ge3A_351 : memref<160x128xi32, #tpu.memory_space<vmem>>[vector<16xi32>, vector<16xi32>], vector<16xi32>, vector<16xi1>
    %shift_right_arithmetic3A_361 = arith.constant 7 : i32
    %shift_right_arithmetic3A_362 = vector.broadcast %shift_right_arithmetic3A_361 : i32 to vector<16xi32>
    %shift_right_arithmetic3A_363 = arith.shrsi %add3A_349, %shift_right_arithmetic3A_362 : vector<16xi32>
    %and3A_364 = arith.constant 127 : i32
    %and3A_365 = vector.broadcast %and3A_364 : i32 to vector<16xi32>
    %and3A_366 = arith.andi %add3A_349, %and3A_365 : vector<16xi32>
    tpu.vector_store_idx %arg8[%shift_right_arithmetic3A_363, %and3A_366], %broadcast_in_dim3A_18 masked %ge3A_351 : memref<160x128xi32, #tpu.memory_space<vmem>>[vector<16xi32>, vector<16xi32>], vector<16xi32>, vector<16xi1>
    %iota3A_367 = tpu.iota {dimensions = array<i32: 0>} : vector<16xi32>
    %add3A_368 = arith.constant 96 : i32
    %add3A_369 = vector.broadcast %add3A_368 : i32 to vector<16xi32>
    %add3A_370 = arith.addi %iota3A_367, %add3A_369 : vector<16xi32>
    %add3A_371 = vector.broadcast %shift_left3A_29 : i32 to vector<16xi32>
    %add3A_372 = arith.addi %add3A_371, %add3A_370 : vector<16xi32>
    %ge3A_373 = vector.broadcast %scan3A_16 : i32 to vector<16xi32>
    %ge3A_374 = arith.cmpi sge, %add3A_372, %ge3A_373 : vector<16xi32>
    %shift_right_arithmetic3A_375 = arith.constant 7 : i32
    %shift_right_arithmetic3A_376 = vector.broadcast %shift_right_arithmetic3A_375 : i32 to vector<16xi32>
    %shift_right_arithmetic3A_377 = arith.shrsi %add3A_372, %shift_right_arithmetic3A_376 : vector<16xi32>
    %and3A_378 = arith.constant 127 : i32
    %and3A_379 = vector.broadcast %and3A_378 : i32 to vector<16xi32>
    %and3A_380 = arith.andi %add3A_372, %and3A_379 : vector<16xi32>
    %add3A_381 = arith.constant 10000 : i32
    %add3A_382 = vector.broadcast %add3A_381 : i32 to vector<16xi32>
    %add3A_383 = arith.addi %add3A_370, %add3A_382 : vector<16xi32>
    tpu.vector_store_idx %arg7[%shift_right_arithmetic3A_377, %and3A_380], %add3A_383 masked %ge3A_374 : memref<160x128xi32, #tpu.memory_space<vmem>>[vector<16xi32>, vector<16xi32>], vector<16xi32>, vector<16xi1>
    %shift_right_arithmetic3A_384 = arith.constant 7 : i32
    %shift_right_arithmetic3A_385 = vector.broadcast %shift_right_arithmetic3A_384 : i32 to vector<16xi32>
    %shift_right_arithmetic3A_386 = arith.shrsi %add3A_372, %shift_right_arithmetic3A_385 : vector<16xi32>
    %and3A_387 = arith.constant 127 : i32
    %and3A_388 = vector.broadcast %and3A_387 : i32 to vector<16xi32>
    %and3A_389 = arith.andi %add3A_372, %and3A_388 : vector<16xi32>
    tpu.vector_store_idx %arg8[%shift_right_arithmetic3A_386, %and3A_389], %broadcast_in_dim3A_18 masked %ge3A_374 : memref<160x128xi32, #tpu.memory_space<vmem>>[vector<16xi32>, vector<16xi32>], vector<16xi32>, vector<16xi1>
    %iota3A_390 = tpu.iota {dimensions = array<i32: 0>} : vector<16xi32>
    %add3A_391 = arith.constant 112 : i32
    %add3A_392 = vector.broadcast %add3A_391 : i32 to vector<16xi32>
    %add3A_393 = arith.addi %iota3A_390, %add3A_392 : vector<16xi32>
    %add3A_394 = vector.broadcast %shift_left3A_29 : i32 to vector<16xi32>
    %add3A_395 = arith.addi %add3A_394, %add3A_393 : vector<16xi32>
    %ge3A_396 = vector.broadcast %scan3A_16 : i32 to vector<16xi32>
    %ge3A_397 = arith.cmpi sge, %add3A_395, %ge3A_396 : vector<16xi32>
    %shift_right_arithmetic3A_398 = arith.constant 7 : i32
    %shift_right_arithmetic3A_399 = vector.broadcast %shift_right_arithmetic3A_398 : i32 to vector<16xi32>
    %shift_right_arithmetic3A_400 = arith.shrsi %add3A_395, %shift_right_arithmetic3A_399 : vector<16xi32>
    %and3A_401 = arith.constant 127 : i32
    %and3A_402 = vector.broadcast %and3A_401 : i32 to vector<16xi32>
    %and3A_403 = arith.andi %add3A_395, %and3A_402 : vector<16xi32>
    %add3A_404 = arith.constant 10000 : i32
    %add3A_405 = vector.broadcast %add3A_404 : i32 to vector<16xi32>
    %add3A_406 = arith.addi %add3A_393, %add3A_405 : vector<16xi32>
    tpu.vector_store_idx %arg7[%shift_right_arithmetic3A_400, %and3A_403], %add3A_406 masked %ge3A_397 : memref<160x128xi32, #tpu.memory_space<vmem>>[vector<16xi32>, vector<16xi32>], vector<16xi32>, vector<16xi1>
    %shift_right_arithmetic3A_407 = arith.constant 7 : i32
    %shift_right_arithmetic3A_408 = vector.broadcast %shift_right_arithmetic3A_407 : i32 to vector<16xi32>
    %shift_right_arithmetic3A_409 = arith.shrsi %add3A_395, %shift_right_arithmetic3A_408 : vector<16xi32>
    %and3A_410 = arith.constant 127 : i32
    %and3A_411 = vector.broadcast %and3A_410 : i32 to vector<16xi32>
    %and3A_412 = arith.andi %add3A_395, %and3A_411 : vector<16xi32>
    tpu.vector_store_idx %arg8[%shift_right_arithmetic3A_409, %and3A_412], %broadcast_in_dim3A_18 masked %ge3A_397 : memref<160x128xi32, #tpu.memory_space<vmem>>[vector<16xi32>, vector<16xi32>], vector<16xi32>, vector<16xi1>
    %iota3A_413 = tpu.iota {dimensions = array<i32: 0>} : vector<16xi32>
    %add3A_414 = arith.constant 0 : i32
    %add3A_415 = vector.broadcast %add3A_414 : i32 to vector<16xi32>
    %add3A_416 = arith.addi %iota3A_413, %add3A_415 : vector<16xi32>
    %add3A_417 = vector.broadcast %shift_left3A_35 : i32 to vector<16xi32>
    %add3A_418 = arith.addi %add3A_417, %add3A_416 : vector<16xi32>
    %ge3A_419 = vector.broadcast %scan3A_16 : i32 to vector<16xi32>
    %ge3A_420 = arith.cmpi sge, %add3A_418, %ge3A_419 : vector<16xi32>
    %shift_right_arithmetic3A_421 = arith.constant 7 : i32
    %shift_right_arithmetic3A_422 = vector.broadcast %shift_right_arithmetic3A_421 : i32 to vector<16xi32>
    %shift_right_arithmetic3A_423 = arith.shrsi %add3A_418, %shift_right_arithmetic3A_422 : vector<16xi32>
    %and3A_424 = arith.constant 127 : i32
    %and3A_425 = vector.broadcast %and3A_424 : i32 to vector<16xi32>
    %and3A_426 = arith.andi %add3A_418, %and3A_425 : vector<16xi32>
    %add3A_427 = arith.constant 10000 : i32
    %add3A_428 = vector.broadcast %add3A_427 : i32 to vector<16xi32>
    %add3A_429 = arith.addi %add3A_416, %add3A_428 : vector<16xi32>
    tpu.vector_store_idx %arg7[%shift_right_arithmetic3A_423, %and3A_426], %add3A_429 masked %ge3A_420 : memref<160x128xi32, #tpu.memory_space<vmem>>[vector<16xi32>, vector<16xi32>], vector<16xi32>, vector<16xi1>
    %shift_right_arithmetic3A_430 = arith.constant 7 : i32
    %shift_right_arithmetic3A_431 = vector.broadcast %shift_right_arithmetic3A_430 : i32 to vector<16xi32>
    %shift_right_arithmetic3A_432 = arith.shrsi %add3A_418, %shift_right_arithmetic3A_431 : vector<16xi32>
    %and3A_433 = arith.constant 127 : i32
    %and3A_434 = vector.broadcast %and3A_433 : i32 to vector<16xi32>
    %and3A_435 = arith.andi %add3A_418, %and3A_434 : vector<16xi32>
    tpu.vector_store_idx %arg8[%shift_right_arithmetic3A_432, %and3A_435], %broadcast_in_dim3A_18 masked %ge3A_420 : memref<160x128xi32, #tpu.memory_space<vmem>>[vector<16xi32>, vector<16xi32>], vector<16xi32>, vector<16xi1>
    %iota3A_436 = tpu.iota {dimensions = array<i32: 0>} : vector<16xi32>
    %add3A_437 = arith.constant 16 : i32
    %add3A_438 = vector.broadcast %add3A_437 : i32 to vector<16xi32>
    %add3A_439 = arith.addi %iota3A_436, %add3A_438 : vector<16xi32>
    %add3A_440 = vector.broadcast %shift_left3A_35 : i32 to vector<16xi32>
    %add3A_441 = arith.addi %add3A_440, %add3A_439 : vector<16xi32>
    %ge3A_442 = vector.broadcast %scan3A_16 : i32 to vector<16xi32>
    %ge3A_443 = arith.cmpi sge, %add3A_441, %ge3A_442 : vector<16xi32>
    %shift_right_arithmetic3A_444 = arith.constant 7 : i32
    %shift_right_arithmetic3A_445 = vector.broadcast %shift_right_arithmetic3A_444 : i32 to vector<16xi32>
    %shift_right_arithmetic3A_446 = arith.shrsi %add3A_441, %shift_right_arithmetic3A_445 : vector<16xi32>
    %and3A_447 = arith.constant 127 : i32
    %and3A_448 = vector.broadcast %and3A_447 : i32 to vector<16xi32>
    %and3A_449 = arith.andi %add3A_441, %and3A_448 : vector<16xi32>
    %add3A_450 = arith.constant 10000 : i32
    %add3A_451 = vector.broadcast %add3A_450 : i32 to vector<16xi32>
    %add3A_452 = arith.addi %add3A_439, %add3A_451 : vector<16xi32>
    tpu.vector_store_idx %arg7[%shift_right_arithmetic3A_446, %and3A_449], %add3A_452 masked %ge3A_443 : memref<160x128xi32, #tpu.memory_space<vmem>>[vector<16xi32>, vector<16xi32>], vector<16xi32>, vector<16xi1>
    %shift_right_arithmetic3A_453 = arith.constant 7 : i32
    %shift_right_arithmetic3A_454 = vector.broadcast %shift_right_arithmetic3A_453 : i32 to vector<16xi32>
    %shift_right_arithmetic3A_455 = arith.shrsi %add3A_441, %shift_right_arithmetic3A_454 : vector<16xi32>
    %and3A_456 = arith.constant 127 : i32
    %and3A_457 = vector.broadcast %and3A_456 : i32 to vector<16xi32>
    %and3A_458 = arith.andi %add3A_441, %and3A_457 : vector<16xi32>
    tpu.vector_store_idx %arg8[%shift_right_arithmetic3A_455, %and3A_458], %broadcast_in_dim3A_18 masked %ge3A_443 : memref<160x128xi32, #tpu.memory_space<vmem>>[vector<16xi32>, vector<16xi32>], vector<16xi32>, vector<16xi1>
    %iota3A_459 = tpu.iota {dimensions = array<i32: 0>} : vector<16xi32>
    %add3A_460 = arith.constant 32 : i32
    %add3A_461 = vector.broadcast %add3A_460 : i32 to vector<16xi32>
    %add3A_462 = arith.addi %iota3A_459, %add3A_461 : vector<16xi32>
    %add3A_463 = vector.broadcast %shift_left3A_35 : i32 to vector<16xi32>
    %add3A_464 = arith.addi %add3A_463, %add3A_462 : vector<16xi32>
    %ge3A_465 = vector.broadcast %scan3A_16 : i32 to vector<16xi32>
    %ge3A_466 = arith.cmpi sge, %add3A_464, %ge3A_465 : vector<16xi32>
    %shift_right_arithmetic3A_467 = arith.constant 7 : i32
    %shift_right_arithmetic3A_468 = vector.broadcast %shift_right_arithmetic3A_467 : i32 to vector<16xi32>
    %shift_right_arithmetic3A_469 = arith.shrsi %add3A_464, %shift_right_arithmetic3A_468 : vector<16xi32>
    %and3A_470 = arith.constant 127 : i32
    %and3A_471 = vector.broadcast %and3A_470 : i32 to vector<16xi32>
    %and3A_472 = arith.andi %add3A_464, %and3A_471 : vector<16xi32>
    %add3A_473 = arith.constant 10000 : i32
    %add3A_474 = vector.broadcast %add3A_473 : i32 to vector<16xi32>
    %add3A_475 = arith.addi %add3A_462, %add3A_474 : vector<16xi32>
    tpu.vector_store_idx %arg7[%shift_right_arithmetic3A_469, %and3A_472], %add3A_475 masked %ge3A_466 : memref<160x128xi32, #tpu.memory_space<vmem>>[vector<16xi32>, vector<16xi32>], vector<16xi32>, vector<16xi1>
    %shift_right_arithmetic3A_476 = arith.constant 7 : i32
    %shift_right_arithmetic3A_477 = vector.broadcast %shift_right_arithmetic3A_476 : i32 to vector<16xi32>
    %shift_right_arithmetic3A_478 = arith.shrsi %add3A_464, %shift_right_arithmetic3A_477 : vector<16xi32>
    %and3A_479 = arith.constant 127 : i32
    %and3A_480 = vector.broadcast %and3A_479 : i32 to vector<16xi32>
    %and3A_481 = arith.andi %add3A_464, %and3A_480 : vector<16xi32>
    tpu.vector_store_idx %arg8[%shift_right_arithmetic3A_478, %and3A_481], %broadcast_in_dim3A_18 masked %ge3A_466 : memref<160x128xi32, #tpu.memory_space<vmem>>[vector<16xi32>, vector<16xi32>], vector<16xi32>, vector<16xi1>
    %iota3A_482 = tpu.iota {dimensions = array<i32: 0>} : vector<16xi32>
    %add3A_483 = arith.constant 48 : i32
    %add3A_484 = vector.broadcast %add3A_483 : i32 to vector<16xi32>
    %add3A_485 = arith.addi %iota3A_482, %add3A_484 : vector<16xi32>
    %add3A_486 = vector.broadcast %shift_left3A_35 : i32 to vector<16xi32>
    %add3A_487 = arith.addi %add3A_486, %add3A_485 : vector<16xi32>
    %ge3A_488 = vector.broadcast %scan3A_16 : i32 to vector<16xi32>
    %ge3A_489 = arith.cmpi sge, %add3A_487, %ge3A_488 : vector<16xi32>
    %shift_right_arithmetic3A_490 = arith.constant 7 : i32
    %shift_right_arithmetic3A_491 = vector.broadcast %shift_right_arithmetic3A_490 : i32 to vector<16xi32>
    %shift_right_arithmetic3A_492 = arith.shrsi %add3A_487, %shift_right_arithmetic3A_491 : vector<16xi32>
    %and3A_493 = arith.constant 127 : i32
    %and3A_494 = vector.broadcast %and3A_493 : i32 to vector<16xi32>
    %and3A_495 = arith.andi %add3A_487, %and3A_494 : vector<16xi32>
    %add3A_496 = arith.constant 10000 : i32
    %add3A_497 = vector.broadcast %add3A_496 : i32 to vector<16xi32>
    %add3A_498 = arith.addi %add3A_485, %add3A_497 : vector<16xi32>
    tpu.vector_store_idx %arg7[%shift_right_arithmetic3A_492, %and3A_495], %add3A_498 masked %ge3A_489 : memref<160x128xi32, #tpu.memory_space<vmem>>[vector<16xi32>, vector<16xi32>], vector<16xi32>, vector<16xi1>
    %shift_right_arithmetic3A_499 = arith.constant 7 : i32
    %shift_right_arithmetic3A_500 = vector.broadcast %shift_right_arithmetic3A_499 : i32 to vector<16xi32>
    %shift_right_arithmetic3A_501 = arith.shrsi %add3A_487, %shift_right_arithmetic3A_500 : vector<16xi32>
    %and3A_502 = arith.constant 127 : i32
    %and3A_503 = vector.broadcast %and3A_502 : i32 to vector<16xi32>
    %and3A_504 = arith.andi %add3A_487, %and3A_503 : vector<16xi32>
    tpu.vector_store_idx %arg8[%shift_right_arithmetic3A_501, %and3A_504], %broadcast_in_dim3A_18 masked %ge3A_489 : memref<160x128xi32, #tpu.memory_space<vmem>>[vector<16xi32>, vector<16xi32>], vector<16xi32>, vector<16xi1>
    %iota3A_505 = tpu.iota {dimensions = array<i32: 0>} : vector<16xi32>
    %add3A_506 = arith.constant 64 : i32
    %add3A_507 = vector.broadcast %add3A_506 : i32 to vector<16xi32>
    %add3A_508 = arith.addi %iota3A_505, %add3A_507 : vector<16xi32>
    %add3A_509 = vector.broadcast %shift_left3A_35 : i32 to vector<16xi32>
    %add3A_510 = arith.addi %add3A_509, %add3A_508 : vector<16xi32>
    %ge3A_511 = vector.broadcast %scan3A_16 : i32 to vector<16xi32>
    %ge3A_512 = arith.cmpi sge, %add3A_510, %ge3A_511 : vector<16xi32>
    %shift_right_arithmetic3A_513 = arith.constant 7 : i32
    %shift_right_arithmetic3A_514 = vector.broadcast %shift_right_arithmetic3A_513 : i32 to vector<16xi32>
    %shift_right_arithmetic3A_515 = arith.shrsi %add3A_510, %shift_right_arithmetic3A_514 : vector<16xi32>
    %and3A_516 = arith.constant 127 : i32
    %and3A_517 = vector.broadcast %and3A_516 : i32 to vector<16xi32>
    %and3A_518 = arith.andi %add3A_510, %and3A_517 : vector<16xi32>
    %add3A_519 = arith.constant 10000 : i32
    %add3A_520 = vector.broadcast %add3A_519 : i32 to vector<16xi32>
    %add3A_521 = arith.addi %add3A_508, %add3A_520 : vector<16xi32>
    tpu.vector_store_idx %arg7[%shift_right_arithmetic3A_515, %and3A_518], %add3A_521 masked %ge3A_512 : memref<160x128xi32, #tpu.memory_space<vmem>>[vector<16xi32>, vector<16xi32>], vector<16xi32>, vector<16xi1>
    %shift_right_arithmetic3A_522 = arith.constant 7 : i32
    %shift_right_arithmetic3A_523 = vector.broadcast %shift_right_arithmetic3A_522 : i32 to vector<16xi32>
    %shift_right_arithmetic3A_524 = arith.shrsi %add3A_510, %shift_right_arithmetic3A_523 : vector<16xi32>
    %and3A_525 = arith.constant 127 : i32
    %and3A_526 = vector.broadcast %and3A_525 : i32 to vector<16xi32>
    %and3A_527 = arith.andi %add3A_510, %and3A_526 : vector<16xi32>
    tpu.vector_store_idx %arg8[%shift_right_arithmetic3A_524, %and3A_527], %broadcast_in_dim3A_18 masked %ge3A_512 : memref<160x128xi32, #tpu.memory_space<vmem>>[vector<16xi32>, vector<16xi32>], vector<16xi32>, vector<16xi1>
    %iota3A_528 = tpu.iota {dimensions = array<i32: 0>} : vector<16xi32>
    %add3A_529 = arith.constant 80 : i32
    %add3A_530 = vector.broadcast %add3A_529 : i32 to vector<16xi32>
    %add3A_531 = arith.addi %iota3A_528, %add3A_530 : vector<16xi32>
    %add3A_532 = vector.broadcast %shift_left3A_35 : i32 to vector<16xi32>
    %add3A_533 = arith.addi %add3A_532, %add3A_531 : vector<16xi32>
    %ge3A_534 = vector.broadcast %scan3A_16 : i32 to vector<16xi32>
    %ge3A_535 = arith.cmpi sge, %add3A_533, %ge3A_534 : vector<16xi32>
    %shift_right_arithmetic3A_536 = arith.constant 7 : i32
    %shift_right_arithmetic3A_537 = vector.broadcast %shift_right_arithmetic3A_536 : i32 to vector<16xi32>
    %shift_right_arithmetic3A_538 = arith.shrsi %add3A_533, %shift_right_arithmetic3A_537 : vector<16xi32>
    %and3A_539 = arith.constant 127 : i32
    %and3A_540 = vector.broadcast %and3A_539 : i32 to vector<16xi32>
    %and3A_541 = arith.andi %add3A_533, %and3A_540 : vector<16xi32>
    %add3A_542 = arith.constant 10000 : i32
    %add3A_543 = vector.broadcast %add3A_542 : i32 to vector<16xi32>
    %add3A_544 = arith.addi %add3A_531, %add3A_543 : vector<16xi32>
    tpu.vector_store_idx %arg7[%shift_right_arithmetic3A_538, %and3A_541], %add3A_544 masked %ge3A_535 : memref<160x128xi32, #tpu.memory_space<vmem>>[vector<16xi32>, vector<16xi32>], vector<16xi32>, vector<16xi1>
    %shift_right_arithmetic3A_545 = arith.constant 7 : i32
    %shift_right_arithmetic3A_546 = vector.broadcast %shift_right_arithmetic3A_545 : i32 to vector<16xi32>
    %shift_right_arithmetic3A_547 = arith.shrsi %add3A_533, %shift_right_arithmetic3A_546 : vector<16xi32>
    %and3A_548 = arith.constant 127 : i32
    %and3A_549 = vector.broadcast %and3A_548 : i32 to vector<16xi32>
    %and3A_550 = arith.andi %add3A_533, %and3A_549 : vector<16xi32>
    tpu.vector_store_idx %arg8[%shift_right_arithmetic3A_547, %and3A_550], %broadcast_in_dim3A_18 masked %ge3A_535 : memref<160x128xi32, #tpu.memory_space<vmem>>[vector<16xi32>, vector<16xi32>], vector<16xi32>, vector<16xi1>
    %iota3A_551 = tpu.iota {dimensions = array<i32: 0>} : vector<16xi32>
    %add3A_552 = arith.constant 96 : i32
    %add3A_553 = vector.broadcast %add3A_552 : i32 to vector<16xi32>
    %add3A_554 = arith.addi %iota3A_551, %add3A_553 : vector<16xi32>
    %add3A_555 = vector.broadcast %shift_left3A_35 : i32 to vector<16xi32>
    %add3A_556 = arith.addi %add3A_555, %add3A_554 : vector<16xi32>
    %ge3A_557 = vector.broadcast %scan3A_16 : i32 to vector<16xi32>
    %ge3A_558 = arith.cmpi sge, %add3A_556, %ge3A_557 : vector<16xi32>
    %shift_right_arithmetic3A_559 = arith.constant 7 : i32
    %shift_right_arithmetic3A_560 = vector.broadcast %shift_right_arithmetic3A_559 : i32 to vector<16xi32>
    %shift_right_arithmetic3A_561 = arith.shrsi %add3A_556, %shift_right_arithmetic3A_560 : vector<16xi32>
    %and3A_562 = arith.constant 127 : i32
    %and3A_563 = vector.broadcast %and3A_562 : i32 to vector<16xi32>
    %and3A_564 = arith.andi %add3A_556, %and3A_563 : vector<16xi32>
    %add3A_565 = arith.constant 10000 : i32
    %add3A_566 = vector.broadcast %add3A_565 : i32 to vector<16xi32>
    %add3A_567 = arith.addi %add3A_554, %add3A_566 : vector<16xi32>
    tpu.vector_store_idx %arg7[%shift_right_arithmetic3A_561, %and3A_564], %add3A_567 masked %ge3A_558 : memref<160x128xi32, #tpu.memory_space<vmem>>[vector<16xi32>, vector<16xi32>], vector<16xi32>, vector<16xi1>
    %shift_right_arithmetic3A_568 = arith.constant 7 : i32
    %shift_right_arithmetic3A_569 = vector.broadcast %shift_right_arithmetic3A_568 : i32 to vector<16xi32>
    %shift_right_arithmetic3A_570 = arith.shrsi %add3A_556, %shift_right_arithmetic3A_569 : vector<16xi32>
    %and3A_571 = arith.constant 127 : i32
    %and3A_572 = vector.broadcast %and3A_571 : i32 to vector<16xi32>
    %and3A_573 = arith.andi %add3A_556, %and3A_572 : vector<16xi32>
    tpu.vector_store_idx %arg8[%shift_right_arithmetic3A_570, %and3A_573], %broadcast_in_dim3A_18 masked %ge3A_558 : memref<160x128xi32, #tpu.memory_space<vmem>>[vector<16xi32>, vector<16xi32>], vector<16xi32>, vector<16xi1>
    %iota3A_574 = tpu.iota {dimensions = array<i32: 0>} : vector<16xi32>
    %add3A_575 = arith.constant 112 : i32
    %add3A_576 = vector.broadcast %add3A_575 : i32 to vector<16xi32>
    %add3A_577 = arith.addi %iota3A_574, %add3A_576 : vector<16xi32>
    %add3A_578 = vector.broadcast %shift_left3A_35 : i32 to vector<16xi32>
    %add3A_579 = arith.addi %add3A_578, %add3A_577 : vector<16xi32>
    %ge3A_580 = vector.broadcast %scan3A_16 : i32 to vector<16xi32>
    %ge3A_581 = arith.cmpi sge, %add3A_579, %ge3A_580 : vector<16xi32>
    %shift_right_arithmetic3A_582 = arith.constant 7 : i32
    %shift_right_arithmetic3A_583 = vector.broadcast %shift_right_arithmetic3A_582 : i32 to vector<16xi32>
    %shift_right_arithmetic3A_584 = arith.shrsi %add3A_579, %shift_right_arithmetic3A_583 : vector<16xi32>
    %and3A_585 = arith.constant 127 : i32
    %and3A_586 = vector.broadcast %and3A_585 : i32 to vector<16xi32>
    %and3A_587 = arith.andi %add3A_579, %and3A_586 : vector<16xi32>
    %add3A_588 = arith.constant 10000 : i32
    %add3A_589 = vector.broadcast %add3A_588 : i32 to vector<16xi32>
    %add3A_590 = arith.addi %add3A_577, %add3A_589 : vector<16xi32>
    tpu.vector_store_idx %arg7[%shift_right_arithmetic3A_584, %and3A_587], %add3A_590 masked %ge3A_581 : memref<160x128xi32, #tpu.memory_space<vmem>>[vector<16xi32>, vector<16xi32>], vector<16xi32>, vector<16xi1>
    %shift_right_arithmetic3A_591 = arith.constant 7 : i32
    %shift_right_arithmetic3A_592 = vector.broadcast %shift_right_arithmetic3A_591 : i32 to vector<16xi32>
    %shift_right_arithmetic3A_593 = arith.shrsi %add3A_579, %shift_right_arithmetic3A_592 : vector<16xi32>
    %and3A_594 = arith.constant 127 : i32
    %and3A_595 = vector.broadcast %and3A_594 : i32 to vector<16xi32>
    %and3A_596 = arith.andi %add3A_579, %and3A_595 : vector<16xi32>
    tpu.vector_store_idx %arg8[%shift_right_arithmetic3A_593, %and3A_596], %broadcast_in_dim3A_18 masked %ge3A_581 : memref<160x128xi32, #tpu.memory_space<vmem>>[vector<16xi32>, vector<16xi32>], vector<16xi32>, vector<16xi1>
    %iota3A_597 = tpu.iota {dimensions = array<i32: 0>} : vector<16xi32>
    %add3A_598 = arith.constant 0 : i32
    %add3A_599 = vector.broadcast %add3A_598 : i32 to vector<16xi32>
    %add3A_600 = arith.addi %iota3A_597, %add3A_599 : vector<16xi32>
    %add3A_601 = vector.broadcast %shift_left3A_41 : i32 to vector<16xi32>
    %add3A_602 = arith.addi %add3A_601, %add3A_600 : vector<16xi32>
    %ge3A_603 = vector.broadcast %scan3A_16 : i32 to vector<16xi32>
    %ge3A_604 = arith.cmpi sge, %add3A_602, %ge3A_603 : vector<16xi32>
    %shift_right_arithmetic3A_605 = arith.constant 7 : i32
    %shift_right_arithmetic3A_606 = vector.broadcast %shift_right_arithmetic3A_605 : i32 to vector<16xi32>
    %shift_right_arithmetic3A_607 = arith.shrsi %add3A_602, %shift_right_arithmetic3A_606 : vector<16xi32>
    %and3A_608 = arith.constant 127 : i32
    %and3A_609 = vector.broadcast %and3A_608 : i32 to vector<16xi32>
    %and3A_610 = arith.andi %add3A_602, %and3A_609 : vector<16xi32>
    %add3A_611 = arith.constant 10000 : i32
    %add3A_612 = vector.broadcast %add3A_611 : i32 to vector<16xi32>
    %add3A_613 = arith.addi %add3A_600, %add3A_612 : vector<16xi32>
    tpu.vector_store_idx %arg7[%shift_right_arithmetic3A_607, %and3A_610], %add3A_613 masked %ge3A_604 : memref<160x128xi32, #tpu.memory_space<vmem>>[vector<16xi32>, vector<16xi32>], vector<16xi32>, vector<16xi1>
    %shift_right_arithmetic3A_614 = arith.constant 7 : i32
    %shift_right_arithmetic3A_615 = vector.broadcast %shift_right_arithmetic3A_614 : i32 to vector<16xi32>
    %shift_right_arithmetic3A_616 = arith.shrsi %add3A_602, %shift_right_arithmetic3A_615 : vector<16xi32>
    %and3A_617 = arith.constant 127 : i32
    %and3A_618 = vector.broadcast %and3A_617 : i32 to vector<16xi32>
    %and3A_619 = arith.andi %add3A_602, %and3A_618 : vector<16xi32>
    tpu.vector_store_idx %arg8[%shift_right_arithmetic3A_616, %and3A_619], %broadcast_in_dim3A_18 masked %ge3A_604 : memref<160x128xi32, #tpu.memory_space<vmem>>[vector<16xi32>, vector<16xi32>], vector<16xi32>, vector<16xi1>
    %iota3A_620 = tpu.iota {dimensions = array<i32: 0>} : vector<16xi32>
    %add3A_621 = arith.constant 16 : i32
    %add3A_622 = vector.broadcast %add3A_621 : i32 to vector<16xi32>
    %add3A_623 = arith.addi %iota3A_620, %add3A_622 : vector<16xi32>
    %add3A_624 = vector.broadcast %shift_left3A_41 : i32 to vector<16xi32>
    %add3A_625 = arith.addi %add3A_624, %add3A_623 : vector<16xi32>
    %ge3A_626 = vector.broadcast %scan3A_16 : i32 to vector<16xi32>
    %ge3A_627 = arith.cmpi sge, %add3A_625, %ge3A_626 : vector<16xi32>
    %shift_right_arithmetic3A_628 = arith.constant 7 : i32
    %shift_right_arithmetic3A_629 = vector.broadcast %shift_right_arithmetic3A_628 : i32 to vector<16xi32>
    %shift_right_arithmetic3A_630 = arith.shrsi %add3A_625, %shift_right_arithmetic3A_629 : vector<16xi32>
    %and3A_631 = arith.constant 127 : i32
    %and3A_632 = vector.broadcast %and3A_631 : i32 to vector<16xi32>
    %and3A_633 = arith.andi %add3A_625, %and3A_632 : vector<16xi32>
    %add3A_634 = arith.constant 10000 : i32
    %add3A_635 = vector.broadcast %add3A_634 : i32 to vector<16xi32>
    %add3A_636 = arith.addi %add3A_623, %add3A_635 : vector<16xi32>
    tpu.vector_store_idx %arg7[%shift_right_arithmetic3A_630, %and3A_633], %add3A_636 masked %ge3A_627 : memref<160x128xi32, #tpu.memory_space<vmem>>[vector<16xi32>, vector<16xi32>], vector<16xi32>, vector<16xi1>
    %shift_right_arithmetic3A_637 = arith.constant 7 : i32
    %shift_right_arithmetic3A_638 = vector.broadcast %shift_right_arithmetic3A_637 : i32 to vector<16xi32>
    %shift_right_arithmetic3A_639 = arith.shrsi %add3A_625, %shift_right_arithmetic3A_638 : vector<16xi32>
    %and3A_640 = arith.constant 127 : i32
    %and3A_641 = vector.broadcast %and3A_640 : i32 to vector<16xi32>
    %and3A_642 = arith.andi %add3A_625, %and3A_641 : vector<16xi32>
    tpu.vector_store_idx %arg8[%shift_right_arithmetic3A_639, %and3A_642], %broadcast_in_dim3A_18 masked %ge3A_627 : memref<160x128xi32, #tpu.memory_space<vmem>>[vector<16xi32>, vector<16xi32>], vector<16xi32>, vector<16xi1>
    %iota3A_643 = tpu.iota {dimensions = array<i32: 0>} : vector<16xi32>
    %add3A_644 = arith.constant 32 : i32
    %add3A_645 = vector.broadcast %add3A_644 : i32 to vector<16xi32>
    %add3A_646 = arith.addi %iota3A_643, %add3A_645 : vector<16xi32>
    %add3A_647 = vector.broadcast %shift_left3A_41 : i32 to vector<16xi32>
    %add3A_648 = arith.addi %add3A_647, %add3A_646 : vector<16xi32>
    %ge3A_649 = vector.broadcast %scan3A_16 : i32 to vector<16xi32>
    %ge3A_650 = arith.cmpi sge, %add3A_648, %ge3A_649 : vector<16xi32>
    %shift_right_arithmetic3A_651 = arith.constant 7 : i32
    %shift_right_arithmetic3A_652 = vector.broadcast %shift_right_arithmetic3A_651 : i32 to vector<16xi32>
    %shift_right_arithmetic3A_653 = arith.shrsi %add3A_648, %shift_right_arithmetic3A_652 : vector<16xi32>
    %and3A_654 = arith.constant 127 : i32
    %and3A_655 = vector.broadcast %and3A_654 : i32 to vector<16xi32>
    %and3A_656 = arith.andi %add3A_648, %and3A_655 : vector<16xi32>
    %add3A_657 = arith.constant 10000 : i32
    %add3A_658 = vector.broadcast %add3A_657 : i32 to vector<16xi32>
    %add3A_659 = arith.addi %add3A_646, %add3A_658 : vector<16xi32>
    tpu.vector_store_idx %arg7[%shift_right_arithmetic3A_653, %and3A_656], %add3A_659 masked %ge3A_650 : memref<160x128xi32, #tpu.memory_space<vmem>>[vector<16xi32>, vector<16xi32>], vector<16xi32>, vector<16xi1>
    %shift_right_arithmetic3A_660 = arith.constant 7 : i32
    %shift_right_arithmetic3A_661 = vector.broadcast %shift_right_arithmetic3A_660 : i32 to vector<16xi32>
    %shift_right_arithmetic3A_662 = arith.shrsi %add3A_648, %shift_right_arithmetic3A_661 : vector<16xi32>
    %and3A_663 = arith.constant 127 : i32
    %and3A_664 = vector.broadcast %and3A_663 : i32 to vector<16xi32>
    %and3A_665 = arith.andi %add3A_648, %and3A_664 : vector<16xi32>
    tpu.vector_store_idx %arg8[%shift_right_arithmetic3A_662, %and3A_665], %broadcast_in_dim3A_18 masked %ge3A_650 : memref<160x128xi32, #tpu.memory_space<vmem>>[vector<16xi32>, vector<16xi32>], vector<16xi32>, vector<16xi1>
    %iota3A_666 = tpu.iota {dimensions = array<i32: 0>} : vector<16xi32>
    %add3A_667 = arith.constant 48 : i32
    %add3A_668 = vector.broadcast %add3A_667 : i32 to vector<16xi32>
    %add3A_669 = arith.addi %iota3A_666, %add3A_668 : vector<16xi32>
    %add3A_670 = vector.broadcast %shift_left3A_41 : i32 to vector<16xi32>
    %add3A_671 = arith.addi %add3A_670, %add3A_669 : vector<16xi32>
    %ge3A_672 = vector.broadcast %scan3A_16 : i32 to vector<16xi32>
    %ge3A_673 = arith.cmpi sge, %add3A_671, %ge3A_672 : vector<16xi32>
    %shift_right_arithmetic3A_674 = arith.constant 7 : i32
    %shift_right_arithmetic3A_675 = vector.broadcast %shift_right_arithmetic3A_674 : i32 to vector<16xi32>
    %shift_right_arithmetic3A_676 = arith.shrsi %add3A_671, %shift_right_arithmetic3A_675 : vector<16xi32>
    %and3A_677 = arith.constant 127 : i32
    %and3A_678 = vector.broadcast %and3A_677 : i32 to vector<16xi32>
    %and3A_679 = arith.andi %add3A_671, %and3A_678 : vector<16xi32>
    %add3A_680 = arith.constant 10000 : i32
    %add3A_681 = vector.broadcast %add3A_680 : i32 to vector<16xi32>
    %add3A_682 = arith.addi %add3A_669, %add3A_681 : vector<16xi32>
    tpu.vector_store_idx %arg7[%shift_right_arithmetic3A_676, %and3A_679], %add3A_682 masked %ge3A_673 : memref<160x128xi32, #tpu.memory_space<vmem>>[vector<16xi32>, vector<16xi32>], vector<16xi32>, vector<16xi1>
    %shift_right_arithmetic3A_683 = arith.constant 7 : i32
    %shift_right_arithmetic3A_684 = vector.broadcast %shift_right_arithmetic3A_683 : i32 to vector<16xi32>
    %shift_right_arithmetic3A_685 = arith.shrsi %add3A_671, %shift_right_arithmetic3A_684 : vector<16xi32>
    %and3A_686 = arith.constant 127 : i32
    %and3A_687 = vector.broadcast %and3A_686 : i32 to vector<16xi32>
    %and3A_688 = arith.andi %add3A_671, %and3A_687 : vector<16xi32>
    tpu.vector_store_idx %arg8[%shift_right_arithmetic3A_685, %and3A_688], %broadcast_in_dim3A_18 masked %ge3A_673 : memref<160x128xi32, #tpu.memory_space<vmem>>[vector<16xi32>, vector<16xi32>], vector<16xi32>, vector<16xi1>
    %iota3A_689 = tpu.iota {dimensions = array<i32: 0>} : vector<16xi32>
    %add3A_690 = arith.constant 64 : i32
    %add3A_691 = vector.broadcast %add3A_690 : i32 to vector<16xi32>
    %add3A_692 = arith.addi %iota3A_689, %add3A_691 : vector<16xi32>
    %add3A_693 = vector.broadcast %shift_left3A_41 : i32 to vector<16xi32>
    %add3A_694 = arith.addi %add3A_693, %add3A_692 : vector<16xi32>
    %ge3A_695 = vector.broadcast %scan3A_16 : i32 to vector<16xi32>
    %ge3A_696 = arith.cmpi sge, %add3A_694, %ge3A_695 : vector<16xi32>
    %shift_right_arithmetic3A_697 = arith.constant 7 : i32
    %shift_right_arithmetic3A_698 = vector.broadcast %shift_right_arithmetic3A_697 : i32 to vector<16xi32>
    %shift_right_arithmetic3A_699 = arith.shrsi %add3A_694, %shift_right_arithmetic3A_698 : vector<16xi32>
    %and3A_700 = arith.constant 127 : i32
    %and3A_701 = vector.broadcast %and3A_700 : i32 to vector<16xi32>
    %and3A_702 = arith.andi %add3A_694, %and3A_701 : vector<16xi32>
    %add3A_703 = arith.constant 10000 : i32
    %add3A_704 = vector.broadcast %add3A_703 : i32 to vector<16xi32>
    %add3A_705 = arith.addi %add3A_692, %add3A_704 : vector<16xi32>
    tpu.vector_store_idx %arg7[%shift_right_arithmetic3A_699, %and3A_702], %add3A_705 masked %ge3A_696 : memref<160x128xi32, #tpu.memory_space<vmem>>[vector<16xi32>, vector<16xi32>], vector<16xi32>, vector<16xi1>
    %shift_right_arithmetic3A_706 = arith.constant 7 : i32
    %shift_right_arithmetic3A_707 = vector.broadcast %shift_right_arithmetic3A_706 : i32 to vector<16xi32>
    %shift_right_arithmetic3A_708 = arith.shrsi %add3A_694, %shift_right_arithmetic3A_707 : vector<16xi32>
    %and3A_709 = arith.constant 127 : i32
    %and3A_710 = vector.broadcast %and3A_709 : i32 to vector<16xi32>
    %and3A_711 = arith.andi %add3A_694, %and3A_710 : vector<16xi32>
    tpu.vector_store_idx %arg8[%shift_right_arithmetic3A_708, %and3A_711], %broadcast_in_dim3A_18 masked %ge3A_696 : memref<160x128xi32, #tpu.memory_space<vmem>>[vector<16xi32>, vector<16xi32>], vector<16xi32>, vector<16xi1>
    %iota3A_712 = tpu.iota {dimensions = array<i32: 0>} : vector<16xi32>
    %add3A_713 = arith.constant 80 : i32
    %add3A_714 = vector.broadcast %add3A_713 : i32 to vector<16xi32>
    %add3A_715 = arith.addi %iota3A_712, %add3A_714 : vector<16xi32>
    %add3A_716 = vector.broadcast %shift_left3A_41 : i32 to vector<16xi32>
    %add3A_717 = arith.addi %add3A_716, %add3A_715 : vector<16xi32>
    %ge3A_718 = vector.broadcast %scan3A_16 : i32 to vector<16xi32>
    %ge3A_719 = arith.cmpi sge, %add3A_717, %ge3A_718 : vector<16xi32>
    %shift_right_arithmetic3A_720 = arith.constant 7 : i32
    %shift_right_arithmetic3A_721 = vector.broadcast %shift_right_arithmetic3A_720 : i32 to vector<16xi32>
    %shift_right_arithmetic3A_722 = arith.shrsi %add3A_717, %shift_right_arithmetic3A_721 : vector<16xi32>
    %and3A_723 = arith.constant 127 : i32
    %and3A_724 = vector.broadcast %and3A_723 : i32 to vector<16xi32>
    %and3A_725 = arith.andi %add3A_717, %and3A_724 : vector<16xi32>
    %add3A_726 = arith.constant 10000 : i32
    %add3A_727 = vector.broadcast %add3A_726 : i32 to vector<16xi32>
    %add3A_728 = arith.addi %add3A_715, %add3A_727 : vector<16xi32>
    tpu.vector_store_idx %arg7[%shift_right_arithmetic3A_722, %and3A_725], %add3A_728 masked %ge3A_719 : memref<160x128xi32, #tpu.memory_space<vmem>>[vector<16xi32>, vector<16xi32>], vector<16xi32>, vector<16xi1>
    %shift_right_arithmetic3A_729 = arith.constant 7 : i32
    %shift_right_arithmetic3A_730 = vector.broadcast %shift_right_arithmetic3A_729 : i32 to vector<16xi32>
    %shift_right_arithmetic3A_731 = arith.shrsi %add3A_717, %shift_right_arithmetic3A_730 : vector<16xi32>
    %and3A_732 = arith.constant 127 : i32
    %and3A_733 = vector.broadcast %and3A_732 : i32 to vector<16xi32>
    %and3A_734 = arith.andi %add3A_717, %and3A_733 : vector<16xi32>
    tpu.vector_store_idx %arg8[%shift_right_arithmetic3A_731, %and3A_734], %broadcast_in_dim3A_18 masked %ge3A_719 : memref<160x128xi32, #tpu.memory_space<vmem>>[vector<16xi32>, vector<16xi32>], vector<16xi32>, vector<16xi1>
    %iota3A_735 = tpu.iota {dimensions = array<i32: 0>} : vector<16xi32>
    %add3A_736 = arith.constant 96 : i32
    %add3A_737 = vector.broadcast %add3A_736 : i32 to vector<16xi32>
    %add3A_738 = arith.addi %iota3A_735, %add3A_737 : vector<16xi32>
    %add3A_739 = vector.broadcast %shift_left3A_41 : i32 to vector<16xi32>
    %add3A_740 = arith.addi %add3A_739, %add3A_738 : vector<16xi32>
    %ge3A_741 = vector.broadcast %scan3A_16 : i32 to vector<16xi32>
    %ge3A_742 = arith.cmpi sge, %add3A_740, %ge3A_741 : vector<16xi32>
    %shift_right_arithmetic3A_743 = arith.constant 7 : i32
    %shift_right_arithmetic3A_744 = vector.broadcast %shift_right_arithmetic3A_743 : i32 to vector<16xi32>
    %shift_right_arithmetic3A_745 = arith.shrsi %add3A_740, %shift_right_arithmetic3A_744 : vector<16xi32>
    %and3A_746 = arith.constant 127 : i32
    %and3A_747 = vector.broadcast %and3A_746 : i32 to vector<16xi32>
    %and3A_748 = arith.andi %add3A_740, %and3A_747 : vector<16xi32>
    %add3A_749 = arith.constant 10000 : i32
    %add3A_750 = vector.broadcast %add3A_749 : i32 to vector<16xi32>
    %add3A_751 = arith.addi %add3A_738, %add3A_750 : vector<16xi32>
    tpu.vector_store_idx %arg7[%shift_right_arithmetic3A_745, %and3A_748], %add3A_751 masked %ge3A_742 : memref<160x128xi32, #tpu.memory_space<vmem>>[vector<16xi32>, vector<16xi32>], vector<16xi32>, vector<16xi1>
    %shift_right_arithmetic3A_752 = arith.constant 7 : i32
    %shift_right_arithmetic3A_753 = vector.broadcast %shift_right_arithmetic3A_752 : i32 to vector<16xi32>
    %shift_right_arithmetic3A_754 = arith.shrsi %add3A_740, %shift_right_arithmetic3A_753 : vector<16xi32>
    %and3A_755 = arith.constant 127 : i32
    %and3A_756 = vector.broadcast %and3A_755 : i32 to vector<16xi32>
    %and3A_757 = arith.andi %add3A_740, %and3A_756 : vector<16xi32>
    tpu.vector_store_idx %arg8[%shift_right_arithmetic3A_754, %and3A_757], %broadcast_in_dim3A_18 masked %ge3A_742 : memref<160x128xi32, #tpu.memory_space<vmem>>[vector<16xi32>, vector<16xi32>], vector<16xi32>, vector<16xi1>
    %iota3A_758 = tpu.iota {dimensions = array<i32: 0>} : vector<16xi32>
    %add3A_759 = arith.constant 112 : i32
    %add3A_760 = vector.broadcast %add3A_759 : i32 to vector<16xi32>
    %add3A_761 = arith.addi %iota3A_758, %add3A_760 : vector<16xi32>
    %add3A_762 = vector.broadcast %shift_left3A_41 : i32 to vector<16xi32>
    %add3A_763 = arith.addi %add3A_762, %add3A_761 : vector<16xi32>
    %ge3A_764 = vector.broadcast %scan3A_16 : i32 to vector<16xi32>
    %ge3A_765 = arith.cmpi sge, %add3A_763, %ge3A_764 : vector<16xi32>
    %shift_right_arithmetic3A_766 = arith.constant 7 : i32
    %shift_right_arithmetic3A_767 = vector.broadcast %shift_right_arithmetic3A_766 : i32 to vector<16xi32>
    %shift_right_arithmetic3A_768 = arith.shrsi %add3A_763, %shift_right_arithmetic3A_767 : vector<16xi32>
    %and3A_769 = arith.constant 127 : i32
    %and3A_770 = vector.broadcast %and3A_769 : i32 to vector<16xi32>
    %and3A_771 = arith.andi %add3A_763, %and3A_770 : vector<16xi32>
    %add3A_772 = arith.constant 10000 : i32
    %add3A_773 = vector.broadcast %add3A_772 : i32 to vector<16xi32>
    %add3A_774 = arith.addi %add3A_761, %add3A_773 : vector<16xi32>
    tpu.vector_store_idx %arg7[%shift_right_arithmetic3A_768, %and3A_771], %add3A_774 masked %ge3A_765 : memref<160x128xi32, #tpu.memory_space<vmem>>[vector<16xi32>, vector<16xi32>], vector<16xi32>, vector<16xi1>
    %shift_right_arithmetic3A_775 = arith.constant 7 : i32
    %shift_right_arithmetic3A_776 = vector.broadcast %shift_right_arithmetic3A_775 : i32 to vector<16xi32>
    %shift_right_arithmetic3A_777 = arith.shrsi %add3A_763, %shift_right_arithmetic3A_776 : vector<16xi32>
    %and3A_778 = arith.constant 127 : i32
    %and3A_779 = vector.broadcast %and3A_778 : i32 to vector<16xi32>
    %and3A_780 = arith.andi %add3A_763, %and3A_779 : vector<16xi32>
    tpu.vector_store_idx %arg8[%shift_right_arithmetic3A_777, %and3A_780], %broadcast_in_dim3A_18 masked %ge3A_765 : memref<160x128xi32, #tpu.memory_space<vmem>>[vector<16xi32>, vector<16xi32>], vector<16xi32>, vector<16xi1>
    %iota3A_781 = tpu.iota {dimensions = array<i32: 0>} : vector<16xi32>
    %add3A_782 = arith.constant 0 : i32
    %add3A_783 = vector.broadcast %add3A_782 : i32 to vector<16xi32>
    %add3A_784 = arith.addi %iota3A_781, %add3A_783 : vector<16xi32>
    %add3A_785 = vector.broadcast %shift_left3A_47 : i32 to vector<16xi32>
    %add3A_786 = arith.addi %add3A_785, %add3A_784 : vector<16xi32>
    %ge3A_787 = vector.broadcast %scan3A_16 : i32 to vector<16xi32>
    %ge3A_788 = arith.cmpi sge, %add3A_786, %ge3A_787 : vector<16xi32>
    %shift_right_arithmetic3A_789 = arith.constant 7 : i32
    %shift_right_arithmetic3A_790 = vector.broadcast %shift_right_arithmetic3A_789 : i32 to vector<16xi32>
    %shift_right_arithmetic3A_791 = arith.shrsi %add3A_786, %shift_right_arithmetic3A_790 : vector<16xi32>
    %and3A_792 = arith.constant 127 : i32
    %and3A_793 = vector.broadcast %and3A_792 : i32 to vector<16xi32>
    %and3A_794 = arith.andi %add3A_786, %and3A_793 : vector<16xi32>
    %add3A_795 = arith.constant 10000 : i32
    %add3A_796 = vector.broadcast %add3A_795 : i32 to vector<16xi32>
    %add3A_797 = arith.addi %add3A_784, %add3A_796 : vector<16xi32>
    tpu.vector_store_idx %arg7[%shift_right_arithmetic3A_791, %and3A_794], %add3A_797 masked %ge3A_788 : memref<160x128xi32, #tpu.memory_space<vmem>>[vector<16xi32>, vector<16xi32>], vector<16xi32>, vector<16xi1>
    %shift_right_arithmetic3A_798 = arith.constant 7 : i32
    %shift_right_arithmetic3A_799 = vector.broadcast %shift_right_arithmetic3A_798 : i32 to vector<16xi32>
    %shift_right_arithmetic3A_800 = arith.shrsi %add3A_786, %shift_right_arithmetic3A_799 : vector<16xi32>
    %and3A_801 = arith.constant 127 : i32
    %and3A_802 = vector.broadcast %and3A_801 : i32 to vector<16xi32>
    %and3A_803 = arith.andi %add3A_786, %and3A_802 : vector<16xi32>
    tpu.vector_store_idx %arg8[%shift_right_arithmetic3A_800, %and3A_803], %broadcast_in_dim3A_18 masked %ge3A_788 : memref<160x128xi32, #tpu.memory_space<vmem>>[vector<16xi32>, vector<16xi32>], vector<16xi32>, vector<16xi1>
    %iota3A_804 = tpu.iota {dimensions = array<i32: 0>} : vector<16xi32>
    %add3A_805 = arith.constant 16 : i32
    %add3A_806 = vector.broadcast %add3A_805 : i32 to vector<16xi32>
    %add3A_807 = arith.addi %iota3A_804, %add3A_806 : vector<16xi32>
    %add3A_808 = vector.broadcast %shift_left3A_47 : i32 to vector<16xi32>
    %add3A_809 = arith.addi %add3A_808, %add3A_807 : vector<16xi32>
    %ge3A_810 = vector.broadcast %scan3A_16 : i32 to vector<16xi32>
    %ge3A_811 = arith.cmpi sge, %add3A_809, %ge3A_810 : vector<16xi32>
    %shift_right_arithmetic3A_812 = arith.constant 7 : i32
    %shift_right_arithmetic3A_813 = vector.broadcast %shift_right_arithmetic3A_812 : i32 to vector<16xi32>
    %shift_right_arithmetic3A_814 = arith.shrsi %add3A_809, %shift_right_arithmetic3A_813 : vector<16xi32>
    %and3A_815 = arith.constant 127 : i32
    %and3A_816 = vector.broadcast %and3A_815 : i32 to vector<16xi32>
    %and3A_817 = arith.andi %add3A_809, %and3A_816 : vector<16xi32>
    %add3A_818 = arith.constant 10000 : i32
    %add3A_819 = vector.broadcast %add3A_818 : i32 to vector<16xi32>
    %add3A_820 = arith.addi %add3A_807, %add3A_819 : vector<16xi32>
    tpu.vector_store_idx %arg7[%shift_right_arithmetic3A_814, %and3A_817], %add3A_820 masked %ge3A_811 : memref<160x128xi32, #tpu.memory_space<vmem>>[vector<16xi32>, vector<16xi32>], vector<16xi32>, vector<16xi1>
    %shift_right_arithmetic3A_821 = arith.constant 7 : i32
    %shift_right_arithmetic3A_822 = vector.broadcast %shift_right_arithmetic3A_821 : i32 to vector<16xi32>
    %shift_right_arithmetic3A_823 = arith.shrsi %add3A_809, %shift_right_arithmetic3A_822 : vector<16xi32>
    %and3A_824 = arith.constant 127 : i32
    %and3A_825 = vector.broadcast %and3A_824 : i32 to vector<16xi32>
    %and3A_826 = arith.andi %add3A_809, %and3A_825 : vector<16xi32>
    tpu.vector_store_idx %arg8[%shift_right_arithmetic3A_823, %and3A_826], %broadcast_in_dim3A_18 masked %ge3A_811 : memref<160x128xi32, #tpu.memory_space<vmem>>[vector<16xi32>, vector<16xi32>], vector<16xi32>, vector<16xi1>
    %iota3A_827 = tpu.iota {dimensions = array<i32: 0>} : vector<16xi32>
    %add3A_828 = arith.constant 32 : i32
    %add3A_829 = vector.broadcast %add3A_828 : i32 to vector<16xi32>
    %add3A_830 = arith.addi %iota3A_827, %add3A_829 : vector<16xi32>
    %add3A_831 = vector.broadcast %shift_left3A_47 : i32 to vector<16xi32>
    %add3A_832 = arith.addi %add3A_831, %add3A_830 : vector<16xi32>
    %ge3A_833 = vector.broadcast %scan3A_16 : i32 to vector<16xi32>
    %ge3A_834 = arith.cmpi sge, %add3A_832, %ge3A_833 : vector<16xi32>
    %shift_right_arithmetic3A_835 = arith.constant 7 : i32
    %shift_right_arithmetic3A_836 = vector.broadcast %shift_right_arithmetic3A_835 : i32 to vector<16xi32>
    %shift_right_arithmetic3A_837 = arith.shrsi %add3A_832, %shift_right_arithmetic3A_836 : vector<16xi32>
    %and3A_838 = arith.constant 127 : i32
    %and3A_839 = vector.broadcast %and3A_838 : i32 to vector<16xi32>
    %and3A_840 = arith.andi %add3A_832, %and3A_839 : vector<16xi32>
    %add3A_841 = arith.constant 10000 : i32
    %add3A_842 = vector.broadcast %add3A_841 : i32 to vector<16xi32>
    %add3A_843 = arith.addi %add3A_830, %add3A_842 : vector<16xi32>
    tpu.vector_store_idx %arg7[%shift_right_arithmetic3A_837, %and3A_840], %add3A_843 masked %ge3A_834 : memref<160x128xi32, #tpu.memory_space<vmem>>[vector<16xi32>, vector<16xi32>], vector<16xi32>, vector<16xi1>
    %shift_right_arithmetic3A_844 = arith.constant 7 : i32
    %shift_right_arithmetic3A_845 = vector.broadcast %shift_right_arithmetic3A_844 : i32 to vector<16xi32>
    %shift_right_arithmetic3A_846 = arith.shrsi %add3A_832, %shift_right_arithmetic3A_845 : vector<16xi32>
    %and3A_847 = arith.constant 127 : i32
    %and3A_848 = vector.broadcast %and3A_847 : i32 to vector<16xi32>
    %and3A_849 = arith.andi %add3A_832, %and3A_848 : vector<16xi32>
    tpu.vector_store_idx %arg8[%shift_right_arithmetic3A_846, %and3A_849], %broadcast_in_dim3A_18 masked %ge3A_834 : memref<160x128xi32, #tpu.memory_space<vmem>>[vector<16xi32>, vector<16xi32>], vector<16xi32>, vector<16xi1>
    %iota3A_850 = tpu.iota {dimensions = array<i32: 0>} : vector<16xi32>
    %add3A_851 = arith.constant 48 : i32
    %add3A_852 = vector.broadcast %add3A_851 : i32 to vector<16xi32>
    %add3A_853 = arith.addi %iota3A_850, %add3A_852 : vector<16xi32>
    %add3A_854 = vector.broadcast %shift_left3A_47 : i32 to vector<16xi32>
    %add3A_855 = arith.addi %add3A_854, %add3A_853 : vector<16xi32>
    %ge3A_856 = vector.broadcast %scan3A_16 : i32 to vector<16xi32>
    %ge3A_857 = arith.cmpi sge, %add3A_855, %ge3A_856 : vector<16xi32>
    %shift_right_arithmetic3A_858 = arith.constant 7 : i32
    %shift_right_arithmetic3A_859 = vector.broadcast %shift_right_arithmetic3A_858 : i32 to vector<16xi32>
    %shift_right_arithmetic3A_860 = arith.shrsi %add3A_855, %shift_right_arithmetic3A_859 : vector<16xi32>
    %and3A_861 = arith.constant 127 : i32
    %and3A_862 = vector.broadcast %and3A_861 : i32 to vector<16xi32>
    %and3A_863 = arith.andi %add3A_855, %and3A_862 : vector<16xi32>
    %add3A_864 = arith.constant 10000 : i32
    %add3A_865 = vector.broadcast %add3A_864 : i32 to vector<16xi32>
    %add3A_866 = arith.addi %add3A_853, %add3A_865 : vector<16xi32>
    tpu.vector_store_idx %arg7[%shift_right_arithmetic3A_860, %and3A_863], %add3A_866 masked %ge3A_857 : memref<160x128xi32, #tpu.memory_space<vmem>>[vector<16xi32>, vector<16xi32>], vector<16xi32>, vector<16xi1>
    %shift_right_arithmetic3A_867 = arith.constant 7 : i32
    %shift_right_arithmetic3A_868 = vector.broadcast %shift_right_arithmetic3A_867 : i32 to vector<16xi32>
    %shift_right_arithmetic3A_869 = arith.shrsi %add3A_855, %shift_right_arithmetic3A_868 : vector<16xi32>
    %and3A_870 = arith.constant 127 : i32
    %and3A_871 = vector.broadcast %and3A_870 : i32 to vector<16xi32>
    %and3A_872 = arith.andi %add3A_855, %and3A_871 : vector<16xi32>
    tpu.vector_store_idx %arg8[%shift_right_arithmetic3A_869, %and3A_872], %broadcast_in_dim3A_18 masked %ge3A_857 : memref<160x128xi32, #tpu.memory_space<vmem>>[vector<16xi32>, vector<16xi32>], vector<16xi32>, vector<16xi1>
    %iota3A_873 = tpu.iota {dimensions = array<i32: 0>} : vector<16xi32>
    %add3A_874 = arith.constant 64 : i32
    %add3A_875 = vector.broadcast %add3A_874 : i32 to vector<16xi32>
    %add3A_876 = arith.addi %iota3A_873, %add3A_875 : vector<16xi32>
    %add3A_877 = vector.broadcast %shift_left3A_47 : i32 to vector<16xi32>
    %add3A_878 = arith.addi %add3A_877, %add3A_876 : vector<16xi32>
    %ge3A_879 = vector.broadcast %scan3A_16 : i32 to vector<16xi32>
    %ge3A_880 = arith.cmpi sge, %add3A_878, %ge3A_879 : vector<16xi32>
    %shift_right_arithmetic3A_881 = arith.constant 7 : i32
    %shift_right_arithmetic3A_882 = vector.broadcast %shift_right_arithmetic3A_881 : i32 to vector<16xi32>
    %shift_right_arithmetic3A_883 = arith.shrsi %add3A_878, %shift_right_arithmetic3A_882 : vector<16xi32>
    %and3A_884 = arith.constant 127 : i32
    %and3A_885 = vector.broadcast %and3A_884 : i32 to vector<16xi32>
    %and3A_886 = arith.andi %add3A_878, %and3A_885 : vector<16xi32>
    %add3A_887 = arith.constant 10000 : i32
    %add3A_888 = vector.broadcast %add3A_887 : i32 to vector<16xi32>
    %add3A_889 = arith.addi %add3A_876, %add3A_888 : vector<16xi32>
    tpu.vector_store_idx %arg7[%shift_right_arithmetic3A_883, %and3A_886], %add3A_889 masked %ge3A_880 : memref<160x128xi32, #tpu.memory_space<vmem>>[vector<16xi32>, vector<16xi32>], vector<16xi32>, vector<16xi1>
    %shift_right_arithmetic3A_890 = arith.constant 7 : i32
    %shift_right_arithmetic3A_891 = vector.broadcast %shift_right_arithmetic3A_890 : i32 to vector<16xi32>
    %shift_right_arithmetic3A_892 = arith.shrsi %add3A_878, %shift_right_arithmetic3A_891 : vector<16xi32>
    %and3A_893 = arith.constant 127 : i32
    %and3A_894 = vector.broadcast %and3A_893 : i32 to vector<16xi32>
    %and3A_895 = arith.andi %add3A_878, %and3A_894 : vector<16xi32>
    tpu.vector_store_idx %arg8[%shift_right_arithmetic3A_892, %and3A_895], %broadcast_in_dim3A_18 masked %ge3A_880 : memref<160x128xi32, #tpu.memory_space<vmem>>[vector<16xi32>, vector<16xi32>], vector<16xi32>, vector<16xi1>
    %iota3A_896 = tpu.iota {dimensions = array<i32: 0>} : vector<16xi32>
    %add3A_897 = arith.constant 80 : i32
    %add3A_898 = vector.broadcast %add3A_897 : i32 to vector<16xi32>
    %add3A_899 = arith.addi %iota3A_896, %add3A_898 : vector<16xi32>
    %add3A_900 = vector.broadcast %shift_left3A_47 : i32 to vector<16xi32>
    %add3A_901 = arith.addi %add3A_900, %add3A_899 : vector<16xi32>
    %ge3A_902 = vector.broadcast %scan3A_16 : i32 to vector<16xi32>
    %ge3A_903 = arith.cmpi sge, %add3A_901, %ge3A_902 : vector<16xi32>
    %shift_right_arithmetic3A_904 = arith.constant 7 : i32
    %shift_right_arithmetic3A_905 = vector.broadcast %shift_right_arithmetic3A_904 : i32 to vector<16xi32>
    %shift_right_arithmetic3A_906 = arith.shrsi %add3A_901, %shift_right_arithmetic3A_905 : vector<16xi32>
    %and3A_907 = arith.constant 127 : i32
    %and3A_908 = vector.broadcast %and3A_907 : i32 to vector<16xi32>
    %and3A_909 = arith.andi %add3A_901, %and3A_908 : vector<16xi32>
    %add3A_910 = arith.constant 10000 : i32
    %add3A_911 = vector.broadcast %add3A_910 : i32 to vector<16xi32>
    %add3A_912 = arith.addi %add3A_899, %add3A_911 : vector<16xi32>
    tpu.vector_store_idx %arg7[%shift_right_arithmetic3A_906, %and3A_909], %add3A_912 masked %ge3A_903 : memref<160x128xi32, #tpu.memory_space<vmem>>[vector<16xi32>, vector<16xi32>], vector<16xi32>, vector<16xi1>
    %shift_right_arithmetic3A_913 = arith.constant 7 : i32
    %shift_right_arithmetic3A_914 = vector.broadcast %shift_right_arithmetic3A_913 : i32 to vector<16xi32>
    %shift_right_arithmetic3A_915 = arith.shrsi %add3A_901, %shift_right_arithmetic3A_914 : vector<16xi32>
    %and3A_916 = arith.constant 127 : i32
    %and3A_917 = vector.broadcast %and3A_916 : i32 to vector<16xi32>
    %and3A_918 = arith.andi %add3A_901, %and3A_917 : vector<16xi32>
    tpu.vector_store_idx %arg8[%shift_right_arithmetic3A_915, %and3A_918], %broadcast_in_dim3A_18 masked %ge3A_903 : memref<160x128xi32, #tpu.memory_space<vmem>>[vector<16xi32>, vector<16xi32>], vector<16xi32>, vector<16xi1>
    %iota3A_919 = tpu.iota {dimensions = array<i32: 0>} : vector<16xi32>
    %add3A_920 = arith.constant 96 : i32
    %add3A_921 = vector.broadcast %add3A_920 : i32 to vector<16xi32>
    %add3A_922 = arith.addi %iota3A_919, %add3A_921 : vector<16xi32>
    %add3A_923 = vector.broadcast %shift_left3A_47 : i32 to vector<16xi32>
    %add3A_924 = arith.addi %add3A_923, %add3A_922 : vector<16xi32>
    %ge3A_925 = vector.broadcast %scan3A_16 : i32 to vector<16xi32>
    %ge3A_926 = arith.cmpi sge, %add3A_924, %ge3A_925 : vector<16xi32>
    %shift_right_arithmetic3A_927 = arith.constant 7 : i32
    %shift_right_arithmetic3A_928 = vector.broadcast %shift_right_arithmetic3A_927 : i32 to vector<16xi32>
    %shift_right_arithmetic3A_929 = arith.shrsi %add3A_924, %shift_right_arithmetic3A_928 : vector<16xi32>
    %and3A_930 = arith.constant 127 : i32
    %and3A_931 = vector.broadcast %and3A_930 : i32 to vector<16xi32>
    %and3A_932 = arith.andi %add3A_924, %and3A_931 : vector<16xi32>
    %add3A_933 = arith.constant 10000 : i32
    %add3A_934 = vector.broadcast %add3A_933 : i32 to vector<16xi32>
    %add3A_935 = arith.addi %add3A_922, %add3A_934 : vector<16xi32>
    tpu.vector_store_idx %arg7[%shift_right_arithmetic3A_929, %and3A_932], %add3A_935 masked %ge3A_926 : memref<160x128xi32, #tpu.memory_space<vmem>>[vector<16xi32>, vector<16xi32>], vector<16xi32>, vector<16xi1>
    %shift_right_arithmetic3A_936 = arith.constant 7 : i32
    %shift_right_arithmetic3A_937 = vector.broadcast %shift_right_arithmetic3A_936 : i32 to vector<16xi32>
    %shift_right_arithmetic3A_938 = arith.shrsi %add3A_924, %shift_right_arithmetic3A_937 : vector<16xi32>
    %and3A_939 = arith.constant 127 : i32
    %and3A_940 = vector.broadcast %and3A_939 : i32 to vector<16xi32>
    %and3A_941 = arith.andi %add3A_924, %and3A_940 : vector<16xi32>
    tpu.vector_store_idx %arg8[%shift_right_arithmetic3A_938, %and3A_941], %broadcast_in_dim3A_18 masked %ge3A_926 : memref<160x128xi32, #tpu.memory_space<vmem>>[vector<16xi32>, vector<16xi32>], vector<16xi32>, vector<16xi1>
    %iota3A_942 = tpu.iota {dimensions = array<i32: 0>} : vector<16xi32>
    %add3A_943 = arith.constant 112 : i32
    %add3A_944 = vector.broadcast %add3A_943 : i32 to vector<16xi32>
    %add3A_945 = arith.addi %iota3A_942, %add3A_944 : vector<16xi32>
    %add3A_946 = vector.broadcast %shift_left3A_47 : i32 to vector<16xi32>
    %add3A_947 = arith.addi %add3A_946, %add3A_945 : vector<16xi32>
    %ge3A_948 = vector.broadcast %scan3A_16 : i32 to vector<16xi32>
    %ge3A_949 = arith.cmpi sge, %add3A_947, %ge3A_948 : vector<16xi32>
    %shift_right_arithmetic3A_950 = arith.constant 7 : i32
    %shift_right_arithmetic3A_951 = vector.broadcast %shift_right_arithmetic3A_950 : i32 to vector<16xi32>
    %shift_right_arithmetic3A_952 = arith.shrsi %add3A_947, %shift_right_arithmetic3A_951 : vector<16xi32>
    %and3A_953 = arith.constant 127 : i32
    %and3A_954 = vector.broadcast %and3A_953 : i32 to vector<16xi32>
    %and3A_955 = arith.andi %add3A_947, %and3A_954 : vector<16xi32>
    %add3A_956 = arith.constant 10000 : i32
    %add3A_957 = vector.broadcast %add3A_956 : i32 to vector<16xi32>
    %add3A_958 = arith.addi %add3A_945, %add3A_957 : vector<16xi32>
    tpu.vector_store_idx %arg7[%shift_right_arithmetic3A_952, %and3A_955], %add3A_958 masked %ge3A_949 : memref<160x128xi32, #tpu.memory_space<vmem>>[vector<16xi32>, vector<16xi32>], vector<16xi32>, vector<16xi1>
    %shift_right_arithmetic3A_959 = arith.constant 7 : i32
    %shift_right_arithmetic3A_960 = vector.broadcast %shift_right_arithmetic3A_959 : i32 to vector<16xi32>
    %shift_right_arithmetic3A_961 = arith.shrsi %add3A_947, %shift_right_arithmetic3A_960 : vector<16xi32>
    %and3A_962 = arith.constant 127 : i32
    %and3A_963 = vector.broadcast %and3A_962 : i32 to vector<16xi32>
    %and3A_964 = arith.andi %add3A_947, %and3A_963 : vector<16xi32>
    tpu.vector_store_idx %arg8[%shift_right_arithmetic3A_961, %and3A_964], %broadcast_in_dim3A_18 masked %ge3A_949 : memref<160x128xi32, #tpu.memory_space<vmem>>[vector<16xi32>, vector<16xi32>], vector<16xi32>, vector<16xi1>
    %add3A_965 = arith.constant 128 : i32
    %add3A_966 = arith.addi %scan3A_16, %add3A_965 : i32
    %sub3A = arith.constant 1 : i32
    %sub3A_967 = arith.subi %add3A_966, %sub3A : i32
    %shift_right_arithmetic3A_968 = arith.constant 7 : i32
    %shift_right_arithmetic3A_969 = arith.shrsi %sub3A_967, %shift_right_arithmetic3A_968 : i32
    %barrier3A = arith.constant 0 : index
    tpu.barrier barrier_id(%barrier3A)
    %dma_start3A = arith.constant 0 : i32
    %dma_start3A_970 = arith.constant 0 : i32
    %dma_start3A_971 = tpu.memref_slice %arg7[%dma_start3A, %dma_start3A_970] : memref<160x128xi32, #tpu.memory_space<vmem>> -> memref<1x128xi32, #tpu.memory_space<vmem>>
    %dma_start3A_972 = tpu.memref_squeeze %dma_start3A_971 : memref<1x128xi32, #tpu.memory_space<vmem>> -> memref<128xi32, #tpu.memory_space<vmem>>
    %dma_start3A_973 = arith.constant 0 : i32
    %dma_start3A_974 = arith.constant 0 : i32
    %dma_start3A_975 = tpu.memref_slice %arg4[%dma_start3A_973, %dma_start3A_974] : memref<10240x128xf32, #tpu.memory_space<hbm>> -> memref<10240x128xf32, #tpu.memory_space<hbm>>
    tpu.enqueue_indirect_dma source(%dma_start3A_975 : memref<10240x128xf32, #tpu.memory_space<hbm>>) target(%arg9 : memref<128x128xf32, #tpu.memory_space<vmem>>) offsets(%dma_start3A_972 : memref<128xi32, #tpu.memory_space<vmem>>) semaphore(%arg13 : memref<!tpu.dma_semaphore, #tpu.memory_space<semaphore_mem>>)
    %dma_start3A_976 = arith.constant 1 : i32
    %dma_start3A_977 = arith.constant 0 : i32
    %dma_start3A_978 = tpu.memref_slice %arg7[%dma_start3A_976, %dma_start3A_977] : memref<160x128xi32, #tpu.memory_space<vmem>> -> memref<1x128xi32, #tpu.memory_space<vmem>>
    %dma_start3A_979 = tpu.memref_squeeze %dma_start3A_978 : memref<1x128xi32, #tpu.memory_space<vmem>> -> memref<128xi32, #tpu.memory_space<vmem>>
    %dma_start3A_980 = arith.constant 0 : i32
    %dma_start3A_981 = arith.constant 0 : i32
    %dma_start3A_982 = tpu.memref_slice %arg4[%dma_start3A_980, %dma_start3A_981] : memref<10240x128xf32, #tpu.memory_space<hbm>> -> memref<10240x128xf32, #tpu.memory_space<hbm>>
    tpu.enqueue_indirect_dma source(%dma_start3A_982 : memref<10240x128xf32, #tpu.memory_space<hbm>>) target(%arg10 : memref<128x128xf32, #tpu.memory_space<vmem>>) offsets(%dma_start3A_979 : memref<128xi32, #tpu.memory_space<vmem>>) semaphore(%arg14 : memref<!tpu.dma_semaphore, #tpu.memory_space<semaphore_mem>>)
    %dma_start3A_983 = arith.constant 2 : i32
    %dma_start3A_984 = arith.constant 0 : i32
    %dma_start3A_985 = tpu.memref_slice %arg7[%dma_start3A_983, %dma_start3A_984] : memref<160x128xi32, #tpu.memory_space<vmem>> -> memref<1x128xi32, #tpu.memory_space<vmem>>
    %dma_start3A_986 = tpu.memref_squeeze %dma_start3A_985 : memref<1x128xi32, #tpu.memory_space<vmem>> -> memref<128xi32, #tpu.memory_space<vmem>>
    %dma_start3A_987 = arith.constant 0 : i32
    %dma_start3A_988 = arith.constant 0 : i32
    %dma_start3A_989 = tpu.memref_slice %arg4[%dma_start3A_987, %dma_start3A_988] : memref<10240x128xf32, #tpu.memory_space<hbm>> -> memref<10240x128xf32, #tpu.memory_space<hbm>>
    tpu.enqueue_indirect_dma source(%dma_start3A_989 : memref<10240x128xf32, #tpu.memory_space<hbm>>) target(%arg11 : memref<128x128xf32, #tpu.memory_space<vmem>>) offsets(%dma_start3A_986 : memref<128xi32, #tpu.memory_space<vmem>>) semaphore(%arg15 : memref<!tpu.dma_semaphore, #tpu.memory_space<semaphore_mem>>)
    %add3A_990 = arith.constant 2 : i32
    %add3A_991 = arith.addi %shift_right_arithmetic3A_969, %add3A_990 : i32
    %jit3A = arith.constant 3 : i32
    %div3A = arith.divsi %add3A_991, %jit3A : i32
    %sign3A = arith.constant 0 : i32
    %sign3A_992 = arith.cmpi sgt, %add3A_991, %sign3A : i32
    %sign3A_993 = arith.extui %sign3A_992 : i1 to i32
    %sign3A_994 = arith.constant 0 : i32
    %sign3A_995 = arith.cmpi slt, %add3A_991, %sign3A_994 : i32
    %sign3A_996 = arith.extui %sign3A_995 : i1 to i32
    %sign3A_997 = arith.subi %sign3A_993, %sign3A_996 : i32
    %sign3A_998 = arith.constant 0 : i32
    %sign3A_999 = arith.cmpi sgt, %jit3A, %sign3A_998 : i32
    %sign3A_1000 = arith.extui %sign3A_999 : i1 to i32
    %sign3A_1001 = arith.constant 0 : i32
    %sign3A_1002 = arith.cmpi slt, %jit3A, %sign3A_1001 : i32
    %sign3A_1003 = arith.extui %sign3A_1002 : i1 to i32
    %sign3A_1004 = arith.subi %sign3A_1000, %sign3A_1003 : i32
    %ne3A = arith.cmpi ne, %sign3A_997, %sign3A_1004 : i32
    %rem3A = arith.remsi %add3A_991, %jit3A : i32
    %ne3A_1005 = arith.constant 0 : i32
    %ne3A_1006 = arith.cmpi ne, %rem3A, %ne3A_1005 : i32
    %and3A_1007 = arith.andi %ne3A, %ne3A_1006 : i1
    %sub3A_1008 = arith.constant 1 : i32
    %sub3A_1009 = arith.subi %div3A, %sub3A_1008 : i32
    %select_n3A = arith.select %and3A_1007, %sub3A_1009, %div3A : i32
    %while3A = arith.constant 0 : i32
    %while3A_1010 = arith.constant 0 : i32
    %while3A_1011 = arith.subi %select_n3A, %while3A_1010 : i32
    %while3A_1012 = arith.addi %while3A_1010, %while3A_1011 : i32
    %while3A_1013 = arith.constant 1 : i32
    %while3A_1014 = arith.divsi %while3A_1011, %while3A_1013 : i32
    %while3A_1015 = arith.muli %while3A_1014, %while3A_1013 : i32
    %while3A_1016 = arith.addi %while3A_1010, %while3A_1015 : i32
    %while3A_1017 = arith.constant 1 : i32
    scf.for %while3A_1049 = %while3A_1010 to %while3A_1016 step %while3A_1017  : i32 {
      %mul3A_1050 = arith.constant 3 : i32
      %mul3A_1051 = arith.muli %mul3A_1050, %while3A_1049 : i32
      %dma_wait3A_1052 = arith.constant 0 : i32
      %dma_wait3A_1053 = arith.constant 0 : i32
      %dma_wait3A_1054 = tpu.memref_slice %arg4[%dma_wait3A_1052, %dma_wait3A_1053] : memref<10240x128xf32, #tpu.memory_space<hbm>> -> memref<128x128xf32, #tpu.memory_space<hbm>>
      %dma_wait3A_1055 = arith.constant 0 : i32
      %dma_wait3A_1056 = arith.constant 0 : i32
      %dma_wait3A_1057 = tpu.memref_slice %arg4[%dma_wait3A_1055, %dma_wait3A_1056] : memref<10240x128xf32, #tpu.memory_space<hbm>> -> memref<128x128xf32, #tpu.memory_space<hbm>>
      tpu.wait_dma2 semaphore(%arg13 : memref<!tpu.dma_semaphore, #tpu.memory_space<semaphore_mem>>) src(%dma_wait3A_1057 : memref<128x128xf32, #tpu.memory_space<hbm>>) dst(%arg9 : memref<128x128xf32, #tpu.memory_space<vmem>>)
      %add3A_1058 = arith.constant 0 : i32
      %add3A_1059 = arith.addi %mul3A_1051, %add3A_1058 : i32
      "tpu.region"() ({
        %run_scoped3A = tpu.sem_alloc : memref<!tpu.dma_semaphore, #tpu.memory_space<semaphore_mem>>
        %dma_start3A_1112 = arith.constant 0 : i32
        %dma_start3A_1113 = tpu.memref_slice %arg8[%add3A_1059, %dma_start3A_1112] : memref<160x128xi32, #tpu.memory_space<vmem>> -> memref<1x128xi32, #tpu.memory_space<vmem>>
        %dma_start3A_1114 = tpu.memref_squeeze %dma_start3A_1113 : memref<1x128xi32, #tpu.memory_space<vmem>> -> memref<128xi32, #tpu.memory_space<vmem>>
        %dma_start3A_1115 = arith.constant 0 : i32
        %dma_start3A_1116 = arith.constant 0 : i32
        %dma_start3A_1117 = tpu.memref_slice %arg12[%dma_start3A_1115, %dma_start3A_1116] : memref<5120x128xf32, #tpu.memory_space<vmem_shared>> -> memref<5120x128xf32, #tpu.memory_space<vmem_shared>>
        tpu.enqueue_indirect_dma source(%arg9 : memref<128x128xf32, #tpu.memory_space<vmem>>) target(%dma_start3A_1117 : memref<5120x128xf32, #tpu.memory_space<vmem_shared>>) offsets(%dma_start3A_1114 : memref<128xi32, #tpu.memory_space<vmem>>) semaphore(%run_scoped3A : memref<!tpu.dma_semaphore, #tpu.memory_space<semaphore_mem>>) {add = true}
        %dma_wait3A_1118 = arith.constant 0 : i32
        %dma_wait3A_1119 = tpu.memref_slice %arg8[%add3A_1059, %dma_wait3A_1118] : memref<160x128xi32, #tpu.memory_space<vmem>> -> memref<1x128xi32, #tpu.memory_space<vmem>>
        %dma_wait3A_1120 = tpu.memref_squeeze %dma_wait3A_1119 : memref<1x128xi32, #tpu.memory_space<vmem>> -> memref<128xi32, #tpu.memory_space<vmem>>
        %dma_wait3A_1121 = arith.constant 0 : i32
        %dma_wait3A_1122 = arith.constant 0 : i32
        %dma_wait3A_1123 = tpu.memref_slice %arg12[%dma_wait3A_1121, %dma_wait3A_1122] : memref<5120x128xf32, #tpu.memory_space<vmem_shared>> -> memref<5120x128xf32, #tpu.memory_space<vmem_shared>>
        tpu.wait_indirect_dma semaphore(%run_scoped3A : memref<!tpu.dma_semaphore, #tpu.memory_space<semaphore_mem>>) src(%arg9 : memref<128x128xf32, #tpu.memory_space<vmem>>) dst(%dma_wait3A_1123 : memref<5120x128xf32, #tpu.memory_space<vmem_shared>>)
        tpu.yield
      }) : () -> ()
      %add3A_1060 = arith.constant 0 : i32
      %add3A_1061 = arith.addi %mul3A_1051, %add3A_1060 : i32
      %add3A_1062 = arith.constant 3 : i32
      %add3A_1063 = arith.addi %add3A_1061, %add3A_1062 : i32
      %min3A_1064 = arith.constant 159 : i32
      %min3A_1065 = arith.minsi %add3A_1063, %min3A_1064 : i32
      %dma_start3A_1066 = arith.constant 0 : i32
      %dma_start3A_1067 = tpu.memref_slice %arg7[%min3A_1065, %dma_start3A_1066] : memref<160x128xi32, #tpu.memory_space<vmem>> -> memref<1x128xi32, #tpu.memory_space<vmem>>
      %dma_start3A_1068 = tpu.memref_squeeze %dma_start3A_1067 : memref<1x128xi32, #tpu.memory_space<vmem>> -> memref<128xi32, #tpu.memory_space<vmem>>
      %dma_start3A_1069 = arith.constant 0 : i32
      %dma_start3A_1070 = arith.constant 0 : i32
      %dma_start3A_1071 = tpu.memref_slice %arg4[%dma_start3A_1069, %dma_start3A_1070] : memref<10240x128xf32, #tpu.memory_space<hbm>> -> memref<10240x128xf32, #tpu.memory_space<hbm>>
      tpu.enqueue_indirect_dma source(%dma_start3A_1071 : memref<10240x128xf32, #tpu.memory_space<hbm>>) target(%arg9 : memref<128x128xf32, #tpu.memory_space<vmem>>) offsets(%dma_start3A_1068 : memref<128xi32, #tpu.memory_space<vmem>>) semaphore(%arg13 : memref<!tpu.dma_semaphore, #tpu.memory_space<semaphore_mem>>)
      %dma_wait3A_1072 = arith.constant 0 : i32
      %dma_wait3A_1073 = arith.constant 0 : i32
      %dma_wait3A_1074 = tpu.memref_slice %arg4[%dma_wait3A_1072, %dma_wait3A_1073] : memref<10240x128xf32, #tpu.memory_space<hbm>> -> memref<128x128xf32, #tpu.memory_space<hbm>>
      %dma_wait3A_1075 = arith.constant 0 : i32
      %dma_wait3A_1076 = arith.constant 0 : i32
      %dma_wait3A_1077 = tpu.memref_slice %arg4[%dma_wait3A_1075, %dma_wait3A_1076] : memref<10240x128xf32, #tpu.memory_space<hbm>> -> memref<128x128xf32, #tpu.memory_space<hbm>>
      tpu.wait_dma2 semaphore(%arg14 : memref<!tpu.dma_semaphore, #tpu.memory_space<semaphore_mem>>) src(%dma_wait3A_1077 : memref<128x128xf32, #tpu.memory_space<hbm>>) dst(%arg10 : memref<128x128xf32, #tpu.memory_space<vmem>>)
      %add3A_1078 = arith.constant 1 : i32
      %add3A_1079 = arith.addi %mul3A_1051, %add3A_1078 : i32
      "tpu.region"() ({
        %run_scoped3A = tpu.sem_alloc : memref<!tpu.dma_semaphore, #tpu.memory_space<semaphore_mem>>
        %dma_start3A_1112 = arith.constant 0 : i32
        %dma_start3A_1113 = tpu.memref_slice %arg8[%add3A_1079, %dma_start3A_1112] : memref<160x128xi32, #tpu.memory_space<vmem>> -> memref<1x128xi32, #tpu.memory_space<vmem>>
        %dma_start3A_1114 = tpu.memref_squeeze %dma_start3A_1113 : memref<1x128xi32, #tpu.memory_space<vmem>> -> memref<128xi32, #tpu.memory_space<vmem>>
        %dma_start3A_1115 = arith.constant 0 : i32
        %dma_start3A_1116 = arith.constant 0 : i32
        %dma_start3A_1117 = tpu.memref_slice %arg12[%dma_start3A_1115, %dma_start3A_1116] : memref<5120x128xf32, #tpu.memory_space<vmem_shared>> -> memref<5120x128xf32, #tpu.memory_space<vmem_shared>>
        tpu.enqueue_indirect_dma source(%arg10 : memref<128x128xf32, #tpu.memory_space<vmem>>) target(%dma_start3A_1117 : memref<5120x128xf32, #tpu.memory_space<vmem_shared>>) offsets(%dma_start3A_1114 : memref<128xi32, #tpu.memory_space<vmem>>) semaphore(%run_scoped3A : memref<!tpu.dma_semaphore, #tpu.memory_space<semaphore_mem>>) {add = true}
        %dma_wait3A_1118 = arith.constant 0 : i32
        %dma_wait3A_1119 = tpu.memref_slice %arg8[%add3A_1079, %dma_wait3A_1118] : memref<160x128xi32, #tpu.memory_space<vmem>> -> memref<1x128xi32, #tpu.memory_space<vmem>>
        %dma_wait3A_1120 = tpu.memref_squeeze %dma_wait3A_1119 : memref<1x128xi32, #tpu.memory_space<vmem>> -> memref<128xi32, #tpu.memory_space<vmem>>
        %dma_wait3A_1121 = arith.constant 0 : i32
        %dma_wait3A_1122 = arith.constant 0 : i32
        %dma_wait3A_1123 = tpu.memref_slice %arg12[%dma_wait3A_1121, %dma_wait3A_1122] : memref<5120x128xf32, #tpu.memory_space<vmem_shared>> -> memref<5120x128xf32, #tpu.memory_space<vmem_shared>>
        tpu.wait_indirect_dma semaphore(%run_scoped3A : memref<!tpu.dma_semaphore, #tpu.memory_space<semaphore_mem>>) src(%arg10 : memref<128x128xf32, #tpu.memory_space<vmem>>) dst(%dma_wait3A_1123 : memref<5120x128xf32, #tpu.memory_space<vmem_shared>>)
        tpu.yield
      }) : () -> ()
      %add3A_1080 = arith.constant 1 : i32
      %add3A_1081 = arith.addi %mul3A_1051, %add3A_1080 : i32
      %add3A_1082 = arith.constant 3 : i32
      %add3A_1083 = arith.addi %add3A_1081, %add3A_1082 : i32
      %min3A_1084 = arith.constant 159 : i32
      %min3A_1085 = arith.minsi %add3A_1083, %min3A_1084 : i32
      %dma_start3A_1086 = arith.constant 0 : i32
      %dma_start3A_1087 = tpu.memref_slice %arg7[%min3A_1085, %dma_start3A_1086] : memref<160x128xi32, #tpu.memory_space<vmem>> -> memref<1x128xi32, #tpu.memory_space<vmem>>
      %dma_start3A_1088 = tpu.memref_squeeze %dma_start3A_1087 : memref<1x128xi32, #tpu.memory_space<vmem>> -> memref<128xi32, #tpu.memory_space<vmem>>
      %dma_start3A_1089 = arith.constant 0 : i32
      %dma_start3A_1090 = arith.constant 0 : i32
      %dma_start3A_1091 = tpu.memref_slice %arg4[%dma_start3A_1089, %dma_start3A_1090] : memref<10240x128xf32, #tpu.memory_space<hbm>> -> memref<10240x128xf32, #tpu.memory_space<hbm>>
      tpu.enqueue_indirect_dma source(%dma_start3A_1091 : memref<10240x128xf32, #tpu.memory_space<hbm>>) target(%arg10 : memref<128x128xf32, #tpu.memory_space<vmem>>) offsets(%dma_start3A_1088 : memref<128xi32, #tpu.memory_space<vmem>>) semaphore(%arg14 : memref<!tpu.dma_semaphore, #tpu.memory_space<semaphore_mem>>)
      %dma_wait3A_1092 = arith.constant 0 : i32
      %dma_wait3A_1093 = arith.constant 0 : i32
      %dma_wait3A_1094 = tpu.memref_slice %arg4[%dma_wait3A_1092, %dma_wait3A_1093] : memref<10240x128xf32, #tpu.memory_space<hbm>> -> memref<128x128xf32, #tpu.memory_space<hbm>>
      %dma_wait3A_1095 = arith.constant 0 : i32
      %dma_wait3A_1096 = arith.constant 0 : i32
      %dma_wait3A_1097 = tpu.memref_slice %arg4[%dma_wait3A_1095, %dma_wait3A_1096] : memref<10240x128xf32, #tpu.memory_space<hbm>> -> memref<128x128xf32, #tpu.memory_space<hbm>>
      tpu.wait_dma2 semaphore(%arg15 : memref<!tpu.dma_semaphore, #tpu.memory_space<semaphore_mem>>) src(%dma_wait3A_1097 : memref<128x128xf32, #tpu.memory_space<hbm>>) dst(%arg11 : memref<128x128xf32, #tpu.memory_space<vmem>>)
      %add3A_1098 = arith.constant 2 : i32
      %add3A_1099 = arith.addi %mul3A_1051, %add3A_1098 : i32
      "tpu.region"() ({
        %run_scoped3A = tpu.sem_alloc : memref<!tpu.dma_semaphore, #tpu.memory_space<semaphore_mem>>
        %dma_start3A_1112 = arith.constant 0 : i32
        %dma_start3A_1113 = tpu.memref_slice %arg8[%add3A_1099, %dma_start3A_1112] : memref<160x128xi32, #tpu.memory_space<vmem>> -> memref<1x128xi32, #tpu.memory_space<vmem>>
        %dma_start3A_1114 = tpu.memref_squeeze %dma_start3A_1113 : memref<1x128xi32, #tpu.memory_space<vmem>> -> memref<128xi32, #tpu.memory_space<vmem>>
        %dma_start3A_1115 = arith.constant 0 : i32
        %dma_start3A_1116 = arith.constant 0 : i32
        %dma_start3A_1117 = tpu.memref_slice %arg12[%dma_start3A_1115, %dma_start3A_1116] : memref<5120x128xf32, #tpu.memory_space<vmem_shared>> -> memref<5120x128xf32, #tpu.memory_space<vmem_shared>>
        tpu.enqueue_indirect_dma source(%arg11 : memref<128x128xf32, #tpu.memory_space<vmem>>) target(%dma_start3A_1117 : memref<5120x128xf32, #tpu.memory_space<vmem_shared>>) offsets(%dma_start3A_1114 : memref<128xi32, #tpu.memory_space<vmem>>) semaphore(%run_scoped3A : memref<!tpu.dma_semaphore, #tpu.memory_space<semaphore_mem>>) {add = true}
        %dma_wait3A_1118 = arith.constant 0 : i32
        %dma_wait3A_1119 = tpu.memref_slice %arg8[%add3A_1099, %dma_wait3A_1118] : memref<160x128xi32, #tpu.memory_space<vmem>> -> memref<1x128xi32, #tpu.memory_space<vmem>>
        %dma_wait3A_1120 = tpu.memref_squeeze %dma_wait3A_1119 : memref<1x128xi32, #tpu.memory_space<vmem>> -> memref<128xi32, #tpu.memory_space<vmem>>
        %dma_wait3A_1121 = arith.constant 0 : i32
        %dma_wait3A_1122 = arith.constant 0 : i32
        %dma_wait3A_1123 = tpu.memref_slice %arg12[%dma_wait3A_1121, %dma_wait3A_1122] : memref<5120x128xf32, #tpu.memory_space<vmem_shared>> -> memref<5120x128xf32, #tpu.memory_space<vmem_shared>>
        tpu.wait_indirect_dma semaphore(%run_scoped3A : memref<!tpu.dma_semaphore, #tpu.memory_space<semaphore_mem>>) src(%arg11 : memref<128x128xf32, #tpu.memory_space<vmem>>) dst(%dma_wait3A_1123 : memref<5120x128xf32, #tpu.memory_space<vmem_shared>>)
        tpu.yield
      }) : () -> ()
      %add3A_1100 = arith.constant 2 : i32
      %add3A_1101 = arith.addi %mul3A_1051, %add3A_1100 : i32
      %add3A_1102 = arith.constant 3 : i32
      %add3A_1103 = arith.addi %add3A_1101, %add3A_1102 : i32
      %min3A_1104 = arith.constant 159 : i32
      %min3A_1105 = arith.minsi %add3A_1103, %min3A_1104 : i32
      %dma_start3A_1106 = arith.constant 0 : i32
      %dma_start3A_1107 = tpu.memref_slice %arg7[%min3A_1105, %dma_start3A_1106] : memref<160x128xi32, #tpu.memory_space<vmem>> -> memref<1x128xi32, #tpu.memory_space<vmem>>
      %dma_start3A_1108 = tpu.memref_squeeze %dma_start3A_1107 : memref<1x128xi32, #tpu.memory_space<vmem>> -> memref<128xi32, #tpu.memory_space<vmem>>
      %dma_start3A_1109 = arith.constant 0 : i32
      %dma_start3A_1110 = arith.constant 0 : i32
      %dma_start3A_1111 = tpu.memref_slice %arg4[%dma_start3A_1109, %dma_start3A_1110] : memref<10240x128xf32, #tpu.memory_space<hbm>> -> memref<10240x128xf32, #tpu.memory_space<hbm>>
      tpu.enqueue_indirect_dma source(%dma_start3A_1111 : memref<10240x128xf32, #tpu.memory_space<hbm>>) target(%arg11 : memref<128x128xf32, #tpu.memory_space<vmem>>) offsets(%dma_start3A_1108 : memref<128xi32, #tpu.memory_space<vmem>>) semaphore(%arg15 : memref<!tpu.dma_semaphore, #tpu.memory_space<semaphore_mem>>)
    }
    %while3A_1018 = arith.constant 1 : i32
    scf.for %while3A_1049 = %while3A_1016 to %while3A_1012 step %while3A_1018  : i32 {
      %mul3A_1050 = arith.constant 3 : i32
      %mul3A_1051 = arith.muli %mul3A_1050, %while3A_1049 : i32
      %dma_wait3A_1052 = arith.constant 0 : i32
      %dma_wait3A_1053 = arith.constant 0 : i32
      %dma_wait3A_1054 = tpu.memref_slice %arg4[%dma_wait3A_1052, %dma_wait3A_1053] : memref<10240x128xf32, #tpu.memory_space<hbm>> -> memref<128x128xf32, #tpu.memory_space<hbm>>
      %dma_wait3A_1055 = arith.constant 0 : i32
      %dma_wait3A_1056 = arith.constant 0 : i32
      %dma_wait3A_1057 = tpu.memref_slice %arg4[%dma_wait3A_1055, %dma_wait3A_1056] : memref<10240x128xf32, #tpu.memory_space<hbm>> -> memref<128x128xf32, #tpu.memory_space<hbm>>
      tpu.wait_dma2 semaphore(%arg13 : memref<!tpu.dma_semaphore, #tpu.memory_space<semaphore_mem>>) src(%dma_wait3A_1057 : memref<128x128xf32, #tpu.memory_space<hbm>>) dst(%arg9 : memref<128x128xf32, #tpu.memory_space<vmem>>)
      %add3A_1058 = arith.constant 0 : i32
      %add3A_1059 = arith.addi %mul3A_1051, %add3A_1058 : i32
      "tpu.region"() ({
        %run_scoped3A = tpu.sem_alloc : memref<!tpu.dma_semaphore, #tpu.memory_space<semaphore_mem>>
        %dma_start3A_1112 = arith.constant 0 : i32
        %dma_start3A_1113 = tpu.memref_slice %arg8[%add3A_1059, %dma_start3A_1112] : memref<160x128xi32, #tpu.memory_space<vmem>> -> memref<1x128xi32, #tpu.memory_space<vmem>>
        %dma_start3A_1114 = tpu.memref_squeeze %dma_start3A_1113 : memref<1x128xi32, #tpu.memory_space<vmem>> -> memref<128xi32, #tpu.memory_space<vmem>>
        %dma_start3A_1115 = arith.constant 0 : i32
        %dma_start3A_1116 = arith.constant 0 : i32
        %dma_start3A_1117 = tpu.memref_slice %arg12[%dma_start3A_1115, %dma_start3A_1116] : memref<5120x128xf32, #tpu.memory_space<vmem_shared>> -> memref<5120x128xf32, #tpu.memory_space<vmem_shared>>
        tpu.enqueue_indirect_dma source(%arg9 : memref<128x128xf32, #tpu.memory_space<vmem>>) target(%dma_start3A_1117 : memref<5120x128xf32, #tpu.memory_space<vmem_shared>>) offsets(%dma_start3A_1114 : memref<128xi32, #tpu.memory_space<vmem>>) semaphore(%run_scoped3A : memref<!tpu.dma_semaphore, #tpu.memory_space<semaphore_mem>>) {add = true}
        %dma_wait3A_1118 = arith.constant 0 : i32
        %dma_wait3A_1119 = tpu.memref_slice %arg8[%add3A_1059, %dma_wait3A_1118] : memref<160x128xi32, #tpu.memory_space<vmem>> -> memref<1x128xi32, #tpu.memory_space<vmem>>
        %dma_wait3A_1120 = tpu.memref_squeeze %dma_wait3A_1119 : memref<1x128xi32, #tpu.memory_space<vmem>> -> memref<128xi32, #tpu.memory_space<vmem>>
        %dma_wait3A_1121 = arith.constant 0 : i32
        %dma_wait3A_1122 = arith.constant 0 : i32
        %dma_wait3A_1123 = tpu.memref_slice %arg12[%dma_wait3A_1121, %dma_wait3A_1122] : memref<5120x128xf32, #tpu.memory_space<vmem_shared>> -> memref<5120x128xf32, #tpu.memory_space<vmem_shared>>
        tpu.wait_indirect_dma semaphore(%run_scoped3A : memref<!tpu.dma_semaphore, #tpu.memory_space<semaphore_mem>>) src(%arg9 : memref<128x128xf32, #tpu.memory_space<vmem>>) dst(%dma_wait3A_1123 : memref<5120x128xf32, #tpu.memory_space<vmem_shared>>)
        tpu.yield
      }) : () -> ()
      %add3A_1060 = arith.constant 0 : i32
      %add3A_1061 = arith.addi %mul3A_1051, %add3A_1060 : i32
      %add3A_1062 = arith.constant 3 : i32
      %add3A_1063 = arith.addi %add3A_1061, %add3A_1062 : i32
      %min3A_1064 = arith.constant 159 : i32
      %min3A_1065 = arith.minsi %add3A_1063, %min3A_1064 : i32
      %dma_start3A_1066 = arith.constant 0 : i32
      %dma_start3A_1067 = tpu.memref_slice %arg7[%min3A_1065, %dma_start3A_1066] : memref<160x128xi32, #tpu.memory_space<vmem>> -> memref<1x128xi32, #tpu.memory_space<vmem>>
      %dma_start3A_1068 = tpu.memref_squeeze %dma_start3A_1067 : memref<1x128xi32, #tpu.memory_space<vmem>> -> memref<128xi32, #tpu.memory_space<vmem>>
      %dma_start3A_1069 = arith.constant 0 : i32
      %dma_start3A_1070 = arith.constant 0 : i32
      %dma_start3A_1071 = tpu.memref_slice %arg4[%dma_start3A_1069, %dma_start3A_1070] : memref<10240x128xf32, #tpu.memory_space<hbm>> -> memref<10240x128xf32, #tpu.memory_space<hbm>>
      tpu.enqueue_indirect_dma source(%dma_start3A_1071 : memref<10240x128xf32, #tpu.memory_space<hbm>>) target(%arg9 : memref<128x128xf32, #tpu.memory_space<vmem>>) offsets(%dma_start3A_1068 : memref<128xi32, #tpu.memory_space<vmem>>) semaphore(%arg13 : memref<!tpu.dma_semaphore, #tpu.memory_space<semaphore_mem>>)
      %dma_wait3A_1072 = arith.constant 0 : i32
      %dma_wait3A_1073 = arith.constant 0 : i32
      %dma_wait3A_1074 = tpu.memref_slice %arg4[%dma_wait3A_1072, %dma_wait3A_1073] : memref<10240x128xf32, #tpu.memory_space<hbm>> -> memref<128x128xf32, #tpu.memory_space<hbm>>
      %dma_wait3A_1075 = arith.constant 0 : i32
      %dma_wait3A_1076 = arith.constant 0 : i32
      %dma_wait3A_1077 = tpu.memref_slice %arg4[%dma_wait3A_1075, %dma_wait3A_1076] : memref<10240x128xf32, #tpu.memory_space<hbm>> -> memref<128x128xf32, #tpu.memory_space<hbm>>
      tpu.wait_dma2 semaphore(%arg14 : memref<!tpu.dma_semaphore, #tpu.memory_space<semaphore_mem>>) src(%dma_wait3A_1077 : memref<128x128xf32, #tpu.memory_space<hbm>>) dst(%arg10 : memref<128x128xf32, #tpu.memory_space<vmem>>)
      %add3A_1078 = arith.constant 1 : i32
      %add3A_1079 = arith.addi %mul3A_1051, %add3A_1078 : i32
      "tpu.region"() ({
        %run_scoped3A = tpu.sem_alloc : memref<!tpu.dma_semaphore, #tpu.memory_space<semaphore_mem>>
        %dma_start3A_1112 = arith.constant 0 : i32
        %dma_start3A_1113 = tpu.memref_slice %arg8[%add3A_1079, %dma_start3A_1112] : memref<160x128xi32, #tpu.memory_space<vmem>> -> memref<1x128xi32, #tpu.memory_space<vmem>>
        %dma_start3A_1114 = tpu.memref_squeeze %dma_start3A_1113 : memref<1x128xi32, #tpu.memory_space<vmem>> -> memref<128xi32, #tpu.memory_space<vmem>>
        %dma_start3A_1115 = arith.constant 0 : i32
        %dma_start3A_1116 = arith.constant 0 : i32
        %dma_start3A_1117 = tpu.memref_slice %arg12[%dma_start3A_1115, %dma_start3A_1116] : memref<5120x128xf32, #tpu.memory_space<vmem_shared>> -> memref<5120x128xf32, #tpu.memory_space<vmem_shared>>
        tpu.enqueue_indirect_dma source(%arg10 : memref<128x128xf32, #tpu.memory_space<vmem>>) target(%dma_start3A_1117 : memref<5120x128xf32, #tpu.memory_space<vmem_shared>>) offsets(%dma_start3A_1114 : memref<128xi32, #tpu.memory_space<vmem>>) semaphore(%run_scoped3A : memref<!tpu.dma_semaphore, #tpu.memory_space<semaphore_mem>>) {add = true}
        %dma_wait3A_1118 = arith.constant 0 : i32
        %dma_wait3A_1119 = tpu.memref_slice %arg8[%add3A_1079, %dma_wait3A_1118] : memref<160x128xi32, #tpu.memory_space<vmem>> -> memref<1x128xi32, #tpu.memory_space<vmem>>
        %dma_wait3A_1120 = tpu.memref_squeeze %dma_wait3A_1119 : memref<1x128xi32, #tpu.memory_space<vmem>> -> memref<128xi32, #tpu.memory_space<vmem>>
        %dma_wait3A_1121 = arith.constant 0 : i32
        %dma_wait3A_1122 = arith.constant 0 : i32
        %dma_wait3A_1123 = tpu.memref_slice %arg12[%dma_wait3A_1121, %dma_wait3A_1122] : memref<5120x128xf32, #tpu.memory_space<vmem_shared>> -> memref<5120x128xf32, #tpu.memory_space<vmem_shared>>
        tpu.wait_indirect_dma semaphore(%run_scoped3A : memref<!tpu.dma_semaphore, #tpu.memory_space<semaphore_mem>>) src(%arg10 : memref<128x128xf32, #tpu.memory_space<vmem>>) dst(%dma_wait3A_1123 : memref<5120x128xf32, #tpu.memory_space<vmem_shared>>)
        tpu.yield
      }) : () -> ()
      %add3A_1080 = arith.constant 1 : i32
      %add3A_1081 = arith.addi %mul3A_1051, %add3A_1080 : i32
      %add3A_1082 = arith.constant 3 : i32
      %add3A_1083 = arith.addi %add3A_1081, %add3A_1082 : i32
      %min3A_1084 = arith.constant 159 : i32
      %min3A_1085 = arith.minsi %add3A_1083, %min3A_1084 : i32
      %dma_start3A_1086 = arith.constant 0 : i32
      %dma_start3A_1087 = tpu.memref_slice %arg7[%min3A_1085, %dma_start3A_1086] : memref<160x128xi32, #tpu.memory_space<vmem>> -> memref<1x128xi32, #tpu.memory_space<vmem>>
      %dma_start3A_1088 = tpu.memref_squeeze %dma_start3A_1087 : memref<1x128xi32, #tpu.memory_space<vmem>> -> memref<128xi32, #tpu.memory_space<vmem>>
      %dma_start3A_1089 = arith.constant 0 : i32
      %dma_start3A_1090 = arith.constant 0 : i32
      %dma_start3A_1091 = tpu.memref_slice %arg4[%dma_start3A_1089, %dma_start3A_1090] : memref<10240x128xf32, #tpu.memory_space<hbm>> -> memref<10240x128xf32, #tpu.memory_space<hbm>>
      tpu.enqueue_indirect_dma source(%dma_start3A_1091 : memref<10240x128xf32, #tpu.memory_space<hbm>>) target(%arg10 : memref<128x128xf32, #tpu.memory_space<vmem>>) offsets(%dma_start3A_1088 : memref<128xi32, #tpu.memory_space<vmem>>) semaphore(%arg14 : memref<!tpu.dma_semaphore, #tpu.memory_space<semaphore_mem>>)
      %dma_wait3A_1092 = arith.constant 0 : i32
      %dma_wait3A_1093 = arith.constant 0 : i32
      %dma_wait3A_1094 = tpu.memref_slice %arg4[%dma_wait3A_1092, %dma_wait3A_1093] : memref<10240x128xf32, #tpu.memory_space<hbm>> -> memref<128x128xf32, #tpu.memory_space<hbm>>
      %dma_wait3A_1095 = arith.constant 0 : i32
      %dma_wait3A_1096 = arith.constant 0 : i32
      %dma_wait3A_1097 = tpu.memref_slice %arg4[%dma_wait3A_1095, %dma_wait3A_1096] : memref<10240x128xf32, #tpu.memory_space<hbm>> -> memref<128x128xf32, #tpu.memory_space<hbm>>
      tpu.wait_dma2 semaphore(%arg15 : memref<!tpu.dma_semaphore, #tpu.memory_space<semaphore_mem>>) src(%dma_wait3A_1097 : memref<128x128xf32, #tpu.memory_space<hbm>>) dst(%arg11 : memref<128x128xf32, #tpu.memory_space<vmem>>)
      %add3A_1098 = arith.constant 2 : i32
      %add3A_1099 = arith.addi %mul3A_1051, %add3A_1098 : i32
      "tpu.region"() ({
        %run_scoped3A = tpu.sem_alloc : memref<!tpu.dma_semaphore, #tpu.memory_space<semaphore_mem>>
        %dma_start3A_1112 = arith.constant 0 : i32
        %dma_start3A_1113 = tpu.memref_slice %arg8[%add3A_1099, %dma_start3A_1112] : memref<160x128xi32, #tpu.memory_space<vmem>> -> memref<1x128xi32, #tpu.memory_space<vmem>>
        %dma_start3A_1114 = tpu.memref_squeeze %dma_start3A_1113 : memref<1x128xi32, #tpu.memory_space<vmem>> -> memref<128xi32, #tpu.memory_space<vmem>>
        %dma_start3A_1115 = arith.constant 0 : i32
        %dma_start3A_1116 = arith.constant 0 : i32
        %dma_start3A_1117 = tpu.memref_slice %arg12[%dma_start3A_1115, %dma_start3A_1116] : memref<5120x128xf32, #tpu.memory_space<vmem_shared>> -> memref<5120x128xf32, #tpu.memory_space<vmem_shared>>
        tpu.enqueue_indirect_dma source(%arg11 : memref<128x128xf32, #tpu.memory_space<vmem>>) target(%dma_start3A_1117 : memref<5120x128xf32, #tpu.memory_space<vmem_shared>>) offsets(%dma_start3A_1114 : memref<128xi32, #tpu.memory_space<vmem>>) semaphore(%run_scoped3A : memref<!tpu.dma_semaphore, #tpu.memory_space<semaphore_mem>>) {add = true}
        %dma_wait3A_1118 = arith.constant 0 : i32
        %dma_wait3A_1119 = tpu.memref_slice %arg8[%add3A_1099, %dma_wait3A_1118] : memref<160x128xi32, #tpu.memory_space<vmem>> -> memref<1x128xi32, #tpu.memory_space<vmem>>
        %dma_wait3A_1120 = tpu.memref_squeeze %dma_wait3A_1119 : memref<1x128xi32, #tpu.memory_space<vmem>> -> memref<128xi32, #tpu.memory_space<vmem>>
        %dma_wait3A_1121 = arith.constant 0 : i32
        %dma_wait3A_1122 = arith.constant 0 : i32
        %dma_wait3A_1123 = tpu.memref_slice %arg12[%dma_wait3A_1121, %dma_wait3A_1122] : memref<5120x128xf32, #tpu.memory_space<vmem_shared>> -> memref<5120x128xf32, #tpu.memory_space<vmem_shared>>
        tpu.wait_indirect_dma semaphore(%run_scoped3A : memref<!tpu.dma_semaphore, #tpu.memory_space<semaphore_mem>>) src(%arg11 : memref<128x128xf32, #tpu.memory_space<vmem>>) dst(%dma_wait3A_1123 : memref<5120x128xf32, #tpu.memory_space<vmem_shared>>)
        tpu.yield
      }) : () -> ()
      %add3A_1100 = arith.constant 2 : i32
      %add3A_1101 = arith.addi %mul3A_1051, %add3A_1100 : i32
      %add3A_1102 = arith.constant 3 : i32
      %add3A_1103 = arith.addi %add3A_1101, %add3A_1102 : i32
      %min3A_1104 = arith.constant 159 : i32
      %min3A_1105 = arith.minsi %add3A_1103, %min3A_1104 : i32
      %dma_start3A_1106 = arith.constant 0 : i32
      %dma_start3A_1107 = tpu.memref_slice %arg7[%min3A_1105, %dma_start3A_1106] : memref<160x128xi32, #tpu.memory_space<vmem>> -> memref<1x128xi32, #tpu.memory_space<vmem>>
      %dma_start3A_1108 = tpu.memref_squeeze %dma_start3A_1107 : memref<1x128xi32, #tpu.memory_space<vmem>> -> memref<128xi32, #tpu.memory_space<vmem>>
      %dma_start3A_1109 = arith.constant 0 : i32
      %dma_start3A_1110 = arith.constant 0 : i32
      %dma_start3A_1111 = tpu.memref_slice %arg4[%dma_start3A_1109, %dma_start3A_1110] : memref<10240x128xf32, #tpu.memory_space<hbm>> -> memref<10240x128xf32, #tpu.memory_space<hbm>>
      tpu.enqueue_indirect_dma source(%dma_start3A_1111 : memref<10240x128xf32, #tpu.memory_space<hbm>>) target(%arg11 : memref<128x128xf32, #tpu.memory_space<vmem>>) offsets(%dma_start3A_1108 : memref<128xi32, #tpu.memory_space<vmem>>) semaphore(%arg15 : memref<!tpu.dma_semaphore, #tpu.memory_space<semaphore_mem>>)
    }
    %dma_wait3A = arith.constant 0 : i32
    %dma_wait3A_1019 = arith.constant 0 : i32
    %dma_wait3A_1020 = tpu.memref_slice %arg4[%dma_wait3A, %dma_wait3A_1019] : memref<10240x128xf32, #tpu.memory_space<hbm>> -> memref<128x128xf32, #tpu.memory_space<hbm>>
    %dma_wait3A_1021 = arith.constant 0 : i32
    %dma_wait3A_1022 = arith.constant 0 : i32
    %dma_wait3A_1023 = tpu.memref_slice %arg4[%dma_wait3A_1021, %dma_wait3A_1022] : memref<10240x128xf32, #tpu.memory_space<hbm>> -> memref<128x128xf32, #tpu.memory_space<hbm>>
    tpu.wait_dma2 semaphore(%arg13 : memref<!tpu.dma_semaphore, #tpu.memory_space<semaphore_mem>>) src(%dma_wait3A_1023 : memref<128x128xf32, #tpu.memory_space<hbm>>) dst(%arg9 : memref<128x128xf32, #tpu.memory_space<vmem>>)
    %dma_wait3A_1024 = arith.constant 0 : i32
    %dma_wait3A_1025 = arith.constant 0 : i32
    %dma_wait3A_1026 = tpu.memref_slice %arg4[%dma_wait3A_1024, %dma_wait3A_1025] : memref<10240x128xf32, #tpu.memory_space<hbm>> -> memref<128x128xf32, #tpu.memory_space<hbm>>
    %dma_wait3A_1027 = arith.constant 0 : i32
    %dma_wait3A_1028 = arith.constant 0 : i32
    %dma_wait3A_1029 = tpu.memref_slice %arg4[%dma_wait3A_1027, %dma_wait3A_1028] : memref<10240x128xf32, #tpu.memory_space<hbm>> -> memref<128x128xf32, #tpu.memory_space<hbm>>
    tpu.wait_dma2 semaphore(%arg14 : memref<!tpu.dma_semaphore, #tpu.memory_space<semaphore_mem>>) src(%dma_wait3A_1029 : memref<128x128xf32, #tpu.memory_space<hbm>>) dst(%arg10 : memref<128x128xf32, #tpu.memory_space<vmem>>)
    %dma_wait3A_1030 = arith.constant 0 : i32
    %dma_wait3A_1031 = arith.constant 0 : i32
    %dma_wait3A_1032 = tpu.memref_slice %arg4[%dma_wait3A_1030, %dma_wait3A_1031] : memref<10240x128xf32, #tpu.memory_space<hbm>> -> memref<128x128xf32, #tpu.memory_space<hbm>>
    %dma_wait3A_1033 = arith.constant 0 : i32
    %dma_wait3A_1034 = arith.constant 0 : i32
    %dma_wait3A_1035 = tpu.memref_slice %arg4[%dma_wait3A_1033, %dma_wait3A_1034] : memref<10240x128xf32, #tpu.memory_space<hbm>> -> memref<128x128xf32, #tpu.memory_space<hbm>>
    tpu.wait_dma2 semaphore(%arg15 : memref<!tpu.dma_semaphore, #tpu.memory_space<semaphore_mem>>) src(%dma_wait3A_1035 : memref<128x128xf32, #tpu.memory_space<hbm>>) dst(%arg11 : memref<128x128xf32, #tpu.memory_space<vmem>>)
    %barrier3A_1036 = arith.constant 0 : index
    tpu.barrier barrier_id(%barrier3A_1036)
    %add3A_1037 = arith.constant 0 : i32
    %add3A_1038 = arith.addi %mul3A_4, %add3A_1037 : i32
    "tpu.region"() ({
      %run_scoped3A = tpu.sem_alloc : memref<!tpu.dma_semaphore, #tpu.memory_space<semaphore_mem>>
      %dma_start3A_1049 = arith.constant 0 : i32
      %dma_start3A_1050 = arith.constant 0 : i32
      %dma_start3A_1051 = tpu.memref_slice %arg11[%dma_start3A_1049, %dma_start3A_1050] : memref<128x128xf32, #tpu.memory_space<vmem>> -> memref<128x128xf32, #tpu.memory_space<vmem>>
      %dma_start3A_1052 = arith.constant 0 : i32
      %dma_start3A_1053 = tpu.memref_slice %arg12[%add3A_1038, %dma_start3A_1052] : memref<5120x128xf32, #tpu.memory_space<vmem_shared>> -> memref<128x128xf32, #tpu.memory_space<vmem_shared>>
      %dma_start3A_1054 = arith.constant 0 : i32
      %dma_start3A_1055 = arith.constant 0 : i32
      %dma_start3A_1056 = tpu.memref_slice %arg11[%dma_start3A_1054, %dma_start3A_1055] : memref<128x128xf32, #tpu.memory_space<vmem>> -> memref<128x128xf32, #tpu.memory_space<vmem>>
      %dma_start3A_1057 = arith.constant 0 : i32
      %dma_start3A_1058 = tpu.memref_slice %arg12[%add3A_1038, %dma_start3A_1057] : memref<5120x128xf32, #tpu.memory_space<vmem_shared>> -> memref<128x128xf32, #tpu.memory_space<vmem_shared>>
      tpu.enqueue_dma source(%dma_start3A_1058 : memref<128x128xf32, #tpu.memory_space<vmem_shared>>) target(%dma_start3A_1056 : memref<128x128xf32, #tpu.memory_space<vmem>>) target_semaphore(%run_scoped3A : memref<!tpu.dma_semaphore, #tpu.memory_space<semaphore_mem>>)
      %dma_wait3A_1059 = arith.constant 0 : i32
      %dma_wait3A_1060 = arith.constant 0 : i32
      %dma_wait3A_1061 = tpu.memref_slice %arg11[%dma_wait3A_1059, %dma_wait3A_1060] : memref<128x128xf32, #tpu.memory_space<vmem>> -> memref<128x128xf32, #tpu.memory_space<vmem>>
      %dma_wait3A_1062 = arith.constant 0 : i32
      %dma_wait3A_1063 = tpu.memref_slice %arg12[%add3A_1038, %dma_wait3A_1062] : memref<5120x128xf32, #tpu.memory_space<vmem_shared>> -> memref<128x128xf32, #tpu.memory_space<vmem_shared>>
      %dma_wait3A_1064 = arith.constant 0 : i32
      %dma_wait3A_1065 = arith.constant 0 : i32
      %dma_wait3A_1066 = tpu.memref_slice %arg11[%dma_wait3A_1064, %dma_wait3A_1065] : memref<128x128xf32, #tpu.memory_space<vmem>> -> memref<128x128xf32, #tpu.memory_space<vmem>>
      %dma_wait3A_1067 = arith.constant 0 : i32
      %dma_wait3A_1068 = tpu.memref_slice %arg12[%add3A_1038, %dma_wait3A_1067] : memref<5120x128xf32, #tpu.memory_space<vmem_shared>> -> memref<128x128xf32, #tpu.memory_space<vmem_shared>>
      tpu.wait_dma2 semaphore(%run_scoped3A : memref<!tpu.dma_semaphore, #tpu.memory_space<semaphore_mem>>) src(%dma_wait3A_1068 : memref<128x128xf32, #tpu.memory_space<vmem_shared>>) dst(%dma_wait3A_1066 : memref<128x128xf32, #tpu.memory_space<vmem>>)
      tpu.yield
    }) : () -> ()
    %add3A_1039 = arith.constant 0 : i32
    %add3A_1040 = arith.addi %mul3A_4, %add3A_1039 : i32
    "tpu.region"() ({
      %run_scoped3A = tpu.sem_alloc : memref<!tpu.dma_semaphore, #tpu.memory_space<semaphore_mem>>
      %dma_start3A_1049 = arith.constant 0 : i32
      %dma_start3A_1050 = arith.constant 0 : i32
      %dma_start3A_1051 = tpu.memref_slice %arg11[%dma_start3A_1049, %dma_start3A_1050] : memref<128x128xf32, #tpu.memory_space<vmem>> -> memref<128x128xf32, #tpu.memory_space<vmem>>
      %dma_start3A_1052 = arith.constant 0 : i32
      %dma_start3A_1053 = tpu.memref_slice %arg6[%arg0, %add3A_1040, %dma_start3A_1052] : memref<2x5120x128xf32, #tpu.memory_space<hbm>> -> memref<1x128x128xf32, #tpu.memory_space<hbm>>
      %dma_start3A_1054 = tpu.memref_squeeze %dma_start3A_1053 : memref<1x128x128xf32, #tpu.memory_space<hbm>> -> memref<128x128xf32, #tpu.memory_space<hbm>>
      %dma_start3A_1055 = arith.constant 0 : i32
      %dma_start3A_1056 = tpu.memref_slice %arg6[%arg0, %add3A_1040, %dma_start3A_1055] : memref<2x5120x128xf32, #tpu.memory_space<hbm>> -> memref<1x128x128xf32, #tpu.memory_space<hbm>>
      %dma_start3A_1057 = tpu.memref_squeeze %dma_start3A_1056 : memref<1x128x128xf32, #tpu.memory_space<hbm>> -> memref<128x128xf32, #tpu.memory_space<hbm>>
      %dma_start3A_1058 = arith.constant 0 : i32
      %dma_start3A_1059 = arith.constant 0 : i32
      %dma_start3A_1060 = tpu.memref_slice %arg11[%dma_start3A_1058, %dma_start3A_1059] : memref<128x128xf32, #tpu.memory_space<vmem>> -> memref<128x128xf32, #tpu.memory_space<vmem>>
      tpu.enqueue_dma source(%dma_start3A_1060 : memref<128x128xf32, #tpu.memory_space<vmem>>) target(%dma_start3A_1057 : memref<128x128xf32, #tpu.memory_space<hbm>>) target_semaphore(%run_scoped3A : memref<!tpu.dma_semaphore, #tpu.memory_space<semaphore_mem>>)
      %dma_wait3A_1061 = arith.constant 0 : i32
      %dma_wait3A_1062 = arith.constant 0 : i32
      %dma_wait3A_1063 = tpu.memref_slice %arg11[%dma_wait3A_1061, %dma_wait3A_1062] : memref<128x128xf32, #tpu.memory_space<vmem>> -> memref<128x128xf32, #tpu.memory_space<vmem>>
      %dma_wait3A_1064 = arith.constant 0 : i32
      %dma_wait3A_1065 = tpu.memref_slice %arg6[%arg0, %add3A_1040, %dma_wait3A_1064] : memref<2x5120x128xf32, #tpu.memory_space<hbm>> -> memref<1x128x128xf32, #tpu.memory_space<hbm>>
      %dma_wait3A_1066 = tpu.memref_squeeze %dma_wait3A_1065 : memref<1x128x128xf32, #tpu.memory_space<hbm>> -> memref<128x128xf32, #tpu.memory_space<hbm>>
      %dma_wait3A_1067 = arith.constant 0 : i32
      %dma_wait3A_1068 = tpu.memref_slice %arg6[%arg0, %add3A_1040, %dma_wait3A_1067] : memref<2x5120x128xf32, #tpu.memory_space<hbm>> -> memref<1x128x128xf32, #tpu.memory_space<hbm>>
      %dma_wait3A_1069 = tpu.memref_squeeze %dma_wait3A_1068 : memref<1x128x128xf32, #tpu.memory_space<hbm>> -> memref<128x128xf32, #tpu.memory_space<hbm>>
      %dma_wait3A_1070 = arith.constant 0 : i32
      %dma_wait3A_1071 = arith.constant 0 : i32
      %dma_wait3A_1072 = tpu.memref_slice %arg11[%dma_wait3A_1070, %dma_wait3A_1071] : memref<128x128xf32, #tpu.memory_space<vmem>> -> memref<128x128xf32, #tpu.memory_space<vmem>>
      tpu.wait_dma2 semaphore(%run_scoped3A : memref<!tpu.dma_semaphore, #tpu.memory_space<semaphore_mem>>) src(%dma_wait3A_1072 : memref<128x128xf32, #tpu.memory_space<vmem>>) dst(%dma_wait3A_1069 : memref<128x128xf32, #tpu.memory_space<hbm>>)
      tpu.yield
    }) : () -> ()
    %add3A_1041 = arith.constant 128 : i32
    %add3A_1042 = arith.addi %mul3A_4, %add3A_1041 : i32
    "tpu.region"() ({
      %run_scoped3A = tpu.sem_alloc : memref<!tpu.dma_semaphore, #tpu.memory_space<semaphore_mem>>
      %dma_start3A_1049 = arith.constant 0 : i32
      %dma_start3A_1050 = arith.constant 0 : i32
      %dma_start3A_1051 = tpu.memref_slice %arg11[%dma_start3A_1049, %dma_start3A_1050] : memref<128x128xf32, #tpu.memory_space<vmem>> -> memref<128x128xf32, #tpu.memory_space<vmem>>
      %dma_start3A_1052 = arith.constant 0 : i32
      %dma_start3A_1053 = tpu.memref_slice %arg12[%add3A_1042, %dma_start3A_1052] : memref<5120x128xf32, #tpu.memory_space<vmem_shared>> -> memref<128x128xf32, #tpu.memory_space<vmem_shared>>
      %dma_start3A_1054 = arith.constant 0 : i32
      %dma_start3A_1055 = arith.constant 0 : i32
      %dma_start3A_1056 = tpu.memref_slice %arg11[%dma_start3A_1054, %dma_start3A_1055] : memref<128x128xf32, #tpu.memory_space<vmem>> -> memref<128x128xf32, #tpu.memory_space<vmem>>
      %dma_start3A_1057 = arith.constant 0 : i32
      %dma_start3A_1058 = tpu.memref_slice %arg12[%add3A_1042, %dma_start3A_1057] : memref<5120x128xf32, #tpu.memory_space<vmem_shared>> -> memref<128x128xf32, #tpu.memory_space<vmem_shared>>
      tpu.enqueue_dma source(%dma_start3A_1058 : memref<128x128xf32, #tpu.memory_space<vmem_shared>>) target(%dma_start3A_1056 : memref<128x128xf32, #tpu.memory_space<vmem>>) target_semaphore(%run_scoped3A : memref<!tpu.dma_semaphore, #tpu.memory_space<semaphore_mem>>)
      %dma_wait3A_1059 = arith.constant 0 : i32
      %dma_wait3A_1060 = arith.constant 0 : i32
      %dma_wait3A_1061 = tpu.memref_slice %arg11[%dma_wait3A_1059, %dma_wait3A_1060] : memref<128x128xf32, #tpu.memory_space<vmem>> -> memref<128x128xf32, #tpu.memory_space<vmem>>
      %dma_wait3A_1062 = arith.constant 0 : i32
      %dma_wait3A_1063 = tpu.memref_slice %arg12[%add3A_1042, %dma_wait3A_1062] : memref<5120x128xf32, #tpu.memory_space<vmem_shared>> -> memref<128x128xf32, #tpu.memory_space<vmem_shared>>
      %dma_wait3A_1064 = arith.constant 0 : i32
      %dma_wait3A_1065 = arith.constant 0 : i32
      %dma_wait3A_1066 = tpu.memref_slice %arg11[%dma_wait3A_1064, %dma_wait3A_1065] : memref<128x128xf32, #tpu.memory_space<vmem>> -> memref<128x128xf32, #tpu.memory_space<vmem>>
      %dma_wait3A_1067 = arith.constant 0 : i32
      %dma_wait3A_1068 = tpu.memref_slice %arg12[%add3A_1042, %dma_wait3A_1067] : memref<5120x128xf32, #tpu.memory_space<vmem_shared>> -> memref<128x128xf32, #tpu.memory_space<vmem_shared>>
      tpu.wait_dma2 semaphore(%run_scoped3A : memref<!tpu.dma_semaphore, #tpu.memory_space<semaphore_mem>>) src(%dma_wait3A_1068 : memref<128x128xf32, #tpu.memory_space<vmem_shared>>) dst(%dma_wait3A_1066 : memref<128x128xf32, #tpu.memory_space<vmem>>)
      tpu.yield
    }) : () -> ()
    %add3A_1043 = arith.constant 128 : i32
    %add3A_1044 = arith.addi %mul3A_4, %add3A_1043 : i32
    "tpu.region"() ({
      %run_scoped3A = tpu.sem_alloc : memref<!tpu.dma_semaphore, #tpu.memory_space<semaphore_mem>>
      %dma_start3A_1049 = arith.constant 0 : i32
      %dma_start3A_1050 = arith.constant 0 : i32
      %dma_start3A_1051 = tpu.memref_slice %arg11[%dma_start3A_1049, %dma_start3A_1050] : memref<128x128xf32, #tpu.memory_space<vmem>> -> memref<128x128xf32, #tpu.memory_space<vmem>>
      %dma_start3A_1052 = arith.constant 0 : i32
      %dma_start3A_1053 = tpu.memref_slice %arg6[%arg0, %add3A_1044, %dma_start3A_1052] : memref<2x5120x128xf32, #tpu.memory_space<hbm>> -> memref<1x128x128xf32, #tpu.memory_space<hbm>>
      %dma_start3A_1054 = tpu.memref_squeeze %dma_start3A_1053 : memref<1x128x128xf32, #tpu.memory_space<hbm>> -> memref<128x128xf32, #tpu.memory_space<hbm>>
      %dma_start3A_1055 = arith.constant 0 : i32
      %dma_start3A_1056 = tpu.memref_slice %arg6[%arg0, %add3A_1044, %dma_start3A_1055] : memref<2x5120x128xf32, #tpu.memory_space<hbm>> -> memref<1x128x128xf32, #tpu.memory_space<hbm>>
      %dma_start3A_1057 = tpu.memref_squeeze %dma_start3A_1056 : memref<1x128x128xf32, #tpu.memory_space<hbm>> -> memref<128x128xf32, #tpu.memory_space<hbm>>
      %dma_start3A_1058 = arith.constant 0 : i32
      %dma_start3A_1059 = arith.constant 0 : i32
      %dma_start3A_1060 = tpu.memref_slice %arg11[%dma_start3A_1058, %dma_start3A_1059] : memref<128x128xf32, #tpu.memory_space<vmem>> -> memref<128x128xf32, #tpu.memory_space<vmem>>
      tpu.enqueue_dma source(%dma_start3A_1060 : memref<128x128xf32, #tpu.memory_space<vmem>>) target(%dma_start3A_1057 : memref<128x128xf32, #tpu.memory_space<hbm>>) target_semaphore(%run_scoped3A : memref<!tpu.dma_semaphore, #tpu.memory_space<semaphore_mem>>)
      %dma_wait3A_1061 = arith.constant 0 : i32
      %dma_wait3A_1062 = arith.constant 0 : i32
      %dma_wait3A_1063 = tpu.memref_slice %arg11[%dma_wait3A_1061, %dma_wait3A_1062] : memref<128x128xf32, #tpu.memory_space<vmem>> -> memref<128x128xf32, #tpu.memory_space<vmem>>
      %dma_wait3A_1064 = arith.constant 0 : i32
      %dma_wait3A_1065 = tpu.memref_slice %arg6[%arg0, %add3A_1044, %dma_wait3A_1064] : memref<2x5120x128xf32, #tpu.memory_space<hbm>> -> memref<1x128x128xf32, #tpu.memory_space<hbm>>
      %dma_wait3A_1066 = tpu.memref_squeeze %dma_wait3A_1065 : memref<1x128x128xf32, #tpu.memory_space<hbm>> -> memref<128x128xf32, #tpu.memory_space<hbm>>
      %dma_wait3A_1067 = arith.constant 0 : i32
      %dma_wait3A_1068 = tpu.memref_slice %arg6[%arg0, %add3A_1044, %dma_wait3A_1067] : memref<2x5120x128xf32, #tpu.memory_space<hbm>> -> memref<1x128x128xf32, #tpu.memory_space<hbm>>
      %dma_wait3A_1069 = tpu.memref_squeeze %dma_wait3A_1068 : memref<1x128x128xf32, #tpu.memory_space<hbm>> -> memref<128x128xf32, #tpu.memory_space<hbm>>
      %dma_wait3A_1070 = arith.constant 0 : i32
      %dma_wait3A_1071 = arith.constant 0 : i32
      %dma_wait3A_1072 = tpu.memref_slice %arg11[%dma_wait3A_1070, %dma_wait3A_1071] : memref<128x128xf32, #tpu.memory_space<vmem>> -> memref<128x128xf32, #tpu.memory_space<vmem>>
      tpu.wait_dma2 semaphore(%run_scoped3A : memref<!tpu.dma_semaphore, #tpu.memory_space<semaphore_mem>>) src(%dma_wait3A_1072 : memref<128x128xf32, #tpu.memory_space<vmem>>) dst(%dma_wait3A_1069 : memref<128x128xf32, #tpu.memory_space<hbm>>)
      tpu.yield
    }) : () -> ()
    %add3A_1045 = arith.constant 256 : i32
    %add3A_1046 = arith.addi %mul3A_4, %add3A_1045 : i32
    "tpu.region"() ({
      %run_scoped3A = tpu.sem_alloc : memref<!tpu.dma_semaphore, #tpu.memory_space<semaphore_mem>>
      %dma_start3A_1049 = arith.constant 0 : i32
      %dma_start3A_1050 = arith.constant 0 : i32
      %dma_start3A_1051 = tpu.memref_slice %arg11[%dma_start3A_1049, %dma_start3A_1050] : memref<128x128xf32, #tpu.memory_space<vmem>> -> memref<64x128xf32, #tpu.memory_space<vmem>>
      %dma_start3A_1052 = arith.constant 0 : i32
      %dma_start3A_1053 = tpu.memref_slice %arg12[%add3A_1046, %dma_start3A_1052] : memref<5120x128xf32, #tpu.memory_space<vmem_shared>> -> memref<64x128xf32, #tpu.memory_space<vmem_shared>>
      %dma_start3A_1054 = arith.constant 0 : i32
      %dma_start3A_1055 = arith.constant 0 : i32
      %dma_start3A_1056 = tpu.memref_slice %arg11[%dma_start3A_1054, %dma_start3A_1055] : memref<128x128xf32, #tpu.memory_space<vmem>> -> memref<64x128xf32, #tpu.memory_space<vmem>>
      %dma_start3A_1057 = arith.constant 0 : i32
      %dma_start3A_1058 = tpu.memref_slice %arg12[%add3A_1046, %dma_start3A_1057] : memref<5120x128xf32, #tpu.memory_space<vmem_shared>> -> memref<64x128xf32, #tpu.memory_space<vmem_shared>>
      tpu.enqueue_dma source(%dma_start3A_1058 : memref<64x128xf32, #tpu.memory_space<vmem_shared>>) target(%dma_start3A_1056 : memref<64x128xf32, #tpu.memory_space<vmem>>) target_semaphore(%run_scoped3A : memref<!tpu.dma_semaphore, #tpu.memory_space<semaphore_mem>>)
      %dma_wait3A_1059 = arith.constant 0 : i32
      %dma_wait3A_1060 = arith.constant 0 : i32
      %dma_wait3A_1061 = tpu.memref_slice %arg11[%dma_wait3A_1059, %dma_wait3A_1060] : memref<128x128xf32, #tpu.memory_space<vmem>> -> memref<64x128xf32, #tpu.memory_space<vmem>>
      %dma_wait3A_1062 = arith.constant 0 : i32
      %dma_wait3A_1063 = tpu.memref_slice %arg12[%add3A_1046, %dma_wait3A_1062] : memref<5120x128xf32, #tpu.memory_space<vmem_shared>> -> memref<64x128xf32, #tpu.memory_space<vmem_shared>>
      %dma_wait3A_1064 = arith.constant 0 : i32
      %dma_wait3A_1065 = arith.constant 0 : i32
      %dma_wait3A_1066 = tpu.memref_slice %arg11[%dma_wait3A_1064, %dma_wait3A_1065] : memref<128x128xf32, #tpu.memory_space<vmem>> -> memref<64x128xf32, #tpu.memory_space<vmem>>
      %dma_wait3A_1067 = arith.constant 0 : i32
      %dma_wait3A_1068 = tpu.memref_slice %arg12[%add3A_1046, %dma_wait3A_1067] : memref<5120x128xf32, #tpu.memory_space<vmem_shared>> -> memref<64x128xf32, #tpu.memory_space<vmem_shared>>
      tpu.wait_dma2 semaphore(%run_scoped3A : memref<!tpu.dma_semaphore, #tpu.memory_space<semaphore_mem>>) src(%dma_wait3A_1068 : memref<64x128xf32, #tpu.memory_space<vmem_shared>>) dst(%dma_wait3A_1066 : memref<64x128xf32, #tpu.memory_space<vmem>>)
      tpu.yield
    }) : () -> ()
    %add3A_1047 = arith.constant 256 : i32
    %add3A_1048 = arith.addi %mul3A_4, %add3A_1047 : i32
    "tpu.region"() ({
      %run_scoped3A = tpu.sem_alloc : memref<!tpu.dma_semaphore, #tpu.memory_space<semaphore_mem>>
      %dma_start3A_1049 = arith.constant 0 : i32
      %dma_start3A_1050 = arith.constant 0 : i32
      %dma_start3A_1051 = tpu.memref_slice %arg11[%dma_start3A_1049, %dma_start3A_1050] : memref<128x128xf32, #tpu.memory_space<vmem>> -> memref<64x128xf32, #tpu.memory_space<vmem>>
      %dma_start3A_1052 = arith.constant 0 : i32
      %dma_start3A_1053 = tpu.memref_slice %arg6[%arg0, %add3A_1048, %dma_start3A_1052] : memref<2x5120x128xf32, #tpu.memory_space<hbm>> -> memref<1x64x128xf32, #tpu.memory_space<hbm>>
      %dma_start3A_1054 = tpu.memref_squeeze %dma_start3A_1053 : memref<1x64x128xf32, #tpu.memory_space<hbm>> -> memref<64x128xf32, #tpu.memory_space<hbm>>
      %dma_start3A_1055 = arith.constant 0 : i32
      %dma_start3A_1056 = tpu.memref_slice %arg6[%arg0, %add3A_1048, %dma_start3A_1055] : memref<2x5120x128xf32, #tpu.memory_space<hbm>> -> memref<1x64x128xf32, #tpu.memory_space<hbm>>
      %dma_start3A_1057 = tpu.memref_squeeze %dma_start3A_1056 : memref<1x64x128xf32, #tpu.memory_space<hbm>> -> memref<64x128xf32, #tpu.memory_space<hbm>>
      %dma_start3A_1058 = arith.constant 0 : i32
      %dma_start3A_1059 = arith.constant 0 : i32
      %dma_start3A_1060 = tpu.memref_slice %arg11[%dma_start3A_1058, %dma_start3A_1059] : memref<128x128xf32, #tpu.memory_space<vmem>> -> memref<64x128xf32, #tpu.memory_space<vmem>>
      tpu.enqueue_dma source(%dma_start3A_1060 : memref<64x128xf32, #tpu.memory_space<vmem>>) target(%dma_start3A_1057 : memref<64x128xf32, #tpu.memory_space<hbm>>) target_semaphore(%run_scoped3A : memref<!tpu.dma_semaphore, #tpu.memory_space<semaphore_mem>>)
      %dma_wait3A_1061 = arith.constant 0 : i32
      %dma_wait3A_1062 = arith.constant 0 : i32
      %dma_wait3A_1063 = tpu.memref_slice %arg11[%dma_wait3A_1061, %dma_wait3A_1062] : memref<128x128xf32, #tpu.memory_space<vmem>> -> memref<64x128xf32, #tpu.memory_space<vmem>>
      %dma_wait3A_1064 = arith.constant 0 : i32
      %dma_wait3A_1065 = tpu.memref_slice %arg6[%arg0, %add3A_1048, %dma_wait3A_1064] : memref<2x5120x128xf32, #tpu.memory_space<hbm>> -> memref<1x64x128xf32, #tpu.memory_space<hbm>>
      %dma_wait3A_1066 = tpu.memref_squeeze %dma_wait3A_1065 : memref<1x64x128xf32, #tpu.memory_space<hbm>> -> memref<64x128xf32, #tpu.memory_space<hbm>>
      %dma_wait3A_1067 = arith.constant 0 : i32
      %dma_wait3A_1068 = tpu.memref_slice %arg6[%arg0, %add3A_1048, %dma_wait3A_1067] : memref<2x5120x128xf32, #tpu.memory_space<hbm>> -> memref<1x64x128xf32, #tpu.memory_space<hbm>>
      %dma_wait3A_1069 = tpu.memref_squeeze %dma_wait3A_1068 : memref<1x64x128xf32, #tpu.memory_space<hbm>> -> memref<64x128xf32, #tpu.memory_space<hbm>>
      %dma_wait3A_1070 = arith.constant 0 : i32
      %dma_wait3A_1071 = arith.constant 0 : i32
      %dma_wait3A_1072 = tpu.memref_slice %arg11[%dma_wait3A_1070, %dma_wait3A_1071] : memref<128x128xf32, #tpu.memory_space<vmem>> -> memref<64x128xf32, #tpu.memory_space<vmem>>
      tpu.wait_dma2 semaphore(%run_scoped3A : memref<!tpu.dma_semaphore, #tpu.memory_space<semaphore_mem>>) src(%dma_wait3A_1072 : memref<64x128xf32, #tpu.memory_space<vmem>>) dst(%dma_wait3A_1069 : memref<64x128xf32, #tpu.memory_space<hbm>>)
      tpu.yield
    }) : () -> ()
    return
  }
}

module attributes {stable_mosaic.version = 14 : i64} {
  func.func @_tc_scale_body(%arg0: i32, %arg1: memref<1024x128xf32, #tpu.memory_space<vmem>>, %arg2: memref<1x1024x128xf32, #tpu.memory_space<vmem>>, %arg3: memref<1024x128xf32, #tpu.memory_space<vmem>>, %arg4: memref<1024x8xf32, #tpu.memory_space<vmem>>) attributes {dimension_semantics = [#tpu.dimension_semantics<arbitrary>], iteration_bounds = array<i64: 10>, scalar_prefetch = 0 : i64, scratch_operands = 0 : i64, tpu.core_type = #tpu.core_type<tc>, window_params = [{transform_indices = @transform_0, window_bounds = array<i64: 1024, 128>}, {transform_indices = @transform_1, window_bounds = array<i64: 1, 1024, 128>}, {transform_indices = @transform_2, window_bounds = array<i64: 1024, 128>}, {transform_indices = @transform_3, window_bounds = array<i64: 1024, 8>}]} {
    %get3A = arith.constant 0 : index
    %get3A_0 = arith.constant 0 : index
    %get3A_1 = arith.constant 0 : index
    %get3A_2 = vector.load %arg2[%get3A, %get3A_0, %get3A_1] : memref<1x1024x128xf32, #tpu.memory_space<vmem>>, vector<1x1024x1xf32>
    %get3A_3 = vector.shape_cast %get3A_2 : vector<1x1024x1xf32> to vector<1024x1xf32>
    %add3A = arith.constant 1.000000e+00 : f32
    %add3A_4 = vector.broadcast %add3A : f32 to vector<1024x1xf32>
    %add3A_5 = arith.addf %get3A_3, %add3A_4 : vector<1024x1xf32>
    %rsqrt3A = math.rsqrt %add3A_5 : vector<1024x1xf32>
    %get3A_6 = arith.constant 0 : index
    %get3A_7 = arith.constant 0 : index
    %get3A_8 = vector.load %arg1[%get3A_6, %get3A_7] : memref<1024x128xf32, #tpu.memory_space<vmem>>, vector<1024x128xf32>
    %mul3A = vector.broadcast %rsqrt3A : vector<1024x1xf32> to vector<1024x128xf32>
    %mul3A_9 = arith.mulf %get3A_8, %mul3A : vector<1024x128xf32>
    %swap3A = arith.constant 0 : index
    %swap3A_10 = arith.constant 0 : index
    %swap3A_11 = vector.load %arg3[%swap3A, %swap3A_10] : memref<1024x128xf32, #tpu.memory_space<vmem>>, vector<1024x128xf32>
    tpu.vector_store %arg3[%swap3A, %swap3A_10], %mul3A_9 {strides = array<i32>} : memref<1024x128xf32, #tpu.memory_space<vmem>>, vector<1024x128xf32>,
    %broadcast_in_dim3A = vector.shape_cast %rsqrt3A : vector<1024x1xf32> to vector<1024x1xf32>
    %broadcast_in_dim3A_12 = vector.broadcast %broadcast_in_dim3A : vector<1024x1xf32> to vector<1024x8xf32>
    %swap3A_13 = arith.constant 0 : index
    %swap3A_14 = arith.constant 0 : index
    %swap3A_15 = vector.load %arg4[%swap3A_13, %swap3A_14] : memref<1024x8xf32, #tpu.memory_space<vmem>>, vector<1024x8xf32>
    tpu.vector_store %arg4[%swap3A_13, %swap3A_14], %broadcast_in_dim3A_12 {strides = array<i32>} : memref<1024x8xf32, #tpu.memory_space<vmem>>, vector<1024x8xf32>,
    return
  }
  func.func @transform_0(%arg0: i32) -> (i32, i32) {
    %c0_i32 = arith.constant 0 : i32
    %c0_i32_0 = arith.constant 0 : i32
    return %arg0, %c0_i32 : i32, i32
  }
  func.func @transform_1(%arg0: i32) -> (i32, i32, i32) {
    %jit3A = arith.constant 5 : i32
    %div3A = arith.divsi %arg0, %jit3A : i32
    %sign3A = arith.constant 0 : i32
    %sign3A_0 = arith.cmpi sgt, %arg0, %sign3A : i32
    %sign3A_1 = arith.extui %sign3A_0 : i1 to i32
    %sign3A_2 = arith.constant 0 : i32
    %sign3A_3 = arith.cmpi slt, %arg0, %sign3A_2 : i32
    %sign3A_4 = arith.extui %sign3A_3 : i1 to i32
    %sign3A_5 = arith.subi %sign3A_1, %sign3A_4 : i32
    %sign3A_6 = arith.constant 0 : i32
    %sign3A_7 = arith.cmpi sgt, %jit3A, %sign3A_6 : i32
    %sign3A_8 = arith.extui %sign3A_7 : i1 to i32
    %sign3A_9 = arith.constant 0 : i32
    %sign3A_10 = arith.cmpi slt, %jit3A, %sign3A_9 : i32
    %sign3A_11 = arith.extui %sign3A_10 : i1 to i32
    %sign3A_12 = arith.subi %sign3A_8, %sign3A_11 : i32
    %ne3A = arith.cmpi ne, %sign3A_5, %sign3A_12 : i32
    %rem3A = arith.remsi %arg0, %jit3A : i32
    %ne3A_13 = arith.constant 0 : i32
    %ne3A_14 = arith.cmpi ne, %rem3A, %ne3A_13 : i32
    %and3A = arith.andi %ne3A, %ne3A_14 : i1
    %sub3A = arith.constant 1 : i32
    %sub3A_15 = arith.subi %div3A, %sub3A : i32
    %select_n3A = arith.select %and3A, %sub3A_15, %div3A : i32
    %jit3A_16 = arith.constant 5 : i32
    %eq3A = arith.constant 0 : i32
    %eq3A_17 = arith.cmpi eq, %jit3A_16, %eq3A : i32
    %jit3A_18 = arith.constant 1 : i32
    %select_n3A_19 = arith.select %eq3A_17, %jit3A_18, %jit3A_16 : i32
    %rem3A_20 = arith.remsi %arg0, %select_n3A_19 : i32
    %ne3A_21 = arith.constant 0 : i32
    %ne3A_22 = arith.cmpi ne, %rem3A_20, %ne3A_21 : i32
    %lt3A = arith.constant 0 : i32
    %lt3A_23 = arith.cmpi slt, %rem3A_20, %lt3A : i32
    %lt3A_24 = arith.constant 0 : i32
    %lt3A_25 = arith.cmpi slt, %select_n3A_19, %lt3A_24 : i32
    %ne3A_26 = arith.xori %lt3A_23, %lt3A_25 : i1
    %and3A_27 = arith.andi %ne3A_26, %ne3A_22 : i1
    %add3A = arith.addi %rem3A_20, %select_n3A_19 : i32
    %select_n3A_28 = arith.select %and3A_27, %add3A, %rem3A_20 : i32
    %c0_i32 = arith.constant 0 : i32
    %c0_i32_29 = arith.constant 0 : i32
    return %select_n3A, %select_n3A_28, %c0_i32 : i32, i32, i32
  }
  func.func @transform_2(%arg0: i32) -> (i32, i32) {
    %c0_i32 = arith.constant 0 : i32
    %c0_i32_0 = arith.constant 0 : i32
    return %arg0, %c0_i32 : i32, i32
  }
  func.func @transform_3(%arg0: i32) -> (i32, i32) {
    %c0_i32 = arith.constant 0 : i32
    %c0_i32_0 = arith.constant 0 : i32
    return %arg0, %c0_i32 : i32, i32
  }
}

module attributes {stable_mosaic.version = 14 : i64} {
  func.func @_tc_dense_body(%arg0: i32, %arg1: memref<1x1024x128xf32, #tpu.memory_space<vmem>>, %arg2: memref<1024x128xf32, #tpu.memory_space<vmem>>, %arg3: memref<1024x8xf32, #tpu.memory_space<vmem>>, %arg4: memref<1024x1xi32, #tpu.memory_space<vmem>>, %arg5: memref<128x768xf32, #tpu.memory_space<vmem>>, %arg6: memref<1x768xf32, #tpu.memory_space<vmem>>, %arg7: memref<768x768xf32, #tpu.memory_space<vmem>>, %arg8: memref<1x768xf32, #tpu.memory_space<vmem>>, %arg9: memref<768x768xf32, #tpu.memory_space<vmem>>, %arg10: memref<1x768xf32, #tpu.memory_space<vmem>>, %arg11: memref<768x768xf32, #tpu.memory_space<vmem>>, %arg12: memref<1x768xf32, #tpu.memory_space<vmem>>, %arg13: memref<768x4xf32, #tpu.memory_space<vmem>>, %arg14: memref<1x4xf32, #tpu.memory_space<vmem>>, %arg15: memref<64x4xf32, #tpu.memory_space<vmem>>, %arg16: memref<64x896xf32, #tpu.memory_space<vmem>>) attributes {dimension_semantics = [#tpu.dimension_semantics<arbitrary>], iteration_bounds = array<i64: 10>, scalar_prefetch = 0 : i64, scratch_operands = 1 : i64, tpu.core_type = #tpu.core_type<tc>, window_params = [{transform_indices = @transform_0, window_bounds = array<i64: 1, 1024, 128>}, {transform_indices = @transform_1, window_bounds = array<i64: 1024, 128>}, {transform_indices = @transform_2, window_bounds = array<i64: 1024, 8>}, {transform_indices = @transform_3, window_bounds = array<i64: 1024, 1>}, {pipeline_mode = #tpu.pipeline_mode<synchronous>, transform_indices = @transform_4, window_bounds = array<i64: 128, 768>}, {pipeline_mode = #tpu.pipeline_mode<synchronous>, transform_indices = @transform_5, window_bounds = array<i64: 1, 768>}, {pipeline_mode = #tpu.pipeline_mode<synchronous>, transform_indices = @transform_6, window_bounds = array<i64: 768, 768>}, {pipeline_mode = #tpu.pipeline_mode<synchronous>, transform_indices = @transform_7, window_bounds = array<i64: 1, 768>}, {pipeline_mode = #tpu.pipeline_mode<synchronous>, transform_indices = @transform_8, window_bounds = array<i64: 768, 768>}, {pipeline_mode = #tpu.pipeline_mode<synchronous>, transform_indices = @transform_9, window_bounds = array<i64: 1, 768>}, {pipeline_mode = #tpu.pipeline_mode<synchronous>, transform_indices = @transform_10, window_bounds = array<i64: 768, 768>}, {pipeline_mode = #tpu.pipeline_mode<synchronous>, transform_indices = @transform_11, window_bounds = array<i64: 1, 768>}, {pipeline_mode = #tpu.pipeline_mode<synchronous>, transform_indices = @transform_12, window_bounds = array<i64: 768, 4>}, {pipeline_mode = #tpu.pipeline_mode<synchronous>, transform_indices = @transform_13, window_bounds = array<i64: 1, 4>}, {pipeline_mode = #tpu.pipeline_mode<synchronous>, transform_indices = @transform_14, window_bounds = array<i64: 64, 4>}]} {
    %eq3A = arith.constant 0 : i32
    %eq3A_0 = arith.cmpi eq, %arg0, %eq3A : i32
    %convert_element_type3A = arith.extui %eq3A_0 : i1 to i32
    %cond3A = arith.constant 0 : i32
    %cond3A_1 = arith.cmpi ne, %convert_element_type3A, %cond3A : i32
    scf.if %cond3A_1 {
      %broadcast_in_dim3A_45 = arith.constant 0.000000e+00 : f32
      %broadcast_in_dim3A_46 = vector.broadcast %broadcast_in_dim3A_45 : f32 to vector<64x896xf32>
      %swap3A_47 = arith.constant 0 : index
      %swap3A_48 = arith.constant 0 : index
      %swap3A_49 = vector.load %arg16[%swap3A_47, %swap3A_48] : memref<64x896xf32, #tpu.memory_space<vmem>>, vector<64x896xf32>
      tpu.vector_store %arg16[%swap3A_47, %swap3A_48], %broadcast_in_dim3A_46 {strides = array<i32>} : memref<64x896xf32, #tpu.memory_space<vmem>>, vector<64x896xf32>,
    } else {
    }
    %get3A = arith.constant 0 : index
    %get3A_2 = arith.constant 0 : index
    %get3A_3 = arith.constant 0 : index
    %get3A_4 = vector.load %arg1[%get3A, %get3A_2, %get3A_3] : memref<1x1024x128xf32, #tpu.memory_space<vmem>>, vector<1x1024x128xf32>
    %get3A_5 = vector.shape_cast %get3A_4 : vector<1x1024x128xf32> to vector<1024x128xf32>
    %get3A_6 = arith.constant 0 : index
    %get3A_7 = arith.constant 0 : index
    %get3A_8 = vector.load %arg2[%get3A_6, %get3A_7] : memref<1024x128xf32, #tpu.memory_space<vmem>>, vector<1024x128xf32>
    %add3A = arith.addf %get3A_5, %get3A_8 : vector<1024x128xf32>
    %get3A_9 = arith.constant 0 : index
    %get3A_10 = arith.constant 0 : index
    %get3A_11 = vector.load %arg3[%get3A_9, %get3A_10] : memref<1024x8xf32, #tpu.memory_space<vmem>>, vector<1024x1xf32>
    %mul3A = vector.broadcast %get3A_11 : vector<1024x1xf32> to vector<1024x128xf32>
    %mul3A_12 = arith.mulf %add3A, %mul3A : vector<1024x128xf32>
    %get3A_13 = arith.constant 0 : index
    %get3A_14 = arith.constant 0 : index
    %get3A_15 = vector.load %arg5[%get3A_13, %get3A_14] : memref<128x768xf32, #tpu.memory_space<vmem>>, vector<128x768xf32>
    %dot_general3A = arith.constant dense<0.000000e+00> : vector<1024x768xf32>
    %dot_general3A_16 = tpu.matmul %mul3A_12, %get3A_15, %dot_general3A {dimension_numbers = #tpu.dot_dimension_numbers<[1], [0], [0], [1], [0, 0, 1, 1], [], []>, transpose_lhs_hint = false} : vector<1024x128xf32>, vector<128x768xf32>, vector<1024x768xf32> -> vector<1024x768xf32>
    %get3A_17 = arith.constant 0 : index
    %get3A_18 = arith.constant 0 : index
    %get3A_19 = vector.load %arg6[%get3A_17, %get3A_18] : memref<1x768xf32, #tpu.memory_space<vmem>>, vector<1x768xf32>
    %add3A_20 = vector.broadcast %get3A_19 : vector<1x768xf32> to vector<1024x768xf32>
    %add3A_21 = arith.addf %dot_general3A_16, %add3A_20 : vector<1024x768xf32>
    %max3A = arith.constant 0.000000e+00 : f32
    %max3A_22 = vector.broadcast %max3A : f32 to vector<1024x768xf32>
    %max3A_23 = arith.maximumf %add3A_21, %max3A_22 : vector<1024x768xf32>
    %iota3A = tpu.iota {dimensions = array<i32: 1>} : vector<1024x64xi32>
    %get3A_24 = arith.constant 0 : index
    %get3A_25 = arith.constant 0 : index
    %get3A_26 = vector.load %arg4[%get3A_24, %get3A_25] : memref<1024x1xi32, #tpu.memory_space<vmem>>, vector<1024x1xi32>
    %eq3A_27 = vector.broadcast %get3A_26 : vector<1024x1xi32> to vector<1024x64xi32>
    %eq3A_28 = arith.cmpi eq, %eq3A_27, %iota3A : vector<1024x64xi32>
    %convert_element_type3A_29 = arith.extui %eq3A_28 : vector<1024x64xi1> to vector<1024x64xi32>
    %convert_element_type3A_30 = arith.sitofp %convert_element_type3A_29 : vector<1024x64xi32> to vector<1024x64xf32>
    %broadcast_in_dim3A = arith.constant 1.000000e+00 : f32
    %broadcast_in_dim3A_31 = vector.broadcast %broadcast_in_dim3A : f32 to vector<1024x128xf32>
    %concatenate3A = tpu.concatenate %max3A_23, %broadcast_in_dim3A_31 in 1 : vector<1024x768xf32>, vector<1024x128xf32> -> vector<1024x896xf32>
    %get3A_32 = arith.constant 0 : index
    %get3A_33 = arith.constant 0 : index
    %get3A_34 = vector.load %arg16[%get3A_32, %get3A_33] : memref<64x896xf32, #tpu.memory_space<vmem>>, vector<64x896xf32>
    %dot_general3A_35 = arith.constant dense<0.000000e+00> : vector<64x896xf32>
    %dot_general3A_36 = tpu.matmul %convert_element_type3A_30, %concatenate3A, %dot_general3A_35 {dimension_numbers = #tpu.dot_dimension_numbers<[0], [0], [1], [1], [0, 1, 1, 1], [], []>, transpose_lhs_hint = false} : vector<1024x64xf32>, vector<1024x896xf32>, vector<64x896xf32> -> vector<64x896xf32>
    %add3A_37 = arith.addf %get3A_34, %dot_general3A_36 : vector<64x896xf32>
    %swap3A = arith.constant 0 : index
    %swap3A_38 = arith.constant 0 : index
    %swap3A_39 = vector.load %arg16[%swap3A, %swap3A_38] : memref<64x896xf32, #tpu.memory_space<vmem>>, vector<64x896xf32>
    tpu.vector_store %arg16[%swap3A, %swap3A_38], %add3A_37 {strides = array<i32>} : memref<64x896xf32, #tpu.memory_space<vmem>>, vector<64x896xf32>,
    %eq3A_40 = arith.constant 9 : i32
    %eq3A_41 = arith.cmpi eq, %arg0, %eq3A_40 : i32
    %convert_element_type3A_42 = arith.extui %eq3A_41 : i1 to i32
    %cond3A_43 = arith.constant 0 : i32
    %cond3A_44 = arith.cmpi ne, %convert_element_type3A_42, %cond3A_43 : i32
    scf.if %cond3A_44 {
      %get3A_45 = arith.constant 0 : index
      %get3A_46 = arith.constant 0 : index
      %get3A_47 = vector.load %arg16[%get3A_45, %get3A_46] : memref<64x896xf32, #tpu.memory_space<vmem>>, vector<64x896xf32>
      %slice3A = vector.extract_strided_slice %get3A_47 {offsets = [0, 768], sizes = [64, 1], strides = [1, 1]} : vector<64x896xf32> to vector<64x1xf32>
      %max3A_48 = arith.constant 1.000000e+00 : f32
      %max3A_49 = vector.broadcast %max3A_48 : f32 to vector<64x1xf32>
      %max3A_50 = arith.maximumf %slice3A, %max3A_49 : vector<64x1xf32>
      %slice3A_51 = vector.extract_strided_slice %get3A_47 {offsets = [0, 0], sizes = [64, 768], strides = [1, 1]} : vector<64x896xf32> to vector<64x768xf32>
      %div3A = vector.broadcast %max3A_50 : vector<64x1xf32> to vector<64x768xf32>
      %div3A_52 = arith.divf %slice3A_51, %div3A : vector<64x768xf32>
      %get3A_53 = arith.constant 0 : index
      %get3A_54 = arith.constant 0 : index
      %get3A_55 = vector.load %arg7[%get3A_53, %get3A_54] : memref<768x768xf32, #tpu.memory_space<vmem>>, vector<768x768xf32>
      %dot_general3A_56 = arith.constant dense<0.000000e+00> : vector<64x768xf32>
      %dot_general3A_57 = tpu.matmul %div3A_52, %get3A_55, %dot_general3A_56 {dimension_numbers = #tpu.dot_dimension_numbers<[1], [1], [0], [0], [0, 0, 1, 0], [], []>, transpose_lhs_hint = false} : vector<64x768xf32>, vector<768x768xf32>, vector<64x768xf32> -> vector<64x768xf32>
      %get3A_58 = arith.constant 0 : index
      %get3A_59 = arith.constant 0 : index
      %get3A_60 = vector.load %arg8[%get3A_58, %get3A_59] : memref<1x768xf32, #tpu.memory_space<vmem>>, vector<1x768xf32>
      %add3A_61 = vector.broadcast %get3A_60 : vector<1x768xf32> to vector<64x768xf32>
      %add3A_62 = arith.addf %dot_general3A_57, %add3A_61 : vector<64x768xf32>
      %get3A_63 = arith.constant 0 : index
      %get3A_64 = arith.constant 0 : index
      %get3A_65 = vector.load %arg9[%get3A_63, %get3A_64] : memref<768x768xf32, #tpu.memory_space<vmem>>, vector<768x768xf32>
      %dot_general3A_66 = arith.constant dense<0.000000e+00> : vector<64x768xf32>
      %dot_general3A_67 = tpu.matmul %add3A_62, %get3A_65, %dot_general3A_66 {dimension_numbers = #tpu.dot_dimension_numbers<[1], [1], [0], [0], [0, 0, 1, 0], [], []>, transpose_lhs_hint = false} : vector<64x768xf32>, vector<768x768xf32>, vector<64x768xf32> -> vector<64x768xf32>
      %get3A_68 = arith.constant 0 : index
      %get3A_69 = arith.constant 0 : index
      %get3A_70 = vector.load %arg10[%get3A_68, %get3A_69] : memref<1x768xf32, #tpu.memory_space<vmem>>, vector<1x768xf32>
      %add3A_71 = vector.broadcast %get3A_70 : vector<1x768xf32> to vector<64x768xf32>
      %add3A_72 = arith.addf %dot_general3A_67, %add3A_71 : vector<64x768xf32>
      %get3A_73 = arith.constant 0 : index
      %get3A_74 = arith.constant 0 : index
      %get3A_75 = vector.load %arg11[%get3A_73, %get3A_74] : memref<768x768xf32, #tpu.memory_space<vmem>>, vector<768x768xf32>
      %dot_general3A_76 = arith.constant dense<0.000000e+00> : vector<64x768xf32>
      %dot_general3A_77 = tpu.matmul %add3A_72, %get3A_75, %dot_general3A_76 {dimension_numbers = #tpu.dot_dimension_numbers<[1], [0], [0], [1], [0, 0, 1, 1], [], []>, transpose_lhs_hint = false} : vector<64x768xf32>, vector<768x768xf32>, vector<64x768xf32> -> vector<64x768xf32>
      %get3A_78 = arith.constant 0 : index
      %get3A_79 = arith.constant 0 : index
      %get3A_80 = vector.load %arg12[%get3A_78, %get3A_79] : memref<1x768xf32, #tpu.memory_space<vmem>>, vector<1x768xf32>
      %add3A_81 = vector.broadcast %get3A_80 : vector<1x768xf32> to vector<64x768xf32>
      %add3A_82 = arith.addf %dot_general3A_77, %add3A_81 : vector<64x768xf32>
      %max3A_83 = arith.constant 0.000000e+00 : f32
      %max3A_84 = vector.broadcast %max3A_83 : f32 to vector<64x768xf32>
      %max3A_85 = arith.maximumf %add3A_82, %max3A_84 : vector<64x768xf32>
      %get3A_86 = arith.constant 0 : index
      %get3A_87 = arith.constant 0 : index
      %get3A_88 = vector.load %arg13[%get3A_86, %get3A_87] : memref<768x4xf32, #tpu.memory_space<vmem>>, vector<768x4xf32>
      %dot_general3A_89 = arith.constant dense<0.000000e+00> : vector<64x4xf32>
      %dot_general3A_90 = tpu.matmul %max3A_85, %get3A_88, %dot_general3A_89 {dimension_numbers = #tpu.dot_dimension_numbers<[1], [0], [0], [1], [0, 0, 1, 1], [], []>, transpose_lhs_hint = false} : vector<64x768xf32>, vector<768x4xf32>, vector<64x4xf32> -> vector<64x4xf32>
      %get3A_91 = arith.constant 0 : index
      %get3A_92 = arith.constant 0 : index
      %get3A_93 = vector.load %arg14[%get3A_91, %get3A_92] : memref<1x4xf32, #tpu.memory_space<vmem>>, vector<1x4xf32>
      %add3A_94 = vector.broadcast %get3A_93 : vector<1x4xf32> to vector<64x4xf32>
      %add3A_95 = arith.addf %dot_general3A_90, %add3A_94 : vector<64x4xf32>
      %reduce_max3A = arith.constant dense<0xFF800000> : vector<64xf32>
      %reduce_max3A_96 = vector.multi_reduction <maximumf>, %add3A_95, %reduce_max3A [1] : vector<64x4xf32> to vector<64xf32>
      %broadcast_in_dim3A_97 = vector.shape_cast %reduce_max3A_96 : vector<64xf32> to vector<64x1xf32>
      %sub3A = vector.broadcast %broadcast_in_dim3A_97 : vector<64x1xf32> to vector<64x4xf32>
      %sub3A_98 = arith.subf %add3A_95, %sub3A : vector<64x4xf32>
      %exp3A = math.exp %sub3A_98 : vector<64x4xf32>
      %sub3A_99 = vector.broadcast %broadcast_in_dim3A_97 : vector<64x1xf32> to vector<64x4xf32>
      %sub3A_100 = arith.subf %add3A_95, %sub3A_99 : vector<64x4xf32>
      %reduce_sum3A = arith.constant dense<0.000000e+00> : vector<64xf32>
      %reduce_sum3A_101 = vector.multi_reduction <add>, %exp3A, %reduce_sum3A [1] : vector<64x4xf32> to vector<64xf32>
      %broadcast_in_dim3A_102 = vector.shape_cast %reduce_sum3A_101 : vector<64xf32> to vector<64x1xf32>
      %log3A = math.log %broadcast_in_dim3A_102 : vector<64x1xf32>
      %sub3A_103 = vector.broadcast %log3A : vector<64x1xf32> to vector<64x4xf32>
      %sub3A_104 = arith.subf %sub3A_100, %sub3A_103 : vector<64x4xf32>
      %swap3A_105 = arith.constant 0 : index
      %swap3A_106 = arith.constant 0 : index
      %swap3A_107 = vector.load %arg15[%swap3A_105, %swap3A_106] : memref<64x4xf32, #tpu.memory_space<vmem>>, vector<64x4xf32>
      tpu.vector_store %arg15[%swap3A_105, %swap3A_106], %sub3A_104 {strides = array<i32>} : memref<64x4xf32, #tpu.memory_space<vmem>>, vector<64x4xf32>,
    } else {
    }
    return
  }
  func.func @transform_0(%arg0: i32) -> (i32, i32, i32) {
    %jit3A = arith.constant 5 : i32
    %div3A = arith.divsi %arg0, %jit3A : i32
    %sign3A = arith.constant 0 : i32
    %sign3A_0 = arith.cmpi sgt, %arg0, %sign3A : i32
    %sign3A_1 = arith.extui %sign3A_0 : i1 to i32
    %sign3A_2 = arith.constant 0 : i32
    %sign3A_3 = arith.cmpi slt, %arg0, %sign3A_2 : i32
    %sign3A_4 = arith.extui %sign3A_3 : i1 to i32
    %sign3A_5 = arith.subi %sign3A_1, %sign3A_4 : i32
    %sign3A_6 = arith.constant 0 : i32
    %sign3A_7 = arith.cmpi sgt, %jit3A, %sign3A_6 : i32
    %sign3A_8 = arith.extui %sign3A_7 : i1 to i32
    %sign3A_9 = arith.constant 0 : i32
    %sign3A_10 = arith.cmpi slt, %jit3A, %sign3A_9 : i32
    %sign3A_11 = arith.extui %sign3A_10 : i1 to i32
    %sign3A_12 = arith.subi %sign3A_8, %sign3A_11 : i32
    %ne3A = arith.cmpi ne, %sign3A_5, %sign3A_12 : i32
    %rem3A = arith.remsi %arg0, %jit3A : i32
    %ne3A_13 = arith.constant 0 : i32
    %ne3A_14 = arith.cmpi ne, %rem3A, %ne3A_13 : i32
    %and3A = arith.andi %ne3A, %ne3A_14 : i1
    %sub3A = arith.constant 1 : i32
    %sub3A_15 = arith.subi %div3A, %sub3A : i32
    %select_n3A = arith.select %and3A, %sub3A_15, %div3A : i32
    %jit3A_16 = arith.constant 5 : i32
    %eq3A = arith.constant 0 : i32
    %eq3A_17 = arith.cmpi eq, %jit3A_16, %eq3A : i32
    %jit3A_18 = arith.constant 1 : i32
    %select_n3A_19 = arith.select %eq3A_17, %jit3A_18, %jit3A_16 : i32
    %rem3A_20 = arith.remsi %arg0, %select_n3A_19 : i32
    %ne3A_21 = arith.constant 0 : i32
    %ne3A_22 = arith.cmpi ne, %rem3A_20, %ne3A_21 : i32
    %lt3A = arith.constant 0 : i32
    %lt3A_23 = arith.cmpi slt, %rem3A_20, %lt3A : i32
    %lt3A_24 = arith.constant 0 : i32
    %lt3A_25 = arith.cmpi slt, %select_n3A_19, %lt3A_24 : i32
    %ne3A_26 = arith.xori %lt3A_23, %lt3A_25 : i1
    %and3A_27 = arith.andi %ne3A_26, %ne3A_22 : i1
    %add3A = arith.addi %rem3A_20, %select_n3A_19 : i32
    %select_n3A_28 = arith.select %and3A_27, %add3A, %rem3A_20 : i32
    %c0_i32 = arith.constant 0 : i32
    %c0_i32_29 = arith.constant 0 : i32
    return %select_n3A, %select_n3A_28, %c0_i32 : i32, i32, i32
  }
  func.func @transform_1(%arg0: i32) -> (i32, i32) {
    %c0_i32 = arith.constant 0 : i32
    %c0_i32_0 = arith.constant 0 : i32
    return %arg0, %c0_i32 : i32, i32
  }
  func.func @transform_2(%arg0: i32) -> (i32, i32) {
    %c0_i32 = arith.constant 0 : i32
    %c0_i32_0 = arith.constant 0 : i32
    return %arg0, %c0_i32 : i32, i32
  }
  func.func @transform_3(%arg0: i32) -> (i32, i32) {
    %c0_i32 = arith.constant 0 : i32
    %c0_i32_0 = arith.constant 0 : i32
    return %arg0, %c0_i32 : i32, i32
  }
  func.func @transform_4(%arg0: i32) -> (i32, i32) {
    %c0_i32 = arith.constant 0 : i32
    %c0_i32_0 = arith.constant 0 : i32
    %c0_i32_1 = arith.constant 0 : i32
    return %c0_i32, %c0_i32_0 : i32, i32
  }
  func.func @transform_5(%arg0: i32) -> (i32, i32) {
    %c0_i32 = arith.constant 0 : i32
    %c0_i32_0 = arith.constant 0 : i32
    %c0_i32_1 = arith.constant 0 : i32
    return %c0_i32, %c0_i32_0 : i32, i32
  }
  func.func @transform_6(%arg0: i32) -> (i32, i32) {
    %c0_i32 = arith.constant 0 : i32
    %c0_i32_0 = arith.constant 0 : i32
    %c0_i32_1 = arith.constant 0 : i32
    return %c0_i32, %c0_i32_0 : i32, i32
  }
  func.func @transform_7(%arg0: i32) -> (i32, i32) {
    %c0_i32 = arith.constant 0 : i32
    %c0_i32_0 = arith.constant 0 : i32
    %c0_i32_1 = arith.constant 0 : i32
    return %c0_i32, %c0_i32_0 : i32, i32
  }
  func.func @transform_8(%arg0: i32) -> (i32, i32) {
    %c0_i32 = arith.constant 0 : i32
    %c0_i32_0 = arith.constant 0 : i32
    %c0_i32_1 = arith.constant 0 : i32
    return %c0_i32, %c0_i32_0 : i32, i32
  }
  func.func @transform_9(%arg0: i32) -> (i32, i32) {
    %c0_i32 = arith.constant 0 : i32
    %c0_i32_0 = arith.constant 0 : i32
    %c0_i32_1 = arith.constant 0 : i32
    return %c0_i32, %c0_i32_0 : i32, i32
  }
  func.func @transform_10(%arg0: i32) -> (i32, i32) {
    %c0_i32 = arith.constant 0 : i32
    %c0_i32_0 = arith.constant 0 : i32
    %c0_i32_1 = arith.constant 0 : i32
    return %c0_i32, %c0_i32_0 : i32, i32
  }
  func.func @transform_11(%arg0: i32) -> (i32, i32) {
    %c0_i32 = arith.constant 0 : i32
    %c0_i32_0 = arith.constant 0 : i32
    %c0_i32_1 = arith.constant 0 : i32
    return %c0_i32, %c0_i32_0 : i32, i32
  }
  func.func @transform_12(%arg0: i32) -> (i32, i32) {
    %c0_i32 = arith.constant 0 : i32
    %c0_i32_0 = arith.constant 0 : i32
    %c0_i32_1 = arith.constant 0 : i32
    return %c0_i32, %c0_i32_0 : i32, i32
  }
  func.func @transform_13(%arg0: i32) -> (i32, i32) {
    %c0_i32 = arith.constant 0 : i32
    %c0_i32_0 = arith.constant 0 : i32
    %c0_i32_1 = arith.constant 0 : i32
    return %c0_i32, %c0_i32_0 : i32, i32
  }
  func.func @transform_14(%arg0: i32) -> (i32, i32) {
    %c0_i32 = arith.constant 0 : i32
    %c0_i32_0 = arith.constant 0 : i32
    %c0_i32_1 = arith.constant 0 : i32
    return %c0_i32, %c0_i32_0 : i32, i32
  }
}

</mosaic_0001>

<sc_bundles>
// kernel: kernel.6.cloned.1.call-start
scs
__scs_entry_jumppad:
0x0: {  	(pc) =	sbr.rel $0x88, $3  }
0x1: {  	(tag) =	ssettag $0x0;
	lr =	simm.s32 $0x1  }
0x2: {  	[smem:$0x3F94] =	sst lr;
	_ =	strace $0xD0000000  }
0x3: {  	_ = 	snop  }
0x4: {  	_ = 	snop  }
0x5: {  	_ = 	snop  }
0x6: {  	_ = 	snop  }
0x7: {  	_ = 	snop  }
__scs_overlays_trampoline_lowered:
0x8: {  	[smem:$0x3FA3] =	sst s0  }
0x9: {  	[smem:$0x3FA4] =	sst s1  }
0xa: {  	[smem:$0x3FA5] =	sst s2  }
0xb: {  	[smem:$0x3FA6] =	sst s3  }
0xc: {  	[smem:$0x3FA7] =	sst s4  }
0xd: {  	[smem:$0x3FA8] =	sst s5  }
0xe: {  	[smem:$0x3FA9] =	sst s6  }
0xf: {  	[smem:$0x3FAA] =	sst s7  }
0x10: {  	[smem:$0x3FAB] =	sst s8  }
0x11: {  	[smem:$0x3FAC] =	sst s9;
	s0 =	simm.s32 @!p0 $0x0  }
0x12: {  	s1 =	sld [smem:$0x3F92];
	s0 =	simm.s32 @p0 $0x1  }
0x13: {  	[smem:$0x3FAD] =	sst s0;
	s0 =	simm.s32 @!p1 $0x0  }
0x14: {  	s2 =	sld [smem:$0x3F91];
	s0 =	simm.s32 @p1 $0x1  }
0x15: {  	[smem:$0x3FAE] =	sst s0;
	s0 =	simm.s32 @!p2 $0x0  }
0x16: {  	s3 =	sld [smem:$0x3FDB];
	s0 =	simm.s32 @p2 $0x1  }
0x17: {  	s4 =	simm.s32 $0x1BF5;
	[smem:$0x3FB0] =	sst s0  }
0x18: {  	s0 =	sld [smem:$0x3F93];
	_ =	swait.ge [sflag:s4], $0x0  }
0x19: {  	s7 =	sld [smem:$0x3F94]  }
0x1a: {  	s8 =	sadd.s32 $0xFFFFE003, lr  }
0x1b: {  	s9 =	sadd.s32 $0xFFFFFEF7, lr;
	s5 =	simm.s32 $0xFFFFFFFF;
	p2 =	slt.u32 s8, $0xFFFFF086  }
0x1c: {  	p1 =	slt.u32 s9, $0xF7A;
	s5 =	simm.s32 @!p2 $0x0  }
0x1d: {  	s5 =	simm.s32 @p1 $0x1;
	p0 =	seq.s32 s7, s2  }
0x1e: {  	s7 =	smul.u32 @!p0 $0xF7A, s2;
	p2 =	seq.s32 @!p0 s5, $0x0  }
0x1f: {  	s9 =	smul.u32 $0xF7A, s1;
	s8 =	simm.s32 @!p0 $0x1BF5;
	p2 =	por !p2, p0  }
0x20: {  	[sflag:s8] =	ssyncset.s32 @!p0 $0xFFFFF086;
	s6 =	sadd.s32 @!p0 s3, s7;
	s7 =	simm.s32 @!p0 $0x108  }
0x21: {  	s3 =	sadd.s32 s3, s9;
	s6 =	sadd.s32 @!p0 $0x88, s6;
	s7 =	simm.s32 @p2 $0x1082  }
0x22: {  	[simem:s7], [sflag:s8] =	dma.local @!p0 [hbm:s6], $0xF7A  }
0x23: {  	s9 =	sor.u32 $0xD0000000, s2;
	s6 =	simm.s32 $0x108;
	_ =	swait.ge @!p0 [sflag:s8], $0x0  }
0x24: {  	s3 =	sadd.s32 $0x88, s3;
	s6 =	simm.s32 @!p1 $0x1082;
	[sflag:s4] =	ssyncset.s32 $0xFFFFF086  }
0x25: {  	[simem:s6], [sflag:s4] =	dma.local [hbm:s3], $0xF7A  }
0x26: {  	[smem:$0x3F94] =	sst s1;
	(tag) =	ssettag s2;
	_ =	strace s9  }
0x27: {  	s1 =	sld [smem:$0x3FA4]  }
0x28: {  	s2 =	sld [smem:$0x3FA5]  }
0x29: {  	s4 =	sld [smem:$0x3FA7]  }
0x2a: {  	p0 =	seq.s32 s5, $0x0;
	s5 =	sld [smem:$0x3FA8]  }
0x2b: {  	s6 =	sld [smem:$0x3FA9]  }
0x2c: {  	s7 =	sld [smem:$0x3FAA]  }
0x2d: {  	s3 =	simm.s32 $0x108;
	s8 =	sld [smem:$0x3FAB]  }
0x2e: {  	s3 =	simm.s32 @!p0 $0x1082;
	s9 =	sld [smem:$0x3FAC]  }
0x2f: {  	lr =	sadd.s32 s0, s3;
	s0 =	sld [smem:$0x3FA3]  }
0x30: {  	s3 =	sld [smem:$0x3FA6]  }
0x31: {  	[smem:$0x3FAF] =	sst s10  }
0x32: {  	s10 =	sld [smem:$0x3FAD];
	_ =	sdelay $0x3  }
0x33: {  	p0 =	seq.s32 s10, $0x1;
	s10 =	sld [smem:$0x3FAF];
	_ =	sdelay $0x3  }
0x34: {  	[smem:$0x3FAF] =	sst s10  }
0x35: {  	s10 =	sld [smem:$0x3FAE];
	_ =	sdelay $0x3  }
0x36: {  	p1 =	seq.s32 s10, $0x1;
	s10 =	sld [smem:$0x3FAF];
	_ =	sdelay $0x3  }
0x37: {  	[smem:$0x3FAF] =	sst s10  }
0x38: {  	s10 =	sld [smem:$0x3FB0]  }
0x39: {  	_ = 	snop;
	(pc) =	sbr.ind lr, $3  }
0x3a: {  	_ = 	snop  }
0x3b: {  	_ = 	snop  }
0x3c: {  	p2 =	seq.s32 s10, $0x1;
	s10 =	sld [smem:$0x3FAF]  }
0x3d: {  	_ =	shalt  }
0x3e: {  	_ =	shalt  }
0x3f: {  	_ =	shalt  }
0x40: {  	_ =	shalt  }
0x41: {  	_ =	shalt  }
0x42: {  	_ =	shalt  }
0x43: {  	_ =	shalt  }
0x44: {  	_ =	shalt  }
0x45: {  	_ =	shalt  }
0x46: {  	_ =	shalt  }
0x47: {  	_ =	shalt  }
0x48: {  	_ =	shalt  }
0x49: {  	_ =	shalt  }
0x4a: {  	_ =	shalt  }
0x4b: {  	_ =	shalt  }
0x4c: {  	_ =	shalt  }
0x4d: {  	_ =	shalt  }
0x4e: {  	_ =	shalt  }
0x4f: {  	_ =	shalt  }
0x50: {  	_ =	shalt  }
0x51: {  	_ =	shalt  }
0x52: {  	_ =	shalt  }
0x53: {  	_ =	shalt  }
0x54: {  	_ =	shalt  }
0x55: {  	_ =	shalt  }
0x56: {  	_ =	shalt  }
0x57: {  	_ =	shalt  }
0x58: {  	_ =	shalt  }
0x59: {  	_ =	shalt  }
0x5a: {  	_ =	shalt  }
0x5b: {  	_ =	shalt  }
0x5c: {  	_ =	shalt  }
0x5d: {  	_ =	shalt  }
0x5e: {  	_ =	shalt  }
0x5f: {  	_ =	shalt  }
0x60: {  	_ =	shalt  }
0x61: {  	_ =	shalt  }
0x62: {  	_ =	shalt  }
0x63: {  	_ =	shalt  }
0x64: {  	_ =	shalt  }
0x65: {  	_ =	shalt  }
0x66: {  	_ =	shalt  }
0x67: {  	_ =	shalt  }
0x68: {  	_ =	shalt  }
0x69: {  	_ =	shalt  }
0x6a: {  	_ =	shalt  }
0x6b: {  	_ =	shalt  }
0x6c: {  	_ =	shalt  }
0x6d: {  	_ =	shalt  }
0x6e: {  	_ =	shalt  }
0x6f: {  	_ =	shalt  }
0x70: {  	_ =	shalt  }
0x71: {  	_ =	shalt  }
0x72: {  	_ =	shalt  }
0x73: {  	_ =	shalt  }
0x74: {  	_ =	shalt  }
0x75: {  	_ =	shalt  }
0x76: {  	_ =	shalt  }
0x77: {  	_ =	shalt  }
0x78: {  	_ =	shalt  }
0x79: {  	_ =	shalt  }
0x7a: {  	_ =	shalt  }
0x7b: {  	_ =	shalt  }
0x7c: {  	_ =	shalt  }
0x7d: {  	_ =	shalt  }
0x7e: {  	_ =	shalt  }
0x7f: {  	_ =	shalt  }
0x80: {  	_ =	shalt  }
0x81: {  	_ =	shalt  }
0x82: {  	_ =	shalt  }
0x83: {  	_ =	shalt  }
0x84: {  	_ =	shalt  }
0x85: {  	_ =	shalt  }
0x86: {  	_ =	shalt  }
0x87: {  	_ =	shalt  }
.Lfunc_end0:
.L_simem_size_0:
called_computation_lowered:
.L_overlay_start_0:
0x88: {  	s2 =	sld [smem:$0x3FD9]  }
0x89: {  	s3 =	sld [smem:$0x3FFE];
	_ =	sdelay $0x1  }
0x8a: {  	s1 =	srdreg.scid  }
0x8b: {  	s0 =	sand.u32 $0x1, s1  }
0x8c: {  	s16 =	sshll.u32 s0, $0xA;
	s2 =	sadd.s32 s3, s2  }
0x8d: {  	s2 =	sadd.s32 s2, s16  }
0x8e: {  	[smem:$0x3FBB] =	sst s2  }
0x8f: {  	_ = 	snop  }
0x90: {  	(tm) =	ssettm $0x1  }
0x91: {  	s17 =	sld [smem:$0x3FFB];
	_ =	sdelay $0x3  }
0x92: {  	_ =	strace s17  }
0x93: {  	s2 =	sld [smem:$0x3FFC];
	_ =	sdelay $0x3  }
0x94: {  	_ =	strace s2  }
0x95: {  	s2 =	sld [smem:$0x3FFD];
	_ =	sdelay $0x3  }
0x96: {  	_ =	strace s2  }
0x97: {  	_ =	strace $0x8FFFFFFF  }
0x98: {  	s18 =	sld [smem:$0x3FDB];
	_ =	sdelay $0x1  }
0x99: {  	s19 =	simm.s32 $_scs_section_size  }
0x9a: {  	s4 =	simm.s32 $_size__tile_overlayer_lowered;
	s5 =	simm.s32 $_tile_overlayer_lowered  }
0x9b: {  	s22 =	simm.s32 $0x1BFF;
	s21 =	sshll.u32 s5, $0x1;
	s2 =	sadd.s32 s19, s18  }
0x9c: {  	s6 =	simm.s32 $0x0;
	s20 =	sshll.u32 s4, $0x1;
	s4 =	sadd.s32 s21, s2  }
0x9d: {  	[timem:s6], [sflag:s22] =	dma.local [hbm:s4], s20  }
0x9e: {  	_ =	swait.ge [sflag:s22], s20  }
0x9f: {  	s3 =	ssub.s32 $0x0, s20;
	[sflag:s22] =	ssyncset.done $0x0  }
0xa0: {  	[sflag:s22] =	ssyncadd.s32 s3;
	_ =	sdelay $0x1  }
0xa1: {  	s23 =	simm.s32 $0x1B8B  }
0xa2: {  	_ =	swait.ge [sflag:s23], $0x1  }
0xa3: {  	[sflag:s23] =	ssyncset.done $0x0  }
0xa4: {  	s25 =	simm.s32 $0x1B8E;
	s24 =	sld [smem:$0x3FFE];
	[sflag:s23] =	ssyncadd.s32 $0xFFFFFFFF  }
0xa5: {  	s26 =	simm.s32 $execute0_lowered;
	[smem:$0x3FD2] =	sst s25  }
0xa6: {  	s4 =	sshll.u32 s26, $0x1;
	_ =	strace $0x80000046;
	[dreg:$0x1] =	wrdreg $0xFFFFFFFF  }
0xa7: {  	s28 =	simm.s32 $_size_execute0_lowered;
	s2 =	sadd.s32 s2, s4;
	[dreg:$0x0] =	wrdreg $0x0  }
0xa8: {  	s4 =	sshll.u32 s28, $0x1;
	[dreg:$0x2] =	wrdreg s2  }
0xa9: {  	[dreg:$0x3] =	wrdreg s4  }
0xaa: {  	[dreg:$0x4] =	wrdreg $0xC0  }
0xab: {  	_ =	task [dreg:s6], $0x5FFFF  }
0xac: {  	[dreg:$0x1] =	wrdreg $0xFFFFFFFF  }
0xad: {  	[dreg:$0x0] =	wrdreg $0x60  }
0xae: {  	[dreg:$0x2] =	wrdreg s24  }
0xaf: {  	[dreg:$0x3] =	wrdreg $0x110000  }
0xb0: {  	[dreg:$0x4] =	wrdreg $0x9  }
0xb1: {  	_ =	task.clear_ibuf [dreg:s6], $0x5FFFF;
	_ =	strace $0x90000046  }
0xb2: {  	s29 =	simm.s32 $0x9;
	_ =	strace $0x80000048  }
0xb3: {  	_ =	swait.ge [sflag:s29], $0x1  }
0xb4: {  	[sflag:s29] =	ssyncadd.s32 $0xFFFFFFFF  }
0xb5: {  	_ =	strace $0x90000048  }
0xb6: {  	_ =	sfence  }
0xb7: {  	s30 =	sld [smem:$0x0];
	_ =	sdelay $0x2  }
0xb8: {  	s31 =	sshll.u32 s1, $0xD;
	s1 =	sshrl.u32 s1, $0x2  }
0xb9: {  	s3 =	sand.u32 $0x4000, s31;
	s1 =	sadd.s32 s1, s30  }
0xba: {  	s0 =	sor.u32 s3, s0;
	s1 =	sshll.u32 s1, $0x11  }
0xbb: {  	s0 =	sor.u32 s1, s0  }
0xbc: {  	s0 =	sadd.s32 $0x8F2B, s0  }
0xbd: {  	[sflag:s0] =	ssyncadd.remote.s32 $0x1  }
0xbe: {  	_ =	sfence.sel $0xFFFF  }
0xbf: {  	[dreg:$0x0] =	wrdreg $0xFFFFFFFF;
	(pc) =	sbr.abs _section_cstart, $3  }
0xc0: {  	[dreg:$0x1] =	wrdreg $0xFFFFFFFF  }
0xc1: {  	_ =	task.clear_ibuf [dreg:s6], $0x2FFFF;
	_ =	strace $0x9FFFFFFF  }
0xc2: {  	(tm) =	ssettm $0x7FFFFFFF  }
0xc3: {  	_ =	shalt  }
tec
execute0_lowered:
.L_overlay_start_1:
0x0: {  	(tag) =	ssettag $0x1  }
0x1: {  	s6 =	rddreg [dreg:$0x0]  }
0x2: {  	s2 =	rddreg [dreg:$0x1];
	s1 =	stileid.u32  }
0x3: {  	s0 =	rddreg [dreg:$0x2];
	s3 =	simm.s32 $0x0;
	s5 =	srdreg.scid  }
0x4: {  	s17 =	simm.s32 $0x80;
	s18 =	simm.s32 $0x9000;
	s4 =	smul.u32 $0xA00, s1  }
0x5: {  	s19 =	simm.s32 $0x0;
	[smem:$0x7FF] =	sst s3;
	s9 =	smul.u32 $0x28000, s1  }
0x6: {  	s10 =	sand.u32 $0x1, s5;
	s5 =	sadd.s32 $0x16E00, s6;
	s12 =	smul.u32 $0xA000, s1  }
0x7: {  	s13 =	sadd.s32 $0x17E00, s6;
	_ =	strace $0x80000047;
	s15 =	smul.u32 $0xA0000, s10  }
0x8: {  	s8 =	ssub.s32 $0x2, s10;
	s10 =	smul.u32 $0x1400, s10;
	s7 =	sadd.s32 s4, s6  }
0x9: {  	s4 =	sadd.s32 $0x17600, s6;
	s11 =	sshrl.u32 s8, $0x1;
	s29 =	sshrl.u32 s9, $0x2  }
0xa: {  	s30 =	sadd.s32 $0x4000, s12;
	s16 =	sadd.s32 $0x8000, s12;
	s14 =	ssub.s32 s8, s11  }
0xb: {  	s6 =	sadd.s32 $0x2E00, s7;
	s7 =	sadd.s32 s29, s2;
	s8 =	sadd.s32 s30, s2  }
.Ltmp0:
0xc: {  	s9 =	sadd.s32 s16, s2;
	s12 =	sadd.s32 s12, s15;
	(pc) =	sbr.rel .LBB2_1-.Ltmp0, $4  }
0xd: {  	v1 =	vlaneseq.u32;
	v2 =	vimm.s32 $0x0;
	s11 =	sadd.s32 s15, s30;
	s15 =	sadd.s32 s15, s16;
	s16 =	simm.s32 $0xD000  }
0xe: {  	v10 =	vimm.f32 $1.000000000e+00;
	v3 =	vor.u32 $0x10, v1;
	v4 =	vor.u32 $0x20, v1;
	s12 =	sshrl.u32 s12, $0x3;
	s11 =	sshrl.u32 s11, $0x3;
	s31 =	sshrl.u32 s15, $0x3  }
0xf: {  	v5 =	vor.u32 $0x30, v1;
	v6 =	vor.u32 $0x40, v1;
	v0 =	vmov s10;
	s15 =	simm.s32 $0x5000;
	s10 =	sadd.s32 s13, s12;
	s11 =	sadd.s32 s13, s11  }
0x10: {  	v7 =	vor.u32 $0x50, v1;
	v8 =	vor.u32 $0x60, v1;
	v9 =	vor.u32 $0x70, v1;
	s12 =	sadd.s32 s13, s31;
	s13 =	smax.u32 s14, $0x1;
	s14 =	simm.s32 $0x1  }
.LBB2_8:
0x11: {  	[sflag:s14] =	ssyncadd.s32 $0xFFFFC000  }
.LBB2_9:
0x12: {  	p0 =	slt.s32 s20, $0x9F  }
0x13: {  	s20 =	simm.s32 @!p0 $0x9F  }
0x14: {  	s20 =	sshll.u32 s20, $0x9  }
0x15: {  	s20 =	sshra.s32 s20, $0x2  }
0x16: {  	[spmem:s2] =	stream.indirect.scatter.add.f32 [tilespmem:s18], [sflag:$0x1], $0x80, s20, s17, $0xb8;
	[tilespmem:$0x1B000] =	vst v63  }
0x17: {  	_ =	swait.ge [sflag:s14], $0x4000  }
0x18: {  	[sflag:s14] =	ssyncset.done $0x0  }
0x19: {  	[sflag:s14] =	ssyncadd.s32 $0xFFFFC000  }
0x1a: {  	[bflag:$0x0] =	sbarrier.arrive $0xFFFF  }
0x1b: {  	[tilespmem:s16], [sflag:$0x1] =	stream.linear.gather [spmem:s7], $0x4000, $0x38;
	[tilespmem:$0x1B000] =	vst v63  }
0x1c: {  	_ =	swait.ge [sflag:s14], $0x4000  }
0x1d: {  	[sflag:s14] =	ssyncset.done $0x0  }
0x1e: {  	[sflag:s14] =	ssyncadd.s32 $0xFFFFC000  }
0x1f: {  	[hbm4b:s10+s3] =	stream.linear.scatter [tilespmem:s16], [sflag:$0x1], $0x4000, $0x38;
	[tilespmem:$0x1B000] =	vst v63  }
0x20: {  	_ =	swait.ge [sflag:s14], $0x4000  }
0x21: {  	[sflag:s14] =	ssyncset.done $0x0  }
0x22: {  	[sflag:s14] =	ssyncadd.s32 $0xFFFFC000  }
0x23: {  	[tilespmem:s16], [sflag:$0x1] =	stream.linear.gather [spmem:s8], $0x4000, $0x38;
	[tilespmem:$0x1B000] =	vst v63  }
0x24: {  	_ =	swait.ge [sflag:s14], $0x4000  }
0x25: {  	[sflag:s14] =	ssyncset.done $0x0  }
0x26: {  	[sflag:s14] =	ssyncadd.s32 $0xFFFFC000  }
0x27: {  	[hbm4b:s11+s3] =	stream.linear.scatter [tilespmem:s16], [sflag:$0x1], $0x4000, $0x38;
	[tilespmem:$0x1B000] =	vst v63  }
0x28: {  	_ =	swait.ge [sflag:s14], $0x4000  }
0x29: {  	[sflag:s14] =	ssyncset.done $0x0  }
0x2a: {  	[sflag:s14] =	ssyncadd.s32 $0xFFFFC000  }
0x2b: {  	[tilespmem:s16], [sflag:$0x1] =	stream.linear.gather [spmem:s9], $0x2000, $0x38;
	[tilespmem:$0x1B000] =	vst v63  }
0x2c: {  	s19 =	sadd.s32 $0x1, s19;
	_ =	swait.ge [sflag:s14], $0x2000  }
0x2d: {  	p0 =	sne.s32 s19, s13;
	[sflag:s14] =	ssyncset.done $0x0  }
.Ltmp1:
0x2e: {  	[sflag:s14] =	ssyncadd.s32 $0xFFFFE000;
	(pc) =	sbr.rel @!p0 .LBB2_10-.Ltmp1, $4  }
0x2f: {  	[hbm4b:s12+s3] =	stream.linear.scatter [tilespmem:s16], [sflag:$0x1], $0x2000, $0x38;
	[tilespmem:$0x1B000] =	vst v63  }
0x30: {  	_ =	swait.ge [sflag:s14], $0x2000  }
0x31: {  	[sflag:s14] =	ssyncset.done $0x0  }
0x32: {  	[sflag:s14] =	ssyncadd.s32 $0xFFFFE000  }
.LBB2_1:
0x33: {  	[tilespmem:s3], [sflag:$0x1] =	stream.linear.gather [hbm4b:s6+s3], $0x5000, $0x38;
	[tilespmem:$0x1B000] =	vst v63  }
0x34: {  	_ =	swait.ge [sflag:s14], $0x5000  }
0x35: {  	[sflag:s14] =	ssyncset.done $0x0  }
0x36: {  	[sflag:s14] =	ssyncadd.s32 $0xFFFFB000  }
0x37: {  	[tilespmem:s15], [sflag:$0x1] =	stream.linear.gather [hbm4b:s4+s3], $0x4000, $0x38;
	[tilespmem:$0x1B000] =	vst v63  }
0x38: {  	_ =	swait.ge [sflag:s14], $0x4000  }
0x39: {  	[sflag:s14] =	ssyncset.done $0x0  }
0x3a: {  	[sflag:s14] =	ssyncadd.s32 $0xFFFFC000  }
0x3b: {  	[tilespmem:s16], [sflag:$0x1] =	stream.linear.gather [hbm4b:s5+s3], $0x4000, $0x38;
	[tilespmem:$0x1B000] =	vst v63  }
0x3c: {  	_ =	swait.ge [sflag:s14], $0x4000  }
0x3d: {  	[sflag:s14] =	ssyncset.done $0x0  }
0x3e: {  	[sflag:s14] =	ssyncadd.s32 $0xFFFFC000  }
0x3f: {  	[spmem:s7] =	stream.linear.scatter [tilespmem:s16], [sflag:$0x1], $0x4000, $0x38;
	[tilespmem:$0x1B000] =	vst v63  }
0x40: {  	_ =	swait.ge [sflag:s14], $0x4000  }
0x41: {  	[sflag:s14] =	ssyncset.done $0x0  }
0x42: {  	[sflag:s14] =	ssyncadd.s32 $0xFFFFC000  }
0x43: {  	[spmem:s8] =	stream.linear.scatter [tilespmem:s16], [sflag:$0x1], $0x4000, $0x38;
	[tilespmem:$0x1B000] =	vst v63  }
0x44: {  	_ =	swait.ge [sflag:s14], $0x4000  }
0x45: {  	[sflag:s14] =	ssyncset.done $0x0  }
0x46: {  	[sflag:s14] =	ssyncadd.s32 $0xFFFFC000  }
0x47: {  	[spmem:s9] =	stream.linear.scatter [tilespmem:s16], [sflag:$0x1], $0x2000, $0x38;
	[tilespmem:$0x1B000] =	vst v63  }
0x48: {  	_ =	swait.ge [sflag:s14], $0x2000  }
0x49: {  	[sflag:s14] =	ssyncset.done $0x0  }
0x4a: {  	s20 =	simm.s32 $0x0;
	s21 =	simm.s32 $0x0;
	[sflag:s14] =	ssyncadd.s32 $0xFFFFE000  }
.LBB2_2:
0x4b: {  	s22 =	sshra.s32 s20, $0x2  }
0x4c: {  	v11 =	vld [tilespmem:s22+$0x0];
	_ =	sdelay $0x4  }
0x4d: {  	v11 =	vsub.s32 v11, v0  }
0x4e: {  	vm0 =	vlt.u32 v11, $0x1400  }
0x4f: {  	v12 =	vsel vm0, $0x1, v2  }
0x50: {  	(xrf0) =	vadd.scan.msk.s32 $0xffff, v12;
	_ =	sdelay $0x4  }
0x51: {  	v43 =	vsel vm0, $0xFFFFFFFF, v2  }
0x52: {  	v12 =	vadd.s32 s21, v43;
	v13, _, _ =	vpop (xrf0)  }
0x53: {  	v12 =	vadd.s32 v13, v12;
	_ =	sdelay $0x4  }
0x54: {  	(v2sf) =	vpush v13, $0xF;
	[tilespmem:v12+s3+$0x0] =	vst.idx.msk vm0, v11  }
0x55: {  	v11 =	vld [tilespmem:s22+$0x10];
	_ =	sdelay $0x4  }
0x56: {  	v11 =	vsub.s32 v11, v0  }
0x57: {  	vm9 =	vlt.u32 v11, $0x1400  }
0x58: {  	v44 =	vsel vm9, $0x1, v2  }
0x59: {  	(xrf0) =	vadd.scan.msk.s32 $0xffff, v44;
	_ =	sdelay $0x5  }
0x5a: {  	v45 =	vsel vm9, $0xFFFFFFFF, v2;
	s23 =	spop (v2sf);
	v46, _, _ =	vpop (xrf0)  }
0x5b: {  	s23 =	sadd.s32 s21, s23;
	v12 =	vadd.s32 v45, v46  }
0x5c: {  	v12 =	vadd.s32 s23, v12;
	_ =	sdelay $0x4  }
0x5d: {  	(v2sf) =	vpush v46, $0xF;
	[tilespmem:v12+s3+$0x0] =	vst.idx.msk vm9, v11  }
0x5e: {  	v11 =	vld [tilespmem:s22+$0x20];
	_ =	sdelay $0x4  }
0x5f: {  	v11 =	vsub.s32 v11, v0  }
0x60: {  	vm10 =	vlt.u32 v11, $0x1400  }
0x61: {  	v47 =	vsel vm10, $0x1, v2  }
0x62: {  	(xrf0) =	vadd.scan.msk.s32 $0xffff, v47;
	_ =	sdelay $0x5  }
0x63: {  	v48 =	vsel vm10, $0xFFFFFFFF, v2;
	s24 =	spop (v2sf);
	v49, _, _ =	vpop (xrf0)  }
0x64: {  	s21 =	sadd.s32 s23, s24;
	v12 =	vadd.s32 v48, v49  }
0x65: {  	v12 =	vadd.s32 s21, v12;
	_ =	sdelay $0x4  }
0x66: {  	(v2sf) =	vpush v49, $0xF;
	[tilespmem:v12+s3+$0x0] =	vst.idx.msk vm10, v11  }
0x67: {  	v11 =	vld [tilespmem:s22+$0x30];
	_ =	sdelay $0x4  }
0x68: {  	v11 =	vsub.s32 v11, v0  }
0x69: {  	vm11 =	vlt.u32 v11, $0x1400  }
0x6a: {  	v50 =	vsel vm11, $0x1, v2  }
0x6b: {  	(xrf0) =	vadd.scan.msk.s32 $0xffff, v50;
	_ =	sdelay $0x5  }
0x6c: {  	v51 =	vsel vm11, $0xFFFFFFFF, v2;
	s25 =	spop (v2sf);
	v52, _, _ =	vpop (xrf0)  }
0x6d: {  	s21 =	sadd.s32 s21, s25;
	v12 =	vadd.s32 v51, v52  }
0x6e: {  	v12 =	vadd.s32 s21, v12;
	_ =	sdelay $0x4  }
0x6f: {  	(v2sf) =	vpush v52, $0xF;
	[tilespmem:v12+s3+$0x0] =	vst.idx.msk vm11, v11  }
0x70: {  	v11 =	vld [tilespmem:s22+$0x40];
	_ =	sdelay $0x4  }
0x71: {  	v11 =	vsub.s32 v11, v0  }
0x72: {  	vm12 =	vlt.u32 v11, $0x1400  }
0x73: {  	v53 =	vsel vm12, $0x1, v2  }
0x74: {  	(xrf0) =	vadd.scan.msk.s32 $0xffff, v53;
	_ =	sdelay $0x5  }
0x75: {  	v54 =	vsel vm12, $0xFFFFFFFF, v2;
	s26 =	spop (v2sf);
	v55, _, _ =	vpop (xrf0)  }
0x76: {  	s21 =	sadd.s32 s21, s26;
	v12 =	vadd.s32 v54, v55  }
0x77: {  	v12 =	vadd.s32 s21, v12;
	_ =	sdelay $0x4  }
0x78: {  	(v2sf) =	vpush v55, $0xF;
	[tilespmem:v12+s3+$0x0] =	vst.idx.msk vm12, v11  }
0x79: {  	v11 =	vld [tilespmem:s22+$0x50];
	_ =	sdelay $0x4  }
0x7a: {  	v11 =	vsub.s32 v11, v0  }
0x7b: {  	vm13 =	vlt.u32 v11, $0x1400  }
0x7c: {  	v56 =	vsel vm13, $0x1, v2  }
0x7d: {  	(xrf0) =	vadd.scan.msk.s32 $0xffff, v56;
	_ =	sdelay $0x5  }
0x7e: {  	v57 =	vsel vm13, $0xFFFFFFFF, v2;
	s28 =	spop (v2sf);
	v58, _, _ =	vpop (xrf0)  }
0x7f: {  	s21 =	sadd.s32 s21, s28;
	v12 =	vadd.s32 v57, v58  }
0x80: {  	v12 =	vadd.s32 s21, v12;
	_ =	sdelay $0x4  }
0x81: {  	(v2sf) =	vpush v58, $0xF;
	[tilespmem:v12+s3+$0x0] =	vst.idx.msk vm13, v11  }
0x82: {  	v11 =	vld [tilespmem:s22+$0x60];
	_ =	sdelay $0x4  }
0x83: {  	v11 =	vsub.s32 v11, v0  }
0x84: {  	vm14 =	vlt.u32 v11, $0x1400  }
0x85: {  	v59 =	vsel vm14, $0x1, v2  }
0x86: {  	(xrf0) =	vadd.scan.msk.s32 $0xffff, v59;
	_ =	sdelay $0x5  }
0x87: {  	v60 =	vsel vm14, $0xFFFFFFFF, v2;
	s29 =	spop (v2sf);
	v61, _, _ =	vpop (xrf0)  }
0x88: {  	s21 =	sadd.s32 s21, s29;
	v12 =	vadd.s32 v60, v61  }
0x89: {  	v12 =	vadd.s32 s21, v12;
	_ =	sdelay $0x4  }
0x8a: {  	[tilespmem:v12+s3+$0x0] =	vst.idx.msk vm14, v11  }
0x8b: {  	v11 =	vld [tilespmem:s22+$0x70];
	_ =	sdelay $0x4  }
0x8c: {  	v11 =	vsub.s32 v11, v0  }
0x8d: {  	vm15 =	vlt.u32 v11, $0x1400  }
0x8e: {  	v62 =	vsel vm15, $0x1, v2  }
0x8f: {  	(xrf0) =	vadd.scan.msk.s32 $0xffff, v62  }
0x90: {  	(v2sf) =	vpush v61, $0xF;
	_ =	sdelay $0x4  }
0x91: {  	v12, _, _ =	vpop (xrf0)  }
0x92: {  	(v2sf) =	vpush v12, $0xF;
	_ =	sdelay $0x8  }
0x93: {  	v63 =	vsel vm15, $0xFFFFFFFF, v2;
	s30 =	spop (v2sf)  }
0x94: {  	s21 =	sadd.s32 s21, s30;
	v12 =	vadd.s32 v63, v12  }
0x95: {  	p0 =	sne.s32 s20, $0x13E00;
	v12 =	vadd.s32 s21, v12  }
.Ltmp2:
0x96: {  	_ = 	snop;
	(pc) =	sbr.rel @p0 .LBB2_2-.Ltmp2, $3  }
0x97: {  	_ =	sdelay $0x1  }
0x98: {  	s31 =	spop (v2sf)  }
0x99: {  	s20 =	sadd.s32 $0x200, s20;
	[tilespmem:v12+s3+$0x0] =	vst.idx.msk vm15, v11;
	s21 =	sadd.s32 s21, s31  }
0x9a: {  	s20 =	sand.u32 $0xFFFFFF80, s21  }
0x9b: {  	v11 =	vor.u32 s20, v1  }
0x9c: {  	v12 =	vor.u32 s20, v3;
	vm0 =	vge.s32 v11, s21  }
0x9d: {  	v13 =	vor.u32 s20, v4;
	vm1 =	vge.s32 v12, s21  }
0x9e: {  	v14 =	vor.u32 s20, v5;
	vm2 =	vge.s32 v13, s21  }
0x9f: {  	v15 =	vor.u32 s20, v6;
	vm3 =	vge.s32 v14, s21  }
0xa0: {  	v16 =	vor.u32 s20, v7;
	vm4 =	vge.s32 v15, s21  }
0xa1: {  	s22 =	simm.s32 $0x0;
	v17 =	vor.u32 s20, v8;
	vm5 =	vge.s32 v16, s21  }
0xa2: {  	vm14 =	vge.s32 v17, s21;
	[tilespmem:v11+s22+$0x0] =	vst.idx.msk vm0, v2;
	v11 =	vor.u32 s20, v9  }
0xa3: {  	[tilespmem:v12+s22+$0x0] =	vst.idx.msk vm1, v2;
	vm15 =	vge.s32 v11, s21  }
0xa4: {  	[tilespmem:v13+s22+$0x0] =	vst.idx.msk vm2, v2  }
0xa5: {  	[tilespmem:v14+s22+$0x0] =	vst.idx.msk vm3, v2  }
0xa6: {  	[tilespmem:v15+s22+$0x0] =	vst.idx.msk vm4, v2  }
0xa7: {  	s20 =	sand.u32 $0x7F, s21;
	[tilespmem:v16+s22+$0x0] =	vst.idx.msk vm5, v2  }
0xa8: {  	p0 =	sgt.s32 s20, $0x0;
	[tilespmem:v17+s22+$0x0] =	vst.idx.msk vm14, v2  }
0xa9: {  	[tilespmem:v11+s22+$0x0] =	vst.idx.msk vm15, v2;
	s22 =	simm.s32 $0x9040;
	v11 =	vpsel !p0, $0x0, v10  }
0xaa: {  	[tilespmem:s22+$0x30] =	vst v11  }
0xab: {  	[tilespmem:s22+$0xFFFFFFC0] =	vst v11  }
0xac: {  	[tilespmem:s22+$0xFFFFFFD0] =	vst v11  }
0xad: {  	[tilespmem:s22+$0xFFFFFFE0] =	vst v11  }
0xae: {  	[tilespmem:s22+$0xFFFFFFF0] =	vst v11  }
0xaf: {  	[tilespmem:s22+$0x0] =	vst v11  }
0xb0: {  	s23 =	simm.s32 $0x2;
	p1 =	sgt.s32 s20, $0x1;
	[tilespmem:s22+$0x10] =	vst v11  }
.LBB2_4:
0xb1: {  	p0 =	sne.s32 s23, $0x7F;
	[tilespmem:s22+$0x20] =	vst v11;
	v11 =	vpsel !p1, $0x0, v10;
	s22 =	sadd.s32 $0x80, s22  }
0xb2: {  	[tilespmem:s22+$0x30] =	vst v11  }
0xb3: {  	[tilespmem:s22+$0xFFFFFFC0] =	vst v11  }
.Ltmp3:
0xb4: {  	[tilespmem:s22+$0xFFFFFFD0] =	vst v11;
	(pc) =	sbr.rel @p0 .LBB2_4-.Ltmp3, $4  }
0xb5: {  	[tilespmem:s22+$0xFFFFFFE0] =	vst v11  }
0xb6: {  	[tilespmem:s22+$0xFFFFFFF0] =	vst v11  }
0xb7: {  	[tilespmem:s22+$0x0] =	vst v11  }
0xb8: {  	p1 =	slt.s32 s23, s20;
	s23 =	sadd.s32 $0x1, s23;
	[tilespmem:s22+$0x10] =	vst v11  }
0xb9: {  	v12 =	vpsel !p1, $0x0, v10;
	[tilespmem:s22+$0x20] =	vst v11;
	s31 =	sadd.s32 $0x80, s22  }
0xba: {  	[tilespmem:s31+$0x30] =	vst v12  }
0xbb: {  	[tilespmem:s31+$0xFFFFFFC0] =	vst v12  }
0xbc: {  	[tilespmem:s31+$0xFFFFFFD0] =	vst v12  }
0xbd: {  	s20 =	sshra.s32 s21, $0x7;
	[tilespmem:s31+$0xFFFFFFE0] =	vst v12  }
0xbe: {  	[tilespmem:s31+$0xFFFFFFF0] =	vst v12;
	p0 =	slt.s32 s20, $0x1  }
.Ltmp4:
0xbf: {  	[tilespmem:s31+$0x0] =	vst v12;
	(pc) =	sbr.rel @p0 .LBB2_9-.Ltmp4, $4  }
0xc0: {  	[tilespmem:s31+$0x10] =	vst v12  }
0xc1: {  	[tilespmem:s31+$0x20] =	vst v12  }
0xc2: {  	[bflag:$0x0] =	sbarrier.arrive $0xFFFF  }
0xc3: {  	s21 =	simm.s32 $0x0  }
0xc4: {  	p0 =	sne.s32 s20, $0x1  }
.Ltmp5:
0xc5: {  	_ = 	snop;
	(pc) =	sbr.rel @!p0 .LBB2_8-.Ltmp5, $4  }
0xc6: {  	_ = 	snop  }
0xc7: {  	[spmem:s2] =	stream.indirect.scatter.add.f32 [tilespmem:s15], [sflag:$0x1], $0x80, s21, s17, $0xb8;
	[tilespmem:$0x1B000] =	vst v63  }
0xc8: {  	_ =	swait.ge [sflag:s14], $0x4000  }
0xc9: {  	s22 =	sadd.s32 $0xFFFFFFFF, s20;
	[sflag:s14] =	ssyncset.done $0x0  }
.LBB2_7:
0xca: {  	p0 =	sne.s32 s22, $0x1;
	[sflag:s14] =	ssyncadd.s32 $0xFFFFC000;
	s21 =	sadd.s32 $0x80, s21  }
.Ltmp6:
0xcb: {  	s22 =	sadd.s32 $0xFFFFFFFF, s22;
	(pc) =	sbr.rel @p0 .LBB2_7-.Ltmp6, $4  }
0xcc: {  	_ = 	snop  }
0xcd: {  	[spmem:s2] =	stream.indirect.scatter.add.f32 [tilespmem:s15], [sflag:$0x1], $0x80, s21, s17, $0xb8;
	[tilespmem:$0x1B000] =	vst v63  }
0xce: {  	_ =	swait.ge [sflag:s14], $0x4000  }
0xcf: {  	[sflag:s14] =	ssyncset.done $0x0  }
.Ltmp7:
0xd0: {  	_ = 	snop;
	(pc) =	sbr.rel .LBB2_8-.Ltmp7, $1  }
0xd1: {  	_ =	sdelay $0x3  }
.LBB2_10:
0xd2: {  	_ =	sfence.sel $0x180000  }
0xd3: {  	[bflag:$0x0] =	sbarrier.arrive $0xFFFF  }
0xd4: {  	p0 =	sne.s32 s1, $0x0;
	_ =	strace $0x90000047  }
0xd5: {  	s0 =	sadd.s32 @!p0 $0x100000, s0;
	[bflag:$0x2] =	sbarrier.arrive $0xFFFF  }
0xd6: {  	[sflag:s0] =	ssyncadd.tile.s32 @!p0 $0x1;
	_ =	shalt  }
.Lfunc_end2:
_tile_overlayer_lowered:
.L_overlay_start_2:
0xd7: {  	(tag) =	ssettag $0x2  }
0xd8: {  	s0 =	rddreg [dreg:$0x0];
	s2 =	stileid.u32  }
0xd9: {  	s1 =	rddreg [dreg:$0x1];
	p0 =	sne.s32 s2, $0x0  }
0xda: {  	s3 =	rddreg [dreg:$0x2];
	[bflag:$0x3] =	sbarrier.arrive $0xFFFF;
	s2 =	simm.s32 @!p0 $0x1C01  }
0xdb: {  	[timem:s3], [sflag:s2] =	dma.local @!p0 [hbm:s0], s1  }
0xdc: {  	s0 =	simm.s32 @!p0 $0x1  }
0xdd: {  	_ =	swait.ge @!p0 [sflag:s0], s1  }
0xde: {  	s1 =	ssub.s32 @!p0 $0x0, s1;
	[sflag:s0] =	ssyncset.done @!p0 $0x0  }
0xdf: {  	[sflag:s0] =	ssyncadd.s32 @!p0 s1  }
0xe0: {  	[bflag:$0x3] =	sbarrier.arrive $0xFFFF  }
0xe1: {  	_ =	shalt  }

// kernel: kernel.9.cloned.1.call-start
scs
__scs_entry_jumppad:
0x0: {  	(pc) =	sbr.rel $0x88, $3  }
0x1: {  	(tag) =	ssettag $0x0;
	lr =	simm.s32 $0x1  }
0x2: {  	[smem:$0x3F94] =	sst lr;
	_ =	strace $0xD0000000  }
0x3: {  	_ = 	snop  }
0x4: {  	_ = 	snop  }
0x5: {  	_ = 	snop  }
0x6: {  	_ = 	snop  }
0x7: {  	_ = 	snop  }
__scs_overlays_trampoline_lowered:
0x8: {  	[smem:$0x3FA3] =	sst s0  }
0x9: {  	[smem:$0x3FA4] =	sst s1  }
0xa: {  	[smem:$0x3FA5] =	sst s2  }
0xb: {  	[smem:$0x3FA6] =	sst s3  }
0xc: {  	[smem:$0x3FA7] =	sst s4  }
0xd: {  	[smem:$0x3FA8] =	sst s5  }
0xe: {  	[smem:$0x3FA9] =	sst s6  }
0xf: {  	[smem:$0x3FAA] =	sst s7  }
0x10: {  	[smem:$0x3FAB] =	sst s8  }
0x11: {  	[smem:$0x3FAC] =	sst s9;
	s0 =	simm.s32 @!p0 $0x0  }
0x12: {  	s1 =	sld [smem:$0x3F92];
	s0 =	simm.s32 @p0 $0x1  }
0x13: {  	[smem:$0x3FAD] =	sst s0;
	s0 =	simm.s32 @!p1 $0x0  }
0x14: {  	s2 =	sld [smem:$0x3F91];
	s0 =	simm.s32 @p1 $0x1  }
0x15: {  	[smem:$0x3FAE] =	sst s0;
	s0 =	simm.s32 @!p2 $0x0  }
0x16: {  	s3 =	sld [smem:$0x3FDB];
	s0 =	simm.s32 @p2 $0x1  }
0x17: {  	s4 =	simm.s32 $0x1BF5;
	[smem:$0x3FB0] =	sst s0  }
0x18: {  	s0 =	sld [smem:$0x3F93];
	_ =	swait.ge [sflag:s4], $0x0  }
0x19: {  	s7 =	sld [smem:$0x3F94]  }
0x1a: {  	s8 =	sadd.s32 $0xFFFFE003, lr  }
0x1b: {  	s9 =	sadd.s32 $0xFFFFFEF7, lr;
	s5 =	simm.s32 $0xFFFFFFFF;
	p2 =	slt.u32 s8, $0xFFFFF086  }
0x1c: {  	p1 =	slt.u32 s9, $0xF7A;
	s5 =	simm.s32 @!p2 $0x0  }
0x1d: {  	s5 =	simm.s32 @p1 $0x1;
	p0 =	seq.s32 s7, s2  }
0x1e: {  	s7 =	smul.u32 @!p0 $0xF7A, s2;
	p2 =	seq.s32 @!p0 s5, $0x0  }
0x1f: {  	s9 =	smul.u32 $0xF7A, s1;
	s8 =	simm.s32 @!p0 $0x1BF5;
	p2 =	por !p2, p0  }
0x20: {  	[sflag:s8] =	ssyncset.s32 @!p0 $0xFFFFF086;
	s6 =	sadd.s32 @!p0 s3, s7;
	s7 =	simm.s32 @!p0 $0x108  }
0x21: {  	s3 =	sadd.s32 s3, s9;
	s6 =	sadd.s32 @!p0 $0x88, s6;
	s7 =	simm.s32 @p2 $0x1082  }
0x22: {  	[simem:s7], [sflag:s8] =	dma.local @!p0 [hbm:s6], $0xF7A  }
0x23: {  	s9 =	sor.u32 $0xD0000000, s2;
	s6 =	simm.s32 $0x108;
	_ =	swait.ge @!p0 [sflag:s8], $0x0  }
0x24: {  	s3 =	sadd.s32 $0x88, s3;
	s6 =	simm.s32 @!p1 $0x1082;
	[sflag:s4] =	ssyncset.s32 $0xFFFFF086  }
0x25: {  	[simem:s6], [sflag:s4] =	dma.local [hbm:s3], $0xF7A  }
0x26: {  	[smem:$0x3F94] =	sst s1;
	(tag) =	ssettag s2;
	_ =	strace s9  }
0x27: {  	s1 =	sld [smem:$0x3FA4]  }
0x28: {  	s2 =	sld [smem:$0x3FA5]  }
0x29: {  	s4 =	sld [smem:$0x3FA7]  }
0x2a: {  	p0 =	seq.s32 s5, $0x0;
	s5 =	sld [smem:$0x3FA8]  }
0x2b: {  	s6 =	sld [smem:$0x3FA9]  }
0x2c: {  	s7 =	sld [smem:$0x3FAA]  }
0x2d: {  	s3 =	simm.s32 $0x108;
	s8 =	sld [smem:$0x3FAB]  }
0x2e: {  	s3 =	simm.s32 @!p0 $0x1082;
	s9 =	sld [smem:$0x3FAC]  }
0x2f: {  	lr =	sadd.s32 s0, s3;
	s0 =	sld [smem:$0x3FA3]  }
0x30: {  	s3 =	sld [smem:$0x3FA6]  }
0x31: {  	[smem:$0x3FAF] =	sst s10  }
0x32: {  	s10 =	sld [smem:$0x3FAD];
	_ =	sdelay $0x3  }
0x33: {  	p0 =	seq.s32 s10, $0x1;
	s10 =	sld [smem:$0x3FAF];
	_ =	sdelay $0x3  }
0x34: {  	[smem:$0x3FAF] =	sst s10  }
0x35: {  	s10 =	sld [smem:$0x3FAE];
	_ =	sdelay $0x3  }
0x36: {  	p1 =	seq.s32 s10, $0x1;
	s10 =	sld [smem:$0x3FAF];
	_ =	sdelay $0x3  }
0x37: {  	[smem:$0x3FAF] =	sst s10  }
0x38: {  	s10 =	sld [smem:$0x3FB0]  }
0x39: {  	_ = 	snop;
	(pc) =	sbr.ind lr, $3  }
0x3a: {  	_ = 	snop  }
0x3b: {  	_ = 	snop  }
0x3c: {  	p2 =	seq.s32 s10, $0x1;
	s10 =	sld [smem:$0x3FAF]  }
0x3d: {  	_ =	shalt  }
0x3e: {  	_ =	shalt  }
0x3f: {  	_ =	shalt  }
0x40: {  	_ =	shalt  }
0x41: {  	_ =	shalt  }
0x42: {  	_ =	shalt  }
0x43: {  	_ =	shalt  }
0x44: {  	_ =	shalt  }
0x45: {  	_ =	shalt  }
0x46: {  	_ =	shalt  }
0x47: {  	_ =	shalt  }
0x48: {  	_ =	shalt  }
0x49: {  	_ =	shalt  }
0x4a: {  	_ =	shalt  }
0x4b: {  	_ =	shalt  }
0x4c: {  	_ =	shalt  }
0x4d: {  	_ =	shalt  }
0x4e: {  	_ =	shalt  }
0x4f: {  	_ =	shalt  }
0x50: {  	_ =	shalt  }
0x51: {  	_ =	shalt  }
0x52: {  	_ =	shalt  }
0x53: {  	_ =	shalt  }
0x54: {  	_ =	shalt  }
0x55: {  	_ =	shalt  }
0x56: {  	_ =	shalt  }
0x57: {  	_ =	shalt  }
0x58: {  	_ =	shalt  }
0x59: {  	_ =	shalt  }
0x5a: {  	_ =	shalt  }
0x5b: {  	_ =	shalt  }
0x5c: {  	_ =	shalt  }
0x5d: {  	_ =	shalt  }
0x5e: {  	_ =	shalt  }
0x5f: {  	_ =	shalt  }
0x60: {  	_ =	shalt  }
0x61: {  	_ =	shalt  }
0x62: {  	_ =	shalt  }
0x63: {  	_ =	shalt  }
0x64: {  	_ =	shalt  }
0x65: {  	_ =	shalt  }
0x66: {  	_ =	shalt  }
0x67: {  	_ =	shalt  }
0x68: {  	_ =	shalt  }
0x69: {  	_ =	shalt  }
0x6a: {  	_ =	shalt  }
0x6b: {  	_ =	shalt  }
0x6c: {  	_ =	shalt  }
0x6d: {  	_ =	shalt  }
0x6e: {  	_ =	shalt  }
0x6f: {  	_ =	shalt  }
0x70: {  	_ =	shalt  }
0x71: {  	_ =	shalt  }
0x72: {  	_ =	shalt  }
0x73: {  	_ =	shalt  }
0x74: {  	_ =	shalt  }
0x75: {  	_ =	shalt  }
0x76: {  	_ =	shalt  }
0x77: {  	_ =	shalt  }
0x78: {  	_ =	shalt  }
0x79: {  	_ =	shalt  }
0x7a: {  	_ =	shalt  }
0x7b: {  	_ =	shalt  }
0x7c: {  	_ =	shalt  }
0x7d: {  	_ =	shalt  }
0x7e: {  	_ =	shalt  }
0x7f: {  	_ =	shalt  }
0x80: {  	_ =	shalt  }
0x81: {  	_ =	shalt  }
0x82: {  	_ =	shalt  }
0x83: {  	_ =	shalt  }
0x84: {  	_ =	shalt  }
0x85: {  	_ =	shalt  }
0x86: {  	_ =	shalt  }
0x87: {  	_ =	shalt  }
.Lfunc_end0:
.L_simem_size_0:
called_computation.1_lowered:
.L_overlay_start_0:
0x88: {  	s2 =	sld [smem:$0x3FD9]  }
0x89: {  	s3 =	sld [smem:$0x3FFE];
	_ =	sdelay $0x1  }
0x8a: {  	s1 =	srdreg.scid  }
0x8b: {  	s0 =	sand.u32 $0x1, s1  }
0x8c: {  	s16 =	sshll.u32 s0, $0xA;
	s2 =	sadd.s32 s3, s2  }
0x8d: {  	s2 =	sadd.s32 s2, s16  }
0x8e: {  	[smem:$0x3FBB] =	sst s2  }
0x8f: {  	_ = 	snop  }
0x90: {  	(tm) =	ssettm $0x1  }
0x91: {  	s17 =	sld [smem:$0x3FFB];
	_ =	sdelay $0x3  }
0x92: {  	_ =	strace s17  }
0x93: {  	s2 =	sld [smem:$0x3FFC];
	_ =	sdelay $0x3  }
0x94: {  	_ =	strace s2  }
0x95: {  	s2 =	sld [smem:$0x3FFD];
	_ =	sdelay $0x3  }
0x96: {  	_ =	strace s2  }
0x97: {  	_ =	strace $0x8FFFFFFF  }
0x98: {  	s18 =	sld [smem:$0x3FDB];
	_ =	sdelay $0x1  }
0x99: {  	s19 =	simm.s32 $_scs_section_size  }
0x9a: {  	s4 =	simm.s32 $_size__tile_overlayer_lowered;
	s5 =	simm.s32 $_tile_overlayer_lowered  }
0x9b: {  	s22 =	simm.s32 $0x1BFF;
	s21 =	sshll.u32 s5, $0x1;
	s2 =	sadd.s32 s19, s18  }
0x9c: {  	s6 =	simm.s32 $0x0;
	s20 =	sshll.u32 s4, $0x1;
	s4 =	sadd.s32 s21, s2  }
0x9d: {  	[timem:s6], [sflag:s22] =	dma.local [hbm:s4], s20  }
0x9e: {  	_ =	swait.ge [sflag:s22], s20  }
0x9f: {  	s3 =	ssub.s32 $0x0, s20;
	[sflag:s22] =	ssyncset.done $0x0  }
0xa0: {  	[sflag:s22] =	ssyncadd.s32 s3;
	_ =	sdelay $0x1  }
0xa1: {  	s23 =	simm.s32 $0x1B8B  }
0xa2: {  	_ =	swait.ge [sflag:s23], $0x1  }
0xa3: {  	[sflag:s23] =	ssyncset.done $0x0  }
0xa4: {  	s25 =	simm.s32 $0x1B8E;
	s24 =	sld [smem:$0x3FFE];
	[sflag:s23] =	ssyncadd.s32 $0xFFFFFFFF  }
0xa5: {  	s26 =	simm.s32 $execute0_lowered;
	[smem:$0x3FD2] =	sst s25  }
0xa6: {  	s4 =	sshll.u32 s26, $0x1;
	_ =	strace $0x80000049;
	[dreg:$0x1] =	wrdreg $0xFFFFFFFF  }
0xa7: {  	s28 =	simm.s32 $_size_execute0_lowered;
	s2 =	sadd.s32 s2, s4;
	[dreg:$0x0] =	wrdreg $0x0  }
0xa8: {  	s4 =	sshll.u32 s28, $0x1;
	[dreg:$0x2] =	wrdreg s2  }
0xa9: {  	[dreg:$0x3] =	wrdreg s4  }
0xaa: {  	[dreg:$0x4] =	wrdreg $0xC0  }
0xab: {  	_ =	task [dreg:s6], $0x5FFFF  }
0xac: {  	[dreg:$0x1] =	wrdreg $0xFFFFFFFF  }
0xad: {  	[dreg:$0x0] =	wrdreg $0x60  }
0xae: {  	[dreg:$0x2] =	wrdreg s24  }
0xaf: {  	[dreg:$0x3] =	wrdreg $0x160000  }
0xb0: {  	[dreg:$0x4] =	wrdreg $0x9  }
0xb1: {  	_ =	task.clear_ibuf [dreg:s6], $0x5FFFF;
	_ =	strace $0x90000049  }
0xb2: {  	s29 =	simm.s32 $0x9;
	_ =	strace $0x8000004B  }
0xb3: {  	_ =	swait.ge [sflag:s29], $0x1  }
0xb4: {  	[sflag:s29] =	ssyncadd.s32 $0xFFFFFFFF  }
0xb5: {  	_ =	strace $0x9000004B  }
0xb6: {  	_ =	sfence  }
0xb7: {  	s30 =	sld [smem:$0x0];
	_ =	sdelay $0x2  }
0xb8: {  	s31 =	sshll.u32 s1, $0xD;
	s1 =	sshrl.u32 s1, $0x2  }
0xb9: {  	s3 =	sand.u32 $0x4000, s31;
	s1 =	sadd.s32 s1, s30  }
0xba: {  	s0 =	sor.u32 s3, s0;
	s1 =	sshll.u32 s1, $0x11  }
0xbb: {  	s0 =	sor.u32 s1, s0  }
0xbc: {  	s0 =	sadd.s32 $0x8F2B, s0  }
0xbd: {  	[sflag:s0] =	ssyncadd.remote.s32 $0x1  }
0xbe: {  	_ =	sfence.sel $0xFFFF  }
0xbf: {  	[dreg:$0x0] =	wrdreg $0xFFFFFFFF;
	(pc) =	sbr.abs _section_cstart, $3  }
0xc0: {  	[dreg:$0x1] =	wrdreg $0xFFFFFFFF  }
0xc1: {  	_ =	task.clear_ibuf [dreg:s6], $0x2FFFF;
	_ =	strace $0x9FFFFFFF  }
0xc2: {  	(tm) =	ssettm $0x7FFFFFFF  }
0xc3: {  	_ =	shalt  }
tec
execute0_lowered:
.L_overlay_start_1:
0x0: {  	(tag) =	ssettag $0x1  }
0x1: {  	s6 =	rddreg [dreg:$0x0]  }
0x2: {  	s2 =	rddreg [dreg:$0x1];
	s1 =	stileid.u32  }
0x3: {  	s0 =	rddreg [dreg:$0x2];
	s3 =	simm.s32 $0x0;
	s5 =	srdreg.scid  }
0x4: {  	s18 =	simm.s32 $0x80;
	s19 =	simm.s32 $0xA000;
	s20 =	simm.s32 $0xE000  }
0x5: {  	s21 =	simm.s32 $0x100;
	s22 =	simm.s32 $0x1;
	s23 =	simm.s32 $0x2  }
0x6: {  	s24 =	simm.s32 $0x3;
	s25 =	simm.s32 $0x0;
	s4 =	smul.u32 $0xA00, s1  }
0x7: {  	[smem:$0x7FF] =	sst s3;
	s11 =	sand.u32 $0x1, s5;
	s9 =	smul.u32 $0x28000, s1  }
0x8: {  	s5 =	sadd.s32 $0x16E00, s6;
	s13 =	sadd.s32 $0x67600, s6;
	s12 =	smul.u32 $0xA000, s1  }
0x9: {  	_ =	strace $0x8000004A;
	s8 =	ssub.s32 $0x2, s11;
	s17 =	smul.u32 $0xA0000, s11  }
0xa: {  	s11 =	smul.u32 $0x1400, s11;
	s7 =	sadd.s32 s4, s6;
	s4 =	sadd.s32 $0x17600, s6  }
0xb: {  	s26 =	sshrl.u32 s8, $0x1;
	s28 =	sshrl.u32 s9, $0x2;
	s15 =	sadd.s32 $0x4000, s12  }
0xc: {  	v2 =	vlaneseq.u32;
	s16 =	sadd.s32 $0x8000, s12;
	s14 =	ssub.s32 s8, s26;
	s6 =	sadd.s32 $0xCE00, s7  }
0xd: {  	v1 =	vimm.s32 $0x0;
	v3 =	vor.u32 $0x2710, v2;
	s7 =	sadd.s32 $0x2E00, s7;
	s8 =	sadd.s32 s28, s2;
	s9 =	sadd.s32 s15, s2  }
.Ltmp0:
0xe: {  	v4 =	vor.u32 $0x10, v2;
	v5 =	vor.u32 $0x2720, v2;
	v6 =	vor.u32 $0x20, v2;
	s10 =	sadd.s32 s16, s2;
	s12 =	sadd.s32 s12, s17;
	(pc) =	sbr.rel .LBB2_1-.Ltmp0, $4  }
0xf: {  	v7 =	vor.u32 $0x2730, v2;
	v8 =	vor.u32 $0x30, v2;
	v9 =	vor.u32 $0x2740, v2;
	s15 =	sadd.s32 s17, s15;
	s16 =	sadd.s32 s17, s16;
	s17 =	simm.s32 $0x12000  }
0x10: {  	v10 =	vor.u32 $0x40, v2;
	v11 =	vor.u32 $0x2750, v2;
	v12 =	vor.u32 $0x50, v2;
	s29 =	sshrl.u32 s12, $0x3;
	s30 =	sshrl.u32 s15, $0x3;
	s31 =	sshrl.u32 s16, $0x3  }
0x11: {  	v13 =	vor.u32 $0x2760, v2;
	v14 =	vor.u32 $0x60, v2;
	v15 =	vor.u32 $0x2770, v2;
	s14 =	smax.u32 s14, $0x1;
	s15 =	simm.s32 $0x4;
	s16 =	simm.s32 $0x5000  }
0x12: {  	v16 =	vor.u32 $0x70, v2;
	v17 =	vor.u32 $0x2780, v2;
	v0 =	vmov s11;
	s11 =	sadd.s32 s13, s29;
	s12 =	sadd.s32 s13, s30;
	s13 =	sadd.s32 s13, s31  }
.LBB2_6:
0x13: {  	[tilespmem:s17], [sflag:$0x3] =	stream.indirect.gather [hbm4b:s4+s18], $0x80, s30, s18, $0xb8;
	v63 =	vld [tilespmem:$0x0]  }
.LBB2_7:
0x14: {  	_ =	swait.ge [sflag:s22], $0x4000  }
0x15: {  	[sflag:s22] =	ssyncset.done $0x0  }
0x16: {  	[sflag:s22] =	ssyncadd.s32 $0xFFFFC000  }
0x17: {  	_ =	swait.ge [sflag:s23], $0x4000  }
0x18: {  	[sflag:s23] =	ssyncset.done $0x0  }
0x19: {  	[sflag:s23] =	ssyncadd.s32 $0xFFFFC000  }
0x1a: {  	_ =	swait.ge [sflag:s24], $0x4000  }
0x1b: {  	[sflag:s24] =	ssyncset.done $0x0  }
0x1c: {  	[sflag:s24] =	ssyncadd.s32 $0xFFFFC000  }
0x1d: {  	[bflag:$0x0] =	sbarrier.arrive $0xFFFF  }
0x1e: {  	[tilespmem:s17], [sflag:$0x4] =	stream.linear.gather [spmem:s8], $0x4000, $0x38;
	v63 =	vld [tilespmem:$0x0]  }
0x1f: {  	_ =	swait.ge [sflag:s15], $0x4000  }
0x20: {  	[sflag:s15] =	ssyncset.done $0x0  }
0x21: {  	[sflag:s15] =	ssyncadd.s32 $0xFFFFC000  }
0x22: {  	[hbm4b:s11+s3] =	stream.linear.scatter [tilespmem:s17], [sflag:$0x4], $0x4000, $0x38;
	v63 =	vld [tilespmem:$0x0]  }
0x23: {  	_ =	swait.ge [sflag:s15], $0x4000  }
0x24: {  	[sflag:s15] =	ssyncset.done $0x0  }
0x25: {  	[sflag:s15] =	ssyncadd.s32 $0xFFFFC000  }
0x26: {  	[tilespmem:s17], [sflag:$0x4] =	stream.linear.gather [spmem:s9], $0x4000, $0x38;
	v63 =	vld [tilespmem:$0x0]  }
0x27: {  	_ =	swait.ge [sflag:s15], $0x4000  }
0x28: {  	[sflag:s15] =	ssyncset.done $0x0  }
0x29: {  	[sflag:s15] =	ssyncadd.s32 $0xFFFFC000  }
0x2a: {  	[hbm4b:s12+s3] =	stream.linear.scatter [tilespmem:s17], [sflag:$0x4], $0x4000, $0x38;
	v63 =	vld [tilespmem:$0x0]  }
0x2b: {  	_ =	swait.ge [sflag:s15], $0x4000  }
0x2c: {  	[sflag:s15] =	ssyncset.done $0x0  }
0x2d: {  	[sflag:s15] =	ssyncadd.s32 $0xFFFFC000  }
0x2e: {  	[tilespmem:s17], [sflag:$0x4] =	stream.linear.gather [spmem:s10], $0x2000, $0x38;
	v63 =	vld [tilespmem:$0x0]  }
0x2f: {  	s25 =	sadd.s32 $0x1, s25;
	_ =	swait.ge [sflag:s15], $0x2000  }
0x30: {  	p0 =	sne.s32 s25, s14;
	[sflag:s15] =	ssyncset.done $0x0  }
.Ltmp1:
0x31: {  	[sflag:s15] =	ssyncadd.s32 $0xFFFFE000;
	(pc) =	sbr.rel @!p0 .LBB2_8-.Ltmp1, $4  }
0x32: {  	[hbm4b:s13+s3] =	stream.linear.scatter [tilespmem:s17], [sflag:$0x4], $0x2000, $0x38;
	v63 =	vld [tilespmem:$0x0]  }
0x33: {  	_ =	swait.ge [sflag:s15], $0x2000  }
0x34: {  	[sflag:s15] =	ssyncset.done $0x0  }
0x35: {  	[sflag:s15] =	ssyncadd.s32 $0xFFFFE000  }
.LBB2_1:
0x36: {  	[tilespmem:s3], [sflag:$0x4] =	stream.linear.gather [hbm4b:s6+s3], $0x5000, $0x38;
	v63 =	vld [tilespmem:$0x0]  }
0x37: {  	_ =	swait.ge [sflag:s15], $0x5000  }
0x38: {  	[sflag:s15] =	ssyncset.done $0x0  }
0x39: {  	[sflag:s15] =	ssyncadd.s32 $0xFFFFB000  }
0x3a: {  	[tilespmem:s16], [sflag:$0x4] =	stream.linear.gather [hbm4b:s7+s3], $0x5000, $0x38;
	v63 =	vld [tilespmem:$0x0]  }
0x3b: {  	_ =	swait.ge [sflag:s15], $0x5000  }
0x3c: {  	[sflag:s15] =	ssyncset.done $0x0  }
0x3d: {  	[sflag:s15] =	ssyncadd.s32 $0xFFFFB000  }
0x3e: {  	[tilespmem:s17], [sflag:$0x4] =	stream.linear.gather [hbm4b:s5+s3], $0x4000, $0x38;
	v63 =	vld [tilespmem:$0x0]  }
0x3f: {  	_ =	swait.ge [sflag:s15], $0x4000  }
0x40: {  	[sflag:s15] =	ssyncset.done $0x0  }
0x41: {  	[sflag:s15] =	ssyncadd.s32 $0xFFFFC000  }
0x42: {  	[spmem:s8] =	stream.linear.scatter [tilespmem:s17], [sflag:$0x4], $0x4000, $0x38;
	v63 =	vld [tilespmem:$0x0]  }
0x43: {  	_ =	swait.ge [sflag:s15], $0x4000  }
0x44: {  	[sflag:s15] =	ssyncset.done $0x0  }
0x45: {  	[sflag:s15] =	ssyncadd.s32 $0xFFFFC000  }
0x46: {  	[spmem:s9] =	stream.linear.scatter [tilespmem:s17], [sflag:$0x4], $0x4000, $0x38;
	v63 =	vld [tilespmem:$0x0]  }
0x47: {  	_ =	swait.ge [sflag:s15], $0x4000  }
0x48: {  	[sflag:s15] =	ssyncset.done $0x0  }
0x49: {  	[sflag:s15] =	ssyncadd.s32 $0xFFFFC000  }
0x4a: {  	[spmem:s10] =	stream.linear.scatter [tilespmem:s17], [sflag:$0x4], $0x2000, $0x38;
	v63 =	vld [tilespmem:$0x0]  }
0x4b: {  	_ =	swait.ge [sflag:s15], $0x2000  }
0x4c: {  	[sflag:s15] =	ssyncset.done $0x0  }
0x4d: {  	s26 =	simm.s32 $0x0;
	s28 =	simm.s32 $0x0;
	[sflag:s15] =	ssyncadd.s32 $0xFFFFE000  }
.LBB2_2:
0x4e: {  	s29 =	sshra.s32 s26, $0x2  }
0x4f: {  	v18 =	vld [tilespmem:s29+$0x5000];
	_ =	sdelay $0x4  }
0x50: {  	v18 =	vsub.s32 v18, v0  }
0x51: {  	vm0 =	vlt.u32 v18, $0x1400  }
0x52: {  	v19 =	vsel vm0, $0x1, v1  }
0x53: {  	(xrf0) =	vadd.scan.msk.s32 $0xffff, v19;
	_ =	sdelay $0x4  }
0x54: {  	v19 =	vsel vm0, $0xFFFFFFFF, v1  }
0x55: {  	v19 =	vadd.s32 s28, v19;
	v20, _, _ =	vpop (xrf0)  }
0x56: {  	v21 =	vld [tilespmem:s29+$0x0];
	v19 =	vadd.s32 v20, v19;
	_ =	sdelay $0x4  }
0x57: {  	[tilespmem:v19+s3+$0x0] =	vst.idx.msk vm0, v21  }
0x58: {  	(v2sf) =	vpush v20, $0xF;
	[tilespmem:v19+s16+$0x0] =	vst.idx.msk vm0, v18  }
0x59: {  	v18 =	vld [tilespmem:s29+$0x5010];
	_ =	sdelay $0x4  }
0x5a: {  	v18 =	vsub.s32 v18, v0  }
0x5b: {  	vm9 =	vlt.u32 v18, $0x1400  }
0x5c: {  	v19 =	vsel vm9, $0x1, v1  }
0x5d: {  	(xrf0) =	vadd.scan.msk.s32 $0xffff, v19;
	_ =	sdelay $0x5  }
0x5e: {  	s30 =	spop (v2sf);
	v19 =	vsel vm9, $0xFFFFFFFF, v1;
	v55, _, _ =	vpop (xrf0)  }
0x5f: {  	s28 =	sadd.s32 s28, s30;
	v19 =	vadd.s32 v19, v55  }
0x60: {  	v21 =	vld [tilespmem:s29+$0x10];
	v19 =	vadd.s32 s28, v19;
	_ =	sdelay $0x4  }
0x61: {  	[tilespmem:v19+s3+$0x0] =	vst.idx.msk vm9, v21  }
0x62: {  	(v2sf) =	vpush v55, $0xF;
	[tilespmem:v19+s16+$0x0] =	vst.idx.msk vm9, v18  }
0x63: {  	v18 =	vld [tilespmem:s29+$0x5020];
	_ =	sdelay $0x4  }
0x64: {  	v18 =	vsub.s32 v18, v0  }
0x65: {  	vm10 =	vlt.u32 v18, $0x1400  }
0x66: {  	v19 =	vsel vm10, $0x1, v1  }
0x67: {  	(xrf0) =	vadd.scan.msk.s32 $0xffff, v19;
	_ =	sdelay $0x5  }
0x68: {  	s31 =	spop (v2sf);
	v19 =	vsel vm10, $0xFFFFFFFF, v1;
	v56, _, _ =	vpop (xrf0)  }
0x69: {  	s28 =	sadd.s32 s28, s31;
	v19 =	vadd.s32 v19, v56  }
0x6a: {  	v21 =	vld [tilespmem:s29+$0x20];
	v19 =	vadd.s32 s28, v19;
	_ =	sdelay $0x4  }
0x6b: {  	[tilespmem:v19+s3+$0x0] =	vst.idx.msk vm10, v21  }
0x6c: {  	(v2sf) =	vpush v56, $0xF;
	[tilespmem:v19+s16+$0x0] =	vst.idx.msk vm10, v18  }
0x6d: {  	v18 =	vld [tilespmem:s29+$0x5030];
	_ =	sdelay $0x4  }
0x6e: {  	v18 =	vsub.s32 v18, v0  }
0x6f: {  	vm11 =	vlt.u32 v18, $0x1400  }
0x70: {  	v19 =	vsel vm11, $0x1, v1  }
0x71: {  	(xrf0) =	vadd.scan.msk.s32 $0xffff, v19;
	_ =	sdelay $0x5  }
0x72: {  	s31 =	spop (v2sf);
	v19 =	vsel vm11, $0xFFFFFFFF, v1;
	v57, _, _ =	vpop (xrf0)  }
0x73: {  	s28 =	sadd.s32 s28, s31;
	v19 =	vadd.s32 v19, v57  }
0x74: {  	v21 =	vld [tilespmem:s29+$0x30];
	v19 =	vadd.s32 s28, v19;
	_ =	sdelay $0x4  }
0x75: {  	[tilespmem:v19+s3+$0x0] =	vst.idx.msk vm11, v21  }
0x76: {  	(v2sf) =	vpush v57, $0xF;
	[tilespmem:v19+s16+$0x0] =	vst.idx.msk vm11, v18  }
0x77: {  	v18 =	vld [tilespmem:s29+$0x5040];
	_ =	sdelay $0x4  }
0x78: {  	v18 =	vsub.s32 v18, v0  }
0x79: {  	vm12 =	vlt.u32 v18, $0x1400  }
0x7a: {  	v19 =	vsel vm12, $0x1, v1  }
0x7b: {  	(xrf0) =	vadd.scan.msk.s32 $0xffff, v19;
	_ =	sdelay $0x5  }
0x7c: {  	s31 =	spop (v2sf);
	v19 =	vsel vm12, $0xFFFFFFFF, v1;
	v58, _, _ =	vpop (xrf0)  }
0x7d: {  	s28 =	sadd.s32 s28, s31;
	v19 =	vadd.s32 v19, v58  }
0x7e: {  	v21 =	vld [tilespmem:s29+$0x40];
	v19 =	vadd.s32 s28, v19;
	_ =	sdelay $0x4  }
0x7f: {  	[tilespmem:v19+s3+$0x0] =	vst.idx.msk vm12, v21  }
0x80: {  	(v2sf) =	vpush v58, $0xF;
	[tilespmem:v19+s16+$0x0] =	vst.idx.msk vm12, v18  }
0x81: {  	v18 =	vld [tilespmem:s29+$0x5050];
	_ =	sdelay $0x4  }
0x82: {  	v18 =	vsub.s32 v18, v0  }
0x83: {  	vm13 =	vlt.u32 v18, $0x1400  }
0x84: {  	v19 =	vsel vm13, $0x1, v1  }
0x85: {  	(xrf0) =	vadd.scan.msk.s32 $0xffff, v19;
	_ =	sdelay $0x5  }
0x86: {  	s31 =	spop (v2sf);
	v19 =	vsel vm13, $0xFFFFFFFF, v1;
	v59, _, _ =	vpop (xrf0)  }
0x87: {  	s28 =	sadd.s32 s28, s31;
	v19 =	vadd.s32 v19, v59  }
0x88: {  	v21 =	vld [tilespmem:s29+$0x50];
	v19 =	vadd.s32 s28, v19;
	_ =	sdelay $0x4  }
0x89: {  	[tilespmem:v19+s3+$0x0] =	vst.idx.msk vm13, v21  }
0x8a: {  	(v2sf) =	vpush v59, $0xF;
	[tilespmem:v19+s16+$0x0] =	vst.idx.msk vm13, v18  }
0x8b: {  	v18 =	vld [tilespmem:s29+$0x5060];
	_ =	sdelay $0x4  }
0x8c: {  	v18 =	vsub.s32 v18, v0  }
0x8d: {  	vm14 =	vlt.u32 v18, $0x1400  }
0x8e: {  	v19 =	vsel vm14, $0x1, v1  }
0x8f: {  	(xrf0) =	vadd.scan.msk.s32 $0xffff, v19;
	_ =	sdelay $0x5  }
0x90: {  	s31 =	spop (v2sf);
	v19 =	vsel vm14, $0xFFFFFFFF, v1;
	v60, _, _ =	vpop (xrf0)  }
0x91: {  	s28 =	sadd.s32 s28, s31;
	v19 =	vadd.s32 v19, v60  }
0x92: {  	v21 =	vld [tilespmem:s29+$0x60];
	v19 =	vadd.s32 s28, v19;
	_ =	sdelay $0x4  }
0x93: {  	[tilespmem:v19+s3+$0x0] =	vst.idx.msk vm14, v21  }
0x94: {  	[tilespmem:v19+s16+$0x0] =	vst.idx.msk vm14, v18  }
0x95: {  	v18 =	vld [tilespmem:s29+$0x5070];
	_ =	sdelay $0x4  }
0x96: {  	v18 =	vsub.s32 v18, v0  }
0x97: {  	vm15 =	vlt.u32 v18, $0x1400  }
0x98: {  	v19 =	vsel vm15, $0x1, v1  }
0x99: {  	(v2sf) =	vpush v60, $0xF;
	(xrf0) =	vadd.scan.msk.s32 $0xffff, v19;
	_ =	sdelay $0x5  }
0x9a: {  	v19, _, _ =	vpop (xrf0)  }
0x9b: {  	(v2sf) =	vpush v19, $0xF;
	_ =	sdelay $0x7  }
0x9c: {  	s31 =	spop (v2sf);
	v61 =	vsel vm15, $0xFFFFFFFF, v1  }
0x9d: {  	s28 =	sadd.s32 s28, s31;
	v19 =	vadd.s32 v61, v19  }
0x9e: {  	v62 =	vld [tilespmem:s29+$0x70];
	v19 =	vadd.s32 s28, v19  }
0x9f: {  	p0 =	sne.s32 s26, $0x13E00  }
.Ltmp2:
0xa0: {  	_ = 	snop;
	(pc) =	sbr.rel @p0 .LBB2_2-.Ltmp2, $3  }
0xa1: {  	_ =	sdelay $0x1  }
0xa2: {  	[tilespmem:v19+s3+$0x0] =	vst.idx.msk vm15, v62;
	s31 =	spop (v2sf)  }
0xa3: {  	s26 =	sadd.s32 $0x200, s26;
	[tilespmem:v19+s16+$0x0] =	vst.idx.msk vm15, v18;
	s28 =	sadd.s32 s28, s31  }
0xa4: {  	s29 =	sshra.s32 s28, $0x7  }
0xa5: {  	p0 =	slt.s32 s29, $0x9F;
	s26 =	smov.u32 s29  }
0xa6: {  	s26 =	simm.s32 @!p0 $0x9F  }
0xa7: {  	s30 =	sshll.u32 s26, $0x7  }
0xa8: {  	v18 =	vor.u32 s30, v2  }
0xa9: {  	vm0 =	vge.s32 v18, s28  }
0xaa: {  	v19 =	vor.u32 s30, v4  }
0xab: {  	vm1 =	vge.s32 v19, s28  }
0xac: {  	v20 =	vor.u32 s30, v6  }
0xad: {  	vm2 =	vge.s32 v20, s28  }
0xae: {  	s26 =	simm.s32 $0x0;
	v21 =	vor.u32 s30, v8  }
0xaf: {  	vm3 =	vge.s32 v21, s28;
	[tilespmem:v18+s26+$0x0] =	vst.idx.msk vm0, v3  }
0xb0: {  	[tilespmem:v18+s16+$0x0] =	vst.idx.msk vm0, v1;
	v18 =	vor.u32 s30, v10  }
0xb1: {  	[tilespmem:v19+s26+$0x0] =	vst.idx.msk vm1, v5;
	vm10 =	vge.s32 v18, s28  }
0xb2: {  	[tilespmem:v19+s16+$0x0] =	vst.idx.msk vm1, v1;
	v19 =	vor.u32 s30, v12  }
0xb3: {  	[tilespmem:v20+s26+$0x0] =	vst.idx.msk vm2, v7;
	vm11 =	vge.s32 v19, s28  }
0xb4: {  	s31 =	smov.u32 s29;
	p0 =	slt.s32 s29, $0x9E;
	v45 =	vor.u32 s30, v14;
	[tilespmem:v20+s16+$0x0] =	vst.idx.msk vm2, v1  }
0xb5: {  	s31 =	simm.s32 @!p0 $0x9E;
	vm12 =	vge.s32 v45, s28;
	[tilespmem:v21+s26+$0x0] =	vst.idx.msk vm3, v9  }
0xb6: {  	s31 =	sshll.u32 s31, $0x7;
	v46 =	vor.u32 s30, v16;
	[tilespmem:v21+s16+$0x0] =	vst.idx.msk vm3, v1  }
0xb7: {  	vm13 =	vge.s32 v46, s28;
	s30 =	sadd.s32 $0x80, s31;
	[tilespmem:v18+s26+$0x0] =	vst.idx.msk vm10, v11  }
0xb8: {  	[tilespmem:v18+s16+$0x0] =	vst.idx.msk vm10, v1;
	v18 =	vor.u32 s30, v2  }
0xb9: {  	[tilespmem:v19+s26+$0x0] =	vst.idx.msk vm11, v13;
	vm14 =	vge.s32 v18, s28  }
0xba: {  	[tilespmem:v19+s16+$0x0] =	vst.idx.msk vm11, v1;
	v19 =	vor.u32 s30, v4  }
0xbb: {  	[tilespmem:v45+s26+$0x0] =	vst.idx.msk vm12, v15;
	vm15 =	vge.s32 v19, s28  }
0xbc: {  	v47 =	vor.u32 s30, v6;
	[tilespmem:v45+s16+$0x0] =	vst.idx.msk vm12, v1  }
0xbd: {  	vm6 =	vge.s32 v47, s28;
	[tilespmem:v46+s26+$0x0] =	vst.idx.msk vm13, v17  }
0xbe: {  	v48 =	vor.u32 s30, v8;
	[tilespmem:v46+s16+$0x0] =	vst.idx.msk vm13, v1  }
0xbf: {  	vm7 =	vge.s32 v48, s28;
	[tilespmem:v18+s26+$0x0] =	vst.idx.msk vm14, v3  }
0xc0: {  	[tilespmem:v18+s16+$0x0] =	vst.idx.msk vm14, v1;
	v18 =	vor.u32 s30, v10  }
0xc1: {  	[tilespmem:v19+s26+$0x0] =	vst.idx.msk vm15, v5;
	vm8 =	vge.s32 v18, s28  }
0xc2: {  	[tilespmem:v19+s16+$0x0] =	vst.idx.msk vm15, v1;
	v19 =	vor.u32 s30, v12  }
0xc3: {  	[tilespmem:v47+s26+$0x0] =	vst.idx.msk vm6, v7;
	vm9 =	vge.s32 v19, s28  }
0xc4: {  	p0 =	slt.s32 s29, $0x9D;
	s31 =	smov.u32 s29;
	v49 =	vor.u32 s30, v14;
	[tilespmem:v47+s16+$0x0] =	vst.idx.msk vm6, v1  }
0xc5: {  	s31 =	simm.s32 @!p0 $0x9D;
	vm10 =	vge.s32 v49, s28;
	[tilespmem:v48+s26+$0x0] =	vst.idx.msk vm7, v9  }
0xc6: {  	v50 =	vor.u32 s30, v16;
	s31 =	sshll.u32 s31, $0x7;
	[tilespmem:v48+s16+$0x0] =	vst.idx.msk vm7, v1  }
0xc7: {  	vm11 =	vge.s32 v50, s28;
	s30 =	sadd.s32 $0x100, s31;
	[tilespmem:v18+s26+$0x0] =	vst.idx.msk vm8, v11  }
0xc8: {  	[tilespmem:v18+s16+$0x0] =	vst.idx.msk vm8, v1;
	v18 =	vor.u32 s30, v2  }
0xc9: {  	[tilespmem:v19+s26+$0x0] =	vst.idx.msk vm9, v13;
	vm12 =	vge.s32 v18, s28  }
0xca: {  	[tilespmem:v19+s16+$0x0] =	vst.idx.msk vm9, v1;
	v19 =	vor.u32 s30, v4  }
0xcb: {  	[tilespmem:v49+s26+$0x0] =	vst.idx.msk vm10, v15;
	vm13 =	vge.s32 v19, s28  }
0xcc: {  	v51 =	vor.u32 s30, v6;
	[tilespmem:v49+s16+$0x0] =	vst.idx.msk vm10, v1  }
0xcd: {  	vm14 =	vge.s32 v51, s28;
	[tilespmem:v50+s26+$0x0] =	vst.idx.msk vm11, v17  }
0xce: {  	v52 =	vor.u32 s30, v8;
	[tilespmem:v50+s16+$0x0] =	vst.idx.msk vm11, v1  }
0xcf: {  	vm15 =	vge.s32 v52, s28;
	[tilespmem:v18+s26+$0x0] =	vst.idx.msk vm12, v3  }
0xd0: {  	[tilespmem:v18+s16+$0x0] =	vst.idx.msk vm12, v1;
	v18 =	vor.u32 s30, v10  }
0xd1: {  	[tilespmem:v19+s26+$0x0] =	vst.idx.msk vm13, v5;
	vm6 =	vge.s32 v18, s28  }
0xd2: {  	[tilespmem:v19+s16+$0x0] =	vst.idx.msk vm13, v1;
	v19 =	vor.u32 s30, v12  }
0xd3: {  	[tilespmem:v51+s26+$0x0] =	vst.idx.msk vm14, v7;
	vm7 =	vge.s32 v19, s28  }
0xd4: {  	p0 =	slt.s32 s29, $0x9C;
	s31 =	smov.u32 s29;
	v53 =	vor.u32 s30, v14;
	[tilespmem:v51+s16+$0x0] =	vst.idx.msk vm14, v1  }
0xd5: {  	s31 =	simm.s32 @!p0 $0x9C;
	vm8 =	vge.s32 v53, s28;
	[tilespmem:v52+s26+$0x0] =	vst.idx.msk vm15, v9  }
0xd6: {  	v54 =	vor.u32 s30, v16;
	s31 =	sshll.u32 s31, $0x7;
	[tilespmem:v52+s16+$0x0] =	vst.idx.msk vm15, v1  }
0xd7: {  	s31 =	sadd.s32 $0x180, s31;
	vm9 =	vge.s32 v54, s28;
	[tilespmem:v18+s26+$0x0] =	vst.idx.msk vm6, v11  }
0xd8: {  	[tilespmem:v18+s16+$0x0] =	vst.idx.msk vm6, v1;
	v18 =	vor.u32 s31, v2  }
0xd9: {  	[tilespmem:v19+s26+$0x0] =	vst.idx.msk vm7, v13;
	vm10 =	vge.s32 v18, s28  }
0xda: {  	[tilespmem:v19+s16+$0x0] =	vst.idx.msk vm7, v1;
	v19 =	vor.u32 s31, v4  }
0xdb: {  	[tilespmem:v53+s26+$0x0] =	vst.idx.msk vm8, v15;
	vm11 =	vge.s32 v19, s28  }
0xdc: {  	v55 =	vor.u32 s31, v6;
	[tilespmem:v53+s16+$0x0] =	vst.idx.msk vm8, v1  }
0xdd: {  	vm12 =	vge.s32 v55, s28;
	[tilespmem:v54+s26+$0x0] =	vst.idx.msk vm9, v17  }
0xde: {  	v56 =	vor.u32 s31, v8;
	[tilespmem:v54+s16+$0x0] =	vst.idx.msk vm9, v1  }
0xdf: {  	vm13 =	vge.s32 v56, s28;
	[tilespmem:v18+s26+$0x0] =	vst.idx.msk vm10, v3  }
0xe0: {  	[tilespmem:v18+s16+$0x0] =	vst.idx.msk vm10, v1;
	v18 =	vor.u32 s31, v10  }
0xe1: {  	[tilespmem:v19+s26+$0x0] =	vst.idx.msk vm11, v5;
	vm14 =	vge.s32 v18, s28  }
0xe2: {  	[tilespmem:v19+s16+$0x0] =	vst.idx.msk vm11, v1;
	v19 =	vor.u32 s31, v12  }
0xe3: {  	[tilespmem:v55+s26+$0x0] =	vst.idx.msk vm12, v7;
	vm15 =	vge.s32 v19, s28  }
0xe4: {  	p0 =	slt.s32 s29, $0x9B;
	v57 =	vor.u32 s31, v14;
	[tilespmem:v55+s16+$0x0] =	vst.idx.msk vm12, v1  }
0xe5: {  	s29 =	simm.s32 @!p0 $0x9B;
	vm6 =	vge.s32 v57, s28;
	[tilespmem:v56+s26+$0x0] =	vst.idx.msk vm13, v9  }
0xe6: {  	s29 =	sshll.u32 s29, $0x7;
	v58 =	vor.u32 s31, v16;
	[tilespmem:v56+s16+$0x0] =	vst.idx.msk vm13, v1  }
0xe7: {  	s29 =	sadd.s32 $0x200, s29;
	vm7 =	vge.s32 v58, s28;
	[tilespmem:v18+s26+$0x0] =	vst.idx.msk vm14, v11  }
0xe8: {  	[tilespmem:v18+s16+$0x0] =	vst.idx.msk vm14, v1;
	v18 =	vor.u32 s29, v2  }
0xe9: {  	[tilespmem:v19+s26+$0x0] =	vst.idx.msk vm15, v13;
	vm8 =	vge.s32 v18, s28  }
0xea: {  	[tilespmem:v19+s16+$0x0] =	vst.idx.msk vm15, v1;
	v19 =	vor.u32 s29, v4  }
0xeb: {  	[tilespmem:v57+s26+$0x0] =	vst.idx.msk vm6, v15;
	vm9 =	vge.s32 v19, s28  }
0xec: {  	v59 =	vor.u32 s29, v6;
	[tilespmem:v57+s16+$0x0] =	vst.idx.msk vm6, v1  }
0xed: {  	vm10 =	vge.s32 v59, s28;
	[tilespmem:v58+s26+$0x0] =	vst.idx.msk vm7, v17  }
0xee: {  	v60 =	vor.u32 s29, v8;
	[tilespmem:v58+s16+$0x0] =	vst.idx.msk vm7, v1  }
0xef: {  	vm11 =	vge.s32 v60, s28;
	[tilespmem:v18+s26+$0x0] =	vst.idx.msk vm8, v3  }
0xf0: {  	[tilespmem:v18+s16+$0x0] =	vst.idx.msk vm8, v1;
	v18 =	vor.u32 s29, v10  }
0xf1: {  	[tilespmem:v19+s26+$0x0] =	vst.idx.msk vm9, v5;
	vm12 =	vge.s32 v18, s28  }
0xf2: {  	v61 =	vor.u32 s29, v14;
	v62 =	vor.u32 s29, v16;
	[tilespmem:v19+s16+$0x0] =	vst.idx.msk vm9, v1;
	v19 =	vor.u32 s29, v12  }
0xf3: {  	vm14 =	vge.s32 v61, s28;
	vm15 =	vge.s32 v62, s28;
	[tilespmem:v59+s26+$0x0] =	vst.idx.msk vm10, v7;
	vm13 =	vge.s32 v19, s28;
	s28 =	sadd.s32 $0x7F, s28  }
0xf4: {  	[tilespmem:v59+s16+$0x0] =	vst.idx.msk vm10, v1;
	s28 =	sshra.s32 s28, $0x7  }
0xf5: {  	[tilespmem:v60+s26+$0x0] =	vst.idx.msk vm11, v9;
	s29 =	sadd.s32 $0x2, s28  }
0xf6: {  	[tilespmem:v60+s16+$0x0] =	vst.idx.msk vm11, v1;
	s31 =	smulhi.u32 $0x55555556, s29;
	s29 =	sshra.s32 s29, $0x1F  }
0xf7: {  	[tilespmem:v18+s26+$0x0] =	vst.idx.msk vm12, v11;
	s29 =	smul.u32 $0x55555556, s29  }
0xf8: {  	[tilespmem:v18+s16+$0x0] =	vst.idx.msk vm12, v1  }
0xf9: {  	[tilespmem:v19+s26+$0x0] =	vst.idx.msk vm13, v13;
	s29 =	sadd.s32 s29, s31  }
0xfa: {  	[tilespmem:v19+s16+$0x0] =	vst.idx.msk vm13, v1;
	s30 =	sshrl.u32 s29, $0x1F  }
0xfb: {  	[tilespmem:v61+s26+$0x0] =	vst.idx.msk vm14, v15;
	s29 =	sadd.s32 s30, s29  }
0xfc: {  	[tilespmem:v61+s16+$0x0] =	vst.idx.msk vm14, v1;
	s30 =	smul.u32 $0xFFFFFFFD, s29  }
0xfd: {  	s31 =	ssub.s32 $0xFFFFFFFE, s28;
	[tilespmem:v62+s26+$0x0] =	vst.idx.msk vm15, v17  }
0xfe: {  	p6 =	slt.s32 s28, $0xFFFFFFFF;
	[tilespmem:v62+s16+$0x0] =	vst.idx.msk vm15, v1;
	p1 =	sne.s32 s30, s31  }
0xff: {  	[bflag:$0x0] =	sbarrier.arrive $0xFFFF;
	p0 =	por !p6, !p1  }
0x100: {  	[tilespmem:s19], [sflag:$0x1] =	stream.indirect.gather [hbm4b:s4+s18], $0x80, s26, s18, $0xb8;
	v63 =	vld [tilespmem:$0x0]  }
0x101: {  	s28 =	simm.s32 $0x1;
	p0 =	por !p0, !p0  }
0x102: {  	s28 =	simm.s32 @!p0 $0x0  }
0x103: {  	s28 =	ssub.s32 s29, s28  }
0x104: {  	p0 =	slt.s32 s28, $0x1  }
.Ltmp3:
0x105: {  	_ = 	snop;
	(pc) =	sbr.rel @p0 .LBB2_7-.Ltmp3, $4  }
0x106: {  	_ = 	snop  }
0x107: {  	[tilespmem:s20], [sflag:$0x2] =	stream.indirect.gather [hbm4b:s4+s18], $0x80, s18, s18, $0xb8;
	v63 =	vld [tilespmem:$0x0]  }
0x108: {  	s29 =	simm.s32 $0x5100  }
0x109: {  	[tilespmem:s17], [sflag:$0x3] =	stream.indirect.gather [hbm4b:s4+s18], $0x80, s21, s18, $0xb8;
	v63 =	vld [tilespmem:$0x0]  }
0x10a: {  	_ =	swait.ge [sflag:s22], $0x4000  }
0x10b: {  	[sflag:s22] =	ssyncset.done $0x0  }
0x10c: {  	s30 =	sadd.s32 $0xFFFFFF00, s29;
	[sflag:s22] =	ssyncadd.s32 $0xFFFFC000  }
0x10d: {  	[spmem:s2] =	stream.indirect.scatter.add.f32 [tilespmem:s19], [sflag:$0x4], $0x80, s30, s18, $0xb8;
	v63 =	vld [tilespmem:$0x0]  }
0x10e: {  	s30 =	smin.u32 s26, $0x9C;
	_ =	swait.ge [sflag:s15], $0x4000  }
0x10f: {  	s30 =	sshll.u32 s30, $0x7;
	[sflag:s15] =	ssyncset.done $0x0  }
0x110: {  	s30 =	sadd.s32 $0x180, s30;
	[sflag:s15] =	ssyncadd.s32 $0xFFFFC000  }
0x111: {  	[tilespmem:s19], [sflag:$0x1] =	stream.indirect.gather [hbm4b:s4+s18], $0x80, s30, s18, $0xb8;
	v63 =	vld [tilespmem:$0x0]  }
0x112: {  	_ =	swait.ge [sflag:s23], $0x4000  }
0x113: {  	[sflag:s23] =	ssyncset.done $0x0  }
0x114: {  	s30 =	sadd.s32 $0xFFFFFF80, s29;
	[sflag:s23] =	ssyncadd.s32 $0xFFFFC000  }
0x115: {  	[spmem:s2] =	stream.indirect.scatter.add.f32 [tilespmem:s20], [sflag:$0x4], $0x80, s30, s18, $0xb8;
	v63 =	vld [tilespmem:$0x0]  }
0x116: {  	s30 =	smin.u32 s26, $0x9B;
	_ =	swait.ge [sflag:s15], $0x4000  }
0x117: {  	s30 =	sshll.u32 s30, $0x7;
	[sflag:s15] =	ssyncset.done $0x0  }
0x118: {  	s30 =	sadd.s32 $0x200, s30;
	[sflag:s15] =	ssyncadd.s32 $0xFFFFC000  }
0x119: {  	[tilespmem:s20], [sflag:$0x2] =	stream.indirect.gather [hbm4b:s4+s18], $0x80, s30, s18, $0xb8;
	v63 =	vld [tilespmem:$0x0]  }
0x11a: {  	_ =	swait.ge [sflag:s24], $0x4000  }
0x11b: {  	p0 =	sne.s32 s28, $0x1;
	[sflag:s24] =	ssyncset.done $0x0  }
.Ltmp4:
0x11c: {  	[sflag:s24] =	ssyncadd.s32 $0xFFFFC000;
	(pc) =	sbr.rel @!p0 .LBB2_6-.Ltmp4, $4  }
0x11d: {  	[spmem:s2] =	stream.indirect.scatter.add.f32 [tilespmem:s17], [sflag:$0x4], $0x80, s29, s18, $0xb8;
	v63 =	vld [tilespmem:$0x0]  }
0x11e: {  	s28 =	sadd.s32 $0xFFFFFFFF, s28;
	s30 =	smin.u32 s26, $0x9A;
	_ =	swait.ge [sflag:s15], $0x4000  }
0x11f: {  	s26 =	sadd.s32 $0x3, s26;
	s30 =	sshll.u32 s30, $0x7;
	[sflag:s15] =	ssyncset.done $0x0  }
0x120: {  	s30 =	sadd.s32 $0x280, s30;
	s29 =	sadd.s32 $0x180, s29;
	[sflag:s15] =	ssyncadd.s32 $0xFFFFC000  }
.LBB2_5:
0x121: {  	[tilespmem:s17], [sflag:$0x3] =	stream.indirect.gather [hbm4b:s4+s18], $0x80, s30, s18, $0xb8;
	v63 =	vld [tilespmem:$0x0]  }
0x122: {  	p0 =	sne.s32 s28, $0x1;
	s28 =	sadd.s32 $0xFFFFFFFF, s28;
	_ =	swait.ge [sflag:s22], $0x4000  }
0x123: {  	[sflag:s22] =	ssyncset.done $0x0  }
0x124: {  	s30 =	sadd.s32 $0xFFFFFF00, s29;
	[sflag:s22] =	ssyncadd.s32 $0xFFFFC000  }
0x125: {  	[spmem:s2] =	stream.indirect.scatter.add.f32 [tilespmem:s19], [sflag:$0x4], $0x80, s30, s18, $0xb8;
	v63 =	vld [tilespmem:$0x0]  }
0x126: {  	s30 =	smin.u32 s26, $0x9C;
	_ =	swait.ge [sflag:s15], $0x4000  }
0x127: {  	s30 =	sshll.u32 s30, $0x7;
	[sflag:s15] =	ssyncset.done $0x0  }
0x128: {  	s30 =	sadd.s32 $0x180, s30;
	[sflag:s15] =	ssyncadd.s32 $0xFFFFC000  }
0x129: {  	[tilespmem:s19], [sflag:$0x1] =	stream.indirect.gather [hbm4b:s4+s18], $0x80, s30, s18, $0xb8;
	v63 =	vld [tilespmem:$0x0]  }
0x12a: {  	_ =	swait.ge [sflag:s23], $0x4000  }
0x12b: {  	[sflag:s23] =	ssyncset.done $0x0  }
0x12c: {  	s30 =	sadd.s32 $0xFFFFFF80, s29;
	[sflag:s23] =	ssyncadd.s32 $0xFFFFC000  }
0x12d: {  	[spmem:s2] =	stream.indirect.scatter.add.f32 [tilespmem:s20], [sflag:$0x4], $0x80, s30, s18, $0xb8;
	v63 =	vld [tilespmem:$0x0]  }
0x12e: {  	s30 =	smin.u32 s26, $0x9B;
	_ =	swait.ge [sflag:s15], $0x4000  }
0x12f: {  	s30 =	sshll.u32 s30, $0x7;
	[sflag:s15] =	ssyncset.done $0x0  }
0x130: {  	s30 =	sadd.s32 $0x200, s30;
	[sflag:s15] =	ssyncadd.s32 $0xFFFFC000  }
0x131: {  	[tilespmem:s20], [sflag:$0x2] =	stream.indirect.gather [hbm4b:s4+s18], $0x80, s30, s18, $0xb8;
	v63 =	vld [tilespmem:$0x0]  }
0x132: {  	_ =	swait.ge [sflag:s24], $0x4000  }
0x133: {  	[sflag:s24] =	ssyncset.done $0x0  }
.Ltmp5:
0x134: {  	[sflag:s24] =	ssyncadd.s32 $0xFFFFC000;
	(pc) =	sbr.rel @p0 .LBB2_5-.Ltmp5, $4  }
0x135: {  	[spmem:s2] =	stream.indirect.scatter.add.f32 [tilespmem:s17], [sflag:$0x4], $0x80, s29, s18, $0xb8;
	v63 =	vld [tilespmem:$0x0]  }
0x136: {  	s30 =	smin.u32 s26, $0x9A;
	_ =	swait.ge [sflag:s15], $0x4000  }
0x137: {  	s26 =	sadd.s32 $0x3, s26;
	s30 =	sshll.u32 s30, $0x7;
	[sflag:s15] =	ssyncset.done $0x0  }
0x138: {  	s30 =	sadd.s32 $0x280, s30;
	s29 =	sadd.s32 $0x180, s29;
	[sflag:s15] =	ssyncadd.s32 $0xFFFFC000  }
.Ltmp6:
0x139: {  	_ = 	snop;
	(pc) =	sbr.rel .LBB2_6-.Ltmp6, $1  }
0x13a: {  	_ =	sdelay $0x3  }
.LBB2_8:
0x13b: {  	_ =	sfence.sel $0x180000  }
0x13c: {  	[bflag:$0x0] =	sbarrier.arrive $0xFFFF  }
0x13d: {  	p0 =	sne.s32 s1, $0x0;
	_ =	strace $0x9000004A  }
0x13e: {  	s0 =	sadd.s32 @!p0 $0x100000, s0;
	[bflag:$0x2] =	sbarrier.arrive $0xFFFF  }
0x13f: {  	[sflag:s0] =	ssyncadd.tile.s32 @!p0 $0x1;
	_ =	shalt  }
.Lfunc_end2:
_tile_overlayer_lowered:
.L_overlay_start_2:
0x140: {  	(tag) =	ssettag $0x2  }
0x141: {  	s0 =	rddreg [dreg:$0x0];
	s2 =	stileid.u32  }
0x142: {  	s1 =	rddreg [dreg:$0x1];
	p0 =	sne.s32 s2, $0x0  }
0x143: {  	s3 =	rddreg [dreg:$0x2];
	[bflag:$0x3] =	sbarrier.arrive $0xFFFF;
	s2 =	simm.s32 @!p0 $0x1C04  }
0x144: {  	[timem:s3], [sflag:s2] =	dma.local @!p0 [hbm:s0], s1  }
0x145: {  	s0 =	simm.s32 @!p0 $0x4  }
0x146: {  	_ =	swait.ge @!p0 [sflag:s0], s1  }
0x147: {  	s1 =	ssub.s32 @!p0 $0x0, s1;
	[sflag:s0] =	ssyncset.done @!p0 $0x0  }
0x148: {  	[sflag:s0] =	ssyncadd.s32 @!p0 s1  }
0x149: {  	[bflag:$0x3] =	sbarrier.arrive $0xFFFF  }
0x14a: {  	_ =	shalt  }

</sc_bundles>
